<compile_context>
chip_gen: v7x
topology: tpu7x:2x2x1
jax: 0.10.2.dev20260603
libtpu: 0.0.44.dev20260713+nightly
codegen_flags: <defaults>
</compile_context>

<pallas_src>
import functools

import jax
import jax.numpy as jnp
from jax import lax
from jax.experimental import pallas as pl
from jax.experimental.pallas import tpu as pltpu
from jax.experimental.pallas import tpu_sc as plsc

D = 128
K_NBS = 32
NS = 16
NW = 2 * NS
CHUNK = 8
VPR = D // 16
ROWS = CHUNK * K_NBS
B_REAL = 10000
BP = 10240
Q = BP // NW
Q_TAIL = B_REAL - (NW - 1) * Q


def _accumulate_chunk(rows_v, pooled_v):
    for t in range(CHUNK):
        r0 = t * K_NBS

        def nb_body(i, a):
            for u in range(4):
                r = r0 + i * 4 + u
                a = tuple(a[v] + rows_v[r, pl.ds(v * 16, 16)]
                          for v in range(VPR))
            return a

        zero = jnp.zeros((16,), jnp.float32)
        accs = lax.fori_loop(0, K_NBS // 4, nb_body, (zero,) * VPR)
        for v in range(VPR):
            pooled_v[t, pl.ds(v * 16, 16)] = accs[v]


def _sc_gather_pool(x, nodes, nbs_flat):
    mesh = plsc.VectorSubcoreMesh(core_axis_name="c", subcore_axis_name="s")

    @functools.partial(
        pl.kernel,
        mesh=mesh,
        out_type=[
            jax.ShapeDtypeStruct((BP, D), jnp.float32),
            jax.ShapeDtypeStruct((BP, D), jnp.float32),
        ],
        scratch_types=[
            pltpu.VMEM((Q,), jnp.int32),
            pltpu.VMEM((Q, K_NBS), jnp.int32),
            pltpu.VMEM((Q * K_NBS,), jnp.int32),
            pltpu.VMEM((ROWS, D), jnp.float32),
            pltpu.VMEM((ROWS, D), jnp.float32),
            pltpu.VMEM((CHUNK, D), jnp.float32),
            pltpu.VMEM((CHUNK, D), jnp.float32),
            pltpu.VMEM((CHUNK, D), jnp.float32),
            pltpu.VMEM((CHUNK, D), jnp.float32),
            pltpu.SemaphoreType.DMA,
            pltpu.SemaphoreType.DMA,
            pltpu.SemaphoreType.DMA,
            pltpu.SemaphoreType.DMA,
            pltpu.SemaphoreType.DMA,
            pltpu.SemaphoreType.DMA,
            pltpu.SemaphoreType.DMA,
            pltpu.SemaphoreType.DMA,
        ],
    )
    def sc_kernel(x_hbm, nodes_hbm, nbs_hbm,
                  self_hbm, pooled_hbm,
                  nid_v, nbid2_v, nbid_v, rows0, rows1,
                  pooled0, pooled1, selfb0, selfb1,
                  sem_g0, sem_g1, sem_p0, sem_p1,
                  sem_sg0, sem_sg1, sem_sw0, sem_sw1):
        cid = lax.axis_index("c")
        sid = lax.axis_index("s")
        wid = sid * 2 + cid
        wbase = wid * Q
        rows = (rows0, rows1)
        pooled = (pooled0, pooled1)
        selfb = (selfb0, selfb1)
        sem_g = (sem_g0, sem_g1)
        sem_p = (sem_p0, sem_p1)
        sem_sg = (sem_sg0, sem_sg1)
        sem_sw = (sem_sw0, sem_sw1)

        is_tail = wid == NW - 1

        @pl.when(jnp.logical_not(is_tail))
        def _():
            pltpu.sync_copy(nodes_hbm.at[pl.ds(wbase, Q)], nid_v)
            pltpu.sync_copy(nbs_hbm.at[pl.ds(wbase, Q)], nbid2_v)

        @pl.when(is_tail)
        def _():
            tb = (NW - 1) * Q
            pltpu.sync_copy(nodes_hbm.at[pl.ds(tb, Q_TAIL)],
                            nid_v.at[pl.ds(0, Q_TAIL)])
            pltpu.sync_copy(nbs_hbm.at[pl.ds(tb, Q_TAIL)],
                            nbid2_v.at[pl.ds(0, Q_TAIL)])
            lanes = lax.iota(jnp.int32, 16)

            def pad_nid(j, carry):
                nid_v[pl.ds(Q_TAIL + j * 16, 16)] = lanes + j * 16
                return carry

            lax.fori_loop(0, (Q - Q_TAIL) // 16, pad_nid, 0)

            def pad_nbid(j, carry):
                for h in range(K_NBS // 16):
                    nbid2_v[Q_TAIL + j, pl.ds(h * 16, 16)] = (
                        lanes + (j * K_NBS + h * 16))
                return carry

            lax.fori_loop(0, Q - Q_TAIL, pad_nbid, 0)

        def flatten_ids(lo, hi):
            def body(q, carry):
                for h in range(K_NBS // 16):
                    nbid_v[pl.ds(q * K_NBS + h * 16, 16)] = (
                        nbid2_v[q, pl.ds(h * 16, 16)])
                return carry

            lax.fori_loop(lo, hi, body, 0)

        def start_gathers(c, par):
            pltpu.async_copy(
                x_hbm.at[nbid_v.at[pl.ds(c * ROWS, ROWS)]],
                rows[par], sem_g[par])
            pltpu.async_copy(
                x_hbm.at[nid_v.at[pl.ds(c * CHUNK, CHUNK)]],
                selfb[par], sem_sg[par])

        def finish_chunk(c, par, first):
            pltpu.make_async_copy(
                x_hbm.at[nbid_v.at[pl.ds(0, ROWS)]],
                rows[par], sem_g[par]).wait()

            @pl.when(jnp.logical_not(first))
            def _():
                pltpu.make_async_copy(
                    pooled[par], pooled_hbm.at[pl.ds(wbase, CHUNK)],
                    sem_p[par]).wait()

            _accumulate_chunk(rows[par], pooled[par])
            pltpu.async_copy(
                pooled[par],
                pooled_hbm.at[pl.ds(wbase + c * CHUNK, CHUNK)],
                sem_p[par])
            pltpu.make_async_copy(
                x_hbm.at[nid_v.at[pl.ds(0, CHUNK)]],
                selfb[par], sem_sg[par]).wait()

            @pl.when(jnp.logical_not(first))
            def _():
                pltpu.make_async_copy(
                    selfb[par], self_hbm.at[pl.ds(wbase, CHUNK)],
                    sem_sw[par]).wait()

            pltpu.async_copy(
                selfb[par],
                self_hbm.at[pl.ds(wbase + c * CHUNK, CHUNK)],
                sem_sw[par])

        n_chunks = Q // CHUNK
        flatten_ids(0, CHUNK)
        start_gathers(0, 0)
        flatten_ids(CHUNK, Q)

        def pair_body(p, carry):
            c0 = p * 2

            @pl.when(c0 + 1 < n_chunks)
            def _():
                start_gathers(c0 + 1, 1)

            finish_chunk(c0, 0, p == 0)

            @pl.when(c0 + 2 < n_chunks)
            def _():
                start_gathers(c0 + 2, 0)

            finish_chunk(c0 + 1, 1, p == 0)
            return carry

        lax.fori_loop(0, n_chunks // 2, pair_body, 0)
        for par in range(2):
            pltpu.make_async_copy(
                pooled[par], pooled_hbm.at[pl.ds(wbase, CHUNK)],
                sem_p[par]).wait()
            pltpu.make_async_copy(
                selfb[par], self_hbm.at[pl.ds(wbase, CHUNK)],
                sem_sw[par]).wait()

    return sc_kernel(x, nodes, nbs_flat)


def _tc_combine_body(self_ref, pooled_ref, ws_ref, wn_ref, b_ref, o_ref):
    acc = jnp.dot(self_ref[...], ws_ref[...], preferred_element_type=jnp.float32)
    acc = acc + jnp.dot(pooled_ref[...], wn_ref[...],
                        preferred_element_type=jnp.float32)
    o_ref[...] = jnp.maximum(acc + b_ref[...], 0.0)


def _tc_combine(self_rows, pooled, ws, wn_scaled, bias2d):
    bk = 2000
    grid = (B_REAL // bk,)
    return pl.pallas_call(
        _tc_combine_body,
        grid=grid,
        in_specs=[
            pl.BlockSpec((bk, D), lambda i: (i, 0)),
            pl.BlockSpec((bk, D), lambda i: (i, 0)),
            pl.BlockSpec((D, D), lambda i: (0, 0)),
            pl.BlockSpec((D, D), lambda i: (0, 0)),
            pl.BlockSpec((1, D), lambda i: (0, 0)),
        ],
        out_specs=pl.BlockSpec((bk, D), lambda i: (i, 0)),
        out_shape=jax.ShapeDtypeStruct((B_REAL, D), jnp.float32),
    )(self_rows, pooled, ws, wn_scaled, bias2d)


def kernel(x, nodes, nbs_idx, self_weight, nb_weight, bias):
    self_rows, pooled = _sc_gather_pool(
        x, nodes.astype(jnp.int32), nbs_idx.astype(jnp.int32))
    return _tc_combine(self_rows, pooled, self_weight,
                       nb_weight * (1.0 / K_NBS), bias.reshape(1, D))

# --- scband reference (transcript-rebuilt; emitter-appended) ---
"""Pipeline reference for scband-hete-graph-rec-node-aggregator-67430986547810 (READ-ONLY COPY).

The authoritative reference and input builder live on the scoring server;
editing this copy changes nothing except your own understanding.
"""

import jax, jax.numpy as jnp
import numpy as np

N_NODES = 50000
D_FEAT = 128
D_OUT = 128
B = 10000
K = 32


def setup_inputs(seed: int = 0) -> dict:
    key = jax.random.key(seed)
    k_x, k_nodes, k_nbs, k_sw, k_nw, k_b = jax.random.split(key, 6)
    x = jax.random.normal(k_x, (N_NODES, D_FEAT), dtype=jnp.float32)
    nodes = jax.random.randint(k_nodes, (B,), 0, N_NODES, dtype=jnp.int64 if jax.config.jax_enable_x64 else jnp.int32)
    nbs_idx = jax.random.randint(k_nbs, (B, K), 0, N_NODES, dtype=jnp.int64 if jax.config.jax_enable_x64 else jnp.int32)
    scale = 1.0 / np.sqrt(D_FEAT)
    self_weight = jax.random.normal(k_sw, (D_FEAT, D_OUT), dtype=jnp.float32) * scale
    nb_weight = jax.random.normal(k_nw, (D_FEAT, D_OUT), dtype=jnp.float32) * scale
    bias = jax.random.normal(k_b, (D_OUT,), dtype=jnp.float32) * 0.01
    return {"x": x, "nodes": nodes, "nbs_idx": nbs_idx, "self_weight": self_weight, "nb_weight": nb_weight, "bias": bias}


def reference(x, nodes, nbs_idx, self_weight, nb_weight, bias):
    # Gather self node attributes (pre_aggregator lookup of unique node embeds)
    node_attr = jnp.take(x, nodes, axis=0)              # [B, D_FEAT]
    # Gather sampled neighbor attributes per target node
    nbs_attr = jnp.take(x, nbs_idx, axis=0)             # [B, K, D_FEAT]
    # _pooling_operation: mean pooling over sampled neighbors
    pooled_nbs = jnp.mean(nbs_attr, axis=1)             # [B, D_FEAT]
    # _compute_output with combine_type == 'mean'
    from_self = node_attr @ self_weight                 # [B, D_OUT]
    from_nb = pooled_nbs @ nb_weight                    # [B, D_OUT]
    output = from_self + from_nb
    output = output + bias
    output = jax.nn.relu(output)
    return output

if __name__ == "__main__":
    import jax
    _d = setup_inputs()
    print(jax.jit(kernel)(*tuple(_d.values())))

</pallas_src>

<mosaic_0001>
#map = affine_map<(d0, d1) -> (0, 0)>
#map1 = affine_map<(d0, d1) -> (0)>
module attributes {stable_mosaic.version = 14 : i64} {
  func.func @sc_kernel(%arg0: i32, %arg1: i32, %arg2: memref<50000x128xf32, #tpu.memory_space<hbm>>, %arg3: memref<10000xi32, #tpu.memory_space<hbm>>, %arg4: memref<10000x32xi32, #tpu.memory_space<hbm>>, %arg5: memref<10240x128xf32, #tpu.memory_space<hbm>>, %arg6: memref<10240x128xf32, #tpu.memory_space<hbm>>, %arg7: memref<320xi32, #tpu.memory_space<vmem>>, %arg8: memref<320x32xi32, #tpu.memory_space<vmem>>, %arg9: memref<10240xi32, #tpu.memory_space<vmem>>, %arg10: memref<256x128xf32, #tpu.memory_space<vmem>>, %arg11: memref<256x128xf32, #tpu.memory_space<vmem>>, %arg12: memref<8x128xf32, #tpu.memory_space<vmem>>, %arg13: memref<8x128xf32, #tpu.memory_space<vmem>>, %arg14: memref<8x128xf32, #tpu.memory_space<vmem>>, %arg15: memref<8x128xf32, #tpu.memory_space<vmem>>, %arg16: memref<!tpu.dma_semaphore, #tpu.memory_space<semaphore_mem>>, %arg17: memref<!tpu.dma_semaphore, #tpu.memory_space<semaphore_mem>>, %arg18: memref<!tpu.dma_semaphore, #tpu.memory_space<semaphore_mem>>, %arg19: memref<!tpu.dma_semaphore, #tpu.memory_space<semaphore_mem>>, %arg20: memref<!tpu.dma_semaphore, #tpu.memory_space<semaphore_mem>>, %arg21: memref<!tpu.dma_semaphore, #tpu.memory_space<semaphore_mem>>, %arg22: memref<!tpu.dma_semaphore, #tpu.memory_space<semaphore_mem>>, %arg23: memref<!tpu.dma_semaphore, #tpu.memory_space<semaphore_mem>>) attributes {dimension_semantics = [#tpu.dimension_semantics<core_parallel>, #tpu.dimension_semantics<subcore_parallel>], iteration_bounds = array<i64: 2, 16>, scalar_prefetch = 0 : i64, scratch_operands = 17 : i64, tpu.core_type = #tpu.core_type<sc_vector_subcore>, window_params = [{transform_indices = #map}, {transform_indices = #map1}, {transform_indices = #map}, {transform_indices = #map}, {transform_indices = #map}]} {
    %mul3A = arith.constant 2 : i32
    %mul3A_0 = arith.muli %arg1, %mul3A : i32
    %add3A = arith.addi %mul3A_0, %arg0 : i32
    %mul3A_1 = arith.constant 320 : i32
    %mul3A_2 = arith.muli %add3A, %mul3A_1 : i32
    %eq3A = arith.constant 31 : i32
    %eq3A_3 = arith.cmpi eq, %add3A, %eq3A : i32
    %not3A = arith.constant true
    %not3A_4 = arith.xori %eq3A_3, %not3A : i1
    %convert_element_type3A = arith.extui %not3A_4 : i1 to i32
    %cond3A = arith.constant 0 : i32
    %cond3A_5 = arith.cmpi ne, %convert_element_type3A, %cond3A : i32
    scf.if %cond3A_5 {
      "tpu.region"() ({
        %run_scoped3A = tpu.sem_alloc : memref<!tpu.dma_semaphore, #tpu.memory_space<semaphore_mem>>
        %dma_start3A_50 = tpu.memref_slice %arg3[%mul3A_2] : memref<10000xi32, #tpu.memory_space<hbm>> -> memref<320xi32, #tpu.memory_space<hbm>>
        %dma_start3A_51 = tpu.memref_slice %arg3[%mul3A_2] : memref<10000xi32, #tpu.memory_space<hbm>> -> memref<320xi32, #tpu.memory_space<hbm>>
        tpu.enqueue_dma source(%dma_start3A_51 : memref<320xi32, #tpu.memory_space<hbm>>) target(%arg7 : memref<320xi32, #tpu.memory_space<vmem>>) target_semaphore(%run_scoped3A : memref<!tpu.dma_semaphore, #tpu.memory_space<semaphore_mem>>)
        %dma_wait3A_52 = tpu.memref_slice %arg3[%mul3A_2] : memref<10000xi32, #tpu.memory_space<hbm>> -> memref<320xi32, #tpu.memory_space<hbm>>
        %dma_wait3A_53 = tpu.memref_slice %arg3[%mul3A_2] : memref<10000xi32, #tpu.memory_space<hbm>> -> memref<320xi32, #tpu.memory_space<hbm>>
        tpu.wait_dma2 semaphore(%run_scoped3A : memref<!tpu.dma_semaphore, #tpu.memory_space<semaphore_mem>>) src(%dma_wait3A_53 : memref<320xi32, #tpu.memory_space<hbm>>) dst(%arg7 : memref<320xi32, #tpu.memory_space<vmem>>)
        tpu.yield
      }) : () -> ()
      "tpu.region"() ({
        %run_scoped3A = tpu.sem_alloc : memref<!tpu.dma_semaphore, #tpu.memory_space<semaphore_mem>>
        %dma_start3A_50 = arith.constant 0 : i32
        %dma_start3A_51 = tpu.memref_slice %arg4[%mul3A_2, %dma_start3A_50] : memref<10000x32xi32, #tpu.memory_space<hbm>> -> memref<320x32xi32, #tpu.memory_space<hbm>>
        %dma_start3A_52 = arith.constant 0 : i32
        %dma_start3A_53 = tpu.memref_slice %arg4[%mul3A_2, %dma_start3A_52] : memref<10000x32xi32, #tpu.memory_space<hbm>> -> memref<320x32xi32, #tpu.memory_space<hbm>>
        tpu.enqueue_dma source(%dma_start3A_53 : memref<320x32xi32, #tpu.memory_space<hbm>>) target(%arg8 : memref<320x32xi32, #tpu.memory_space<vmem>>) target_semaphore(%run_scoped3A : memref<!tpu.dma_semaphore, #tpu.memory_space<semaphore_mem>>)
        %dma_wait3A_54 = arith.constant 0 : i32
        %dma_wait3A_55 = tpu.memref_slice %arg4[%mul3A_2, %dma_wait3A_54] : memref<10000x32xi32, #tpu.memory_space<hbm>> -> memref<320x32xi32, #tpu.memory_space<hbm>>
        %dma_wait3A_56 = arith.constant 0 : i32
        %dma_wait3A_57 = tpu.memref_slice %arg4[%mul3A_2, %dma_wait3A_56] : memref<10000x32xi32, #tpu.memory_space<hbm>> -> memref<320x32xi32, #tpu.memory_space<hbm>>
        tpu.wait_dma2 semaphore(%run_scoped3A : memref<!tpu.dma_semaphore, #tpu.memory_space<semaphore_mem>>) src(%dma_wait3A_57 : memref<320x32xi32, #tpu.memory_space<hbm>>) dst(%arg8 : memref<320x32xi32, #tpu.memory_space<vmem>>)
        tpu.yield
      }) : () -> ()
    } else {
    }
    %convert_element_type3A_6 = arith.extui %eq3A_3 : i1 to i32
    %cond3A_7 = arith.constant 0 : i32
    %cond3A_8 = arith.cmpi ne, %convert_element_type3A_6, %cond3A_7 : i32
    scf.if %cond3A_8 {
      "tpu.region"() ({
        %run_scoped3A = tpu.sem_alloc : memref<!tpu.dma_semaphore, #tpu.memory_space<semaphore_mem>>
        %dma_start3A_62 = arith.constant 0 : i32
        %dma_start3A_63 = tpu.memref_slice %arg7[%dma_start3A_62] : memref<320xi32, #tpu.memory_space<vmem>> -> memref<80xi32, #tpu.memory_space<vmem>>
        %dma_start3A_64 = arith.constant 9920 : i32
        %dma_start3A_65 = tpu.memref_slice %arg3[%dma_start3A_64] : memref<10000xi32, #tpu.memory_space<hbm>> -> memref<80xi32, #tpu.memory_space<hbm>>
        %dma_start3A_66 = arith.constant 0 : i32
        %dma_start3A_67 = tpu.memref_slice %arg7[%dma_start3A_66] : memref<320xi32, #tpu.memory_space<vmem>> -> memref<80xi32, #tpu.memory_space<vmem>>
        %dma_start3A_68 = arith.constant 9920 : i32
        %dma_start3A_69 = tpu.memref_slice %arg3[%dma_start3A_68] : memref<10000xi32, #tpu.memory_space<hbm>> -> memref<80xi32, #tpu.memory_space<hbm>>
        tpu.enqueue_dma source(%dma_start3A_69 : memref<80xi32, #tpu.memory_space<hbm>>) target(%dma_start3A_67 : memref<80xi32, #tpu.memory_space<vmem>>) target_semaphore(%run_scoped3A : memref<!tpu.dma_semaphore, #tpu.memory_space<semaphore_mem>>)
        %dma_wait3A_70 = arith.constant 0 : i32
        %dma_wait3A_71 = tpu.memref_slice %arg7[%dma_wait3A_70] : memref<320xi32, #tpu.memory_space<vmem>> -> memref<80xi32, #tpu.memory_space<vmem>>
        %dma_wait3A_72 = arith.constant 9920 : i32
        %dma_wait3A_73 = tpu.memref_slice %arg3[%dma_wait3A_72] : memref<10000xi32, #tpu.memory_space<hbm>> -> memref<80xi32, #tpu.memory_space<hbm>>
        %dma_wait3A_74 = arith.constant 0 : i32
        %dma_wait3A_75 = tpu.memref_slice %arg7[%dma_wait3A_74] : memref<320xi32, #tpu.memory_space<vmem>> -> memref<80xi32, #tpu.memory_space<vmem>>
        %dma_wait3A_76 = arith.constant 9920 : i32
        %dma_wait3A_77 = tpu.memref_slice %arg3[%dma_wait3A_76] : memref<10000xi32, #tpu.memory_space<hbm>> -> memref<80xi32, #tpu.memory_space<hbm>>
        tpu.wait_dma2 semaphore(%run_scoped3A : memref<!tpu.dma_semaphore, #tpu.memory_space<semaphore_mem>>) src(%dma_wait3A_77 : memref<80xi32, #tpu.memory_space<hbm>>) dst(%dma_wait3A_75 : memref<80xi32, #tpu.memory_space<vmem>>)
        tpu.yield
      }) : () -> ()
      "tpu.region"() ({
        %run_scoped3A = tpu.sem_alloc : memref<!tpu.dma_semaphore, #tpu.memory_space<semaphore_mem>>
        %dma_start3A_62 = arith.constant 0 : i32
        %dma_start3A_63 = arith.constant 0 : i32
        %dma_start3A_64 = tpu.memref_slice %arg8[%dma_start3A_62, %dma_start3A_63] : memref<320x32xi32, #tpu.memory_space<vmem>> -> memref<80x32xi32, #tpu.memory_space<vmem>>
        %dma_start3A_65 = arith.constant 9920 : i32
        %dma_start3A_66 = arith.constant 0 : i32
        %dma_start3A_67 = tpu.memref_slice %arg4[%dma_start3A_65, %dma_start3A_66] : memref<10000x32xi32, #tpu.memory_space<hbm>> -> memref<80x32xi32, #tpu.memory_space<hbm>>
        %dma_start3A_68 = arith.constant 0 : i32
        %dma_start3A_69 = arith.constant 0 : i32
        %dma_start3A_70 = tpu.memref_slice %arg8[%dma_start3A_68, %dma_start3A_69] : memref<320x32xi32, #tpu.memory_space<vmem>> -> memref<80x32xi32, #tpu.memory_space<vmem>>
        %dma_start3A_71 = arith.constant 9920 : i32
        %dma_start3A_72 = arith.constant 0 : i32
        %dma_start3A_73 = tpu.memref_slice %arg4[%dma_start3A_71, %dma_start3A_72] : memref<10000x32xi32, #tpu.memory_space<hbm>> -> memref<80x32xi32, #tpu.memory_space<hbm>>
        tpu.enqueue_dma source(%dma_start3A_73 : memref<80x32xi32, #tpu.memory_space<hbm>>) target(%dma_start3A_70 : memref<80x32xi32, #tpu.memory_space<vmem>>) target_semaphore(%run_scoped3A : memref<!tpu.dma_semaphore, #tpu.memory_space<semaphore_mem>>)
        %dma_wait3A_74 = arith.constant 0 : i32
        %dma_wait3A_75 = arith.constant 0 : i32
        %dma_wait3A_76 = tpu.memref_slice %arg8[%dma_wait3A_74, %dma_wait3A_75] : memref<320x32xi32, #tpu.memory_space<vmem>> -> memref<80x32xi32, #tpu.memory_space<vmem>>
        %dma_wait3A_77 = arith.constant 9920 : i32
        %dma_wait3A_78 = arith.constant 0 : i32
        %dma_wait3A_79 = tpu.memref_slice %arg4[%dma_wait3A_77, %dma_wait3A_78] : memref<10000x32xi32, #tpu.memory_space<hbm>> -> memref<80x32xi32, #tpu.memory_space<hbm>>
        %dma_wait3A_80 = arith.constant 0 : i32
        %dma_wait3A_81 = arith.constant 0 : i32
        %dma_wait3A_82 = tpu.memref_slice %arg8[%dma_wait3A_80, %dma_wait3A_81] : memref<320x32xi32, #tpu.memory_space<vmem>> -> memref<80x32xi32, #tpu.memory_space<vmem>>
        %dma_wait3A_83 = arith.constant 9920 : i32
        %dma_wait3A_84 = arith.constant 0 : i32
        %dma_wait3A_85 = tpu.memref_slice %arg4[%dma_wait3A_83, %dma_wait3A_84] : memref<10000x32xi32, #tpu.memory_space<hbm>> -> memref<80x32xi32, #tpu.memory_space<hbm>>
        tpu.wait_dma2 semaphore(%run_scoped3A : memref<!tpu.dma_semaphore, #tpu.memory_space<semaphore_mem>>) src(%dma_wait3A_85 : memref<80x32xi32, #tpu.memory_space<hbm>>) dst(%dma_wait3A_82 : memref<80x32xi32, #tpu.memory_space<vmem>>)
        tpu.yield
      }) : () -> ()
      %iota3A = tpu.iota {dimensions = array<i32: 0>} : vector<16xi32>
      %scan3A_50 = arith.constant 0 : i32
      %scan3A_51 = arith.constant 0 : i32
      %scan3A_52 = arith.constant 15 : i32
      %scan3A_53 = arith.addi %scan3A_51, %scan3A_52 : i32
      %scan3A_54 = arith.constant 1 : i32
      scf.for %scan3A_62 = %scan3A_51 to %scan3A_53 step %scan3A_54  : i32 {
        %mul3A_63 = arith.constant 16 : i32
        %mul3A_64 = arith.muli %scan3A_62, %mul3A_63 : i32
        %add3A_65 = vector.broadcast %mul3A_64 : i32 to vector<16xi32>
        %add3A_66 = arith.addi %iota3A, %add3A_65 : vector<16xi32>
        %mul3A_67 = arith.constant 16 : i32
        %mul3A_68 = arith.muli %scan3A_62, %mul3A_67 : i32
        %add3A_69 = arith.constant 80 : i32
        %add3A_70 = arith.addi %add3A_69, %mul3A_68 : i32
        %swap3A = arith.index_cast %add3A_70 : i32 to index
        %swap3A_71 = tpu.vector_load %arg7[%swap3A] {strides = array<i32>} : memref<320xi32, #tpu.memory_space<vmem>>, vector<16xi32>,
        %swap3A_72 = vector.shape_cast %swap3A_71 : vector<16xi32> to vector<16xi32>
        %swap3A_73 = vector.shape_cast %add3A_66 : vector<16xi32> to vector<16xi32>
        tpu.vector_store %arg7[%swap3A], %swap3A_73 {strides = array<i32>} : memref<320xi32, #tpu.memory_space<vmem>>, vector<16xi32>,
      }
      %scan3A_55 = arith.constant 15 : i32
      %scan3A_56 = arith.constant 0 : i32
      %scan3A_57 = arith.constant 0 : i32
      %scan3A_58 = arith.constant 240 : i32
      %scan3A_59 = arith.addi %scan3A_57, %scan3A_58 : i32
      %scan3A_60 = arith.constant 1 : i32
      scf.for %scan3A_62 = %scan3A_57 to %scan3A_59 step %scan3A_60  : i32 {
        %mul3A_63 = arith.constant 32 : i32
        %mul3A_64 = arith.muli %scan3A_62, %mul3A_63 : i32
        %add3A_65 = arith.constant 0 : i32
        %add3A_66 = arith.addi %mul3A_64, %add3A_65 : i32
        %add3A_67 = vector.broadcast %add3A_66 : i32 to vector<16xi32>
        %add3A_68 = arith.addi %iota3A, %add3A_67 : vector<16xi32>
        %add3A_69 = arith.constant 80 : i32
        %add3A_70 = arith.addi %add3A_69, %scan3A_62 : i32
        %swap3A = arith.index_cast %add3A_70 : i32 to index
        %swap3A_71 = arith.constant 0 : index
        %swap3A_72 = tpu.vector_load %arg8[%swap3A, %swap3A_71] {strides = array<i32>} : memref<320x32xi32, #tpu.memory_space<vmem>>, vector<1x16xi32>,
        %swap3A_73 = vector.shape_cast %swap3A_72 : vector<1x16xi32> to vector<16xi32>
        %swap3A_74 = vector.shape_cast %add3A_68 : vector<16xi32> to vector<1x16xi32>
        tpu.vector_store %arg8[%swap3A, %swap3A_71], %swap3A_74 {strides = array<i32>} : memref<320x32xi32, #tpu.memory_space<vmem>>, vector<1x16xi32>,
        %mul3A_75 = arith.constant 32 : i32
        %mul3A_76 = arith.muli %scan3A_62, %mul3A_75 : i32
        %add3A_77 = arith.constant 16 : i32
        %add3A_78 = arith.addi %mul3A_76, %add3A_77 : i32
        %add3A_79 = vector.broadcast %add3A_78 : i32 to vector<16xi32>
        %add3A_80 = arith.addi %iota3A, %add3A_79 : vector<16xi32>
        %add3A_81 = arith.constant 80 : i32
        %add3A_82 = arith.addi %add3A_81, %scan3A_62 : i32
        %swap3A_83 = arith.index_cast %add3A_82 : i32 to index
        %swap3A_84 = arith.constant 16 : index
        %swap3A_85 = tpu.vector_load %arg8[%swap3A_83, %swap3A_84] {strides = array<i32>} : memref<320x32xi32, #tpu.memory_space<vmem>>, vector<1x16xi32>,
        %swap3A_86 = vector.shape_cast %swap3A_85 : vector<1x16xi32> to vector<16xi32>
        %swap3A_87 = vector.shape_cast %add3A_80 : vector<16xi32> to vector<1x16xi32>
        tpu.vector_store %arg8[%swap3A_83, %swap3A_84], %swap3A_87 {strides = array<i32>} : memref<320x32xi32, #tpu.memory_space<vmem>>, vector<1x16xi32>,
      }
      %scan3A_61 = arith.constant 240 : i32
    } else {
    }
    %scan3A = arith.constant 0 : i32
    %scan3A_9 = arith.constant 0 : i32
    %scan3A_10 = arith.constant 8 : i32
    %scan3A_11 = arith.addi %scan3A_9, %scan3A_10 : i32
    %scan3A_12 = arith.constant 1 : i32
    scf.for %scan3A_50 = %scan3A_9 to %scan3A_11 step %scan3A_12  : i32 {
      %get3A = arith.index_cast %scan3A_50 : i32 to index
      %get3A_51 = arith.constant 0 : index
      %get3A_52 = tpu.vector_load %arg8[%get3A, %get3A_51] {strides = array<i32>} : memref<320x32xi32, #tpu.memory_space<vmem>>, vector<1x16xi32>,
      %get3A_53 = vector.shape_cast %get3A_52 : vector<1x16xi32> to vector<16xi32>
      %mul3A_54 = arith.constant 32 : i32
      %mul3A_55 = arith.muli %scan3A_50, %mul3A_54 : i32
      %add3A_56 = arith.constant 0 : i32
      %add3A_57 = arith.addi %mul3A_55, %add3A_56 : i32
      %swap3A = arith.index_cast %add3A_57 : i32 to index
      %swap3A_58 = tpu.vector_load %arg9[%swap3A] {strides = array<i32>} : memref<10240xi32, #tpu.memory_space<vmem>>, vector<16xi32>,
      %swap3A_59 = vector.shape_cast %swap3A_58 : vector<16xi32> to vector<16xi32>
      %swap3A_60 = vector.shape_cast %get3A_53 : vector<16xi32> to vector<16xi32>
      tpu.vector_store %arg9[%swap3A], %swap3A_60 {strides = array<i32>} : memref<10240xi32, #tpu.memory_space<vmem>>, vector<16xi32>,
      %get3A_61 = arith.index_cast %scan3A_50 : i32 to index
      %get3A_62 = arith.constant 16 : index
      %get3A_63 = tpu.vector_load %arg8[%get3A_61, %get3A_62] {strides = array<i32>} : memref<320x32xi32, #tpu.memory_space<vmem>>, vector<1x16xi32>,
      %get3A_64 = vector.shape_cast %get3A_63 : vector<1x16xi32> to vector<16xi32>
      %mul3A_65 = arith.constant 32 : i32
      %mul3A_66 = arith.muli %scan3A_50, %mul3A_65 : i32
      %add3A_67 = arith.constant 16 : i32
      %add3A_68 = arith.addi %mul3A_66, %add3A_67 : i32
      %swap3A_69 = arith.index_cast %add3A_68 : i32 to index
      %swap3A_70 = tpu.vector_load %arg9[%swap3A_69] {strides = array<i32>} : memref<10240xi32, #tpu.memory_space<vmem>>, vector<16xi32>,
      %swap3A_71 = vector.shape_cast %swap3A_70 : vector<16xi32> to vector<16xi32>
      %swap3A_72 = vector.shape_cast %get3A_64 : vector<16xi32> to vector<16xi32>
      tpu.vector_store %arg9[%swap3A_69], %swap3A_72 {strides = array<i32>} : memref<10240xi32, #tpu.memory_space<vmem>>, vector<16xi32>,
    }
    %scan3A_13 = arith.constant 8 : i32
    %dma_start3A = arith.constant 0 : i32
    %dma_start3A_14 = tpu.memref_slice %arg9[%dma_start3A] : memref<10240xi32, #tpu.memory_space<vmem>> -> memref<256xi32, #tpu.memory_space<vmem>>
    %dma_start3A_15 = arith.constant 0 : i32
    %dma_start3A_16 = arith.constant 0 : i32
    %dma_start3A_17 = tpu.memref_slice %arg2[%dma_start3A_15, %dma_start3A_16] : memref<50000x128xf32, #tpu.memory_space<hbm>> -> memref<50000x128xf32, #tpu.memory_space<hbm>>
    tpu.enqueue_indirect_dma source(%dma_start3A_17 : memref<50000x128xf32, #tpu.memory_space<hbm>>) target(%arg10 : memref<256x128xf32, #tpu.memory_space<vmem>>) offsets(%dma_start3A_14 : memref<256xi32, #tpu.memory_space<vmem>>) semaphore(%arg16 : memref<!tpu.dma_semaphore, #tpu.memory_space<semaphore_mem>>)
    %dma_start3A_18 = arith.constant 0 : i32
    %dma_start3A_19 = tpu.memref_slice %arg7[%dma_start3A_18] : memref<320xi32, #tpu.memory_space<vmem>> -> memref<8xi32, #tpu.memory_space<vmem>>
    %dma_start3A_20 = arith.constant 0 : i32
    %dma_start3A_21 = arith.constant 0 : i32
    %dma_start3A_22 = tpu.memref_slice %arg2[%dma_start3A_20, %dma_start3A_21] : memref<50000x128xf32, #tpu.memory_space<hbm>> -> memref<50000x128xf32, #tpu.memory_space<hbm>>
    tpu.enqueue_indirect_dma source(%dma_start3A_22 : memref<50000x128xf32, #tpu.memory_space<hbm>>) target(%arg14 : memref<8x128xf32, #tpu.memory_space<vmem>>) offsets(%dma_start3A_19 : memref<8xi32, #tpu.memory_space<vmem>>) semaphore(%arg20 : memref<!tpu.dma_semaphore, #tpu.memory_space<semaphore_mem>>)
    %scan3A_23 = arith.constant 0 : i32
    %scan3A_24 = arith.constant 8 : i32
    %scan3A_25 = arith.constant 312 : i32
    %scan3A_26 = arith.addi %scan3A_24, %scan3A_25 : i32
    %scan3A_27 = arith.constant 1 : i32
    scf.for %scan3A_50 = %scan3A_24 to %scan3A_26 step %scan3A_27  : i32 {
      %get3A = arith.index_cast %scan3A_50 : i32 to index
      %get3A_51 = arith.constant 0 : index
      %get3A_52 = tpu.vector_load %arg8[%get3A, %get3A_51] {strides = array<i32>} : memref<320x32xi32, #tpu.memory_space<vmem>>, vector<1x16xi32>,
      %get3A_53 = vector.shape_cast %get3A_52 : vector<1x16xi32> to vector<16xi32>
      %mul3A_54 = arith.constant 32 : i32
      %mul3A_55 = arith.muli %scan3A_50, %mul3A_54 : i32
      %add3A_56 = arith.constant 0 : i32
      %add3A_57 = arith.addi %mul3A_55, %add3A_56 : i32
      %swap3A = arith.index_cast %add3A_57 : i32 to index
      %swap3A_58 = tpu.vector_load %arg9[%swap3A] {strides = array<i32>} : memref<10240xi32, #tpu.memory_space<vmem>>, vector<16xi32>,
      %swap3A_59 = vector.shape_cast %swap3A_58 : vector<16xi32> to vector<16xi32>
      %swap3A_60 = vector.shape_cast %get3A_53 : vector<16xi32> to vector<16xi32>
      tpu.vector_store %arg9[%swap3A], %swap3A_60 {strides = array<i32>} : memref<10240xi32, #tpu.memory_space<vmem>>, vector<16xi32>,
      %get3A_61 = arith.index_cast %scan3A_50 : i32 to index
      %get3A_62 = arith.constant 16 : index
      %get3A_63 = tpu.vector_load %arg8[%get3A_61, %get3A_62] {strides = array<i32>} : memref<320x32xi32, #tpu.memory_space<vmem>>, vector<1x16xi32>,
      %get3A_64 = vector.shape_cast %get3A_63 : vector<1x16xi32> to vector<16xi32>
      %mul3A_65 = arith.constant 32 : i32
      %mul3A_66 = arith.muli %scan3A_50, %mul3A_65 : i32
      %add3A_67 = arith.constant 16 : i32
      %add3A_68 = arith.addi %mul3A_66, %add3A_67 : i32
      %swap3A_69 = arith.index_cast %add3A_68 : i32 to index
      %swap3A_70 = tpu.vector_load %arg9[%swap3A_69] {strides = array<i32>} : memref<10240xi32, #tpu.memory_space<vmem>>, vector<16xi32>,
      %swap3A_71 = vector.shape_cast %swap3A_70 : vector<16xi32> to vector<16xi32>
      %swap3A_72 = vector.shape_cast %get3A_64 : vector<16xi32> to vector<16xi32>
      tpu.vector_store %arg9[%swap3A_69], %swap3A_72 {strides = array<i32>} : memref<10240xi32, #tpu.memory_space<vmem>>, vector<16xi32>,
    }
    %scan3A_28 = arith.constant 312 : i32
    %scan3A_29 = arith.constant 0 : i32
    %scan3A_30 = arith.constant 0 : i32
    %scan3A_31 = arith.constant 20 : i32
    %scan3A_32 = arith.addi %scan3A_30, %scan3A_31 : i32
    %scan3A_33 = arith.constant 1 : i32
    scf.for %scan3A_50 = %scan3A_30 to %scan3A_32 step %scan3A_33  : i32 {
      %mul3A_51 = arith.constant 2 : i32
      %mul3A_52 = arith.muli %scan3A_50, %mul3A_51 : i32
      %add3A_53 = arith.constant 1 : i32
      %add3A_54 = arith.addi %mul3A_52, %add3A_53 : i32
      %lt3A = arith.constant 40 : i32
      %lt3A_55 = arith.cmpi slt, %add3A_54, %lt3A : i32
      %convert_element_type3A_56 = arith.extui %lt3A_55 : i1 to i32
      %cond3A_57 = arith.constant 0 : i32
      %cond3A_58 = arith.cmpi ne, %convert_element_type3A_56, %cond3A_57 : i32
      scf.if %cond3A_58 {
        %add3A_1034 = arith.constant 1 : i32
        %add3A_1035 = arith.addi %mul3A_52, %add3A_1034 : i32
        %mul3A_1036 = arith.constant 256 : i32
        %mul3A_1037 = arith.muli %add3A_1035, %mul3A_1036 : i32
        %dma_start3A_1038 = tpu.memref_slice %arg9[%mul3A_1037] : memref<10240xi32, #tpu.memory_space<vmem>> -> memref<256xi32, #tpu.memory_space<vmem>>
        %dma_start3A_1039 = arith.constant 0 : i32
        %dma_start3A_1040 = arith.constant 0 : i32
        %dma_start3A_1041 = tpu.memref_slice %arg2[%dma_start3A_1039, %dma_start3A_1040] : memref<50000x128xf32, #tpu.memory_space<hbm>> -> memref<50000x128xf32, #tpu.memory_space<hbm>>
        tpu.enqueue_indirect_dma source(%dma_start3A_1041 : memref<50000x128xf32, #tpu.memory_space<hbm>>) target(%arg11 : memref<256x128xf32, #tpu.memory_space<vmem>>) offsets(%dma_start3A_1038 : memref<256xi32, #tpu.memory_space<vmem>>) semaphore(%arg17 : memref<!tpu.dma_semaphore, #tpu.memory_space<semaphore_mem>>)
        %mul3A_1042 = arith.constant 8 : i32
        %mul3A_1043 = arith.muli %add3A_1035, %mul3A_1042 : i32
        %dma_start3A_1044 = tpu.memref_slice %arg7[%mul3A_1043] : memref<320xi32, #tpu.memory_space<vmem>> -> memref<8xi32, #tpu.memory_space<vmem>>
        %dma_start3A_1045 = arith.constant 0 : i32
        %dma_start3A_1046 = arith.constant 0 : i32
        %dma_start3A_1047 = tpu.memref_slice %arg2[%dma_start3A_1045, %dma_start3A_1046] : memref<50000x128xf32, #tpu.memory_space<hbm>> -> memref<50000x128xf32, #tpu.memory_space<hbm>>
        tpu.enqueue_indirect_dma source(%dma_start3A_1047 : memref<50000x128xf32, #tpu.memory_space<hbm>>) target(%arg15 : memref<8x128xf32, #tpu.memory_space<vmem>>) offsets(%dma_start3A_1044 : memref<8xi32, #tpu.memory_space<vmem>>) semaphore(%arg21 : memref<!tpu.dma_semaphore, #tpu.memory_space<semaphore_mem>>)
      } else {
      }
      %eq3A_59 = arith.constant 0 : i32
      %eq3A_60 = arith.cmpi eq, %scan3A_50, %eq3A_59 : i32
      %dma_wait3A_61 = arith.constant 0 : i32
      %dma_wait3A_62 = tpu.memref_slice %arg9[%dma_wait3A_61] : memref<10240xi32, #tpu.memory_space<vmem>> -> memref<256xi32, #tpu.memory_space<vmem>>
      %dma_wait3A_63 = arith.constant 0 : i32
      %dma_wait3A_64 = arith.constant 0 : i32
      %dma_wait3A_65 = tpu.memref_slice %arg2[%dma_wait3A_63, %dma_wait3A_64] : memref<50000x128xf32, #tpu.memory_space<hbm>> -> memref<50000x128xf32, #tpu.memory_space<hbm>>
      tpu.wait_indirect_dma semaphore(%arg16 : memref<!tpu.dma_semaphore, #tpu.memory_space<semaphore_mem>>) src(%dma_wait3A_65 : memref<50000x128xf32, #tpu.memory_space<hbm>>) dst(%arg10 : memref<256x128xf32, #tpu.memory_space<vmem>>)
      %not3A_66 = arith.constant true
      %not3A_67 = arith.xori %eq3A_60, %not3A_66 : i1
      %convert_element_type3A_68 = arith.extui %not3A_67 : i1 to i32
      %cond3A_69 = arith.constant 0 : i32
      %cond3A_70 = arith.cmpi ne, %convert_element_type3A_68, %cond3A_69 : i32
      scf.if %cond3A_70 {
        %dma_wait3A_1034 = arith.constant 0 : i32
        %dma_wait3A_1035 = tpu.memref_slice %arg6[%mul3A_2, %dma_wait3A_1034] : memref<10240x128xf32, #tpu.memory_space<hbm>> -> memref<8x128xf32, #tpu.memory_space<hbm>>
        %dma_wait3A_1036 = arith.constant 0 : i32
        %dma_wait3A_1037 = tpu.memref_slice %arg6[%mul3A_2, %dma_wait3A_1036] : memref<10240x128xf32, #tpu.memory_space<hbm>> -> memref<8x128xf32, #tpu.memory_space<hbm>>
        tpu.wait_dma2 semaphore(%arg18 : memref<!tpu.dma_semaphore, #tpu.memory_space<semaphore_mem>>) src(%arg12 : memref<8x128xf32, #tpu.memory_space<vmem>>) dst(%dma_wait3A_1037 : memref<8x128xf32, #tpu.memory_space<hbm>>)
      } else {
      }
      %broadcast_in_dim3A = arith.constant 0.000000e+00 : f32
      %broadcast_in_dim3A_71 = vector.broadcast %broadcast_in_dim3A : f32 to vector<16xf32>
      %scan3A_72 = arith.constant 0 : i32
      %scan3A_73 = arith.constant 8 : i32
      %scan3A_74 = arith.addi %scan3A_72, %scan3A_73 : i32
      %scan3A_75 = arith.constant 1 : i32
      %scan3A_76:8 = scf.for %scan3A_1034 = %scan3A_72 to %scan3A_74 step %scan3A_75 iter_args(%scan3A_1035 = %broadcast_in_dim3A_71, %scan3A_1036 = %broadcast_in_dim3A_71, %scan3A_1037 = %broadcast_in_dim3A_71, %scan3A_1038 = %broadcast_in_dim3A_71, %scan3A_1039 = %broadcast_in_dim3A_71, %scan3A_1040 = %broadcast_in_dim3A_71, %scan3A_1041 = %broadcast_in_dim3A_71, %scan3A_1042 = %broadcast_in_dim3A_71) -> (vector<16xf32>, vector<16xf32>, vector<16xf32>, vector<16xf32>, vector<16xf32>, vector<16xf32>, vector<16xf32>, vector<16xf32>)  : i32 {
        %mul3A_1043 = arith.constant 4 : i32
        %mul3A_1044 = arith.muli %scan3A_1034, %mul3A_1043 : i32
        %add3A_1045 = arith.constant 0 : i32
        %add3A_1046 = arith.addi %add3A_1045, %mul3A_1044 : i32
        %add3A_1047 = arith.constant 0 : i32
        %add3A_1048 = arith.addi %add3A_1046, %add3A_1047 : i32
        %get3A = arith.index_cast %add3A_1048 : i32 to index
        %get3A_1049 = arith.constant 0 : index
        %get3A_1050 = tpu.vector_load %arg10[%get3A, %get3A_1049] {strides = array<i32>} : memref<256x128xf32, #tpu.memory_space<vmem>>, vector<1x16xf32>,
        %get3A_1051 = vector.shape_cast %get3A_1050 : vector<1x16xf32> to vector<16xf32>
        %add3A_1052 = arith.addf %scan3A_1035, %get3A_1051 : vector<16xf32>
        %get3A_1053 = arith.index_cast %add3A_1048 : i32 to index
        %get3A_1054 = arith.constant 16 : index
        %get3A_1055 = tpu.vector_load %arg10[%get3A_1053, %get3A_1054] {strides = array<i32>} : memref<256x128xf32, #tpu.memory_space<vmem>>, vector<1x16xf32>,
        %get3A_1056 = vector.shape_cast %get3A_1055 : vector<1x16xf32> to vector<16xf32>
        %add3A_1057 = arith.addf %scan3A_1036, %get3A_1056 : vector<16xf32>
        %get3A_1058 = arith.index_cast %add3A_1048 : i32 to index
        %get3A_1059 = arith.constant 32 : index
        %get3A_1060 = tpu.vector_load %arg10[%get3A_1058, %get3A_1059] {strides = array<i32>} : memref<256x128xf32, #tpu.memory_space<vmem>>, vector<1x16xf32>,
        %get3A_1061 = vector.shape_cast %get3A_1060 : vector<1x16xf32> to vector<16xf32>
        %add3A_1062 = arith.addf %scan3A_1037, %get3A_1061 : vector<16xf32>
        %get3A_1063 = arith.index_cast %add3A_1048 : i32 to index
        %get3A_1064 = arith.constant 48 : index
        %get3A_1065 = tpu.vector_load %arg10[%get3A_1063, %get3A_1064] {strides = array<i32>} : memref<256x128xf32, #tpu.memory_space<vmem>>, vector<1x16xf32>,
        %get3A_1066 = vector.shape_cast %get3A_1065 : vector<1x16xf32> to vector<16xf32>
        %add3A_1067 = arith.addf %scan3A_1038, %get3A_1066 : vector<16xf32>
        %get3A_1068 = arith.index_cast %add3A_1048 : i32 to index
        %get3A_1069 = arith.constant 64 : index
        %get3A_1070 = tpu.vector_load %arg10[%get3A_1068, %get3A_1069] {strides = array<i32>} : memref<256x128xf32, #tpu.memory_space<vmem>>, vector<1x16xf32>,
        %get3A_1071 = vector.shape_cast %get3A_1070 : vector<1x16xf32> to vector<16xf32>
        %add3A_1072 = arith.addf %scan3A_1039, %get3A_1071 : vector<16xf32>
        %get3A_1073 = arith.index_cast %add3A_1048 : i32 to index
        %get3A_1074 = arith.constant 80 : index
        %get3A_1075 = tpu.vector_load %arg10[%get3A_1073, %get3A_1074] {strides = array<i32>} : memref<256x128xf32, #tpu.memory_space<vmem>>, vector<1x16xf32>,
        %get3A_1076 = vector.shape_cast %get3A_1075 : vector<1x16xf32> to vector<16xf32>
        %add3A_1077 = arith.addf %scan3A_1040, %get3A_1076 : vector<16xf32>
        %get3A_1078 = arith.index_cast %add3A_1048 : i32 to index
        %get3A_1079 = arith.constant 96 : index
        %get3A_1080 = tpu.vector_load %arg10[%get3A_1078, %get3A_1079] {strides = array<i32>} : memref<256x128xf32, #tpu.memory_space<vmem>>, vector<1x16xf32>,
        %get3A_1081 = vector.shape_cast %get3A_1080 : vector<1x16xf32> to vector<16xf32>
        %add3A_1082 = arith.addf %scan3A_1041, %get3A_1081 : vector<16xf32>
        %get3A_1083 = arith.index_cast %add3A_1048 : i32 to index
        %get3A_1084 = arith.constant 112 : index
        %get3A_1085 = tpu.vector_load %arg10[%get3A_1083, %get3A_1084] {strides = array<i32>} : memref<256x128xf32, #tpu.memory_space<vmem>>, vector<1x16xf32>,
        %get3A_1086 = vector.shape_cast %get3A_1085 : vector<1x16xf32> to vector<16xf32>
        %add3A_1087 = arith.addf %scan3A_1042, %get3A_1086 : vector<16xf32>
        %mul3A_1088 = arith.constant 4 : i32
        %mul3A_1089 = arith.muli %scan3A_1034, %mul3A_1088 : i32
        %add3A_1090 = arith.constant 0 : i32
        %add3A_1091 = arith.addi %add3A_1090, %mul3A_1089 : i32
        %add3A_1092 = arith.constant 1 : i32
        %add3A_1093 = arith.addi %add3A_1091, %add3A_1092 : i32
        %get3A_1094 = arith.index_cast %add3A_1093 : i32 to index
        %get3A_1095 = arith.constant 0 : index
        %get3A_1096 = tpu.vector_load %arg10[%get3A_1094, %get3A_1095] {strides = array<i32>} : memref<256x128xf32, #tpu.memory_space<vmem>>, vector<1x16xf32>,
        %get3A_1097 = vector.shape_cast %get3A_1096 : vector<1x16xf32> to vector<16xf32>
        %add3A_1098 = arith.addf %add3A_1052, %get3A_1097 : vector<16xf32>
        %get3A_1099 = arith.index_cast %add3A_1093 : i32 to index
        %get3A_1100 = arith.constant 16 : index
        %get3A_1101 = tpu.vector_load %arg10[%get3A_1099, %get3A_1100] {strides = array<i32>} : memref<256x128xf32, #tpu.memory_space<vmem>>, vector<1x16xf32>,
        %get3A_1102 = vector.shape_cast %get3A_1101 : vector<1x16xf32> to vector<16xf32>
        %add3A_1103 = arith.addf %add3A_1057, %get3A_1102 : vector<16xf32>
        %get3A_1104 = arith.index_cast %add3A_1093 : i32 to index
        %get3A_1105 = arith.constant 32 : index
        %get3A_1106 = tpu.vector_load %arg10[%get3A_1104, %get3A_1105] {strides = array<i32>} : memref<256x128xf32, #tpu.memory_space<vmem>>, vector<1x16xf32>,
        %get3A_1107 = vector.shape_cast %get3A_1106 : vector<1x16xf32> to vector<16xf32>
        %add3A_1108 = arith.addf %add3A_1062, %get3A_1107 : vector<16xf32>
        %get3A_1109 = arith.index_cast %add3A_1093 : i32 to index
        %get3A_1110 = arith.constant 48 : index
        %get3A_1111 = tpu.vector_load %arg10[%get3A_1109, %get3A_1110] {strides = array<i32>} : memref<256x128xf32, #tpu.memory_space<vmem>>, vector<1x16xf32>,
        %get3A_1112 = vector.shape_cast %get3A_1111 : vector<1x16xf32> to vector<16xf32>
        %add3A_1113 = arith.addf %add3A_1067, %get3A_1112 : vector<16xf32>
        %get3A_1114 = arith.index_cast %add3A_1093 : i32 to index
        %get3A_1115 = arith.constant 64 : index
        %get3A_1116 = tpu.vector_load %arg10[%get3A_1114, %get3A_1115] {strides = array<i32>} : memref<256x128xf32, #tpu.memory_space<vmem>>, vector<1x16xf32>,
        %get3A_1117 = vector.shape_cast %get3A_1116 : vector<1x16xf32> to vector<16xf32>
        %add3A_1118 = arith.addf %add3A_1072, %get3A_1117 : vector<16xf32>
        %get3A_1119 = arith.index_cast %add3A_1093 : i32 to index
        %get3A_1120 = arith.constant 80 : index
        %get3A_1121 = tpu.vector_load %arg10[%get3A_1119, %get3A_1120] {strides = array<i32>} : memref<256x128xf32, #tpu.memory_space<vmem>>, vector<1x16xf32>,
        %get3A_1122 = vector.shape_cast %get3A_1121 : vector<1x16xf32> to vector<16xf32>
        %add3A_1123 = arith.addf %add3A_1077, %get3A_1122 : vector<16xf32>
        %get3A_1124 = arith.index_cast %add3A_1093 : i32 to index
        %get3A_1125 = arith.constant 96 : index
        %get3A_1126 = tpu.vector_load %arg10[%get3A_1124, %get3A_1125] {strides = array<i32>} : memref<256x128xf32, #tpu.memory_space<vmem>>, vector<1x16xf32>,
        %get3A_1127 = vector.shape_cast %get3A_1126 : vector<1x16xf32> to vector<16xf32>
        %add3A_1128 = arith.addf %add3A_1082, %get3A_1127 : vector<16xf32>
        %get3A_1129 = arith.index_cast %add3A_1093 : i32 to index
        %get3A_1130 = arith.constant 112 : index
        %get3A_1131 = tpu.vector_load %arg10[%get3A_1129, %get3A_1130] {strides = array<i32>} : memref<256x128xf32, #tpu.memory_space<vmem>>, vector<1x16xf32>,
        %get3A_1132 = vector.shape_cast %get3A_1131 : vector<1x16xf32> to vector<16xf32>
        %add3A_1133 = arith.addf %add3A_1087, %get3A_1132 : vector<16xf32>
        %mul3A_1134 = arith.constant 4 : i32
        %mul3A_1135 = arith.muli %scan3A_1034, %mul3A_1134 : i32
        %add3A_1136 = arith.constant 0 : i32
        %add3A_1137 = arith.addi %add3A_1136, %mul3A_1135 : i32
        %add3A_1138 = arith.constant 2 : i32
        %add3A_1139 = arith.addi %add3A_1137, %add3A_1138 : i32
        %get3A_1140 = arith.index_cast %add3A_1139 : i32 to index
        %get3A_1141 = arith.constant 0 : index
        %get3A_1142 = tpu.vector_load %arg10[%get3A_1140, %get3A_1141] {strides = array<i32>} : memref<256x128xf32, #tpu.memory_space<vmem>>, vector<1x16xf32>,
        %get3A_1143 = vector.shape_cast %get3A_1142 : vector<1x16xf32> to vector<16xf32>
        %add3A_1144 = arith.addf %add3A_1098, %get3A_1143 : vector<16xf32>
        %get3A_1145 = arith.index_cast %add3A_1139 : i32 to index
        %get3A_1146 = arith.constant 16 : index
        %get3A_1147 = tpu.vector_load %arg10[%get3A_1145, %get3A_1146] {strides = array<i32>} : memref<256x128xf32, #tpu.memory_space<vmem>>, vector<1x16xf32>,
        %get3A_1148 = vector.shape_cast %get3A_1147 : vector<1x16xf32> to vector<16xf32>
        %add3A_1149 = arith.addf %add3A_1103, %get3A_1148 : vector<16xf32>
        %get3A_1150 = arith.index_cast %add3A_1139 : i32 to index
        %get3A_1151 = arith.constant 32 : index
        %get3A_1152 = tpu.vector_load %arg10[%get3A_1150, %get3A_1151] {strides = array<i32>} : memref<256x128xf32, #tpu.memory_space<vmem>>, vector<1x16xf32>,
        %get3A_1153 = vector.shape_cast %get3A_1152 : vector<1x16xf32> to vector<16xf32>
        %add3A_1154 = arith.addf %add3A_1108, %get3A_1153 : vector<16xf32>
        %get3A_1155 = arith.index_cast %add3A_1139 : i32 to index
        %get3A_1156 = arith.constant 48 : index
        %get3A_1157 = tpu.vector_load %arg10[%get3A_1155, %get3A_1156] {strides = array<i32>} : memref<256x128xf32, #tpu.memory_space<vmem>>, vector<1x16xf32>,
        %get3A_1158 = vector.shape_cast %get3A_1157 : vector<1x16xf32> to vector<16xf32>
        %add3A_1159 = arith.addf %add3A_1113, %get3A_1158 : vector<16xf32>
        %get3A_1160 = arith.index_cast %add3A_1139 : i32 to index
        %get3A_1161 = arith.constant 64 : index
        %get3A_1162 = tpu.vector_load %arg10[%get3A_1160, %get3A_1161] {strides = array<i32>} : memref<256x128xf32, #tpu.memory_space<vmem>>, vector<1x16xf32>,
        %get3A_1163 = vector.shape_cast %get3A_1162 : vector<1x16xf32> to vector<16xf32>
        %add3A_1164 = arith.addf %add3A_1118, %get3A_1163 : vector<16xf32>
        %get3A_1165 = arith.index_cast %add3A_1139 : i32 to index
        %get3A_1166 = arith.constant 80 : index
        %get3A_1167 = tpu.vector_load %arg10[%get3A_1165, %get3A_1166] {strides = array<i32>} : memref<256x128xf32, #tpu.memory_space<vmem>>, vector<1x16xf32>,
        %get3A_1168 = vector.shape_cast %get3A_1167 : vector<1x16xf32> to vector<16xf32>
        %add3A_1169 = arith.addf %add3A_1123, %get3A_1168 : vector<16xf32>
        %get3A_1170 = arith.index_cast %add3A_1139 : i32 to index
        %get3A_1171 = arith.constant 96 : index
        %get3A_1172 = tpu.vector_load %arg10[%get3A_1170, %get3A_1171] {strides = array<i32>} : memref<256x128xf32, #tpu.memory_space<vmem>>, vector<1x16xf32>,
        %get3A_1173 = vector.shape_cast %get3A_1172 : vector<1x16xf32> to vector<16xf32>
        %add3A_1174 = arith.addf %add3A_1128, %get3A_1173 : vector<16xf32>
        %get3A_1175 = arith.index_cast %add3A_1139 : i32 to index
        %get3A_1176 = arith.constant 112 : index
        %get3A_1177 = tpu.vector_load %arg10[%get3A_1175, %get3A_1176] {strides = array<i32>} : memref<256x128xf32, #tpu.memory_space<vmem>>, vector<1x16xf32>,
        %get3A_1178 = vector.shape_cast %get3A_1177 : vector<1x16xf32> to vector<16xf32>
        %add3A_1179 = arith.addf %add3A_1133, %get3A_1178 : vector<16xf32>
        %mul3A_1180 = arith.constant 4 : i32
        %mul3A_1181 = arith.muli %scan3A_1034, %mul3A_1180 : i32
        %add3A_1182 = arith.constant 0 : i32
        %add3A_1183 = arith.addi %add3A_1182, %mul3A_1181 : i32
        %add3A_1184 = arith.constant 3 : i32
        %add3A_1185 = arith.addi %add3A_1183, %add3A_1184 : i32
        %get3A_1186 = arith.index_cast %add3A_1185 : i32 to index
        %get3A_1187 = arith.constant 0 : index
        %get3A_1188 = tpu.vector_load %arg10[%get3A_1186, %get3A_1187] {strides = array<i32>} : memref<256x128xf32, #tpu.memory_space<vmem>>, vector<1x16xf32>,
        %get3A_1189 = vector.shape_cast %get3A_1188 : vector<1x16xf32> to vector<16xf32>
        %add3A_1190 = arith.addf %add3A_1144, %get3A_1189 : vector<16xf32>
        %get3A_1191 = arith.index_cast %add3A_1185 : i32 to index
        %get3A_1192 = arith.constant 16 : index
        %get3A_1193 = tpu.vector_load %arg10[%get3A_1191, %get3A_1192] {strides = array<i32>} : memref<256x128xf32, #tpu.memory_space<vmem>>, vector<1x16xf32>,
        %get3A_1194 = vector.shape_cast %get3A_1193 : vector<1x16xf32> to vector<16xf32>
        %add3A_1195 = arith.addf %add3A_1149, %get3A_1194 : vector<16xf32>
        %get3A_1196 = arith.index_cast %add3A_1185 : i32 to index
        %get3A_1197 = arith.constant 32 : index
        %get3A_1198 = tpu.vector_load %arg10[%get3A_1196, %get3A_1197] {strides = array<i32>} : memref<256x128xf32, #tpu.memory_space<vmem>>, vector<1x16xf32>,
        %get3A_1199 = vector.shape_cast %get3A_1198 : vector<1x16xf32> to vector<16xf32>
        %add3A_1200 = arith.addf %add3A_1154, %get3A_1199 : vector<16xf32>
        %get3A_1201 = arith.index_cast %add3A_1185 : i32 to index
        %get3A_1202 = arith.constant 48 : index
        %get3A_1203 = tpu.vector_load %arg10[%get3A_1201, %get3A_1202] {strides = array<i32>} : memref<256x128xf32, #tpu.memory_space<vmem>>, vector<1x16xf32>,
        %get3A_1204 = vector.shape_cast %get3A_1203 : vector<1x16xf32> to vector<16xf32>
        %add3A_1205 = arith.addf %add3A_1159, %get3A_1204 : vector<16xf32>
        %get3A_1206 = arith.index_cast %add3A_1185 : i32 to index
        %get3A_1207 = arith.constant 64 : index
        %get3A_1208 = tpu.vector_load %arg10[%get3A_1206, %get3A_1207] {strides = array<i32>} : memref<256x128xf32, #tpu.memory_space<vmem>>, vector<1x16xf32>,
        %get3A_1209 = vector.shape_cast %get3A_1208 : vector<1x16xf32> to vector<16xf32>
        %add3A_1210 = arith.addf %add3A_1164, %get3A_1209 : vector<16xf32>
        %get3A_1211 = arith.index_cast %add3A_1185 : i32 to index
        %get3A_1212 = arith.constant 80 : index
        %get3A_1213 = tpu.vector_load %arg10[%get3A_1211, %get3A_1212] {strides = array<i32>} : memref<256x128xf32, #tpu.memory_space<vmem>>, vector<1x16xf32>,
        %get3A_1214 = vector.shape_cast %get3A_1213 : vector<1x16xf32> to vector<16xf32>
        %add3A_1215 = arith.addf %add3A_1169, %get3A_1214 : vector<16xf32>
        %get3A_1216 = arith.index_cast %add3A_1185 : i32 to index
        %get3A_1217 = arith.constant 96 : index
        %get3A_1218 = tpu.vector_load %arg10[%get3A_1216, %get3A_1217] {strides = array<i32>} : memref<256x128xf32, #tpu.memory_space<vmem>>, vector<1x16xf32>,
        %get3A_1219 = vector.shape_cast %get3A_1218 : vector<1x16xf32> to vector<16xf32>
        %add3A_1220 = arith.addf %add3A_1174, %get3A_1219 : vector<16xf32>
        %get3A_1221 = arith.index_cast %add3A_1185 : i32 to index
        %get3A_1222 = arith.constant 112 : index
        %get3A_1223 = tpu.vector_load %arg10[%get3A_1221, %get3A_1222] {strides = array<i32>} : memref<256x128xf32, #tpu.memory_space<vmem>>, vector<1x16xf32>,
        %get3A_1224 = vector.shape_cast %get3A_1223 : vector<1x16xf32> to vector<16xf32>
        %add3A_1225 = arith.addf %add3A_1179, %get3A_1224 : vector<16xf32>
        scf.yield %add3A_1190, %add3A_1195, %add3A_1200, %add3A_1205, %add3A_1210, %add3A_1215, %add3A_1220, %add3A_1225 : vector<16xf32>, vector<16xf32>, vector<16xf32>, vector<16xf32>, vector<16xf32>, vector<16xf32>, vector<16xf32>, vector<16xf32>
      }
      %scan3A_77 = arith.constant 8 : i32
      %swap3A = arith.constant 0 : i32
      %swap3A_78 = arith.index_cast %swap3A : i32 to index
      %swap3A_79 = arith.constant 0 : index
      %swap3A_80 = tpu.vector_load %arg12[%swap3A_78, %swap3A_79] {strides = array<i32>} : memref<8x128xf32, #tpu.memory_space<vmem>>, vector<1x16xf32>,
      %swap3A_81 = vector.shape_cast %swap3A_80 : vector<1x16xf32> to vector<16xf32>
      %swap3A_82 = vector.shape_cast %scan3A_76#0 : vector<16xf32> to vector<1x16xf32>
      tpu.vector_store %arg12[%swap3A_78, %swap3A_79], %swap3A_82 {strides = array<i32>} : memref<8x128xf32, #tpu.memory_space<vmem>>, vector<1x16xf32>,
      %swap3A_83 = arith.constant 0 : i32
      %swap3A_84 = arith.index_cast %swap3A_83 : i32 to index
      %swap3A_85 = arith.constant 16 : index
      %swap3A_86 = tpu.vector_load %arg12[%swap3A_84, %swap3A_85] {strides = array<i32>} : memref<8x128xf32, #tpu.memory_space<vmem>>, vector<1x16xf32>,
      %swap3A_87 = vector.shape_cast %swap3A_86 : vector<1x16xf32> to vector<16xf32>
      %swap3A_88 = vector.shape_cast %scan3A_76#1 : vector<16xf32> to vector<1x16xf32>
      tpu.vector_store %arg12[%swap3A_84, %swap3A_85], %swap3A_88 {strides = array<i32>} : memref<8x128xf32, #tpu.memory_space<vmem>>, vector<1x16xf32>,
      %swap3A_89 = arith.constant 0 : i32
      %swap3A_90 = arith.index_cast %swap3A_89 : i32 to index
      %swap3A_91 = arith.constant 32 : index
      %swap3A_92 = tpu.vector_load %arg12[%swap3A_90, %swap3A_91] {strides = array<i32>} : memref<8x128xf32, #tpu.memory_space<vmem>>, vector<1x16xf32>,
      %swap3A_93 = vector.shape_cast %swap3A_92 : vector<1x16xf32> to vector<16xf32>
      %swap3A_94 = vector.shape_cast %scan3A_76#2 : vector<16xf32> to vector<1x16xf32>
      tpu.vector_store %arg12[%swap3A_90, %swap3A_91], %swap3A_94 {strides = array<i32>} : memref<8x128xf32, #tpu.memory_space<vmem>>, vector<1x16xf32>,
      %swap3A_95 = arith.constant 0 : i32
      %swap3A_96 = arith.index_cast %swap3A_95 : i32 to index
      %swap3A_97 = arith.constant 48 : index
      %swap3A_98 = tpu.vector_load %arg12[%swap3A_96, %swap3A_97] {strides = array<i32>} : memref<8x128xf32, #tpu.memory_space<vmem>>, vector<1x16xf32>,
      %swap3A_99 = vector.shape_cast %swap3A_98 : vector<1x16xf32> to vector<16xf32>
      %swap3A_100 = vector.shape_cast %scan3A_76#3 : vector<16xf32> to vector<1x16xf32>
      tpu.vector_store %arg12[%swap3A_96, %swap3A_97], %swap3A_100 {strides = array<i32>} : memref<8x128xf32, #tpu.memory_space<vmem>>, vector<1x16xf32>,
      %swap3A_101 = arith.constant 0 : i32
      %swap3A_102 = arith.index_cast %swap3A_101 : i32 to index
      %swap3A_103 = arith.constant 64 : index
      %swap3A_104 = tpu.vector_load %arg12[%swap3A_102, %swap3A_103] {strides = array<i32>} : memref<8x128xf32, #tpu.memory_space<vmem>>, vector<1x16xf32>,
      %swap3A_105 = vector.shape_cast %swap3A_104 : vector<1x16xf32> to vector<16xf32>
      %swap3A_106 = vector.shape_cast %scan3A_76#4 : vector<16xf32> to vector<1x16xf32>
      tpu.vector_store %arg12[%swap3A_102, %swap3A_103], %swap3A_106 {strides = array<i32>} : memref<8x128xf32, #tpu.memory_space<vmem>>, vector<1x16xf32>,
      %swap3A_107 = arith.constant 0 : i32
      %swap3A_108 = arith.index_cast %swap3A_107 : i32 to index
      %swap3A_109 = arith.constant 80 : index
      %swap3A_110 = tpu.vector_load %arg12[%swap3A_108, %swap3A_109] {strides = array<i32>} : memref<8x128xf32, #tpu.memory_space<vmem>>, vector<1x16xf32>,
      %swap3A_111 = vector.shape_cast %swap3A_110 : vector<1x16xf32> to vector<16xf32>
      %swap3A_112 = vector.shape_cast %scan3A_76#5 : vector<16xf32> to vector<1x16xf32>
      tpu.vector_store %arg12[%swap3A_108, %swap3A_109], %swap3A_112 {strides = array<i32>} : memref<8x128xf32, #tpu.memory_space<vmem>>, vector<1x16xf32>,
      %swap3A_113 = arith.constant 0 : i32
      %swap3A_114 = arith.index_cast %swap3A_113 : i32 to index
      %swap3A_115 = arith.constant 96 : index
      %swap3A_116 = tpu.vector_load %arg12[%swap3A_114, %swap3A_115] {strides = array<i32>} : memref<8x128xf32, #tpu.memory_space<vmem>>, vector<1x16xf32>,
      %swap3A_117 = vector.shape_cast %swap3A_116 : vector<1x16xf32> to vector<16xf32>
      %swap3A_118 = vector.shape_cast %scan3A_76#6 : vector<16xf32> to vector<1x16xf32>
      tpu.vector_store %arg12[%swap3A_114, %swap3A_115], %swap3A_118 {strides = array<i32>} : memref<8x128xf32, #tpu.memory_space<vmem>>, vector<1x16xf32>,
      %swap3A_119 = arith.constant 0 : i32
      %swap3A_120 = arith.index_cast %swap3A_119 : i32 to index
      %swap3A_121 = arith.constant 112 : index
      %swap3A_122 = tpu.vector_load %arg12[%swap3A_120, %swap3A_121] {strides = array<i32>} : memref<8x128xf32, #tpu.memory_space<vmem>>, vector<1x16xf32>,
      %swap3A_123 = vector.shape_cast %swap3A_122 : vector<1x16xf32> to vector<16xf32>
      %swap3A_124 = vector.shape_cast %scan3A_76#7 : vector<16xf32> to vector<1x16xf32>
      tpu.vector_store %arg12[%swap3A_120, %swap3A_121], %swap3A_124 {strides = array<i32>} : memref<8x128xf32, #tpu.memory_space<vmem>>, vector<1x16xf32>,
      %broadcast_in_dim3A_125 = arith.constant 0.000000e+00 : f32
      %broadcast_in_dim3A_126 = vector.broadcast %broadcast_in_dim3A_125 : f32 to vector<16xf32>
      %scan3A_127 = arith.constant 0 : i32
      %scan3A_128 = arith.constant 8 : i32
      %scan3A_129 = arith.addi %scan3A_127, %scan3A_128 : i32
      %scan3A_130 = arith.constant 1 : i32
      %scan3A_131:8 = scf.for %scan3A_1034 = %scan3A_127 to %scan3A_129 step %scan3A_130 iter_args(%scan3A_1035 = %broadcast_in_dim3A_126, %scan3A_1036 = %broadcast_in_dim3A_126, %scan3A_1037 = %broadcast_in_dim3A_126, %scan3A_1038 = %broadcast_in_dim3A_126, %scan3A_1039 = %broadcast_in_dim3A_126, %scan3A_1040 = %broadcast_in_dim3A_126, %scan3A_1041 = %broadcast_in_dim3A_126, %scan3A_1042 = %broadcast_in_dim3A_126) -> (vector<16xf32>, vector<16xf32>, vector<16xf32>, vector<16xf32>, vector<16xf32>, vector<16xf32>, vector<16xf32>, vector<16xf32>)  : i32 {
        %mul3A_1043 = arith.constant 4 : i32
        %mul3A_1044 = arith.muli %scan3A_1034, %mul3A_1043 : i32
        %add3A_1045 = arith.constant 32 : i32
        %add3A_1046 = arith.addi %add3A_1045, %mul3A_1044 : i32
        %add3A_1047 = arith.constant 0 : i32
        %add3A_1048 = arith.addi %add3A_1046, %add3A_1047 : i32
        %get3A = arith.index_cast %add3A_1048 : i32 to index
        %get3A_1049 = arith.constant 0 : index
        %get3A_1050 = tpu.vector_load %arg10[%get3A, %get3A_1049] {strides = array<i32>} : memref<256x128xf32, #tpu.memory_space<vmem>>, vector<1x16xf32>,
        %get3A_1051 = vector.shape_cast %get3A_1050 : vector<1x16xf32> to vector<16xf32>
        %add3A_1052 = arith.addf %scan3A_1035, %get3A_1051 : vector<16xf32>
        %get3A_1053 = arith.index_cast %add3A_1048 : i32 to index
        %get3A_1054 = arith.constant 16 : index
        %get3A_1055 = tpu.vector_load %arg10[%get3A_1053, %get3A_1054] {strides = array<i32>} : memref<256x128xf32, #tpu.memory_space<vmem>>, vector<1x16xf32>,
        %get3A_1056 = vector.shape_cast %get3A_1055 : vector<1x16xf32> to vector<16xf32>
        %add3A_1057 = arith.addf %scan3A_1036, %get3A_1056 : vector<16xf32>
        %get3A_1058 = arith.index_cast %add3A_1048 : i32 to index
        %get3A_1059 = arith.constant 32 : index
        %get3A_1060 = tpu.vector_load %arg10[%get3A_1058, %get3A_1059] {strides = array<i32>} : memref<256x128xf32, #tpu.memory_space<vmem>>, vector<1x16xf32>,
        %get3A_1061 = vector.shape_cast %get3A_1060 : vector<1x16xf32> to vector<16xf32>
        %add3A_1062 = arith.addf %scan3A_1037, %get3A_1061 : vector<16xf32>
        %get3A_1063 = arith.index_cast %add3A_1048 : i32 to index
        %get3A_1064 = arith.constant 48 : index
        %get3A_1065 = tpu.vector_load %arg10[%get3A_1063, %get3A_1064] {strides = array<i32>} : memref<256x128xf32, #tpu.memory_space<vmem>>, vector<1x16xf32>,
        %get3A_1066 = vector.shape_cast %get3A_1065 : vector<1x16xf32> to vector<16xf32>
        %add3A_1067 = arith.addf %scan3A_1038, %get3A_1066 : vector<16xf32>
        %get3A_1068 = arith.index_cast %add3A_1048 : i32 to index
        %get3A_1069 = arith.constant 64 : index
        %get3A_1070 = tpu.vector_load %arg10[%get3A_1068, %get3A_1069] {strides = array<i32>} : memref<256x128xf32, #tpu.memory_space<vmem>>, vector<1x16xf32>,
        %get3A_1071 = vector.shape_cast %get3A_1070 : vector<1x16xf32> to vector<16xf32>
        %add3A_1072 = arith.addf %scan3A_1039, %get3A_1071 : vector<16xf32>
        %get3A_1073 = arith.index_cast %add3A_1048 : i32 to index
        %get3A_1074 = arith.constant 80 : index
        %get3A_1075 = tpu.vector_load %arg10[%get3A_1073, %get3A_1074] {strides = array<i32>} : memref<256x128xf32, #tpu.memory_space<vmem>>, vector<1x16xf32>,
        %get3A_1076 = vector.shape_cast %get3A_1075 : vector<1x16xf32> to vector<16xf32>
        %add3A_1077 = arith.addf %scan3A_1040, %get3A_1076 : vector<16xf32>
        %get3A_1078 = arith.index_cast %add3A_1048 : i32 to index
        %get3A_1079 = arith.constant 96 : index
        %get3A_1080 = tpu.vector_load %arg10[%get3A_1078, %get3A_1079] {strides = array<i32>} : memref<256x128xf32, #tpu.memory_space<vmem>>, vector<1x16xf32>,
        %get3A_1081 = vector.shape_cast %get3A_1080 : vector<1x16xf32> to vector<16xf32>
        %add3A_1082 = arith.addf %scan3A_1041, %get3A_1081 : vector<16xf32>
        %get3A_1083 = arith.index_cast %add3A_1048 : i32 to index
        %get3A_1084 = arith.constant 112 : index
        %get3A_1085 = tpu.vector_load %arg10[%get3A_1083, %get3A_1084] {strides = array<i32>} : memref<256x128xf32, #tpu.memory_space<vmem>>, vector<1x16xf32>,
        %get3A_1086 = vector.shape_cast %get3A_1085 : vector<1x16xf32> to vector<16xf32>
        %add3A_1087 = arith.addf %scan3A_1042, %get3A_1086 : vector<16xf32>
        %mul3A_1088 = arith.constant 4 : i32
        %mul3A_1089 = arith.muli %scan3A_1034, %mul3A_1088 : i32
        %add3A_1090 = arith.constant 32 : i32
        %add3A_1091 = arith.addi %add3A_1090, %mul3A_1089 : i32
        %add3A_1092 = arith.constant 1 : i32
        %add3A_1093 = arith.addi %add3A_1091, %add3A_1092 : i32
        %get3A_1094 = arith.index_cast %add3A_1093 : i32 to index
        %get3A_1095 = arith.constant 0 : index
        %get3A_1096 = tpu.vector_load %arg10[%get3A_1094, %get3A_1095] {strides = array<i32>} : memref<256x128xf32, #tpu.memory_space<vmem>>, vector<1x16xf32>,
        %get3A_1097 = vector.shape_cast %get3A_1096 : vector<1x16xf32> to vector<16xf32>
        %add3A_1098 = arith.addf %add3A_1052, %get3A_1097 : vector<16xf32>
        %get3A_1099 = arith.index_cast %add3A_1093 : i32 to index
        %get3A_1100 = arith.constant 16 : index
        %get3A_1101 = tpu.vector_load %arg10[%get3A_1099, %get3A_1100] {strides = array<i32>} : memref<256x128xf32, #tpu.memory_space<vmem>>, vector<1x16xf32>,
        %get3A_1102 = vector.shape_cast %get3A_1101 : vector<1x16xf32> to vector<16xf32>
        %add3A_1103 = arith.addf %add3A_1057, %get3A_1102 : vector<16xf32>
        %get3A_1104 = arith.index_cast %add3A_1093 : i32 to index
        %get3A_1105 = arith.constant 32 : index
        %get3A_1106 = tpu.vector_load %arg10[%get3A_1104, %get3A_1105] {strides = array<i32>} : memref<256x128xf32, #tpu.memory_space<vmem>>, vector<1x16xf32>,
        %get3A_1107 = vector.shape_cast %get3A_1106 : vector<1x16xf32> to vector<16xf32>
        %add3A_1108 = arith.addf %add3A_1062, %get3A_1107 : vector<16xf32>
        %get3A_1109 = arith.index_cast %add3A_1093 : i32 to index
        %get3A_1110 = arith.constant 48 : index
        %get3A_1111 = tpu.vector_load %arg10[%get3A_1109, %get3A_1110] {strides = array<i32>} : memref<256x128xf32, #tpu.memory_space<vmem>>, vector<1x16xf32>,
        %get3A_1112 = vector.shape_cast %get3A_1111 : vector<1x16xf32> to vector<16xf32>
        %add3A_1113 = arith.addf %add3A_1067, %get3A_1112 : vector<16xf32>
        %get3A_1114 = arith.index_cast %add3A_1093 : i32 to index
        %get3A_1115 = arith.constant 64 : index
        %get3A_1116 = tpu.vector_load %arg10[%get3A_1114, %get3A_1115] {strides = array<i32>} : memref<256x128xf32, #tpu.memory_space<vmem>>, vector<1x16xf32>,
        %get3A_1117 = vector.shape_cast %get3A_1116 : vector<1x16xf32> to vector<16xf32>
        %add3A_1118 = arith.addf %add3A_1072, %get3A_1117 : vector<16xf32>
        %get3A_1119 = arith.index_cast %add3A_1093 : i32 to index
        %get3A_1120 = arith.constant 80 : index
        %get3A_1121 = tpu.vector_load %arg10[%get3A_1119, %get3A_1120] {strides = array<i32>} : memref<256x128xf32, #tpu.memory_space<vmem>>, vector<1x16xf32>,
        %get3A_1122 = vector.shape_cast %get3A_1121 : vector<1x16xf32> to vector<16xf32>
        %add3A_1123 = arith.addf %add3A_1077, %get3A_1122 : vector<16xf32>
        %get3A_1124 = arith.index_cast %add3A_1093 : i32 to index
        %get3A_1125 = arith.constant 96 : index
        %get3A_1126 = tpu.vector_load %arg10[%get3A_1124, %get3A_1125] {strides = array<i32>} : memref<256x128xf32, #tpu.memory_space<vmem>>, vector<1x16xf32>,
        %get3A_1127 = vector.shape_cast %get3A_1126 : vector<1x16xf32> to vector<16xf32>
        %add3A_1128 = arith.addf %add3A_1082, %get3A_1127 : vector<16xf32>
        %get3A_1129 = arith.index_cast %add3A_1093 : i32 to index
        %get3A_1130 = arith.constant 112 : index
        %get3A_1131 = tpu.vector_load %arg10[%get3A_1129, %get3A_1130] {strides = array<i32>} : memref<256x128xf32, #tpu.memory_space<vmem>>, vector<1x16xf32>,
        %get3A_1132 = vector.shape_cast %get3A_1131 : vector<1x16xf32> to vector<16xf32>
        %add3A_1133 = arith.addf %add3A_1087, %get3A_1132 : vector<16xf32>
        %mul3A_1134 = arith.constant 4 : i32
        %mul3A_1135 = arith.muli %scan3A_1034, %mul3A_1134 : i32
        %add3A_1136 = arith.constant 32 : i32
        %add3A_1137 = arith.addi %add3A_1136, %mul3A_1135 : i32
        %add3A_1138 = arith.constant 2 : i32
        %add3A_1139 = arith.addi %add3A_1137, %add3A_1138 : i32
        %get3A_1140 = arith.index_cast %add3A_1139 : i32 to index
        %get3A_1141 = arith.constant 0 : index
        %get3A_1142 = tpu.vector_load %arg10[%get3A_1140, %get3A_1141] {strides = array<i32>} : memref<256x128xf32, #tpu.memory_space<vmem>>, vector<1x16xf32>,
        %get3A_1143 = vector.shape_cast %get3A_1142 : vector<1x16xf32> to vector<16xf32>
        %add3A_1144 = arith.addf %add3A_1098, %get3A_1143 : vector<16xf32>
        %get3A_1145 = arith.index_cast %add3A_1139 : i32 to index
        %get3A_1146 = arith.constant 16 : index
        %get3A_1147 = tpu.vector_load %arg10[%get3A_1145, %get3A_1146] {strides = array<i32>} : memref<256x128xf32, #tpu.memory_space<vmem>>, vector<1x16xf32>,
        %get3A_1148 = vector.shape_cast %get3A_1147 : vector<1x16xf32> to vector<16xf32>
        %add3A_1149 = arith.addf %add3A_1103, %get3A_1148 : vector<16xf32>
        %get3A_1150 = arith.index_cast %add3A_1139 : i32 to index
        %get3A_1151 = arith.constant 32 : index
        %get3A_1152 = tpu.vector_load %arg10[%get3A_1150, %get3A_1151] {strides = array<i32>} : memref<256x128xf32, #tpu.memory_space<vmem>>, vector<1x16xf32>,
        %get3A_1153 = vector.shape_cast %get3A_1152 : vector<1x16xf32> to vector<16xf32>
        %add3A_1154 = arith.addf %add3A_1108, %get3A_1153 : vector<16xf32>
        %get3A_1155 = arith.index_cast %add3A_1139 : i32 to index
        %get3A_1156 = arith.constant 48 : index
        %get3A_1157 = tpu.vector_load %arg10[%get3A_1155, %get3A_1156] {strides = array<i32>} : memref<256x128xf32, #tpu.memory_space<vmem>>, vector<1x16xf32>,
        %get3A_1158 = vector.shape_cast %get3A_1157 : vector<1x16xf32> to vector<16xf32>
        %add3A_1159 = arith.addf %add3A_1113, %get3A_1158 : vector<16xf32>
        %get3A_1160 = arith.index_cast %add3A_1139 : i32 to index
        %get3A_1161 = arith.constant 64 : index
        %get3A_1162 = tpu.vector_load %arg10[%get3A_1160, %get3A_1161] {strides = array<i32>} : memref<256x128xf32, #tpu.memory_space<vmem>>, vector<1x16xf32>,
        %get3A_1163 = vector.shape_cast %get3A_1162 : vector<1x16xf32> to vector<16xf32>
        %add3A_1164 = arith.addf %add3A_1118, %get3A_1163 : vector<16xf32>
        %get3A_1165 = arith.index_cast %add3A_1139 : i32 to index
        %get3A_1166 = arith.constant 80 : index
        %get3A_1167 = tpu.vector_load %arg10[%get3A_1165, %get3A_1166] {strides = array<i32>} : memref<256x128xf32, #tpu.memory_space<vmem>>, vector<1x16xf32>,
        %get3A_1168 = vector.shape_cast %get3A_1167 : vector<1x16xf32> to vector<16xf32>
        %add3A_1169 = arith.addf %add3A_1123, %get3A_1168 : vector<16xf32>
        %get3A_1170 = arith.index_cast %add3A_1139 : i32 to index
        %get3A_1171 = arith.constant 96 : index
        %get3A_1172 = tpu.vector_load %arg10[%get3A_1170, %get3A_1171] {strides = array<i32>} : memref<256x128xf32, #tpu.memory_space<vmem>>, vector<1x16xf32>,
        %get3A_1173 = vector.shape_cast %get3A_1172 : vector<1x16xf32> to vector<16xf32>
        %add3A_1174 = arith.addf %add3A_1128, %get3A_1173 : vector<16xf32>
        %get3A_1175 = arith.index_cast %add3A_1139 : i32 to index
        %get3A_1176 = arith.constant 112 : index
        %get3A_1177 = tpu.vector_load %arg10[%get3A_1175, %get3A_1176] {strides = array<i32>} : memref<256x128xf32, #tpu.memory_space<vmem>>, vector<1x16xf32>,
        %get3A_1178 = vector.shape_cast %get3A_1177 : vector<1x16xf32> to vector<16xf32>
        %add3A_1179 = arith.addf %add3A_1133, %get3A_1178 : vector<16xf32>
        %mul3A_1180 = arith.constant 4 : i32
        %mul3A_1181 = arith.muli %scan3A_1034, %mul3A_1180 : i32
        %add3A_1182 = arith.constant 32 : i32
        %add3A_1183 = arith.addi %add3A_1182, %mul3A_1181 : i32
        %add3A_1184 = arith.constant 3 : i32
        %add3A_1185 = arith.addi %add3A_1183, %add3A_1184 : i32
        %get3A_1186 = arith.index_cast %add3A_1185 : i32 to index
        %get3A_1187 = arith.constant 0 : index
        %get3A_1188 = tpu.vector_load %arg10[%get3A_1186, %get3A_1187] {strides = array<i32>} : memref<256x128xf32, #tpu.memory_space<vmem>>, vector<1x16xf32>,
        %get3A_1189 = vector.shape_cast %get3A_1188 : vector<1x16xf32> to vector<16xf32>
        %add3A_1190 = arith.addf %add3A_1144, %get3A_1189 : vector<16xf32>
        %get3A_1191 = arith.index_cast %add3A_1185 : i32 to index
        %get3A_1192 = arith.constant 16 : index
        %get3A_1193 = tpu.vector_load %arg10[%get3A_1191, %get3A_1192] {strides = array<i32>} : memref<256x128xf32, #tpu.memory_space<vmem>>, vector<1x16xf32>,
        %get3A_1194 = vector.shape_cast %get3A_1193 : vector<1x16xf32> to vector<16xf32>
        %add3A_1195 = arith.addf %add3A_1149, %get3A_1194 : vector<16xf32>
        %get3A_1196 = arith.index_cast %add3A_1185 : i32 to index
        %get3A_1197 = arith.constant 32 : index
        %get3A_1198 = tpu.vector_load %arg10[%get3A_1196, %get3A_1197] {strides = array<i32>} : memref<256x128xf32, #tpu.memory_space<vmem>>, vector<1x16xf32>,
        %get3A_1199 = vector.shape_cast %get3A_1198 : vector<1x16xf32> to vector<16xf32>
        %add3A_1200 = arith.addf %add3A_1154, %get3A_1199 : vector<16xf32>
        %get3A_1201 = arith.index_cast %add3A_1185 : i32 to index
        %get3A_1202 = arith.constant 48 : index
        %get3A_1203 = tpu.vector_load %arg10[%get3A_1201, %get3A_1202] {strides = array<i32>} : memref<256x128xf32, #tpu.memory_space<vmem>>, vector<1x16xf32>,
        %get3A_1204 = vector.shape_cast %get3A_1203 : vector<1x16xf32> to vector<16xf32>
        %add3A_1205 = arith.addf %add3A_1159, %get3A_1204 : vector<16xf32>
        %get3A_1206 = arith.index_cast %add3A_1185 : i32 to index
        %get3A_1207 = arith.constant 64 : index
        %get3A_1208 = tpu.vector_load %arg10[%get3A_1206, %get3A_1207] {strides = array<i32>} : memref<256x128xf32, #tpu.memory_space<vmem>>, vector<1x16xf32>,
        %get3A_1209 = vector.shape_cast %get3A_1208 : vector<1x16xf32> to vector<16xf32>
        %add3A_1210 = arith.addf %add3A_1164, %get3A_1209 : vector<16xf32>
        %get3A_1211 = arith.index_cast %add3A_1185 : i32 to index
        %get3A_1212 = arith.constant 80 : index
        %get3A_1213 = tpu.vector_load %arg10[%get3A_1211, %get3A_1212] {strides = array<i32>} : memref<256x128xf32, #tpu.memory_space<vmem>>, vector<1x16xf32>,
        %get3A_1214 = vector.shape_cast %get3A_1213 : vector<1x16xf32> to vector<16xf32>
        %add3A_1215 = arith.addf %add3A_1169, %get3A_1214 : vector<16xf32>
        %get3A_1216 = arith.index_cast %add3A_1185 : i32 to index
        %get3A_1217 = arith.constant 96 : index
        %get3A_1218 = tpu.vector_load %arg10[%get3A_1216, %get3A_1217] {strides = array<i32>} : memref<256x128xf32, #tpu.memory_space<vmem>>, vector<1x16xf32>,
        %get3A_1219 = vector.shape_cast %get3A_1218 : vector<1x16xf32> to vector<16xf32>
        %add3A_1220 = arith.addf %add3A_1174, %get3A_1219 : vector<16xf32>
        %get3A_1221 = arith.index_cast %add3A_1185 : i32 to index
        %get3A_1222 = arith.constant 112 : index
        %get3A_1223 = tpu.vector_load %arg10[%get3A_1221, %get3A_1222] {strides = array<i32>} : memref<256x128xf32, #tpu.memory_space<vmem>>, vector<1x16xf32>,
        %get3A_1224 = vector.shape_cast %get3A_1223 : vector<1x16xf32> to vector<16xf32>
        %add3A_1225 = arith.addf %add3A_1179, %get3A_1224 : vector<16xf32>
        scf.yield %add3A_1190, %add3A_1195, %add3A_1200, %add3A_1205, %add3A_1210, %add3A_1215, %add3A_1220, %add3A_1225 : vector<16xf32>, vector<16xf32>, vector<16xf32>, vector<16xf32>, vector<16xf32>, vector<16xf32>, vector<16xf32>, vector<16xf32>
      }
      %scan3A_132 = arith.constant 8 : i32
      %swap3A_133 = arith.constant 1 : i32
      %swap3A_134 = arith.index_cast %swap3A_133 : i32 to index
      %swap3A_135 = arith.constant 0 : index
      %swap3A_136 = tpu.vector_load %arg12[%swap3A_134, %swap3A_135] {strides = array<i32>} : memref<8x128xf32, #tpu.memory_space<vmem>>, vector<1x16xf32>,
      %swap3A_137 = vector.shape_cast %swap3A_136 : vector<1x16xf32> to vector<16xf32>
      %swap3A_138 = vector.shape_cast %scan3A_131#0 : vector<16xf32> to vector<1x16xf32>
      tpu.vector_store %arg12[%swap3A_134, %swap3A_135], %swap3A_138 {strides = array<i32>} : memref<8x128xf32, #tpu.memory_space<vmem>>, vector<1x16xf32>,
      %swap3A_139 = arith.constant 1 : i32
      %swap3A_140 = arith.index_cast %swap3A_139 : i32 to index
      %swap3A_141 = arith.constant 16 : index
      %swap3A_142 = tpu.vector_load %arg12[%swap3A_140, %swap3A_141] {strides = array<i32>} : memref<8x128xf32, #tpu.memory_space<vmem>>, vector<1x16xf32>,
      %swap3A_143 = vector.shape_cast %swap3A_142 : vector<1x16xf32> to vector<16xf32>
      %swap3A_144 = vector.shape_cast %scan3A_131#1 : vector<16xf32> to vector<1x16xf32>
      tpu.vector_store %arg12[%swap3A_140, %swap3A_141], %swap3A_144 {strides = array<i32>} : memref<8x128xf32, #tpu.memory_space<vmem>>, vector<1x16xf32>,
      %swap3A_145 = arith.constant 1 : i32
      %swap3A_146 = arith.index_cast %swap3A_145 : i32 to index
      %swap3A_147 = arith.constant 32 : index
      %swap3A_148 = tpu.vector_load %arg12[%swap3A_146, %swap3A_147] {strides = array<i32>} : memref<8x128xf32, #tpu.memory_space<vmem>>, vector<1x16xf32>,
      %swap3A_149 = vector.shape_cast %swap3A_148 : vector<1x16xf32> to vector<16xf32>
      %swap3A_150 = vector.shape_cast %scan3A_131#2 : vector<16xf32> to vector<1x16xf32>
      tpu.vector_store %arg12[%swap3A_146, %swap3A_147], %swap3A_150 {strides = array<i32>} : memref<8x128xf32, #tpu.memory_space<vmem>>, vector<1x16xf32>,
      %swap3A_151 = arith.constant 1 : i32
      %swap3A_152 = arith.index_cast %swap3A_151 : i32 to index
      %swap3A_153 = arith.constant 48 : index
      %swap3A_154 = tpu.vector_load %arg12[%swap3A_152, %swap3A_153] {strides = array<i32>} : memref<8x128xf32, #tpu.memory_space<vmem>>, vector<1x16xf32>,
      %swap3A_155 = vector.shape_cast %swap3A_154 : vector<1x16xf32> to vector<16xf32>
      %swap3A_156 = vector.shape_cast %scan3A_131#3 : vector<16xf32> to vector<1x16xf32>
      tpu.vector_store %arg12[%swap3A_152, %swap3A_153], %swap3A_156 {strides = array<i32>} : memref<8x128xf32, #tpu.memory_space<vmem>>, vector<1x16xf32>,
      %swap3A_157 = arith.constant 1 : i32
      %swap3A_158 = arith.index_cast %swap3A_157 : i32 to index
      %swap3A_159 = arith.constant 64 : index
      %swap3A_160 = tpu.vector_load %arg12[%swap3A_158, %swap3A_159] {strides = array<i32>} : memref<8x128xf32, #tpu.memory_space<vmem>>, vector<1x16xf32>,
      %swap3A_161 = vector.shape_cast %swap3A_160 : vector<1x16xf32> to vector<16xf32>
      %swap3A_162 = vector.shape_cast %scan3A_131#4 : vector<16xf32> to vector<1x16xf32>
      tpu.vector_store %arg12[%swap3A_158, %swap3A_159], %swap3A_162 {strides = array<i32>} : memref<8x128xf32, #tpu.memory_space<vmem>>, vector<1x16xf32>,
      %swap3A_163 = arith.constant 1 : i32
      %swap3A_164 = arith.index_cast %swap3A_163 : i32 to index
      %swap3A_165 = arith.constant 80 : index
      %swap3A_166 = tpu.vector_load %arg12[%swap3A_164, %swap3A_165] {strides = array<i32>} : memref<8x128xf32, #tpu.memory_space<vmem>>, vector<1x16xf32>,
      %swap3A_167 = vector.shape_cast %swap3A_166 : vector<1x16xf32> to vector<16xf32>
      %swap3A_168 = vector.shape_cast %scan3A_131#5 : vector<16xf32> to vector<1x16xf32>
      tpu.vector_store %arg12[%swap3A_164, %swap3A_165], %swap3A_168 {strides = array<i32>} : memref<8x128xf32, #tpu.memory_space<vmem>>, vector<1x16xf32>,
      %swap3A_169 = arith.constant 1 : i32
      %swap3A_170 = arith.index_cast %swap3A_169 : i32 to index
      %swap3A_171 = arith.constant 96 : index
      %swap3A_172 = tpu.vector_load %arg12[%swap3A_170, %swap3A_171] {strides = array<i32>} : memref<8x128xf32, #tpu.memory_space<vmem>>, vector<1x16xf32>,
      %swap3A_173 = vector.shape_cast %swap3A_172 : vector<1x16xf32> to vector<16xf32>
      %swap3A_174 = vector.shape_cast %scan3A_131#6 : vector<16xf32> to vector<1x16xf32>
      tpu.vector_store %arg12[%swap3A_170, %swap3A_171], %swap3A_174 {strides = array<i32>} : memref<8x128xf32, #tpu.memory_space<vmem>>, vector<1x16xf32>,
      %swap3A_175 = arith.constant 1 : i32
      %swap3A_176 = arith.index_cast %swap3A_175 : i32 to index
      %swap3A_177 = arith.constant 112 : index
      %swap3A_178 = tpu.vector_load %arg12[%swap3A_176, %swap3A_177] {strides = array<i32>} : memref<8x128xf32, #tpu.memory_space<vmem>>, vector<1x16xf32>,
      %swap3A_179 = vector.shape_cast %swap3A_178 : vector<1x16xf32> to vector<16xf32>
      %swap3A_180 = vector.shape_cast %scan3A_131#7 : vector<16xf32> to vector<1x16xf32>
      tpu.vector_store %arg12[%swap3A_176, %swap3A_177], %swap3A_180 {strides = array<i32>} : memref<8x128xf32, #tpu.memory_space<vmem>>, vector<1x16xf32>,
      %broadcast_in_dim3A_181 = arith.constant 0.000000e+00 : f32
      %broadcast_in_dim3A_182 = vector.broadcast %broadcast_in_dim3A_181 : f32 to vector<16xf32>
      %scan3A_183 = arith.constant 0 : i32
      %scan3A_184 = arith.constant 8 : i32
      %scan3A_185 = arith.addi %scan3A_183, %scan3A_184 : i32
      %scan3A_186 = arith.constant 1 : i32
      %scan3A_187:8 = scf.for %scan3A_1034 = %scan3A_183 to %scan3A_185 step %scan3A_186 iter_args(%scan3A_1035 = %broadcast_in_dim3A_182, %scan3A_1036 = %broadcast_in_dim3A_182, %scan3A_1037 = %broadcast_in_dim3A_182, %scan3A_1038 = %broadcast_in_dim3A_182, %scan3A_1039 = %broadcast_in_dim3A_182, %scan3A_1040 = %broadcast_in_dim3A_182, %scan3A_1041 = %broadcast_in_dim3A_182, %scan3A_1042 = %broadcast_in_dim3A_182) -> (vector<16xf32>, vector<16xf32>, vector<16xf32>, vector<16xf32>, vector<16xf32>, vector<16xf32>, vector<16xf32>, vector<16xf32>)  : i32 {
        %mul3A_1043 = arith.constant 4 : i32
        %mul3A_1044 = arith.muli %scan3A_1034, %mul3A_1043 : i32
        %add3A_1045 = arith.constant 64 : i32
        %add3A_1046 = arith.addi %add3A_1045, %mul3A_1044 : i32
        %add3A_1047 = arith.constant 0 : i32
        %add3A_1048 = arith.addi %add3A_1046, %add3A_1047 : i32
        %get3A = arith.index_cast %add3A_1048 : i32 to index
        %get3A_1049 = arith.constant 0 : index
        %get3A_1050 = tpu.vector_load %arg10[%get3A, %get3A_1049] {strides = array<i32>} : memref<256x128xf32, #tpu.memory_space<vmem>>, vector<1x16xf32>,
        %get3A_1051 = vector.shape_cast %get3A_1050 : vector<1x16xf32> to vector<16xf32>
        %add3A_1052 = arith.addf %scan3A_1035, %get3A_1051 : vector<16xf32>
        %get3A_1053 = arith.index_cast %add3A_1048 : i32 to index
        %get3A_1054 = arith.constant 16 : index
        %get3A_1055 = tpu.vector_load %arg10[%get3A_1053, %get3A_1054] {strides = array<i32>} : memref<256x128xf32, #tpu.memory_space<vmem>>, vector<1x16xf32>,
        %get3A_1056 = vector.shape_cast %get3A_1055 : vector<1x16xf32> to vector<16xf32>
        %add3A_1057 = arith.addf %scan3A_1036, %get3A_1056 : vector<16xf32>
        %get3A_1058 = arith.index_cast %add3A_1048 : i32 to index
        %get3A_1059 = arith.constant 32 : index
        %get3A_1060 = tpu.vector_load %arg10[%get3A_1058, %get3A_1059] {strides = array<i32>} : memref<256x128xf32, #tpu.memory_space<vmem>>, vector<1x16xf32>,
        %get3A_1061 = vector.shape_cast %get3A_1060 : vector<1x16xf32> to vector<16xf32>
        %add3A_1062 = arith.addf %scan3A_1037, %get3A_1061 : vector<16xf32>
        %get3A_1063 = arith.index_cast %add3A_1048 : i32 to index
        %get3A_1064 = arith.constant 48 : index
        %get3A_1065 = tpu.vector_load %arg10[%get3A_1063, %get3A_1064] {strides = array<i32>} : memref<256x128xf32, #tpu.memory_space<vmem>>, vector<1x16xf32>,
        %get3A_1066 = vector.shape_cast %get3A_1065 : vector<1x16xf32> to vector<16xf32>
        %add3A_1067 = arith.addf %scan3A_1038, %get3A_1066 : vector<16xf32>
        %get3A_1068 = arith.index_cast %add3A_1048 : i32 to index
        %get3A_1069 = arith.constant 64 : index
        %get3A_1070 = tpu.vector_load %arg10[%get3A_1068, %get3A_1069] {strides = array<i32>} : memref<256x128xf32, #tpu.memory_space<vmem>>, vector<1x16xf32>,
        %get3A_1071 = vector.shape_cast %get3A_1070 : vector<1x16xf32> to vector<16xf32>
        %add3A_1072 = arith.addf %scan3A_1039, %get3A_1071 : vector<16xf32>
        %get3A_1073 = arith.index_cast %add3A_1048 : i32 to index
        %get3A_1074 = arith.constant 80 : index
        %get3A_1075 = tpu.vector_load %arg10[%get3A_1073, %get3A_1074] {strides = array<i32>} : memref<256x128xf32, #tpu.memory_space<vmem>>, vector<1x16xf32>,
        %get3A_1076 = vector.shape_cast %get3A_1075 : vector<1x16xf32> to vector<16xf32>
        %add3A_1077 = arith.addf %scan3A_1040, %get3A_1076 : vector<16xf32>
        %get3A_1078 = arith.index_cast %add3A_1048 : i32 to index
        %get3A_1079 = arith.constant 96 : index
        %get3A_1080 = tpu.vector_load %arg10[%get3A_1078, %get3A_1079] {strides = array<i32>} : memref<256x128xf32, #tpu.memory_space<vmem>>, vector<1x16xf32>,
        %get3A_1081 = vector.shape_cast %get3A_1080 : vector<1x16xf32> to vector<16xf32>
        %add3A_1082 = arith.addf %scan3A_1041, %get3A_1081 : vector<16xf32>
        %get3A_1083 = arith.index_cast %add3A_1048 : i32 to index
        %get3A_1084 = arith.constant 112 : index
        %get3A_1085 = tpu.vector_load %arg10[%get3A_1083, %get3A_1084] {strides = array<i32>} : memref<256x128xf32, #tpu.memory_space<vmem>>, vector<1x16xf32>,
        %get3A_1086 = vector.shape_cast %get3A_1085 : vector<1x16xf32> to vector<16xf32>
        %add3A_1087 = arith.addf %scan3A_1042, %get3A_1086 : vector<16xf32>
        %mul3A_1088 = arith.constant 4 : i32
        %mul3A_1089 = arith.muli %scan3A_1034, %mul3A_1088 : i32
        %add3A_1090 = arith.constant 64 : i32
        %add3A_1091 = arith.addi %add3A_1090, %mul3A_1089 : i32
        %add3A_1092 = arith.constant 1 : i32
        %add3A_1093 = arith.addi %add3A_1091, %add3A_1092 : i32
        %get3A_1094 = arith.index_cast %add3A_1093 : i32 to index
        %get3A_1095 = arith.constant 0 : index
        %get3A_1096 = tpu.vector_load %arg10[%get3A_1094, %get3A_1095] {strides = array<i32>} : memref<256x128xf32, #tpu.memory_space<vmem>>, vector<1x16xf32>,
        %get3A_1097 = vector.shape_cast %get3A_1096 : vector<1x16xf32> to vector<16xf32>
        %add3A_1098 = arith.addf %add3A_1052, %get3A_1097 : vector<16xf32>
        %get3A_1099 = arith.index_cast %add3A_1093 : i32 to index
        %get3A_1100 = arith.constant 16 : index
        %get3A_1101 = tpu.vector_load %arg10[%get3A_1099, %get3A_1100] {strides = array<i32>} : memref<256x128xf32, #tpu.memory_space<vmem>>, vector<1x16xf32>,
        %get3A_1102 = vector.shape_cast %get3A_1101 : vector<1x16xf32> to vector<16xf32>
        %add3A_1103 = arith.addf %add3A_1057, %get3A_1102 : vector<16xf32>
        %get3A_1104 = arith.index_cast %add3A_1093 : i32 to index
        %get3A_1105 = arith.constant 32 : index
        %get3A_1106 = tpu.vector_load %arg10[%get3A_1104, %get3A_1105] {strides = array<i32>} : memref<256x128xf32, #tpu.memory_space<vmem>>, vector<1x16xf32>,
        %get3A_1107 = vector.shape_cast %get3A_1106 : vector<1x16xf32> to vector<16xf32>
        %add3A_1108 = arith.addf %add3A_1062, %get3A_1107 : vector<16xf32>
        %get3A_1109 = arith.index_cast %add3A_1093 : i32 to index
        %get3A_1110 = arith.constant 48 : index
        %get3A_1111 = tpu.vector_load %arg10[%get3A_1109, %get3A_1110] {strides = array<i32>} : memref<256x128xf32, #tpu.memory_space<vmem>>, vector<1x16xf32>,
        %get3A_1112 = vector.shape_cast %get3A_1111 : vector<1x16xf32> to vector<16xf32>
        %add3A_1113 = arith.addf %add3A_1067, %get3A_1112 : vector<16xf32>
        %get3A_1114 = arith.index_cast %add3A_1093 : i32 to index
        %get3A_1115 = arith.constant 64 : index
        %get3A_1116 = tpu.vector_load %arg10[%get3A_1114, %get3A_1115] {strides = array<i32>} : memref<256x128xf32, #tpu.memory_space<vmem>>, vector<1x16xf32>,
        %get3A_1117 = vector.shape_cast %get3A_1116 : vector<1x16xf32> to vector<16xf32>
        %add3A_1118 = arith.addf %add3A_1072, %get3A_1117 : vector<16xf32>
        %get3A_1119 = arith.index_cast %add3A_1093 : i32 to index
        %get3A_1120 = arith.constant 80 : index
        %get3A_1121 = tpu.vector_load %arg10[%get3A_1119, %get3A_1120] {strides = array<i32>} : memref<256x128xf32, #tpu.memory_space<vmem>>, vector<1x16xf32>,
        %get3A_1122 = vector.shape_cast %get3A_1121 : vector<1x16xf32> to vector<16xf32>
        %add3A_1123 = arith.addf %add3A_1077, %get3A_1122 : vector<16xf32>
        %get3A_1124 = arith.index_cast %add3A_1093 : i32 to index
        %get3A_1125 = arith.constant 96 : index
        %get3A_1126 = tpu.vector_load %arg10[%get3A_1124, %get3A_1125] {strides = array<i32>} : memref<256x128xf32, #tpu.memory_space<vmem>>, vector<1x16xf32>,
        %get3A_1127 = vector.shape_cast %get3A_1126 : vector<1x16xf32> to vector<16xf32>
        %add3A_1128 = arith.addf %add3A_1082, %get3A_1127 : vector<16xf32>
        %get3A_1129 = arith.index_cast %add3A_1093 : i32 to index
        %get3A_1130 = arith.constant 112 : index
        %get3A_1131 = tpu.vector_load %arg10[%get3A_1129, %get3A_1130] {strides = array<i32>} : memref<256x128xf32, #tpu.memory_space<vmem>>, vector<1x16xf32>,
        %get3A_1132 = vector.shape_cast %get3A_1131 : vector<1x16xf32> to vector<16xf32>
        %add3A_1133 = arith.addf %add3A_1087, %get3A_1132 : vector<16xf32>
        %mul3A_1134 = arith.constant 4 : i32
        %mul3A_1135 = arith.muli %scan3A_1034, %mul3A_1134 : i32
        %add3A_1136 = arith.constant 64 : i32
        %add3A_1137 = arith.addi %add3A_1136, %mul3A_1135 : i32
        %add3A_1138 = arith.constant 2 : i32
        %add3A_1139 = arith.addi %add3A_1137, %add3A_1138 : i32
        %get3A_1140 = arith.index_cast %add3A_1139 : i32 to index
        %get3A_1141 = arith.constant 0 : index
        %get3A_1142 = tpu.vector_load %arg10[%get3A_1140, %get3A_1141] {strides = array<i32>} : memref<256x128xf32, #tpu.memory_space<vmem>>, vector<1x16xf32>,
        %get3A_1143 = vector.shape_cast %get3A_1142 : vector<1x16xf32> to vector<16xf32>
        %add3A_1144 = arith.addf %add3A_1098, %get3A_1143 : vector<16xf32>
        %get3A_1145 = arith.index_cast %add3A_1139 : i32 to index
        %get3A_1146 = arith.constant 16 : index
        %get3A_1147 = tpu.vector_load %arg10[%get3A_1145, %get3A_1146] {strides = array<i32>} : memref<256x128xf32, #tpu.memory_space<vmem>>, vector<1x16xf32>,
        %get3A_1148 = vector.shape_cast %get3A_1147 : vector<1x16xf32> to vector<16xf32>
        %add3A_1149 = arith.addf %add3A_1103, %get3A_1148 : vector<16xf32>
        %get3A_1150 = arith.index_cast %add3A_1139 : i32 to index
        %get3A_1151 = arith.constant 32 : index
        %get3A_1152 = tpu.vector_load %arg10[%get3A_1150, %get3A_1151] {strides = array<i32>} : memref<256x128xf32, #tpu.memory_space<vmem>>, vector<1x16xf32>,
        %get3A_1153 = vector.shape_cast %get3A_1152 : vector<1x16xf32> to vector<16xf32>
        %add3A_1154 = arith.addf %add3A_1108, %get3A_1153 : vector<16xf32>
        %get3A_1155 = arith.index_cast %add3A_1139 : i32 to index
        %get3A_1156 = arith.constant 48 : index
        %get3A_1157 = tpu.vector_load %arg10[%get3A_1155, %get3A_1156] {strides = array<i32>} : memref<256x128xf32, #tpu.memory_space<vmem>>, vector<1x16xf32>,
        %get3A_1158 = vector.shape_cast %get3A_1157 : vector<1x16xf32> to vector<16xf32>
        %add3A_1159 = arith.addf %add3A_1113, %get3A_1158 : vector<16xf32>
        %get3A_1160 = arith.index_cast %add3A_1139 : i32 to index
        %get3A_1161 = arith.constant 64 : index
        %get3A_1162 = tpu.vector_load %arg10[%get3A_1160, %get3A_1161] {strides = array<i32>} : memref<256x128xf32, #tpu.memory_space<vmem>>, vector<1x16xf32>,
        %get3A_1163 = vector.shape_cast %get3A_1162 : vector<1x16xf32> to vector<16xf32>
        %add3A_1164 = arith.addf %add3A_1118, %get3A_1163 : vector<16xf32>
        %get3A_1165 = arith.index_cast %add3A_1139 : i32 to index
        %get3A_1166 = arith.constant 80 : index
        %get3A_1167 = tpu.vector_load %arg10[%get3A_1165, %get3A_1166] {strides = array<i32>} : memref<256x128xf32, #tpu.memory_space<vmem>>, vector<1x16xf32>,
        %get3A_1168 = vector.shape_cast %get3A_1167 : vector<1x16xf32> to vector<16xf32>
        %add3A_1169 = arith.addf %add3A_1123, %get3A_1168 : vector<16xf32>
        %get3A_1170 = arith.index_cast %add3A_1139 : i32 to index
        %get3A_1171 = arith.constant 96 : index
        %get3A_1172 = tpu.vector_load %arg10[%get3A_1170, %get3A_1171] {strides = array<i32>} : memref<256x128xf32, #tpu.memory_space<vmem>>, vector<1x16xf32>,
        %get3A_1173 = vector.shape_cast %get3A_1172 : vector<1x16xf32> to vector<16xf32>
        %add3A_1174 = arith.addf %add3A_1128, %get3A_1173 : vector<16xf32>
        %get3A_1175 = arith.index_cast %add3A_1139 : i32 to index
        %get3A_1176 = arith.constant 112 : index
        %get3A_1177 = tpu.vector_load %arg10[%get3A_1175, %get3A_1176] {strides = array<i32>} : memref<256x128xf32, #tpu.memory_space<vmem>>, vector<1x16xf32>,
        %get3A_1178 = vector.shape_cast %get3A_1177 : vector<1x16xf32> to vector<16xf32>
        %add3A_1179 = arith.addf %add3A_1133, %get3A_1178 : vector<16xf32>
        %mul3A_1180 = arith.constant 4 : i32
        %mul3A_1181 = arith.muli %scan3A_1034, %mul3A_1180 : i32
        %add3A_1182 = arith.constant 64 : i32
        %add3A_1183 = arith.addi %add3A_1182, %mul3A_1181 : i32
        %add3A_1184 = arith.constant 3 : i32
        %add3A_1185 = arith.addi %add3A_1183, %add3A_1184 : i32
        %get3A_1186 = arith.index_cast %add3A_1185 : i32 to index
        %get3A_1187 = arith.constant 0 : index
        %get3A_1188 = tpu.vector_load %arg10[%get3A_1186, %get3A_1187] {strides = array<i32>} : memref<256x128xf32, #tpu.memory_space<vmem>>, vector<1x16xf32>,
        %get3A_1189 = vector.shape_cast %get3A_1188 : vector<1x16xf32> to vector<16xf32>
        %add3A_1190 = arith.addf %add3A_1144, %get3A_1189 : vector<16xf32>
        %get3A_1191 = arith.index_cast %add3A_1185 : i32 to index
        %get3A_1192 = arith.constant 16 : index
        %get3A_1193 = tpu.vector_load %arg10[%get3A_1191, %get3A_1192] {strides = array<i32>} : memref<256x128xf32, #tpu.memory_space<vmem>>, vector<1x16xf32>,
        %get3A_1194 = vector.shape_cast %get3A_1193 : vector<1x16xf32> to vector<16xf32>
        %add3A_1195 = arith.addf %add3A_1149, %get3A_1194 : vector<16xf32>
        %get3A_1196 = arith.index_cast %add3A_1185 : i32 to index
        %get3A_1197 = arith.constant 32 : index
        %get3A_1198 = tpu.vector_load %arg10[%get3A_1196, %get3A_1197] {strides = array<i32>} : memref<256x128xf32, #tpu.memory_space<vmem>>, vector<1x16xf32>,
        %get3A_1199 = vector.shape_cast %get3A_1198 : vector<1x16xf32> to vector<16xf32>
        %add3A_1200 = arith.addf %add3A_1154, %get3A_1199 : vector<16xf32>
        %get3A_1201 = arith.index_cast %add3A_1185 : i32 to index
        %get3A_1202 = arith.constant 48 : index
        %get3A_1203 = tpu.vector_load %arg10[%get3A_1201, %get3A_1202] {strides = array<i32>} : memref<256x128xf32, #tpu.memory_space<vmem>>, vector<1x16xf32>,
        %get3A_1204 = vector.shape_cast %get3A_1203 : vector<1x16xf32> to vector<16xf32>
        %add3A_1205 = arith.addf %add3A_1159, %get3A_1204 : vector<16xf32>
        %get3A_1206 = arith.index_cast %add3A_1185 : i32 to index
        %get3A_1207 = arith.constant 64 : index
        %get3A_1208 = tpu.vector_load %arg10[%get3A_1206, %get3A_1207] {strides = array<i32>} : memref<256x128xf32, #tpu.memory_space<vmem>>, vector<1x16xf32>,
        %get3A_1209 = vector.shape_cast %get3A_1208 : vector<1x16xf32> to vector<16xf32>
        %add3A_1210 = arith.addf %add3A_1164, %get3A_1209 : vector<16xf32>
        %get3A_1211 = arith.index_cast %add3A_1185 : i32 to index
        %get3A_1212 = arith.constant 80 : index
        %get3A_1213 = tpu.vector_load %arg10[%get3A_1211, %get3A_1212] {strides = array<i32>} : memref<256x128xf32, #tpu.memory_space<vmem>>, vector<1x16xf32>,
        %get3A_1214 = vector.shape_cast %get3A_1213 : vector<1x16xf32> to vector<16xf32>
        %add3A_1215 = arith.addf %add3A_1169, %get3A_1214 : vector<16xf32>
        %get3A_1216 = arith.index_cast %add3A_1185 : i32 to index
        %get3A_1217 = arith.constant 96 : index
        %get3A_1218 = tpu.vector_load %arg10[%get3A_1216, %get3A_1217] {strides = array<i32>} : memref<256x128xf32, #tpu.memory_space<vmem>>, vector<1x16xf32>,
        %get3A_1219 = vector.shape_cast %get3A_1218 : vector<1x16xf32> to vector<16xf32>
        %add3A_1220 = arith.addf %add3A_1174, %get3A_1219 : vector<16xf32>
        %get3A_1221 = arith.index_cast %add3A_1185 : i32 to index
        %get3A_1222 = arith.constant 112 : index
        %get3A_1223 = tpu.vector_load %arg10[%get3A_1221, %get3A_1222] {strides = array<i32>} : memref<256x128xf32, #tpu.memory_space<vmem>>, vector<1x16xf32>,
        %get3A_1224 = vector.shape_cast %get3A_1223 : vector<1x16xf32> to vector<16xf32>
        %add3A_1225 = arith.addf %add3A_1179, %get3A_1224 : vector<16xf32>
        scf.yield %add3A_1190, %add3A_1195, %add3A_1200, %add3A_1205, %add3A_1210, %add3A_1215, %add3A_1220, %add3A_1225 : vector<16xf32>, vector<16xf32>, vector<16xf32>, vector<16xf32>, vector<16xf32>, vector<16xf32>, vector<16xf32>, vector<16xf32>
      }
      %scan3A_188 = arith.constant 8 : i32
      %swap3A_189 = arith.constant 2 : i32
      %swap3A_190 = arith.index_cast %swap3A_189 : i32 to index
      %swap3A_191 = arith.constant 0 : index
      %swap3A_192 = tpu.vector_load %arg12[%swap3A_190, %swap3A_191] {strides = array<i32>} : memref<8x128xf32, #tpu.memory_space<vmem>>, vector<1x16xf32>,
      %swap3A_193 = vector.shape_cast %swap3A_192 : vector<1x16xf32> to vector<16xf32>
      %swap3A_194 = vector.shape_cast %scan3A_187#0 : vector<16xf32> to vector<1x16xf32>
      tpu.vector_store %arg12[%swap3A_190, %swap3A_191], %swap3A_194 {strides = array<i32>} : memref<8x128xf32, #tpu.memory_space<vmem>>, vector<1x16xf32>,
      %swap3A_195 = arith.constant 2 : i32
      %swap3A_196 = arith.index_cast %swap3A_195 : i32 to index
      %swap3A_197 = arith.constant 16 : index
      %swap3A_198 = tpu.vector_load %arg12[%swap3A_196, %swap3A_197] {strides = array<i32>} : memref<8x128xf32, #tpu.memory_space<vmem>>, vector<1x16xf32>,
      %swap3A_199 = vector.shape_cast %swap3A_198 : vector<1x16xf32> to vector<16xf32>
      %swap3A_200 = vector.shape_cast %scan3A_187#1 : vector<16xf32> to vector<1x16xf32>
      tpu.vector_store %arg12[%swap3A_196, %swap3A_197], %swap3A_200 {strides = array<i32>} : memref<8x128xf32, #tpu.memory_space<vmem>>, vector<1x16xf32>,
      %swap3A_201 = arith.constant 2 : i32
      %swap3A_202 = arith.index_cast %swap3A_201 : i32 to index
      %swap3A_203 = arith.constant 32 : index
      %swap3A_204 = tpu.vector_load %arg12[%swap3A_202, %swap3A_203] {strides = array<i32>} : memref<8x128xf32, #tpu.memory_space<vmem>>, vector<1x16xf32>,
      %swap3A_205 = vector.shape_cast %swap3A_204 : vector<1x16xf32> to vector<16xf32>
      %swap3A_206 = vector.shape_cast %scan3A_187#2 : vector<16xf32> to vector<1x16xf32>
      tpu.vector_store %arg12[%swap3A_202, %swap3A_203], %swap3A_206 {strides = array<i32>} : memref<8x128xf32, #tpu.memory_space<vmem>>, vector<1x16xf32>,
      %swap3A_207 = arith.constant 2 : i32
      %swap3A_208 = arith.index_cast %swap3A_207 : i32 to index
      %swap3A_209 = arith.constant 48 : index
      %swap3A_210 = tpu.vector_load %arg12[%swap3A_208, %swap3A_209] {strides = array<i32>} : memref<8x128xf32, #tpu.memory_space<vmem>>, vector<1x16xf32>,
      %swap3A_211 = vector.shape_cast %swap3A_210 : vector<1x16xf32> to vector<16xf32>
      %swap3A_212 = vector.shape_cast %scan3A_187#3 : vector<16xf32> to vector<1x16xf32>
      tpu.vector_store %arg12[%swap3A_208, %swap3A_209], %swap3A_212 {strides = array<i32>} : memref<8x128xf32, #tpu.memory_space<vmem>>, vector<1x16xf32>,
      %swap3A_213 = arith.constant 2 : i32
      %swap3A_214 = arith.index_cast %swap3A_213 : i32 to index
      %swap3A_215 = arith.constant 64 : index
      %swap3A_216 = tpu.vector_load %arg12[%swap3A_214, %swap3A_215] {strides = array<i32>} : memref<8x128xf32, #tpu.memory_space<vmem>>, vector<1x16xf32>,
      %swap3A_217 = vector.shape_cast %swap3A_216 : vector<1x16xf32> to vector<16xf32>
      %swap3A_218 = vector.shape_cast %scan3A_187#4 : vector<16xf32> to vector<1x16xf32>
      tpu.vector_store %arg12[%swap3A_214, %swap3A_215], %swap3A_218 {strides = array<i32>} : memref<8x128xf32, #tpu.memory_space<vmem>>, vector<1x16xf32>,
      %swap3A_219 = arith.constant 2 : i32
      %swap3A_220 = arith.index_cast %swap3A_219 : i32 to index
      %swap3A_221 = arith.constant 80 : index
      %swap3A_222 = tpu.vector_load %arg12[%swap3A_220, %swap3A_221] {strides = array<i32>} : memref<8x128xf32, #tpu.memory_space<vmem>>, vector<1x16xf32>,
      %swap3A_223 = vector.shape_cast %swap3A_222 : vector<1x16xf32> to vector<16xf32>
      %swap3A_224 = vector.shape_cast %scan3A_187#5 : vector<16xf32> to vector<1x16xf32>
      tpu.vector_store %arg12[%swap3A_220, %swap3A_221], %swap3A_224 {strides = array<i32>} : memref<8x128xf32, #tpu.memory_space<vmem>>, vector<1x16xf32>,
      %swap3A_225 = arith.constant 2 : i32
      %swap3A_226 = arith.index_cast %swap3A_225 : i32 to index
      %swap3A_227 = arith.constant 96 : index
      %swap3A_228 = tpu.vector_load %arg12[%swap3A_226, %swap3A_227] {strides = array<i32>} : memref<8x128xf32, #tpu.memory_space<vmem>>, vector<1x16xf32>,
      %swap3A_229 = vector.shape_cast %swap3A_228 : vector<1x16xf32> to vector<16xf32>
      %swap3A_230 = vector.shape_cast %scan3A_187#6 : vector<16xf32> to vector<1x16xf32>
      tpu.vector_store %arg12[%swap3A_226, %swap3A_227], %swap3A_230 {strides = array<i32>} : memref<8x128xf32, #tpu.memory_space<vmem>>, vector<1x16xf32>,
      %swap3A_231 = arith.constant 2 : i32
      %swap3A_232 = arith.index_cast %swap3A_231 : i32 to index
      %swap3A_233 = arith.constant 112 : index
      %swap3A_234 = tpu.vector_load %arg12[%swap3A_232, %swap3A_233] {strides = array<i32>} : memref<8x128xf32, #tpu.memory_space<vmem>>, vector<1x16xf32>,
      %swap3A_235 = vector.shape_cast %swap3A_234 : vector<1x16xf32> to vector<16xf32>
      %swap3A_236 = vector.shape_cast %scan3A_187#7 : vector<16xf32> to vector<1x16xf32>
      tpu.vector_store %arg12[%swap3A_232, %swap3A_233], %swap3A_236 {strides = array<i32>} : memref<8x128xf32, #tpu.memory_space<vmem>>, vector<1x16xf32>,
      %broadcast_in_dim3A_237 = arith.constant 0.000000e+00 : f32
      %broadcast_in_dim3A_238 = vector.broadcast %broadcast_in_dim3A_237 : f32 to vector<16xf32>
      %scan3A_239 = arith.constant 0 : i32
      %scan3A_240 = arith.constant 8 : i32
      %scan3A_241 = arith.addi %scan3A_239, %scan3A_240 : i32
      %scan3A_242 = arith.constant 1 : i32
      %scan3A_243:8 = scf.for %scan3A_1034 = %scan3A_239 to %scan3A_241 step %scan3A_242 iter_args(%scan3A_1035 = %broadcast_in_dim3A_238, %scan3A_1036 = %broadcast_in_dim3A_238, %scan3A_1037 = %broadcast_in_dim3A_238, %scan3A_1038 = %broadcast_in_dim3A_238, %scan3A_1039 = %broadcast_in_dim3A_238, %scan3A_1040 = %broadcast_in_dim3A_238, %scan3A_1041 = %broadcast_in_dim3A_238, %scan3A_1042 = %broadcast_in_dim3A_238) -> (vector<16xf32>, vector<16xf32>, vector<16xf32>, vector<16xf32>, vector<16xf32>, vector<16xf32>, vector<16xf32>, vector<16xf32>)  : i32 {
        %mul3A_1043 = arith.constant 4 : i32
        %mul3A_1044 = arith.muli %scan3A_1034, %mul3A_1043 : i32
        %add3A_1045 = arith.constant 96 : i32
        %add3A_1046 = arith.addi %add3A_1045, %mul3A_1044 : i32
        %add3A_1047 = arith.constant 0 : i32
        %add3A_1048 = arith.addi %add3A_1046, %add3A_1047 : i32
        %get3A = arith.index_cast %add3A_1048 : i32 to index
        %get3A_1049 = arith.constant 0 : index
        %get3A_1050 = tpu.vector_load %arg10[%get3A, %get3A_1049] {strides = array<i32>} : memref<256x128xf32, #tpu.memory_space<vmem>>, vector<1x16xf32>,
        %get3A_1051 = vector.shape_cast %get3A_1050 : vector<1x16xf32> to vector<16xf32>
        %add3A_1052 = arith.addf %scan3A_1035, %get3A_1051 : vector<16xf32>
        %get3A_1053 = arith.index_cast %add3A_1048 : i32 to index
        %get3A_1054 = arith.constant 16 : index
        %get3A_1055 = tpu.vector_load %arg10[%get3A_1053, %get3A_1054] {strides = array<i32>} : memref<256x128xf32, #tpu.memory_space<vmem>>, vector<1x16xf32>,
        %get3A_1056 = vector.shape_cast %get3A_1055 : vector<1x16xf32> to vector<16xf32>
        %add3A_1057 = arith.addf %scan3A_1036, %get3A_1056 : vector<16xf32>
        %get3A_1058 = arith.index_cast %add3A_1048 : i32 to index
        %get3A_1059 = arith.constant 32 : index
        %get3A_1060 = tpu.vector_load %arg10[%get3A_1058, %get3A_1059] {strides = array<i32>} : memref<256x128xf32, #tpu.memory_space<vmem>>, vector<1x16xf32>,
        %get3A_1061 = vector.shape_cast %get3A_1060 : vector<1x16xf32> to vector<16xf32>
        %add3A_1062 = arith.addf %scan3A_1037, %get3A_1061 : vector<16xf32>
        %get3A_1063 = arith.index_cast %add3A_1048 : i32 to index
        %get3A_1064 = arith.constant 48 : index
        %get3A_1065 = tpu.vector_load %arg10[%get3A_1063, %get3A_1064] {strides = array<i32>} : memref<256x128xf32, #tpu.memory_space<vmem>>, vector<1x16xf32>,
        %get3A_1066 = vector.shape_cast %get3A_1065 : vector<1x16xf32> to vector<16xf32>
        %add3A_1067 = arith.addf %scan3A_1038, %get3A_1066 : vector<16xf32>
        %get3A_1068 = arith.index_cast %add3A_1048 : i32 to index
        %get3A_1069 = arith.constant 64 : index
        %get3A_1070 = tpu.vector_load %arg10[%get3A_1068, %get3A_1069] {strides = array<i32>} : memref<256x128xf32, #tpu.memory_space<vmem>>, vector<1x16xf32>,
        %get3A_1071 = vector.shape_cast %get3A_1070 : vector<1x16xf32> to vector<16xf32>
        %add3A_1072 = arith.addf %scan3A_1039, %get3A_1071 : vector<16xf32>
        %get3A_1073 = arith.index_cast %add3A_1048 : i32 to index
        %get3A_1074 = arith.constant 80 : index
        %get3A_1075 = tpu.vector_load %arg10[%get3A_1073, %get3A_1074] {strides = array<i32>} : memref<256x128xf32, #tpu.memory_space<vmem>>, vector<1x16xf32>,
        %get3A_1076 = vector.shape_cast %get3A_1075 : vector<1x16xf32> to vector<16xf32>
        %add3A_1077 = arith.addf %scan3A_1040, %get3A_1076 : vector<16xf32>
        %get3A_1078 = arith.index_cast %add3A_1048 : i32 to index
        %get3A_1079 = arith.constant 96 : index
        %get3A_1080 = tpu.vector_load %arg10[%get3A_1078, %get3A_1079] {strides = array<i32>} : memref<256x128xf32, #tpu.memory_space<vmem>>, vector<1x16xf32>,
        %get3A_1081 = vector.shape_cast %get3A_1080 : vector<1x16xf32> to vector<16xf32>
        %add3A_1082 = arith.addf %scan3A_1041, %get3A_1081 : vector<16xf32>
        %get3A_1083 = arith.index_cast %add3A_1048 : i32 to index
        %get3A_1084 = arith.constant 112 : index
        %get3A_1085 = tpu.vector_load %arg10[%get3A_1083, %get3A_1084] {strides = array<i32>} : memref<256x128xf32, #tpu.memory_space<vmem>>, vector<1x16xf32>,
        %get3A_1086 = vector.shape_cast %get3A_1085 : vector<1x16xf32> to vector<16xf32>
        %add3A_1087 = arith.addf %scan3A_1042, %get3A_1086 : vector<16xf32>
        %mul3A_1088 = arith.constant 4 : i32
        %mul3A_1089 = arith.muli %scan3A_1034, %mul3A_1088 : i32
        %add3A_1090 = arith.constant 96 : i32
        %add3A_1091 = arith.addi %add3A_1090, %mul3A_1089 : i32
        %add3A_1092 = arith.constant 1 : i32
        %add3A_1093 = arith.addi %add3A_1091, %add3A_1092 : i32
        %get3A_1094 = arith.index_cast %add3A_1093 : i32 to index
        %get3A_1095 = arith.constant 0 : index
        %get3A_1096 = tpu.vector_load %arg10[%get3A_1094, %get3A_1095] {strides = array<i32>} : memref<256x128xf32, #tpu.memory_space<vmem>>, vector<1x16xf32>,
        %get3A_1097 = vector.shape_cast %get3A_1096 : vector<1x16xf32> to vector<16xf32>
        %add3A_1098 = arith.addf %add3A_1052, %get3A_1097 : vector<16xf32>
        %get3A_1099 = arith.index_cast %add3A_1093 : i32 to index
        %get3A_1100 = arith.constant 16 : index
        %get3A_1101 = tpu.vector_load %arg10[%get3A_1099, %get3A_1100] {strides = array<i32>} : memref<256x128xf32, #tpu.memory_space<vmem>>, vector<1x16xf32>,
        %get3A_1102 = vector.shape_cast %get3A_1101 : vector<1x16xf32> to vector<16xf32>
        %add3A_1103 = arith.addf %add3A_1057, %get3A_1102 : vector<16xf32>
        %get3A_1104 = arith.index_cast %add3A_1093 : i32 to index
        %get3A_1105 = arith.constant 32 : index
        %get3A_1106 = tpu.vector_load %arg10[%get3A_1104, %get3A_1105] {strides = array<i32>} : memref<256x128xf32, #tpu.memory_space<vmem>>, vector<1x16xf32>,
        %get3A_1107 = vector.shape_cast %get3A_1106 : vector<1x16xf32> to vector<16xf32>
        %add3A_1108 = arith.addf %add3A_1062, %get3A_1107 : vector<16xf32>
        %get3A_1109 = arith.index_cast %add3A_1093 : i32 to index
        %get3A_1110 = arith.constant 48 : index
        %get3A_1111 = tpu.vector_load %arg10[%get3A_1109, %get3A_1110] {strides = array<i32>} : memref<256x128xf32, #tpu.memory_space<vmem>>, vector<1x16xf32>,
        %get3A_1112 = vector.shape_cast %get3A_1111 : vector<1x16xf32> to vector<16xf32>
        %add3A_1113 = arith.addf %add3A_1067, %get3A_1112 : vector<16xf32>
        %get3A_1114 = arith.index_cast %add3A_1093 : i32 to index
        %get3A_1115 = arith.constant 64 : index
        %get3A_1116 = tpu.vector_load %arg10[%get3A_1114, %get3A_1115] {strides = array<i32>} : memref<256x128xf32, #tpu.memory_space<vmem>>, vector<1x16xf32>,
        %get3A_1117 = vector.shape_cast %get3A_1116 : vector<1x16xf32> to vector<16xf32>
        %add3A_1118 = arith.addf %add3A_1072, %get3A_1117 : vector<16xf32>
        %get3A_1119 = arith.index_cast %add3A_1093 : i32 to index
        %get3A_1120 = arith.constant 80 : index
        %get3A_1121 = tpu.vector_load %arg10[%get3A_1119, %get3A_1120] {strides = array<i32>} : memref<256x128xf32, #tpu.memory_space<vmem>>, vector<1x16xf32>,
        %get3A_1122 = vector.shape_cast %get3A_1121 : vector<1x16xf32> to vector<16xf32>
        %add3A_1123 = arith.addf %add3A_1077, %get3A_1122 : vector<16xf32>
        %get3A_1124 = arith.index_cast %add3A_1093 : i32 to index
        %get3A_1125 = arith.constant 96 : index
        %get3A_1126 = tpu.vector_load %arg10[%get3A_1124, %get3A_1125] {strides = array<i32>} : memref<256x128xf32, #tpu.memory_space<vmem>>, vector<1x16xf32>,
        %get3A_1127 = vector.shape_cast %get3A_1126 : vector<1x16xf32> to vector<16xf32>
        %add3A_1128 = arith.addf %add3A_1082, %get3A_1127 : vector<16xf32>
        %get3A_1129 = arith.index_cast %add3A_1093 : i32 to index
        %get3A_1130 = arith.constant 112 : index
        %get3A_1131 = tpu.vector_load %arg10[%get3A_1129, %get3A_1130] {strides = array<i32>} : memref<256x128xf32, #tpu.memory_space<vmem>>, vector<1x16xf32>,
        %get3A_1132 = vector.shape_cast %get3A_1131 : vector<1x16xf32> to vector<16xf32>
        %add3A_1133 = arith.addf %add3A_1087, %get3A_1132 : vector<16xf32>
        %mul3A_1134 = arith.constant 4 : i32
        %mul3A_1135 = arith.muli %scan3A_1034, %mul3A_1134 : i32
        %add3A_1136 = arith.constant 96 : i32
        %add3A_1137 = arith.addi %add3A_1136, %mul3A_1135 : i32
        %add3A_1138 = arith.constant 2 : i32
        %add3A_1139 = arith.addi %add3A_1137, %add3A_1138 : i32
        %get3A_1140 = arith.index_cast %add3A_1139 : i32 to index
        %get3A_1141 = arith.constant 0 : index
        %get3A_1142 = tpu.vector_load %arg10[%get3A_1140, %get3A_1141] {strides = array<i32>} : memref<256x128xf32, #tpu.memory_space<vmem>>, vector<1x16xf32>,
        %get3A_1143 = vector.shape_cast %get3A_1142 : vector<1x16xf32> to vector<16xf32>
        %add3A_1144 = arith.addf %add3A_1098, %get3A_1143 : vector<16xf32>
        %get3A_1145 = arith.index_cast %add3A_1139 : i32 to index
        %get3A_1146 = arith.constant 16 : index
        %get3A_1147 = tpu.vector_load %arg10[%get3A_1145, %get3A_1146] {strides = array<i32>} : memref<256x128xf32, #tpu.memory_space<vmem>>, vector<1x16xf32>,
        %get3A_1148 = vector.shape_cast %get3A_1147 : vector<1x16xf32> to vector<16xf32>
        %add3A_1149 = arith.addf %add3A_1103, %get3A_1148 : vector<16xf32>
        %get3A_1150 = arith.index_cast %add3A_1139 : i32 to index
        %get3A_1151 = arith.constant 32 : index
        %get3A_1152 = tpu.vector_load %arg10[%get3A_1150, %get3A_1151] {strides = array<i32>} : memref<256x128xf32, #tpu.memory_space<vmem>>, vector<1x16xf32>,
        %get3A_1153 = vector.shape_cast %get3A_1152 : vector<1x16xf32> to vector<16xf32>
        %add3A_1154 = arith.addf %add3A_1108, %get3A_1153 : vector<16xf32>
        %get3A_1155 = arith.index_cast %add3A_1139 : i32 to index
        %get3A_1156 = arith.constant 48 : index
        %get3A_1157 = tpu.vector_load %arg10[%get3A_1155, %get3A_1156] {strides = array<i32>} : memref<256x128xf32, #tpu.memory_space<vmem>>, vector<1x16xf32>,
        %get3A_1158 = vector.shape_cast %get3A_1157 : vector<1x16xf32> to vector<16xf32>
        %add3A_1159 = arith.addf %add3A_1113, %get3A_1158 : vector<16xf32>
        %get3A_1160 = arith.index_cast %add3A_1139 : i32 to index
        %get3A_1161 = arith.constant 64 : index
        %get3A_1162 = tpu.vector_load %arg10[%get3A_1160, %get3A_1161] {strides = array<i32>} : memref<256x128xf32, #tpu.memory_space<vmem>>, vector<1x16xf32>,
        %get3A_1163 = vector.shape_cast %get3A_1162 : vector<1x16xf32> to vector<16xf32>
        %add3A_1164 = arith.addf %add3A_1118, %get3A_1163 : vector<16xf32>
        %get3A_1165 = arith.index_cast %add3A_1139 : i32 to index
        %get3A_1166 = arith.constant 80 : index
        %get3A_1167 = tpu.vector_load %arg10[%get3A_1165, %get3A_1166] {strides = array<i32>} : memref<256x128xf32, #tpu.memory_space<vmem>>, vector<1x16xf32>,
        %get3A_1168 = vector.shape_cast %get3A_1167 : vector<1x16xf32> to vector<16xf32>
        %add3A_1169 = arith.addf %add3A_1123, %get3A_1168 : vector<16xf32>
        %get3A_1170 = arith.index_cast %add3A_1139 : i32 to index
        %get3A_1171 = arith.constant 96 : index
        %get3A_1172 = tpu.vector_load %arg10[%get3A_1170, %get3A_1171] {strides = array<i32>} : memref<256x128xf32, #tpu.memory_space<vmem>>, vector<1x16xf32>,
        %get3A_1173 = vector.shape_cast %get3A_1172 : vector<1x16xf32> to vector<16xf32>
        %add3A_1174 = arith.addf %add3A_1128, %get3A_1173 : vector<16xf32>
        %get3A_1175 = arith.index_cast %add3A_1139 : i32 to index
        %get3A_1176 = arith.constant 112 : index
        %get3A_1177 = tpu.vector_load %arg10[%get3A_1175, %get3A_1176] {strides = array<i32>} : memref<256x128xf32, #tpu.memory_space<vmem>>, vector<1x16xf32>,
        %get3A_1178 = vector.shape_cast %get3A_1177 : vector<1x16xf32> to vector<16xf32>
        %add3A_1179 = arith.addf %add3A_1133, %get3A_1178 : vector<16xf32>
        %mul3A_1180 = arith.constant 4 : i32
        %mul3A_1181 = arith.muli %scan3A_1034, %mul3A_1180 : i32
        %add3A_1182 = arith.constant 96 : i32
        %add3A_1183 = arith.addi %add3A_1182, %mul3A_1181 : i32
        %add3A_1184 = arith.constant 3 : i32
        %add3A_1185 = arith.addi %add3A_1183, %add3A_1184 : i32
        %get3A_1186 = arith.index_cast %add3A_1185 : i32 to index
        %get3A_1187 = arith.constant 0 : index
        %get3A_1188 = tpu.vector_load %arg10[%get3A_1186, %get3A_1187] {strides = array<i32>} : memref<256x128xf32, #tpu.memory_space<vmem>>, vector<1x16xf32>,
        %get3A_1189 = vector.shape_cast %get3A_1188 : vector<1x16xf32> to vector<16xf32>
        %add3A_1190 = arith.addf %add3A_1144, %get3A_1189 : vector<16xf32>
        %get3A_1191 = arith.index_cast %add3A_1185 : i32 to index
        %get3A_1192 = arith.constant 16 : index
        %get3A_1193 = tpu.vector_load %arg10[%get3A_1191, %get3A_1192] {strides = array<i32>} : memref<256x128xf32, #tpu.memory_space<vmem>>, vector<1x16xf32>,
        %get3A_1194 = vector.shape_cast %get3A_1193 : vector<1x16xf32> to vector<16xf32>
        %add3A_1195 = arith.addf %add3A_1149, %get3A_1194 : vector<16xf32>
        %get3A_1196 = arith.index_cast %add3A_1185 : i32 to index
        %get3A_1197 = arith.constant 32 : index
        %get3A_1198 = tpu.vector_load %arg10[%get3A_1196, %get3A_1197] {strides = array<i32>} : memref<256x128xf32, #tpu.memory_space<vmem>>, vector<1x16xf32>,
        %get3A_1199 = vector.shape_cast %get3A_1198 : vector<1x16xf32> to vector<16xf32>
        %add3A_1200 = arith.addf %add3A_1154, %get3A_1199 : vector<16xf32>
        %get3A_1201 = arith.index_cast %add3A_1185 : i32 to index
        %get3A_1202 = arith.constant 48 : index
        %get3A_1203 = tpu.vector_load %arg10[%get3A_1201, %get3A_1202] {strides = array<i32>} : memref<256x128xf32, #tpu.memory_space<vmem>>, vector<1x16xf32>,
        %get3A_1204 = vector.shape_cast %get3A_1203 : vector<1x16xf32> to vector<16xf32>
        %add3A_1205 = arith.addf %add3A_1159, %get3A_1204 : vector<16xf32>
        %get3A_1206 = arith.index_cast %add3A_1185 : i32 to index
        %get3A_1207 = arith.constant 64 : index
        %get3A_1208 = tpu.vector_load %arg10[%get3A_1206, %get3A_1207] {strides = array<i32>} : memref<256x128xf32, #tpu.memory_space<vmem>>, vector<1x16xf32>,
        %get3A_1209 = vector.shape_cast %get3A_1208 : vector<1x16xf32> to vector<16xf32>
        %add3A_1210 = arith.addf %add3A_1164, %get3A_1209 : vector<16xf32>
        %get3A_1211 = arith.index_cast %add3A_1185 : i32 to index
        %get3A_1212 = arith.constant 80 : index
        %get3A_1213 = tpu.vector_load %arg10[%get3A_1211, %get3A_1212] {strides = array<i32>} : memref<256x128xf32, #tpu.memory_space<vmem>>, vector<1x16xf32>,
        %get3A_1214 = vector.shape_cast %get3A_1213 : vector<1x16xf32> to vector<16xf32>
        %add3A_1215 = arith.addf %add3A_1169, %get3A_1214 : vector<16xf32>
        %get3A_1216 = arith.index_cast %add3A_1185 : i32 to index
        %get3A_1217 = arith.constant 96 : index
        %get3A_1218 = tpu.vector_load %arg10[%get3A_1216, %get3A_1217] {strides = array<i32>} : memref<256x128xf32, #tpu.memory_space<vmem>>, vector<1x16xf32>,
        %get3A_1219 = vector.shape_cast %get3A_1218 : vector<1x16xf32> to vector<16xf32>
        %add3A_1220 = arith.addf %add3A_1174, %get3A_1219 : vector<16xf32>
        %get3A_1221 = arith.index_cast %add3A_1185 : i32 to index
        %get3A_1222 = arith.constant 112 : index
        %get3A_1223 = tpu.vector_load %arg10[%get3A_1221, %get3A_1222] {strides = array<i32>} : memref<256x128xf32, #tpu.memory_space<vmem>>, vector<1x16xf32>,
        %get3A_1224 = vector.shape_cast %get3A_1223 : vector<1x16xf32> to vector<16xf32>
        %add3A_1225 = arith.addf %add3A_1179, %get3A_1224 : vector<16xf32>
        scf.yield %add3A_1190, %add3A_1195, %add3A_1200, %add3A_1205, %add3A_1210, %add3A_1215, %add3A_1220, %add3A_1225 : vector<16xf32>, vector<16xf32>, vector<16xf32>, vector<16xf32>, vector<16xf32>, vector<16xf32>, vector<16xf32>, vector<16xf32>
      }
      %scan3A_244 = arith.constant 8 : i32
      %swap3A_245 = arith.constant 3 : i32
      %swap3A_246 = arith.index_cast %swap3A_245 : i32 to index
      %swap3A_247 = arith.constant 0 : index
      %swap3A_248 = tpu.vector_load %arg12[%swap3A_246, %swap3A_247] {strides = array<i32>} : memref<8x128xf32, #tpu.memory_space<vmem>>, vector<1x16xf32>,
      %swap3A_249 = vector.shape_cast %swap3A_248 : vector<1x16xf32> to vector<16xf32>
      %swap3A_250 = vector.shape_cast %scan3A_243#0 : vector<16xf32> to vector<1x16xf32>
      tpu.vector_store %arg12[%swap3A_246, %swap3A_247], %swap3A_250 {strides = array<i32>} : memref<8x128xf32, #tpu.memory_space<vmem>>, vector<1x16xf32>,
      %swap3A_251 = arith.constant 3 : i32
      %swap3A_252 = arith.index_cast %swap3A_251 : i32 to index
      %swap3A_253 = arith.constant 16 : index
      %swap3A_254 = tpu.vector_load %arg12[%swap3A_252, %swap3A_253] {strides = array<i32>} : memref<8x128xf32, #tpu.memory_space<vmem>>, vector<1x16xf32>,
      %swap3A_255 = vector.shape_cast %swap3A_254 : vector<1x16xf32> to vector<16xf32>
      %swap3A_256 = vector.shape_cast %scan3A_243#1 : vector<16xf32> to vector<1x16xf32>
      tpu.vector_store %arg12[%swap3A_252, %swap3A_253], %swap3A_256 {strides = array<i32>} : memref<8x128xf32, #tpu.memory_space<vmem>>, vector<1x16xf32>,
      %swap3A_257 = arith.constant 3 : i32
      %swap3A_258 = arith.index_cast %swap3A_257 : i32 to index
      %swap3A_259 = arith.constant 32 : index
      %swap3A_260 = tpu.vector_load %arg12[%swap3A_258, %swap3A_259] {strides = array<i32>} : memref<8x128xf32, #tpu.memory_space<vmem>>, vector<1x16xf32>,
      %swap3A_261 = vector.shape_cast %swap3A_260 : vector<1x16xf32> to vector<16xf32>
      %swap3A_262 = vector.shape_cast %scan3A_243#2 : vector<16xf32> to vector<1x16xf32>
      tpu.vector_store %arg12[%swap3A_258, %swap3A_259], %swap3A_262 {strides = array<i32>} : memref<8x128xf32, #tpu.memory_space<vmem>>, vector<1x16xf32>,
      %swap3A_263 = arith.constant 3 : i32
      %swap3A_264 = arith.index_cast %swap3A_263 : i32 to index
      %swap3A_265 = arith.constant 48 : index
      %swap3A_266 = tpu.vector_load %arg12[%swap3A_264, %swap3A_265] {strides = array<i32>} : memref<8x128xf32, #tpu.memory_space<vmem>>, vector<1x16xf32>,
      %swap3A_267 = vector.shape_cast %swap3A_266 : vector<1x16xf32> to vector<16xf32>
      %swap3A_268 = vector.shape_cast %scan3A_243#3 : vector<16xf32> to vector<1x16xf32>
      tpu.vector_store %arg12[%swap3A_264, %swap3A_265], %swap3A_268 {strides = array<i32>} : memref<8x128xf32, #tpu.memory_space<vmem>>, vector<1x16xf32>,
      %swap3A_269 = arith.constant 3 : i32
      %swap3A_270 = arith.index_cast %swap3A_269 : i32 to index
      %swap3A_271 = arith.constant 64 : index
      %swap3A_272 = tpu.vector_load %arg12[%swap3A_270, %swap3A_271] {strides = array<i32>} : memref<8x128xf32, #tpu.memory_space<vmem>>, vector<1x16xf32>,
      %swap3A_273 = vector.shape_cast %swap3A_272 : vector<1x16xf32> to vector<16xf32>
      %swap3A_274 = vector.shape_cast %scan3A_243#4 : vector<16xf32> to vector<1x16xf32>
      tpu.vector_store %arg12[%swap3A_270, %swap3A_271], %swap3A_274 {strides = array<i32>} : memref<8x128xf32, #tpu.memory_space<vmem>>, vector<1x16xf32>,
      %swap3A_275 = arith.constant 3 : i32
      %swap3A_276 = arith.index_cast %swap3A_275 : i32 to index
      %swap3A_277 = arith.constant 80 : index
      %swap3A_278 = tpu.vector_load %arg12[%swap3A_276, %swap3A_277] {strides = array<i32>} : memref<8x128xf32, #tpu.memory_space<vmem>>, vector<1x16xf32>,
      %swap3A_279 = vector.shape_cast %swap3A_278 : vector<1x16xf32> to vector<16xf32>
      %swap3A_280 = vector.shape_cast %scan3A_243#5 : vector<16xf32> to vector<1x16xf32>
      tpu.vector_store %arg12[%swap3A_276, %swap3A_277], %swap3A_280 {strides = array<i32>} : memref<8x128xf32, #tpu.memory_space<vmem>>, vector<1x16xf32>,
      %swap3A_281 = arith.constant 3 : i32
      %swap3A_282 = arith.index_cast %swap3A_281 : i32 to index
      %swap3A_283 = arith.constant 96 : index
      %swap3A_284 = tpu.vector_load %arg12[%swap3A_282, %swap3A_283] {strides = array<i32>} : memref<8x128xf32, #tpu.memory_space<vmem>>, vector<1x16xf32>,
      %swap3A_285 = vector.shape_cast %swap3A_284 : vector<1x16xf32> to vector<16xf32>
      %swap3A_286 = vector.shape_cast %scan3A_243#6 : vector<16xf32> to vector<1x16xf32>
      tpu.vector_store %arg12[%swap3A_282, %swap3A_283], %swap3A_286 {strides = array<i32>} : memref<8x128xf32, #tpu.memory_space<vmem>>, vector<1x16xf32>,
      %swap3A_287 = arith.constant 3 : i32
      %swap3A_288 = arith.index_cast %swap3A_287 : i32 to index
      %swap3A_289 = arith.constant 112 : index
      %swap3A_290 = tpu.vector_load %arg12[%swap3A_288, %swap3A_289] {strides = array<i32>} : memref<8x128xf32, #tpu.memory_space<vmem>>, vector<1x16xf32>,
      %swap3A_291 = vector.shape_cast %swap3A_290 : vector<1x16xf32> to vector<16xf32>
      %swap3A_292 = vector.shape_cast %scan3A_243#7 : vector<16xf32> to vector<1x16xf32>
      tpu.vector_store %arg12[%swap3A_288, %swap3A_289], %swap3A_292 {strides = array<i32>} : memref<8x128xf32, #tpu.memory_space<vmem>>, vector<1x16xf32>,
      %broadcast_in_dim3A_293 = arith.constant 0.000000e+00 : f32
      %broadcast_in_dim3A_294 = vector.broadcast %broadcast_in_dim3A_293 : f32 to vector<16xf32>
      %scan3A_295 = arith.constant 0 : i32
      %scan3A_296 = arith.constant 8 : i32
      %scan3A_297 = arith.addi %scan3A_295, %scan3A_296 : i32
      %scan3A_298 = arith.constant 1 : i32
      %scan3A_299:8 = scf.for %scan3A_1034 = %scan3A_295 to %scan3A_297 step %scan3A_298 iter_args(%scan3A_1035 = %broadcast_in_dim3A_294, %scan3A_1036 = %broadcast_in_dim3A_294, %scan3A_1037 = %broadcast_in_dim3A_294, %scan3A_1038 = %broadcast_in_dim3A_294, %scan3A_1039 = %broadcast_in_dim3A_294, %scan3A_1040 = %broadcast_in_dim3A_294, %scan3A_1041 = %broadcast_in_dim3A_294, %scan3A_1042 = %broadcast_in_dim3A_294) -> (vector<16xf32>, vector<16xf32>, vector<16xf32>, vector<16xf32>, vector<16xf32>, vector<16xf32>, vector<16xf32>, vector<16xf32>)  : i32 {
        %mul3A_1043 = arith.constant 4 : i32
        %mul3A_1044 = arith.muli %scan3A_1034, %mul3A_1043 : i32
        %add3A_1045 = arith.constant 128 : i32
        %add3A_1046 = arith.addi %add3A_1045, %mul3A_1044 : i32
        %add3A_1047 = arith.constant 0 : i32
        %add3A_1048 = arith.addi %add3A_1046, %add3A_1047 : i32
        %get3A = arith.index_cast %add3A_1048 : i32 to index
        %get3A_1049 = arith.constant 0 : index
        %get3A_1050 = tpu.vector_load %arg10[%get3A, %get3A_1049] {strides = array<i32>} : memref<256x128xf32, #tpu.memory_space<vmem>>, vector<1x16xf32>,
        %get3A_1051 = vector.shape_cast %get3A_1050 : vector<1x16xf32> to vector<16xf32>
        %add3A_1052 = arith.addf %scan3A_1035, %get3A_1051 : vector<16xf32>
        %get3A_1053 = arith.index_cast %add3A_1048 : i32 to index
        %get3A_1054 = arith.constant 16 : index
        %get3A_1055 = tpu.vector_load %arg10[%get3A_1053, %get3A_1054] {strides = array<i32>} : memref<256x128xf32, #tpu.memory_space<vmem>>, vector<1x16xf32>,
        %get3A_1056 = vector.shape_cast %get3A_1055 : vector<1x16xf32> to vector<16xf32>
        %add3A_1057 = arith.addf %scan3A_1036, %get3A_1056 : vector<16xf32>
        %get3A_1058 = arith.index_cast %add3A_1048 : i32 to index
        %get3A_1059 = arith.constant 32 : index
        %get3A_1060 = tpu.vector_load %arg10[%get3A_1058, %get3A_1059] {strides = array<i32>} : memref<256x128xf32, #tpu.memory_space<vmem>>, vector<1x16xf32>,
        %get3A_1061 = vector.shape_cast %get3A_1060 : vector<1x16xf32> to vector<16xf32>
        %add3A_1062 = arith.addf %scan3A_1037, %get3A_1061 : vector<16xf32>
        %get3A_1063 = arith.index_cast %add3A_1048 : i32 to index
        %get3A_1064 = arith.constant 48 : index
        %get3A_1065 = tpu.vector_load %arg10[%get3A_1063, %get3A_1064] {strides = array<i32>} : memref<256x128xf32, #tpu.memory_space<vmem>>, vector<1x16xf32>,
        %get3A_1066 = vector.shape_cast %get3A_1065 : vector<1x16xf32> to vector<16xf32>
        %add3A_1067 = arith.addf %scan3A_1038, %get3A_1066 : vector<16xf32>
        %get3A_1068 = arith.index_cast %add3A_1048 : i32 to index
        %get3A_1069 = arith.constant 64 : index
        %get3A_1070 = tpu.vector_load %arg10[%get3A_1068, %get3A_1069] {strides = array<i32>} : memref<256x128xf32, #tpu.memory_space<vmem>>, vector<1x16xf32>,
        %get3A_1071 = vector.shape_cast %get3A_1070 : vector<1x16xf32> to vector<16xf32>
        %add3A_1072 = arith.addf %scan3A_1039, %get3A_1071 : vector<16xf32>
        %get3A_1073 = arith.index_cast %add3A_1048 : i32 to index
        %get3A_1074 = arith.constant 80 : index
        %get3A_1075 = tpu.vector_load %arg10[%get3A_1073, %get3A_1074] {strides = array<i32>} : memref<256x128xf32, #tpu.memory_space<vmem>>, vector<1x16xf32>,
        %get3A_1076 = vector.shape_cast %get3A_1075 : vector<1x16xf32> to vector<16xf32>
        %add3A_1077 = arith.addf %scan3A_1040, %get3A_1076 : vector<16xf32>
        %get3A_1078 = arith.index_cast %add3A_1048 : i32 to index
        %get3A_1079 = arith.constant 96 : index
        %get3A_1080 = tpu.vector_load %arg10[%get3A_1078, %get3A_1079] {strides = array<i32>} : memref<256x128xf32, #tpu.memory_space<vmem>>, vector<1x16xf32>,
        %get3A_1081 = vector.shape_cast %get3A_1080 : vector<1x16xf32> to vector<16xf32>
        %add3A_1082 = arith.addf %scan3A_1041, %get3A_1081 : vector<16xf32>
        %get3A_1083 = arith.index_cast %add3A_1048 : i32 to index
        %get3A_1084 = arith.constant 112 : index
        %get3A_1085 = tpu.vector_load %arg10[%get3A_1083, %get3A_1084] {strides = array<i32>} : memref<256x128xf32, #tpu.memory_space<vmem>>, vector<1x16xf32>,
        %get3A_1086 = vector.shape_cast %get3A_1085 : vector<1x16xf32> to vector<16xf32>
        %add3A_1087 = arith.addf %scan3A_1042, %get3A_1086 : vector<16xf32>
        %mul3A_1088 = arith.constant 4 : i32
        %mul3A_1089 = arith.muli %scan3A_1034, %mul3A_1088 : i32
        %add3A_1090 = arith.constant 128 : i32
        %add3A_1091 = arith.addi %add3A_1090, %mul3A_1089 : i32
        %add3A_1092 = arith.constant 1 : i32
        %add3A_1093 = arith.addi %add3A_1091, %add3A_1092 : i32
        %get3A_1094 = arith.index_cast %add3A_1093 : i32 to index
        %get3A_1095 = arith.constant 0 : index
        %get3A_1096 = tpu.vector_load %arg10[%get3A_1094, %get3A_1095] {strides = array<i32>} : memref<256x128xf32, #tpu.memory_space<vmem>>, vector<1x16xf32>,
        %get3A_1097 = vector.shape_cast %get3A_1096 : vector<1x16xf32> to vector<16xf32>
        %add3A_1098 = arith.addf %add3A_1052, %get3A_1097 : vector<16xf32>
        %get3A_1099 = arith.index_cast %add3A_1093 : i32 to index
        %get3A_1100 = arith.constant 16 : index
        %get3A_1101 = tpu.vector_load %arg10[%get3A_1099, %get3A_1100] {strides = array<i32>} : memref<256x128xf32, #tpu.memory_space<vmem>>, vector<1x16xf32>,
        %get3A_1102 = vector.shape_cast %get3A_1101 : vector<1x16xf32> to vector<16xf32>
        %add3A_1103 = arith.addf %add3A_1057, %get3A_1102 : vector<16xf32>
        %get3A_1104 = arith.index_cast %add3A_1093 : i32 to index
        %get3A_1105 = arith.constant 32 : index
        %get3A_1106 = tpu.vector_load %arg10[%get3A_1104, %get3A_1105] {strides = array<i32>} : memref<256x128xf32, #tpu.memory_space<vmem>>, vector<1x16xf32>,
        %get3A_1107 = vector.shape_cast %get3A_1106 : vector<1x16xf32> to vector<16xf32>
        %add3A_1108 = arith.addf %add3A_1062, %get3A_1107 : vector<16xf32>
        %get3A_1109 = arith.index_cast %add3A_1093 : i32 to index
        %get3A_1110 = arith.constant 48 : index
        %get3A_1111 = tpu.vector_load %arg10[%get3A_1109, %get3A_1110] {strides = array<i32>} : memref<256x128xf32, #tpu.memory_space<vmem>>, vector<1x16xf32>,
        %get3A_1112 = vector.shape_cast %get3A_1111 : vector<1x16xf32> to vector<16xf32>
        %add3A_1113 = arith.addf %add3A_1067, %get3A_1112 : vector<16xf32>
        %get3A_1114 = arith.index_cast %add3A_1093 : i32 to index
        %get3A_1115 = arith.constant 64 : index
        %get3A_1116 = tpu.vector_load %arg10[%get3A_1114, %get3A_1115] {strides = array<i32>} : memref<256x128xf32, #tpu.memory_space<vmem>>, vector<1x16xf32>,
        %get3A_1117 = vector.shape_cast %get3A_1116 : vector<1x16xf32> to vector<16xf32>
        %add3A_1118 = arith.addf %add3A_1072, %get3A_1117 : vector<16xf32>
        %get3A_1119 = arith.index_cast %add3A_1093 : i32 to index
        %get3A_1120 = arith.constant 80 : index
        %get3A_1121 = tpu.vector_load %arg10[%get3A_1119, %get3A_1120] {strides = array<i32>} : memref<256x128xf32, #tpu.memory_space<vmem>>, vector<1x16xf32>,
        %get3A_1122 = vector.shape_cast %get3A_1121 : vector<1x16xf32> to vector<16xf32>
        %add3A_1123 = arith.addf %add3A_1077, %get3A_1122 : vector<16xf32>
        %get3A_1124 = arith.index_cast %add3A_1093 : i32 to index
        %get3A_1125 = arith.constant 96 : index
        %get3A_1126 = tpu.vector_load %arg10[%get3A_1124, %get3A_1125] {strides = array<i32>} : memref<256x128xf32, #tpu.memory_space<vmem>>, vector<1x16xf32>,
        %get3A_1127 = vector.shape_cast %get3A_1126 : vector<1x16xf32> to vector<16xf32>
        %add3A_1128 = arith.addf %add3A_1082, %get3A_1127 : vector<16xf32>
        %get3A_1129 = arith.index_cast %add3A_1093 : i32 to index
        %get3A_1130 = arith.constant 112 : index
        %get3A_1131 = tpu.vector_load %arg10[%get3A_1129, %get3A_1130] {strides = array<i32>} : memref<256x128xf32, #tpu.memory_space<vmem>>, vector<1x16xf32>,
        %get3A_1132 = vector.shape_cast %get3A_1131 : vector<1x16xf32> to vector<16xf32>
        %add3A_1133 = arith.addf %add3A_1087, %get3A_1132 : vector<16xf32>
        %mul3A_1134 = arith.constant 4 : i32
        %mul3A_1135 = arith.muli %scan3A_1034, %mul3A_1134 : i32
        %add3A_1136 = arith.constant 128 : i32
        %add3A_1137 = arith.addi %add3A_1136, %mul3A_1135 : i32
        %add3A_1138 = arith.constant 2 : i32
        %add3A_1139 = arith.addi %add3A_1137, %add3A_1138 : i32
        %get3A_1140 = arith.index_cast %add3A_1139 : i32 to index
        %get3A_1141 = arith.constant 0 : index
        %get3A_1142 = tpu.vector_load %arg10[%get3A_1140, %get3A_1141] {strides = array<i32>} : memref<256x128xf32, #tpu.memory_space<vmem>>, vector<1x16xf32>,
        %get3A_1143 = vector.shape_cast %get3A_1142 : vector<1x16xf32> to vector<16xf32>
        %add3A_1144 = arith.addf %add3A_1098, %get3A_1143 : vector<16xf32>
        %get3A_1145 = arith.index_cast %add3A_1139 : i32 to index
        %get3A_1146 = arith.constant 16 : index
        %get3A_1147 = tpu.vector_load %arg10[%get3A_1145, %get3A_1146] {strides = array<i32>} : memref<256x128xf32, #tpu.memory_space<vmem>>, vector<1x16xf32>,
        %get3A_1148 = vector.shape_cast %get3A_1147 : vector<1x16xf32> to vector<16xf32>
        %add3A_1149 = arith.addf %add3A_1103, %get3A_1148 : vector<16xf32>
        %get3A_1150 = arith.index_cast %add3A_1139 : i32 to index
        %get3A_1151 = arith.constant 32 : index
        %get3A_1152 = tpu.vector_load %arg10[%get3A_1150, %get3A_1151] {strides = array<i32>} : memref<256x128xf32, #tpu.memory_space<vmem>>, vector<1x16xf32>,
        %get3A_1153 = vector.shape_cast %get3A_1152 : vector<1x16xf32> to vector<16xf32>
        %add3A_1154 = arith.addf %add3A_1108, %get3A_1153 : vector<16xf32>
        %get3A_1155 = arith.index_cast %add3A_1139 : i32 to index
        %get3A_1156 = arith.constant 48 : index
        %get3A_1157 = tpu.vector_load %arg10[%get3A_1155, %get3A_1156] {strides = array<i32>} : memref<256x128xf32, #tpu.memory_space<vmem>>, vector<1x16xf32>,
        %get3A_1158 = vector.shape_cast %get3A_1157 : vector<1x16xf32> to vector<16xf32>
        %add3A_1159 = arith.addf %add3A_1113, %get3A_1158 : vector<16xf32>
        %get3A_1160 = arith.index_cast %add3A_1139 : i32 to index
        %get3A_1161 = arith.constant 64 : index
        %get3A_1162 = tpu.vector_load %arg10[%get3A_1160, %get3A_1161] {strides = array<i32>} : memref<256x128xf32, #tpu.memory_space<vmem>>, vector<1x16xf32>,
        %get3A_1163 = vector.shape_cast %get3A_1162 : vector<1x16xf32> to vector<16xf32>
        %add3A_1164 = arith.addf %add3A_1118, %get3A_1163 : vector<16xf32>
        %get3A_1165 = arith.index_cast %add3A_1139 : i32 to index
        %get3A_1166 = arith.constant 80 : index
        %get3A_1167 = tpu.vector_load %arg10[%get3A_1165, %get3A_1166] {strides = array<i32>} : memref<256x128xf32, #tpu.memory_space<vmem>>, vector<1x16xf32>,
        %get3A_1168 = vector.shape_cast %get3A_1167 : vector<1x16xf32> to vector<16xf32>
        %add3A_1169 = arith.addf %add3A_1123, %get3A_1168 : vector<16xf32>
        %get3A_1170 = arith.index_cast %add3A_1139 : i32 to index
        %get3A_1171 = arith.constant 96 : index
        %get3A_1172 = tpu.vector_load %arg10[%get3A_1170, %get3A_1171] {strides = array<i32>} : memref<256x128xf32, #tpu.memory_space<vmem>>, vector<1x16xf32>,
        %get3A_1173 = vector.shape_cast %get3A_1172 : vector<1x16xf32> to vector<16xf32>
        %add3A_1174 = arith.addf %add3A_1128, %get3A_1173 : vector<16xf32>
        %get3A_1175 = arith.index_cast %add3A_1139 : i32 to index
        %get3A_1176 = arith.constant 112 : index
        %get3A_1177 = tpu.vector_load %arg10[%get3A_1175, %get3A_1176] {strides = array<i32>} : memref<256x128xf32, #tpu.memory_space<vmem>>, vector<1x16xf32>,
        %get3A_1178 = vector.shape_cast %get3A_1177 : vector<1x16xf32> to vector<16xf32>
        %add3A_1179 = arith.addf %add3A_1133, %get3A_1178 : vector<16xf32>
        %mul3A_1180 = arith.constant 4 : i32
        %mul3A_1181 = arith.muli %scan3A_1034, %mul3A_1180 : i32
        %add3A_1182 = arith.constant 128 : i32
        %add3A_1183 = arith.addi %add3A_1182, %mul3A_1181 : i32
        %add3A_1184 = arith.constant 3 : i32
        %add3A_1185 = arith.addi %add3A_1183, %add3A_1184 : i32
        %get3A_1186 = arith.index_cast %add3A_1185 : i32 to index
        %get3A_1187 = arith.constant 0 : index
        %get3A_1188 = tpu.vector_load %arg10[%get3A_1186, %get3A_1187] {strides = array<i32>} : memref<256x128xf32, #tpu.memory_space<vmem>>, vector<1x16xf32>,
        %get3A_1189 = vector.shape_cast %get3A_1188 : vector<1x16xf32> to vector<16xf32>
        %add3A_1190 = arith.addf %add3A_1144, %get3A_1189 : vector<16xf32>
        %get3A_1191 = arith.index_cast %add3A_1185 : i32 to index
        %get3A_1192 = arith.constant 16 : index
        %get3A_1193 = tpu.vector_load %arg10[%get3A_1191, %get3A_1192] {strides = array<i32>} : memref<256x128xf32, #tpu.memory_space<vmem>>, vector<1x16xf32>,
        %get3A_1194 = vector.shape_cast %get3A_1193 : vector<1x16xf32> to vector<16xf32>
        %add3A_1195 = arith.addf %add3A_1149, %get3A_1194 : vector<16xf32>
        %get3A_1196 = arith.index_cast %add3A_1185 : i32 to index
        %get3A_1197 = arith.constant 32 : index
        %get3A_1198 = tpu.vector_load %arg10[%get3A_1196, %get3A_1197] {strides = array<i32>} : memref<256x128xf32, #tpu.memory_space<vmem>>, vector<1x16xf32>,
        %get3A_1199 = vector.shape_cast %get3A_1198 : vector<1x16xf32> to vector<16xf32>
        %add3A_1200 = arith.addf %add3A_1154, %get3A_1199 : vector<16xf32>
        %get3A_1201 = arith.index_cast %add3A_1185 : i32 to index
        %get3A_1202 = arith.constant 48 : index
        %get3A_1203 = tpu.vector_load %arg10[%get3A_1201, %get3A_1202] {strides = array<i32>} : memref<256x128xf32, #tpu.memory_space<vmem>>, vector<1x16xf32>,
        %get3A_1204 = vector.shape_cast %get3A_1203 : vector<1x16xf32> to vector<16xf32>
        %add3A_1205 = arith.addf %add3A_1159, %get3A_1204 : vector<16xf32>
        %get3A_1206 = arith.index_cast %add3A_1185 : i32 to index
        %get3A_1207 = arith.constant 64 : index
        %get3A_1208 = tpu.vector_load %arg10[%get3A_1206, %get3A_1207] {strides = array<i32>} : memref<256x128xf32, #tpu.memory_space<vmem>>, vector<1x16xf32>,
        %get3A_1209 = vector.shape_cast %get3A_1208 : vector<1x16xf32> to vector<16xf32>
        %add3A_1210 = arith.addf %add3A_1164, %get3A_1209 : vector<16xf32>
        %get3A_1211 = arith.index_cast %add3A_1185 : i32 to index
        %get3A_1212 = arith.constant 80 : index
        %get3A_1213 = tpu.vector_load %arg10[%get3A_1211, %get3A_1212] {strides = array<i32>} : memref<256x128xf32, #tpu.memory_space<vmem>>, vector<1x16xf32>,
        %get3A_1214 = vector.shape_cast %get3A_1213 : vector<1x16xf32> to vector<16xf32>
        %add3A_1215 = arith.addf %add3A_1169, %get3A_1214 : vector<16xf32>
        %get3A_1216 = arith.index_cast %add3A_1185 : i32 to index
        %get3A_1217 = arith.constant 96 : index
        %get3A_1218 = tpu.vector_load %arg10[%get3A_1216, %get3A_1217] {strides = array<i32>} : memref<256x128xf32, #tpu.memory_space<vmem>>, vector<1x16xf32>,
        %get3A_1219 = vector.shape_cast %get3A_1218 : vector<1x16xf32> to vector<16xf32>
        %add3A_1220 = arith.addf %add3A_1174, %get3A_1219 : vector<16xf32>
        %get3A_1221 = arith.index_cast %add3A_1185 : i32 to index
        %get3A_1222 = arith.constant 112 : index
        %get3A_1223 = tpu.vector_load %arg10[%get3A_1221, %get3A_1222] {strides = array<i32>} : memref<256x128xf32, #tpu.memory_space<vmem>>, vector<1x16xf32>,
        %get3A_1224 = vector.shape_cast %get3A_1223 : vector<1x16xf32> to vector<16xf32>
        %add3A_1225 = arith.addf %add3A_1179, %get3A_1224 : vector<16xf32>
        scf.yield %add3A_1190, %add3A_1195, %add3A_1200, %add3A_1205, %add3A_1210, %add3A_1215, %add3A_1220, %add3A_1225 : vector<16xf32>, vector<16xf32>, vector<16xf32>, vector<16xf32>, vector<16xf32>, vector<16xf32>, vector<16xf32>, vector<16xf32>
      }
      %scan3A_300 = arith.constant 8 : i32
      %swap3A_301 = arith.constant 4 : i32
      %swap3A_302 = arith.index_cast %swap3A_301 : i32 to index
      %swap3A_303 = arith.constant 0 : index
      %swap3A_304 = tpu.vector_load %arg12[%swap3A_302, %swap3A_303] {strides = array<i32>} : memref<8x128xf32, #tpu.memory_space<vmem>>, vector<1x16xf32>,
      %swap3A_305 = vector.shape_cast %swap3A_304 : vector<1x16xf32> to vector<16xf32>
      %swap3A_306 = vector.shape_cast %scan3A_299#0 : vector<16xf32> to vector<1x16xf32>
      tpu.vector_store %arg12[%swap3A_302, %swap3A_303], %swap3A_306 {strides = array<i32>} : memref<8x128xf32, #tpu.memory_space<vmem>>, vector<1x16xf32>,
      %swap3A_307 = arith.constant 4 : i32
      %swap3A_308 = arith.index_cast %swap3A_307 : i32 to index
      %swap3A_309 = arith.constant 16 : index
      %swap3A_310 = tpu.vector_load %arg12[%swap3A_308, %swap3A_309] {strides = array<i32>} : memref<8x128xf32, #tpu.memory_space<vmem>>, vector<1x16xf32>,
      %swap3A_311 = vector.shape_cast %swap3A_310 : vector<1x16xf32> to vector<16xf32>
      %swap3A_312 = vector.shape_cast %scan3A_299#1 : vector<16xf32> to vector<1x16xf32>
      tpu.vector_store %arg12[%swap3A_308, %swap3A_309], %swap3A_312 {strides = array<i32>} : memref<8x128xf32, #tpu.memory_space<vmem>>, vector<1x16xf32>,
      %swap3A_313 = arith.constant 4 : i32
      %swap3A_314 = arith.index_cast %swap3A_313 : i32 to index
      %swap3A_315 = arith.constant 32 : index
      %swap3A_316 = tpu.vector_load %arg12[%swap3A_314, %swap3A_315] {strides = array<i32>} : memref<8x128xf32, #tpu.memory_space<vmem>>, vector<1x16xf32>,
      %swap3A_317 = vector.shape_cast %swap3A_316 : vector<1x16xf32> to vector<16xf32>
      %swap3A_318 = vector.shape_cast %scan3A_299#2 : vector<16xf32> to vector<1x16xf32>
      tpu.vector_store %arg12[%swap3A_314, %swap3A_315], %swap3A_318 {strides = array<i32>} : memref<8x128xf32, #tpu.memory_space<vmem>>, vector<1x16xf32>,
      %swap3A_319 = arith.constant 4 : i32
      %swap3A_320 = arith.index_cast %swap3A_319 : i32 to index
      %swap3A_321 = arith.constant 48 : index
      %swap3A_322 = tpu.vector_load %arg12[%swap3A_320, %swap3A_321] {strides = array<i32>} : memref<8x128xf32, #tpu.memory_space<vmem>>, vector<1x16xf32>,
      %swap3A_323 = vector.shape_cast %swap3A_322 : vector<1x16xf32> to vector<16xf32>
      %swap3A_324 = vector.shape_cast %scan3A_299#3 : vector<16xf32> to vector<1x16xf32>
      tpu.vector_store %arg12[%swap3A_320, %swap3A_321], %swap3A_324 {strides = array<i32>} : memref<8x128xf32, #tpu.memory_space<vmem>>, vector<1x16xf32>,
      %swap3A_325 = arith.constant 4 : i32
      %swap3A_326 = arith.index_cast %swap3A_325 : i32 to index
      %swap3A_327 = arith.constant 64 : index
      %swap3A_328 = tpu.vector_load %arg12[%swap3A_326, %swap3A_327] {strides = array<i32>} : memref<8x128xf32, #tpu.memory_space<vmem>>, vector<1x16xf32>,
      %swap3A_329 = vector.shape_cast %swap3A_328 : vector<1x16xf32> to vector<16xf32>
      %swap3A_330 = vector.shape_cast %scan3A_299#4 : vector<16xf32> to vector<1x16xf32>
      tpu.vector_store %arg12[%swap3A_326, %swap3A_327], %swap3A_330 {strides = array<i32>} : memref<8x128xf32, #tpu.memory_space<vmem>>, vector<1x16xf32>,
      %swap3A_331 = arith.constant 4 : i32
      %swap3A_332 = arith.index_cast %swap3A_331 : i32 to index
      %swap3A_333 = arith.constant 80 : index
      %swap3A_334 = tpu.vector_load %arg12[%swap3A_332, %swap3A_333] {strides = array<i32>} : memref<8x128xf32, #tpu.memory_space<vmem>>, vector<1x16xf32>,
      %swap3A_335 = vector.shape_cast %swap3A_334 : vector<1x16xf32> to vector<16xf32>
      %swap3A_336 = vector.shape_cast %scan3A_299#5 : vector<16xf32> to vector<1x16xf32>
      tpu.vector_store %arg12[%swap3A_332, %swap3A_333], %swap3A_336 {strides = array<i32>} : memref<8x128xf32, #tpu.memory_space<vmem>>, vector<1x16xf32>,
      %swap3A_337 = arith.constant 4 : i32
      %swap3A_338 = arith.index_cast %swap3A_337 : i32 to index
      %swap3A_339 = arith.constant 96 : index
      %swap3A_340 = tpu.vector_load %arg12[%swap3A_338, %swap3A_339] {strides = array<i32>} : memref<8x128xf32, #tpu.memory_space<vmem>>, vector<1x16xf32>,
      %swap3A_341 = vector.shape_cast %swap3A_340 : vector<1x16xf32> to vector<16xf32>
      %swap3A_342 = vector.shape_cast %scan3A_299#6 : vector<16xf32> to vector<1x16xf32>
      tpu.vector_store %arg12[%swap3A_338, %swap3A_339], %swap3A_342 {strides = array<i32>} : memref<8x128xf32, #tpu.memory_space<vmem>>, vector<1x16xf32>,
      %swap3A_343 = arith.constant 4 : i32
      %swap3A_344 = arith.index_cast %swap3A_343 : i32 to index
      %swap3A_345 = arith.constant 112 : index
      %swap3A_346 = tpu.vector_load %arg12[%swap3A_344, %swap3A_345] {strides = array<i32>} : memref<8x128xf32, #tpu.memory_space<vmem>>, vector<1x16xf32>,
      %swap3A_347 = vector.shape_cast %swap3A_346 : vector<1x16xf32> to vector<16xf32>
      %swap3A_348 = vector.shape_cast %scan3A_299#7 : vector<16xf32> to vector<1x16xf32>
      tpu.vector_store %arg12[%swap3A_344, %swap3A_345], %swap3A_348 {strides = array<i32>} : memref<8x128xf32, #tpu.memory_space<vmem>>, vector<1x16xf32>,
      %broadcast_in_dim3A_349 = arith.constant 0.000000e+00 : f32
      %broadcast_in_dim3A_350 = vector.broadcast %broadcast_in_dim3A_349 : f32 to vector<16xf32>
      %scan3A_351 = arith.constant 0 : i32
      %scan3A_352 = arith.constant 8 : i32
      %scan3A_353 = arith.addi %scan3A_351, %scan3A_352 : i32
      %scan3A_354 = arith.constant 1 : i32
      %scan3A_355:8 = scf.for %scan3A_1034 = %scan3A_351 to %scan3A_353 step %scan3A_354 iter_args(%scan3A_1035 = %broadcast_in_dim3A_350, %scan3A_1036 = %broadcast_in_dim3A_350, %scan3A_1037 = %broadcast_in_dim3A_350, %scan3A_1038 = %broadcast_in_dim3A_350, %scan3A_1039 = %broadcast_in_dim3A_350, %scan3A_1040 = %broadcast_in_dim3A_350, %scan3A_1041 = %broadcast_in_dim3A_350, %scan3A_1042 = %broadcast_in_dim3A_350) -> (vector<16xf32>, vector<16xf32>, vector<16xf32>, vector<16xf32>, vector<16xf32>, vector<16xf32>, vector<16xf32>, vector<16xf32>)  : i32 {
        %mul3A_1043 = arith.constant 4 : i32
        %mul3A_1044 = arith.muli %scan3A_1034, %mul3A_1043 : i32
        %add3A_1045 = arith.constant 160 : i32
        %add3A_1046 = arith.addi %add3A_1045, %mul3A_1044 : i32
        %add3A_1047 = arith.constant 0 : i32
        %add3A_1048 = arith.addi %add3A_1046, %add3A_1047 : i32
        %get3A = arith.index_cast %add3A_1048 : i32 to index
        %get3A_1049 = arith.constant 0 : index
        %get3A_1050 = tpu.vector_load %arg10[%get3A, %get3A_1049] {strides = array<i32>} : memref<256x128xf32, #tpu.memory_space<vmem>>, vector<1x16xf32>,
        %get3A_1051 = vector.shape_cast %get3A_1050 : vector<1x16xf32> to vector<16xf32>
        %add3A_1052 = arith.addf %scan3A_1035, %get3A_1051 : vector<16xf32>
        %get3A_1053 = arith.index_cast %add3A_1048 : i32 to index
        %get3A_1054 = arith.constant 16 : index
        %get3A_1055 = tpu.vector_load %arg10[%get3A_1053, %get3A_1054] {strides = array<i32>} : memref<256x128xf32, #tpu.memory_space<vmem>>, vector<1x16xf32>,
        %get3A_1056 = vector.shape_cast %get3A_1055 : vector<1x16xf32> to vector<16xf32>
        %add3A_1057 = arith.addf %scan3A_1036, %get3A_1056 : vector<16xf32>
        %get3A_1058 = arith.index_cast %add3A_1048 : i32 to index
        %get3A_1059 = arith.constant 32 : index
        %get3A_1060 = tpu.vector_load %arg10[%get3A_1058, %get3A_1059] {strides = array<i32>} : memref<256x128xf32, #tpu.memory_space<vmem>>, vector<1x16xf32>,
        %get3A_1061 = vector.shape_cast %get3A_1060 : vector<1x16xf32> to vector<16xf32>
        %add3A_1062 = arith.addf %scan3A_1037, %get3A_1061 : vector<16xf32>
        %get3A_1063 = arith.index_cast %add3A_1048 : i32 to index
        %get3A_1064 = arith.constant 48 : index
        %get3A_1065 = tpu.vector_load %arg10[%get3A_1063, %get3A_1064] {strides = array<i32>} : memref<256x128xf32, #tpu.memory_space<vmem>>, vector<1x16xf32>,
        %get3A_1066 = vector.shape_cast %get3A_1065 : vector<1x16xf32> to vector<16xf32>
        %add3A_1067 = arith.addf %scan3A_1038, %get3A_1066 : vector<16xf32>
        %get3A_1068 = arith.index_cast %add3A_1048 : i32 to index
        %get3A_1069 = arith.constant 64 : index
        %get3A_1070 = tpu.vector_load %arg10[%get3A_1068, %get3A_1069] {strides = array<i32>} : memref<256x128xf32, #tpu.memory_space<vmem>>, vector<1x16xf32>,
        %get3A_1071 = vector.shape_cast %get3A_1070 : vector<1x16xf32> to vector<16xf32>
        %add3A_1072 = arith.addf %scan3A_1039, %get3A_1071 : vector<16xf32>
        %get3A_1073 = arith.index_cast %add3A_1048 : i32 to index
        %get3A_1074 = arith.constant 80 : index
        %get3A_1075 = tpu.vector_load %arg10[%get3A_1073, %get3A_1074] {strides = array<i32>} : memref<256x128xf32, #tpu.memory_space<vmem>>, vector<1x16xf32>,
        %get3A_1076 = vector.shape_cast %get3A_1075 : vector<1x16xf32> to vector<16xf32>
        %add3A_1077 = arith.addf %scan3A_1040, %get3A_1076 : vector<16xf32>
        %get3A_1078 = arith.index_cast %add3A_1048 : i32 to index
        %get3A_1079 = arith.constant 96 : index
        %get3A_1080 = tpu.vector_load %arg10[%get3A_1078, %get3A_1079] {strides = array<i32>} : memref<256x128xf32, #tpu.memory_space<vmem>>, vector<1x16xf32>,
        %get3A_1081 = vector.shape_cast %get3A_1080 : vector<1x16xf32> to vector<16xf32>
        %add3A_1082 = arith.addf %scan3A_1041, %get3A_1081 : vector<16xf32>
        %get3A_1083 = arith.index_cast %add3A_1048 : i32 to index
        %get3A_1084 = arith.constant 112 : index
        %get3A_1085 = tpu.vector_load %arg10[%get3A_1083, %get3A_1084] {strides = array<i32>} : memref<256x128xf32, #tpu.memory_space<vmem>>, vector<1x16xf32>,
        %get3A_1086 = vector.shape_cast %get3A_1085 : vector<1x16xf32> to vector<16xf32>
        %add3A_1087 = arith.addf %scan3A_1042, %get3A_1086 : vector<16xf32>
        %mul3A_1088 = arith.constant 4 : i32
        %mul3A_1089 = arith.muli %scan3A_1034, %mul3A_1088 : i32
        %add3A_1090 = arith.constant 160 : i32
        %add3A_1091 = arith.addi %add3A_1090, %mul3A_1089 : i32
        %add3A_1092 = arith.constant 1 : i32
        %add3A_1093 = arith.addi %add3A_1091, %add3A_1092 : i32
        %get3A_1094 = arith.index_cast %add3A_1093 : i32 to index
        %get3A_1095 = arith.constant 0 : index
        %get3A_1096 = tpu.vector_load %arg10[%get3A_1094, %get3A_1095] {strides = array<i32>} : memref<256x128xf32, #tpu.memory_space<vmem>>, vector<1x16xf32>,
        %get3A_1097 = vector.shape_cast %get3A_1096 : vector<1x16xf32> to vector<16xf32>
        %add3A_1098 = arith.addf %add3A_1052, %get3A_1097 : vector<16xf32>
        %get3A_1099 = arith.index_cast %add3A_1093 : i32 to index
        %get3A_1100 = arith.constant 16 : index
        %get3A_1101 = tpu.vector_load %arg10[%get3A_1099, %get3A_1100] {strides = array<i32>} : memref<256x128xf32, #tpu.memory_space<vmem>>, vector<1x16xf32>,
        %get3A_1102 = vector.shape_cast %get3A_1101 : vector<1x16xf32> to vector<16xf32>
        %add3A_1103 = arith.addf %add3A_1057, %get3A_1102 : vector<16xf32>
        %get3A_1104 = arith.index_cast %add3A_1093 : i32 to index
        %get3A_1105 = arith.constant 32 : index
        %get3A_1106 = tpu.vector_load %arg10[%get3A_1104, %get3A_1105] {strides = array<i32>} : memref<256x128xf32, #tpu.memory_space<vmem>>, vector<1x16xf32>,
        %get3A_1107 = vector.shape_cast %get3A_1106 : vector<1x16xf32> to vector<16xf32>
        %add3A_1108 = arith.addf %add3A_1062, %get3A_1107 : vector<16xf32>
        %get3A_1109 = arith.index_cast %add3A_1093 : i32 to index
        %get3A_1110 = arith.constant 48 : index
        %get3A_1111 = tpu.vector_load %arg10[%get3A_1109, %get3A_1110] {strides = array<i32>} : memref<256x128xf32, #tpu.memory_space<vmem>>, vector<1x16xf32>,
        %get3A_1112 = vector.shape_cast %get3A_1111 : vector<1x16xf32> to vector<16xf32>
        %add3A_1113 = arith.addf %add3A_1067, %get3A_1112 : vector<16xf32>
        %get3A_1114 = arith.index_cast %add3A_1093 : i32 to index
        %get3A_1115 = arith.constant 64 : index
        %get3A_1116 = tpu.vector_load %arg10[%get3A_1114, %get3A_1115] {strides = array<i32>} : memref<256x128xf32, #tpu.memory_space<vmem>>, vector<1x16xf32>,
        %get3A_1117 = vector.shape_cast %get3A_1116 : vector<1x16xf32> to vector<16xf32>
        %add3A_1118 = arith.addf %add3A_1072, %get3A_1117 : vector<16xf32>
        %get3A_1119 = arith.index_cast %add3A_1093 : i32 to index
        %get3A_1120 = arith.constant 80 : index
        %get3A_1121 = tpu.vector_load %arg10[%get3A_1119, %get3A_1120] {strides = array<i32>} : memref<256x128xf32, #tpu.memory_space<vmem>>, vector<1x16xf32>,
        %get3A_1122 = vector.shape_cast %get3A_1121 : vector<1x16xf32> to vector<16xf32>
        %add3A_1123 = arith.addf %add3A_1077, %get3A_1122 : vector<16xf32>
        %get3A_1124 = arith.index_cast %add3A_1093 : i32 to index
        %get3A_1125 = arith.constant 96 : index
        %get3A_1126 = tpu.vector_load %arg10[%get3A_1124, %get3A_1125] {strides = array<i32>} : memref<256x128xf32, #tpu.memory_space<vmem>>, vector<1x16xf32>,
        %get3A_1127 = vector.shape_cast %get3A_1126 : vector<1x16xf32> to vector<16xf32>
        %add3A_1128 = arith.addf %add3A_1082, %get3A_1127 : vector<16xf32>
        %get3A_1129 = arith.index_cast %add3A_1093 : i32 to index
        %get3A_1130 = arith.constant 112 : index
        %get3A_1131 = tpu.vector_load %arg10[%get3A_1129, %get3A_1130] {strides = array<i32>} : memref<256x128xf32, #tpu.memory_space<vmem>>, vector<1x16xf32>,
        %get3A_1132 = vector.shape_cast %get3A_1131 : vector<1x16xf32> to vector<16xf32>
        %add3A_1133 = arith.addf %add3A_1087, %get3A_1132 : vector<16xf32>
        %mul3A_1134 = arith.constant 4 : i32
        %mul3A_1135 = arith.muli %scan3A_1034, %mul3A_1134 : i32
        %add3A_1136 = arith.constant 160 : i32
        %add3A_1137 = arith.addi %add3A_1136, %mul3A_1135 : i32
        %add3A_1138 = arith.constant 2 : i32
        %add3A_1139 = arith.addi %add3A_1137, %add3A_1138 : i32
        %get3A_1140 = arith.index_cast %add3A_1139 : i32 to index
        %get3A_1141 = arith.constant 0 : index
        %get3A_1142 = tpu.vector_load %arg10[%get3A_1140, %get3A_1141] {strides = array<i32>} : memref<256x128xf32, #tpu.memory_space<vmem>>, vector<1x16xf32>,
        %get3A_1143 = vector.shape_cast %get3A_1142 : vector<1x16xf32> to vector<16xf32>
        %add3A_1144 = arith.addf %add3A_1098, %get3A_1143 : vector<16xf32>
        %get3A_1145 = arith.index_cast %add3A_1139 : i32 to index
        %get3A_1146 = arith.constant 16 : index
        %get3A_1147 = tpu.vector_load %arg10[%get3A_1145, %get3A_1146] {strides = array<i32>} : memref<256x128xf32, #tpu.memory_space<vmem>>, vector<1x16xf32>,
        %get3A_1148 = vector.shape_cast %get3A_1147 : vector<1x16xf32> to vector<16xf32>
        %add3A_1149 = arith.addf %add3A_1103, %get3A_1148 : vector<16xf32>
        %get3A_1150 = arith.index_cast %add3A_1139 : i32 to index
        %get3A_1151 = arith.constant 32 : index
        %get3A_1152 = tpu.vector_load %arg10[%get3A_1150, %get3A_1151] {strides = array<i32>} : memref<256x128xf32, #tpu.memory_space<vmem>>, vector<1x16xf32>,
        %get3A_1153 = vector.shape_cast %get3A_1152 : vector<1x16xf32> to vector<16xf32>
        %add3A_1154 = arith.addf %add3A_1108, %get3A_1153 : vector<16xf32>
        %get3A_1155 = arith.index_cast %add3A_1139 : i32 to index
        %get3A_1156 = arith.constant 48 : index
        %get3A_1157 = tpu.vector_load %arg10[%get3A_1155, %get3A_1156] {strides = array<i32>} : memref<256x128xf32, #tpu.memory_space<vmem>>, vector<1x16xf32>,
        %get3A_1158 = vector.shape_cast %get3A_1157 : vector<1x16xf32> to vector<16xf32>
        %add3A_1159 = arith.addf %add3A_1113, %get3A_1158 : vector<16xf32>
        %get3A_1160 = arith.index_cast %add3A_1139 : i32 to index
        %get3A_1161 = arith.constant 64 : index
        %get3A_1162 = tpu.vector_load %arg10[%get3A_1160, %get3A_1161] {strides = array<i32>} : memref<256x128xf32, #tpu.memory_space<vmem>>, vector<1x16xf32>,
        %get3A_1163 = vector.shape_cast %get3A_1162 : vector<1x16xf32> to vector<16xf32>
        %add3A_1164 = arith.addf %add3A_1118, %get3A_1163 : vector<16xf32>
        %get3A_1165 = arith.index_cast %add3A_1139 : i32 to index
        %get3A_1166 = arith.constant 80 : index
        %get3A_1167 = tpu.vector_load %arg10[%get3A_1165, %get3A_1166] {strides = array<i32>} : memref<256x128xf32, #tpu.memory_space<vmem>>, vector<1x16xf32>,
        %get3A_1168 = vector.shape_cast %get3A_1167 : vector<1x16xf32> to vector<16xf32>
        %add3A_1169 = arith.addf %add3A_1123, %get3A_1168 : vector<16xf32>
        %get3A_1170 = arith.index_cast %add3A_1139 : i32 to index
        %get3A_1171 = arith.constant 96 : index
        %get3A_1172 = tpu.vector_load %arg10[%get3A_1170, %get3A_1171] {strides = array<i32>} : memref<256x128xf32, #tpu.memory_space<vmem>>, vector<1x16xf32>,
        %get3A_1173 = vector.shape_cast %get3A_1172 : vector<1x16xf32> to vector<16xf32>
        %add3A_1174 = arith.addf %add3A_1128, %get3A_1173 : vector<16xf32>
        %get3A_1175 = arith.index_cast %add3A_1139 : i32 to index
        %get3A_1176 = arith.constant 112 : index
        %get3A_1177 = tpu.vector_load %arg10[%get3A_1175, %get3A_1176] {strides = array<i32>} : memref<256x128xf32, #tpu.memory_space<vmem>>, vector<1x16xf32>,
        %get3A_1178 = vector.shape_cast %get3A_1177 : vector<1x16xf32> to vector<16xf32>
        %add3A_1179 = arith.addf %add3A_1133, %get3A_1178 : vector<16xf32>
        %mul3A_1180 = arith.constant 4 : i32
        %mul3A_1181 = arith.muli %scan3A_1034, %mul3A_1180 : i32
        %add3A_1182 = arith.constant 160 : i32
        %add3A_1183 = arith.addi %add3A_1182, %mul3A_1181 : i32
        %add3A_1184 = arith.constant 3 : i32
        %add3A_1185 = arith.addi %add3A_1183, %add3A_1184 : i32
        %get3A_1186 = arith.index_cast %add3A_1185 : i32 to index
        %get3A_1187 = arith.constant 0 : index
        %get3A_1188 = tpu.vector_load %arg10[%get3A_1186, %get3A_1187] {strides = array<i32>} : memref<256x128xf32, #tpu.memory_space<vmem>>, vector<1x16xf32>,
        %get3A_1189 = vector.shape_cast %get3A_1188 : vector<1x16xf32> to vector<16xf32>
        %add3A_1190 = arith.addf %add3A_1144, %get3A_1189 : vector<16xf32>
        %get3A_1191 = arith.index_cast %add3A_1185 : i32 to index
        %get3A_1192 = arith.constant 16 : index
        %get3A_1193 = tpu.vector_load %arg10[%get3A_1191, %get3A_1192] {strides = array<i32>} : memref<256x128xf32, #tpu.memory_space<vmem>>, vector<1x16xf32>,
        %get3A_1194 = vector.shape_cast %get3A_1193 : vector<1x16xf32> to vector<16xf32>
        %add3A_1195 = arith.addf %add3A_1149, %get3A_1194 : vector<16xf32>
        %get3A_1196 = arith.index_cast %add3A_1185 : i32 to index
        %get3A_1197 = arith.constant 32 : index
        %get3A_1198 = tpu.vector_load %arg10[%get3A_1196, %get3A_1197] {strides = array<i32>} : memref<256x128xf32, #tpu.memory_space<vmem>>, vector<1x16xf32>,
        %get3A_1199 = vector.shape_cast %get3A_1198 : vector<1x16xf32> to vector<16xf32>
        %add3A_1200 = arith.addf %add3A_1154, %get3A_1199 : vector<16xf32>
        %get3A_1201 = arith.index_cast %add3A_1185 : i32 to index
        %get3A_1202 = arith.constant 48 : index
        %get3A_1203 = tpu.vector_load %arg10[%get3A_1201, %get3A_1202] {strides = array<i32>} : memref<256x128xf32, #tpu.memory_space<vmem>>, vector<1x16xf32>,
        %get3A_1204 = vector.shape_cast %get3A_1203 : vector<1x16xf32> to vector<16xf32>
        %add3A_1205 = arith.addf %add3A_1159, %get3A_1204 : vector<16xf32>
        %get3A_1206 = arith.index_cast %add3A_1185 : i32 to index
        %get3A_1207 = arith.constant 64 : index
        %get3A_1208 = tpu.vector_load %arg10[%get3A_1206, %get3A_1207] {strides = array<i32>} : memref<256x128xf32, #tpu.memory_space<vmem>>, vector<1x16xf32>,
        %get3A_1209 = vector.shape_cast %get3A_1208 : vector<1x16xf32> to vector<16xf32>
        %add3A_1210 = arith.addf %add3A_1164, %get3A_1209 : vector<16xf32>
        %get3A_1211 = arith.index_cast %add3A_1185 : i32 to index
        %get3A_1212 = arith.constant 80 : index
        %get3A_1213 = tpu.vector_load %arg10[%get3A_1211, %get3A_1212] {strides = array<i32>} : memref<256x128xf32, #tpu.memory_space<vmem>>, vector<1x16xf32>,
        %get3A_1214 = vector.shape_cast %get3A_1213 : vector<1x16xf32> to vector<16xf32>
        %add3A_1215 = arith.addf %add3A_1169, %get3A_1214 : vector<16xf32>
        %get3A_1216 = arith.index_cast %add3A_1185 : i32 to index
        %get3A_1217 = arith.constant 96 : index
        %get3A_1218 = tpu.vector_load %arg10[%get3A_1216, %get3A_1217] {strides = array<i32>} : memref<256x128xf32, #tpu.memory_space<vmem>>, vector<1x16xf32>,
        %get3A_1219 = vector.shape_cast %get3A_1218 : vector<1x16xf32> to vector<16xf32>
        %add3A_1220 = arith.addf %add3A_1174, %get3A_1219 : vector<16xf32>
        %get3A_1221 = arith.index_cast %add3A_1185 : i32 to index
        %get3A_1222 = arith.constant 112 : index
        %get3A_1223 = tpu.vector_load %arg10[%get3A_1221, %get3A_1222] {strides = array<i32>} : memref<256x128xf32, #tpu.memory_space<vmem>>, vector<1x16xf32>,
        %get3A_1224 = vector.shape_cast %get3A_1223 : vector<1x16xf32> to vector<16xf32>
        %add3A_1225 = arith.addf %add3A_1179, %get3A_1224 : vector<16xf32>
        scf.yield %add3A_1190, %add3A_1195, %add3A_1200, %add3A_1205, %add3A_1210, %add3A_1215, %add3A_1220, %add3A_1225 : vector<16xf32>, vector<16xf32>, vector<16xf32>, vector<16xf32>, vector<16xf32>, vector<16xf32>, vector<16xf32>, vector<16xf32>
      }
      %scan3A_356 = arith.constant 8 : i32
      %swap3A_357 = arith.constant 5 : i32
      %swap3A_358 = arith.index_cast %swap3A_357 : i32 to index
      %swap3A_359 = arith.constant 0 : index
      %swap3A_360 = tpu.vector_load %arg12[%swap3A_358, %swap3A_359] {strides = array<i32>} : memref<8x128xf32, #tpu.memory_space<vmem>>, vector<1x16xf32>,
      %swap3A_361 = vector.shape_cast %swap3A_360 : vector<1x16xf32> to vector<16xf32>
      %swap3A_362 = vector.shape_cast %scan3A_355#0 : vector<16xf32> to vector<1x16xf32>
      tpu.vector_store %arg12[%swap3A_358, %swap3A_359], %swap3A_362 {strides = array<i32>} : memref<8x128xf32, #tpu.memory_space<vmem>>, vector<1x16xf32>,
      %swap3A_363 = arith.constant 5 : i32
      %swap3A_364 = arith.index_cast %swap3A_363 : i32 to index
      %swap3A_365 = arith.constant 16 : index
      %swap3A_366 = tpu.vector_load %arg12[%swap3A_364, %swap3A_365] {strides = array<i32>} : memref<8x128xf32, #tpu.memory_space<vmem>>, vector<1x16xf32>,
      %swap3A_367 = vector.shape_cast %swap3A_366 : vector<1x16xf32> to vector<16xf32>
      %swap3A_368 = vector.shape_cast %scan3A_355#1 : vector<16xf32> to vector<1x16xf32>
      tpu.vector_store %arg12[%swap3A_364, %swap3A_365], %swap3A_368 {strides = array<i32>} : memref<8x128xf32, #tpu.memory_space<vmem>>, vector<1x16xf32>,
      %swap3A_369 = arith.constant 5 : i32
      %swap3A_370 = arith.index_cast %swap3A_369 : i32 to index
      %swap3A_371 = arith.constant 32 : index
      %swap3A_372 = tpu.vector_load %arg12[%swap3A_370, %swap3A_371] {strides = array<i32>} : memref<8x128xf32, #tpu.memory_space<vmem>>, vector<1x16xf32>,
      %swap3A_373 = vector.shape_cast %swap3A_372 : vector<1x16xf32> to vector<16xf32>
      %swap3A_374 = vector.shape_cast %scan3A_355#2 : vector<16xf32> to vector<1x16xf32>
      tpu.vector_store %arg12[%swap3A_370, %swap3A_371], %swap3A_374 {strides = array<i32>} : memref<8x128xf32, #tpu.memory_space<vmem>>, vector<1x16xf32>,
      %swap3A_375 = arith.constant 5 : i32
      %swap3A_376 = arith.index_cast %swap3A_375 : i32 to index
      %swap3A_377 = arith.constant 48 : index
      %swap3A_378 = tpu.vector_load %arg12[%swap3A_376, %swap3A_377] {strides = array<i32>} : memref<8x128xf32, #tpu.memory_space<vmem>>, vector<1x16xf32>,
      %swap3A_379 = vector.shape_cast %swap3A_378 : vector<1x16xf32> to vector<16xf32>
      %swap3A_380 = vector.shape_cast %scan3A_355#3 : vector<16xf32> to vector<1x16xf32>
      tpu.vector_store %arg12[%swap3A_376, %swap3A_377], %swap3A_380 {strides = array<i32>} : memref<8x128xf32, #tpu.memory_space<vmem>>, vector<1x16xf32>,
      %swap3A_381 = arith.constant 5 : i32
      %swap3A_382 = arith.index_cast %swap3A_381 : i32 to index
      %swap3A_383 = arith.constant 64 : index
      %swap3A_384 = tpu.vector_load %arg12[%swap3A_382, %swap3A_383] {strides = array<i32>} : memref<8x128xf32, #tpu.memory_space<vmem>>, vector<1x16xf32>,
      %swap3A_385 = vector.shape_cast %swap3A_384 : vector<1x16xf32> to vector<16xf32>
      %swap3A_386 = vector.shape_cast %scan3A_355#4 : vector<16xf32> to vector<1x16xf32>
      tpu.vector_store %arg12[%swap3A_382, %swap3A_383], %swap3A_386 {strides = array<i32>} : memref<8x128xf32, #tpu.memory_space<vmem>>, vector<1x16xf32>,
      %swap3A_387 = arith.constant 5 : i32
      %swap3A_388 = arith.index_cast %swap3A_387 : i32 to index
      %swap3A_389 = arith.constant 80 : index
      %swap3A_390 = tpu.vector_load %arg12[%swap3A_388, %swap3A_389] {strides = array<i32>} : memref<8x128xf32, #tpu.memory_space<vmem>>, vector<1x16xf32>,
      %swap3A_391 = vector.shape_cast %swap3A_390 : vector<1x16xf32> to vector<16xf32>
      %swap3A_392 = vector.shape_cast %scan3A_355#5 : vector<16xf32> to vector<1x16xf32>
      tpu.vector_store %arg12[%swap3A_388, %swap3A_389], %swap3A_392 {strides = array<i32>} : memref<8x128xf32, #tpu.memory_space<vmem>>, vector<1x16xf32>,
      %swap3A_393 = arith.constant 5 : i32
      %swap3A_394 = arith.index_cast %swap3A_393 : i32 to index
      %swap3A_395 = arith.constant 96 : index
      %swap3A_396 = tpu.vector_load %arg12[%swap3A_394, %swap3A_395] {strides = array<i32>} : memref<8x128xf32, #tpu.memory_space<vmem>>, vector<1x16xf32>,
      %swap3A_397 = vector.shape_cast %swap3A_396 : vector<1x16xf32> to vector<16xf32>
      %swap3A_398 = vector.shape_cast %scan3A_355#6 : vector<16xf32> to vector<1x16xf32>
      tpu.vector_store %arg12[%swap3A_394, %swap3A_395], %swap3A_398 {strides = array<i32>} : memref<8x128xf32, #tpu.memory_space<vmem>>, vector<1x16xf32>,
      %swap3A_399 = arith.constant 5 : i32
      %swap3A_400 = arith.index_cast %swap3A_399 : i32 to index
      %swap3A_401 = arith.constant 112 : index
      %swap3A_402 = tpu.vector_load %arg12[%swap3A_400, %swap3A_401] {strides = array<i32>} : memref<8x128xf32, #tpu.memory_space<vmem>>, vector<1x16xf32>,
      %swap3A_403 = vector.shape_cast %swap3A_402 : vector<1x16xf32> to vector<16xf32>
      %swap3A_404 = vector.shape_cast %scan3A_355#7 : vector<16xf32> to vector<1x16xf32>
      tpu.vector_store %arg12[%swap3A_400, %swap3A_401], %swap3A_404 {strides = array<i32>} : memref<8x128xf32, #tpu.memory_space<vmem>>, vector<1x16xf32>,
      %broadcast_in_dim3A_405 = arith.constant 0.000000e+00 : f32
      %broadcast_in_dim3A_406 = vector.broadcast %broadcast_in_dim3A_405 : f32 to vector<16xf32>
      %scan3A_407 = arith.constant 0 : i32
      %scan3A_408 = arith.constant 8 : i32
      %scan3A_409 = arith.addi %scan3A_407, %scan3A_408 : i32
      %scan3A_410 = arith.constant 1 : i32
      %scan3A_411:8 = scf.for %scan3A_1034 = %scan3A_407 to %scan3A_409 step %scan3A_410 iter_args(%scan3A_1035 = %broadcast_in_dim3A_406, %scan3A_1036 = %broadcast_in_dim3A_406, %scan3A_1037 = %broadcast_in_dim3A_406, %scan3A_1038 = %broadcast_in_dim3A_406, %scan3A_1039 = %broadcast_in_dim3A_406, %scan3A_1040 = %broadcast_in_dim3A_406, %scan3A_1041 = %broadcast_in_dim3A_406, %scan3A_1042 = %broadcast_in_dim3A_406) -> (vector<16xf32>, vector<16xf32>, vector<16xf32>, vector<16xf32>, vector<16xf32>, vector<16xf32>, vector<16xf32>, vector<16xf32>)  : i32 {
        %mul3A_1043 = arith.constant 4 : i32
        %mul3A_1044 = arith.muli %scan3A_1034, %mul3A_1043 : i32
        %add3A_1045 = arith.constant 192 : i32
        %add3A_1046 = arith.addi %add3A_1045, %mul3A_1044 : i32
        %add3A_1047 = arith.constant 0 : i32
        %add3A_1048 = arith.addi %add3A_1046, %add3A_1047 : i32
        %get3A = arith.index_cast %add3A_1048 : i32 to index
        %get3A_1049 = arith.constant 0 : index
        %get3A_1050 = tpu.vector_load %arg10[%get3A, %get3A_1049] {strides = array<i32>} : memref<256x128xf32, #tpu.memory_space<vmem>>, vector<1x16xf32>,
        %get3A_1051 = vector.shape_cast %get3A_1050 : vector<1x16xf32> to vector<16xf32>
        %add3A_1052 = arith.addf %scan3A_1035, %get3A_1051 : vector<16xf32>
        %get3A_1053 = arith.index_cast %add3A_1048 : i32 to index
        %get3A_1054 = arith.constant 16 : index
        %get3A_1055 = tpu.vector_load %arg10[%get3A_1053, %get3A_1054] {strides = array<i32>} : memref<256x128xf32, #tpu.memory_space<vmem>>, vector<1x16xf32>,
        %get3A_1056 = vector.shape_cast %get3A_1055 : vector<1x16xf32> to vector<16xf32>
        %add3A_1057 = arith.addf %scan3A_1036, %get3A_1056 : vector<16xf32>
        %get3A_1058 = arith.index_cast %add3A_1048 : i32 to index
        %get3A_1059 = arith.constant 32 : index
        %get3A_1060 = tpu.vector_load %arg10[%get3A_1058, %get3A_1059] {strides = array<i32>} : memref<256x128xf32, #tpu.memory_space<vmem>>, vector<1x16xf32>,
        %get3A_1061 = vector.shape_cast %get3A_1060 : vector<1x16xf32> to vector<16xf32>
        %add3A_1062 = arith.addf %scan3A_1037, %get3A_1061 : vector<16xf32>
        %get3A_1063 = arith.index_cast %add3A_1048 : i32 to index
        %get3A_1064 = arith.constant 48 : index
        %get3A_1065 = tpu.vector_load %arg10[%get3A_1063, %get3A_1064] {strides = array<i32>} : memref<256x128xf32, #tpu.memory_space<vmem>>, vector<1x16xf32>,
        %get3A_1066 = vector.shape_cast %get3A_1065 : vector<1x16xf32> to vector<16xf32>
        %add3A_1067 = arith.addf %scan3A_1038, %get3A_1066 : vector<16xf32>
        %get3A_1068 = arith.index_cast %add3A_1048 : i32 to index
        %get3A_1069 = arith.constant 64 : index
        %get3A_1070 = tpu.vector_load %arg10[%get3A_1068, %get3A_1069] {strides = array<i32>} : memref<256x128xf32, #tpu.memory_space<vmem>>, vector<1x16xf32>,
        %get3A_1071 = vector.shape_cast %get3A_1070 : vector<1x16xf32> to vector<16xf32>
        %add3A_1072 = arith.addf %scan3A_1039, %get3A_1071 : vector<16xf32>
        %get3A_1073 = arith.index_cast %add3A_1048 : i32 to index
        %get3A_1074 = arith.constant 80 : index
        %get3A_1075 = tpu.vector_load %arg10[%get3A_1073, %get3A_1074] {strides = array<i32>} : memref<256x128xf32, #tpu.memory_space<vmem>>, vector<1x16xf32>,
        %get3A_1076 = vector.shape_cast %get3A_1075 : vector<1x16xf32> to vector<16xf32>
        %add3A_1077 = arith.addf %scan3A_1040, %get3A_1076 : vector<16xf32>
        %get3A_1078 = arith.index_cast %add3A_1048 : i32 to index
        %get3A_1079 = arith.constant 96 : index
        %get3A_1080 = tpu.vector_load %arg10[%get3A_1078, %get3A_1079] {strides = array<i32>} : memref<256x128xf32, #tpu.memory_space<vmem>>, vector<1x16xf32>,
        %get3A_1081 = vector.shape_cast %get3A_1080 : vector<1x16xf32> to vector<16xf32>
        %add3A_1082 = arith.addf %scan3A_1041, %get3A_1081 : vector<16xf32>
        %get3A_1083 = arith.index_cast %add3A_1048 : i32 to index
        %get3A_1084 = arith.constant 112 : index
        %get3A_1085 = tpu.vector_load %arg10[%get3A_1083, %get3A_1084] {strides = array<i32>} : memref<256x128xf32, #tpu.memory_space<vmem>>, vector<1x16xf32>,
        %get3A_1086 = vector.shape_cast %get3A_1085 : vector<1x16xf32> to vector<16xf32>
        %add3A_1087 = arith.addf %scan3A_1042, %get3A_1086 : vector<16xf32>
        %mul3A_1088 = arith.constant 4 : i32
        %mul3A_1089 = arith.muli %scan3A_1034, %mul3A_1088 : i32
        %add3A_1090 = arith.constant 192 : i32
        %add3A_1091 = arith.addi %add3A_1090, %mul3A_1089 : i32
        %add3A_1092 = arith.constant 1 : i32
        %add3A_1093 = arith.addi %add3A_1091, %add3A_1092 : i32
        %get3A_1094 = arith.index_cast %add3A_1093 : i32 to index
        %get3A_1095 = arith.constant 0 : index
        %get3A_1096 = tpu.vector_load %arg10[%get3A_1094, %get3A_1095] {strides = array<i32>} : memref<256x128xf32, #tpu.memory_space<vmem>>, vector<1x16xf32>,
        %get3A_1097 = vector.shape_cast %get3A_1096 : vector<1x16xf32> to vector<16xf32>
        %add3A_1098 = arith.addf %add3A_1052, %get3A_1097 : vector<16xf32>
        %get3A_1099 = arith.index_cast %add3A_1093 : i32 to index
        %get3A_1100 = arith.constant 16 : index
        %get3A_1101 = tpu.vector_load %arg10[%get3A_1099, %get3A_1100] {strides = array<i32>} : memref<256x128xf32, #tpu.memory_space<vmem>>, vector<1x16xf32>,
        %get3A_1102 = vector.shape_cast %get3A_1101 : vector<1x16xf32> to vector<16xf32>
        %add3A_1103 = arith.addf %add3A_1057, %get3A_1102 : vector<16xf32>
        %get3A_1104 = arith.index_cast %add3A_1093 : i32 to index
        %get3A_1105 = arith.constant 32 : index
        %get3A_1106 = tpu.vector_load %arg10[%get3A_1104, %get3A_1105] {strides = array<i32>} : memref<256x128xf32, #tpu.memory_space<vmem>>, vector<1x16xf32>,
        %get3A_1107 = vector.shape_cast %get3A_1106 : vector<1x16xf32> to vector<16xf32>
        %add3A_1108 = arith.addf %add3A_1062, %get3A_1107 : vector<16xf32>
        %get3A_1109 = arith.index_cast %add3A_1093 : i32 to index
        %get3A_1110 = arith.constant 48 : index
        %get3A_1111 = tpu.vector_load %arg10[%get3A_1109, %get3A_1110] {strides = array<i32>} : memref<256x128xf32, #tpu.memory_space<vmem>>, vector<1x16xf32>,
        %get3A_1112 = vector.shape_cast %get3A_1111 : vector<1x16xf32> to vector<16xf32>
        %add3A_1113 = arith.addf %add3A_1067, %get3A_1112 : vector<16xf32>
        %get3A_1114 = arith.index_cast %add3A_1093 : i32 to index
        %get3A_1115 = arith.constant 64 : index
        %get3A_1116 = tpu.vector_load %arg10[%get3A_1114, %get3A_1115] {strides = array<i32>} : memref<256x128xf32, #tpu.memory_space<vmem>>, vector<1x16xf32>,
        %get3A_1117 = vector.shape_cast %get3A_1116 : vector<1x16xf32> to vector<16xf32>
        %add3A_1118 = arith.addf %add3A_1072, %get3A_1117 : vector<16xf32>
        %get3A_1119 = arith.index_cast %add3A_1093 : i32 to index
        %get3A_1120 = arith.constant 80 : index
        %get3A_1121 = tpu.vector_load %arg10[%get3A_1119, %get3A_1120] {strides = array<i32>} : memref<256x128xf32, #tpu.memory_space<vmem>>, vector<1x16xf32>,
        %get3A_1122 = vector.shape_cast %get3A_1121 : vector<1x16xf32> to vector<16xf32>
        %add3A_1123 = arith.addf %add3A_1077, %get3A_1122 : vector<16xf32>
        %get3A_1124 = arith.index_cast %add3A_1093 : i32 to index
        %get3A_1125 = arith.constant 96 : index
        %get3A_1126 = tpu.vector_load %arg10[%get3A_1124, %get3A_1125] {strides = array<i32>} : memref<256x128xf32, #tpu.memory_space<vmem>>, vector<1x16xf32>,
        %get3A_1127 = vector.shape_cast %get3A_1126 : vector<1x16xf32> to vector<16xf32>
        %add3A_1128 = arith.addf %add3A_1082, %get3A_1127 : vector<16xf32>
        %get3A_1129 = arith.index_cast %add3A_1093 : i32 to index
        %get3A_1130 = arith.constant 112 : index
        %get3A_1131 = tpu.vector_load %arg10[%get3A_1129, %get3A_1130] {strides = array<i32>} : memref<256x128xf32, #tpu.memory_space<vmem>>, vector<1x16xf32>,
        %get3A_1132 = vector.shape_cast %get3A_1131 : vector<1x16xf32> to vector<16xf32>
        %add3A_1133 = arith.addf %add3A_1087, %get3A_1132 : vector<16xf32>
        %mul3A_1134 = arith.constant 4 : i32
        %mul3A_1135 = arith.muli %scan3A_1034, %mul3A_1134 : i32
        %add3A_1136 = arith.constant 192 : i32
        %add3A_1137 = arith.addi %add3A_1136, %mul3A_1135 : i32
        %add3A_1138 = arith.constant 2 : i32
        %add3A_1139 = arith.addi %add3A_1137, %add3A_1138 : i32
        %get3A_1140 = arith.index_cast %add3A_1139 : i32 to index
        %get3A_1141 = arith.constant 0 : index
        %get3A_1142 = tpu.vector_load %arg10[%get3A_1140, %get3A_1141] {strides = array<i32>} : memref<256x128xf32, #tpu.memory_space<vmem>>, vector<1x16xf32>,
        %get3A_1143 = vector.shape_cast %get3A_1142 : vector<1x16xf32> to vector<16xf32>
        %add3A_1144 = arith.addf %add3A_1098, %get3A_1143 : vector<16xf32>
        %get3A_1145 = arith.index_cast %add3A_1139 : i32 to index
        %get3A_1146 = arith.constant 16 : index
        %get3A_1147 = tpu.vector_load %arg10[%get3A_1145, %get3A_1146] {strides = array<i32>} : memref<256x128xf32, #tpu.memory_space<vmem>>, vector<1x16xf32>,
        %get3A_1148 = vector.shape_cast %get3A_1147 : vector<1x16xf32> to vector<16xf32>
        %add3A_1149 = arith.addf %add3A_1103, %get3A_1148 : vector<16xf32>
        %get3A_1150 = arith.index_cast %add3A_1139 : i32 to index
        %get3A_1151 = arith.constant 32 : index
        %get3A_1152 = tpu.vector_load %arg10[%get3A_1150, %get3A_1151] {strides = array<i32>} : memref<256x128xf32, #tpu.memory_space<vmem>>, vector<1x16xf32>,
        %get3A_1153 = vector.shape_cast %get3A_1152 : vector<1x16xf32> to vector<16xf32>
        %add3A_1154 = arith.addf %add3A_1108, %get3A_1153 : vector<16xf32>
        %get3A_1155 = arith.index_cast %add3A_1139 : i32 to index
        %get3A_1156 = arith.constant 48 : index
        %get3A_1157 = tpu.vector_load %arg10[%get3A_1155, %get3A_1156] {strides = array<i32>} : memref<256x128xf32, #tpu.memory_space<vmem>>, vector<1x16xf32>,
        %get3A_1158 = vector.shape_cast %get3A_1157 : vector<1x16xf32> to vector<16xf32>
        %add3A_1159 = arith.addf %add3A_1113, %get3A_1158 : vector<16xf32>
        %get3A_1160 = arith.index_cast %add3A_1139 : i32 to index
        %get3A_1161 = arith.constant 64 : index
        %get3A_1162 = tpu.vector_load %arg10[%get3A_1160, %get3A_1161] {strides = array<i32>} : memref<256x128xf32, #tpu.memory_space<vmem>>, vector<1x16xf32>,
        %get3A_1163 = vector.shape_cast %get3A_1162 : vector<1x16xf32> to vector<16xf32>
        %add3A_1164 = arith.addf %add3A_1118, %get3A_1163 : vector<16xf32>
        %get3A_1165 = arith.index_cast %add3A_1139 : i32 to index
        %get3A_1166 = arith.constant 80 : index
        %get3A_1167 = tpu.vector_load %arg10[%get3A_1165, %get3A_1166] {strides = array<i32>} : memref<256x128xf32, #tpu.memory_space<vmem>>, vector<1x16xf32>,
        %get3A_1168 = vector.shape_cast %get3A_1167 : vector<1x16xf32> to vector<16xf32>
        %add3A_1169 = arith.addf %add3A_1123, %get3A_1168 : vector<16xf32>
        %get3A_1170 = arith.index_cast %add3A_1139 : i32 to index
        %get3A_1171 = arith.constant 96 : index
        %get3A_1172 = tpu.vector_load %arg10[%get3A_1170, %get3A_1171] {strides = array<i32>} : memref<256x128xf32, #tpu.memory_space<vmem>>, vector<1x16xf32>,
        %get3A_1173 = vector.shape_cast %get3A_1172 : vector<1x16xf32> to vector<16xf32>
        %add3A_1174 = arith.addf %add3A_1128, %get3A_1173 : vector<16xf32>
        %get3A_1175 = arith.index_cast %add3A_1139 : i32 to index
        %get3A_1176 = arith.constant 112 : index
        %get3A_1177 = tpu.vector_load %arg10[%get3A_1175, %get3A_1176] {strides = array<i32>} : memref<256x128xf32, #tpu.memory_space<vmem>>, vector<1x16xf32>,
        %get3A_1178 = vector.shape_cast %get3A_1177 : vector<1x16xf32> to vector<16xf32>
        %add3A_1179 = arith.addf %add3A_1133, %get3A_1178 : vector<16xf32>
        %mul3A_1180 = arith.constant 4 : i32
        %mul3A_1181 = arith.muli %scan3A_1034, %mul3A_1180 : i32
        %add3A_1182 = arith.constant 192 : i32
        %add3A_1183 = arith.addi %add3A_1182, %mul3A_1181 : i32
        %add3A_1184 = arith.constant 3 : i32
        %add3A_1185 = arith.addi %add3A_1183, %add3A_1184 : i32
        %get3A_1186 = arith.index_cast %add3A_1185 : i32 to index
        %get3A_1187 = arith.constant 0 : index
        %get3A_1188 = tpu.vector_load %arg10[%get3A_1186, %get3A_1187] {strides = array<i32>} : memref<256x128xf32, #tpu.memory_space<vmem>>, vector<1x16xf32>,
        %get3A_1189 = vector.shape_cast %get3A_1188 : vector<1x16xf32> to vector<16xf32>
        %add3A_1190 = arith.addf %add3A_1144, %get3A_1189 : vector<16xf32>
        %get3A_1191 = arith.index_cast %add3A_1185 : i32 to index
        %get3A_1192 = arith.constant 16 : index
        %get3A_1193 = tpu.vector_load %arg10[%get3A_1191, %get3A_1192] {strides = array<i32>} : memref<256x128xf32, #tpu.memory_space<vmem>>, vector<1x16xf32>,
        %get3A_1194 = vector.shape_cast %get3A_1193 : vector<1x16xf32> to vector<16xf32>
        %add3A_1195 = arith.addf %add3A_1149, %get3A_1194 : vector<16xf32>
        %get3A_1196 = arith.index_cast %add3A_1185 : i32 to index
        %get3A_1197 = arith.constant 32 : index
        %get3A_1198 = tpu.vector_load %arg10[%get3A_1196, %get3A_1197] {strides = array<i32>} : memref<256x128xf32, #tpu.memory_space<vmem>>, vector<1x16xf32>,
        %get3A_1199 = vector.shape_cast %get3A_1198 : vector<1x16xf32> to vector<16xf32>
        %add3A_1200 = arith.addf %add3A_1154, %get3A_1199 : vector<16xf32>
        %get3A_1201 = arith.index_cast %add3A_1185 : i32 to index
        %get3A_1202 = arith.constant 48 : index
        %get3A_1203 = tpu.vector_load %arg10[%get3A_1201, %get3A_1202] {strides = array<i32>} : memref<256x128xf32, #tpu.memory_space<vmem>>, vector<1x16xf32>,
        %get3A_1204 = vector.shape_cast %get3A_1203 : vector<1x16xf32> to vector<16xf32>
        %add3A_1205 = arith.addf %add3A_1159, %get3A_1204 : vector<16xf32>
        %get3A_1206 = arith.index_cast %add3A_1185 : i32 to index
        %get3A_1207 = arith.constant 64 : index
        %get3A_1208 = tpu.vector_load %arg10[%get3A_1206, %get3A_1207] {strides = array<i32>} : memref<256x128xf32, #tpu.memory_space<vmem>>, vector<1x16xf32>,
        %get3A_1209 = vector.shape_cast %get3A_1208 : vector<1x16xf32> to vector<16xf32>
        %add3A_1210 = arith.addf %add3A_1164, %get3A_1209 : vector<16xf32>
        %get3A_1211 = arith.index_cast %add3A_1185 : i32 to index
        %get3A_1212 = arith.constant 80 : index
        %get3A_1213 = tpu.vector_load %arg10[%get3A_1211, %get3A_1212] {strides = array<i32>} : memref<256x128xf32, #tpu.memory_space<vmem>>, vector<1x16xf32>,
        %get3A_1214 = vector.shape_cast %get3A_1213 : vector<1x16xf32> to vector<16xf32>
        %add3A_1215 = arith.addf %add3A_1169, %get3A_1214 : vector<16xf32>
        %get3A_1216 = arith.index_cast %add3A_1185 : i32 to index
        %get3A_1217 = arith.constant 96 : index
        %get3A_1218 = tpu.vector_load %arg10[%get3A_1216, %get3A_1217] {strides = array<i32>} : memref<256x128xf32, #tpu.memory_space<vmem>>, vector<1x16xf32>,
        %get3A_1219 = vector.shape_cast %get3A_1218 : vector<1x16xf32> to vector<16xf32>
        %add3A_1220 = arith.addf %add3A_1174, %get3A_1219 : vector<16xf32>
        %get3A_1221 = arith.index_cast %add3A_1185 : i32 to index
        %get3A_1222 = arith.constant 112 : index
        %get3A_1223 = tpu.vector_load %arg10[%get3A_1221, %get3A_1222] {strides = array<i32>} : memref<256x128xf32, #tpu.memory_space<vmem>>, vector<1x16xf32>,
        %get3A_1224 = vector.shape_cast %get3A_1223 : vector<1x16xf32> to vector<16xf32>
        %add3A_1225 = arith.addf %add3A_1179, %get3A_1224 : vector<16xf32>
        scf.yield %add3A_1190, %add3A_1195, %add3A_1200, %add3A_1205, %add3A_1210, %add3A_1215, %add3A_1220, %add3A_1225 : vector<16xf32>, vector<16xf32>, vector<16xf32>, vector<16xf32>, vector<16xf32>, vector<16xf32>, vector<16xf32>, vector<16xf32>
      }
      %scan3A_412 = arith.constant 8 : i32
      %swap3A_413 = arith.constant 6 : i32
      %swap3A_414 = arith.index_cast %swap3A_413 : i32 to index
      %swap3A_415 = arith.constant 0 : index
      %swap3A_416 = tpu.vector_load %arg12[%swap3A_414, %swap3A_415] {strides = array<i32>} : memref<8x128xf32, #tpu.memory_space<vmem>>, vector<1x16xf32>,
      %swap3A_417 = vector.shape_cast %swap3A_416 : vector<1x16xf32> to vector<16xf32>
      %swap3A_418 = vector.shape_cast %scan3A_411#0 : vector<16xf32> to vector<1x16xf32>
      tpu.vector_store %arg12[%swap3A_414, %swap3A_415], %swap3A_418 {strides = array<i32>} : memref<8x128xf32, #tpu.memory_space<vmem>>, vector<1x16xf32>,
      %swap3A_419 = arith.constant 6 : i32
      %swap3A_420 = arith.index_cast %swap3A_419 : i32 to index
      %swap3A_421 = arith.constant 16 : index
      %swap3A_422 = tpu.vector_load %arg12[%swap3A_420, %swap3A_421] {strides = array<i32>} : memref<8x128xf32, #tpu.memory_space<vmem>>, vector<1x16xf32>,
      %swap3A_423 = vector.shape_cast %swap3A_422 : vector<1x16xf32> to vector<16xf32>
      %swap3A_424 = vector.shape_cast %scan3A_411#1 : vector<16xf32> to vector<1x16xf32>
      tpu.vector_store %arg12[%swap3A_420, %swap3A_421], %swap3A_424 {strides = array<i32>} : memref<8x128xf32, #tpu.memory_space<vmem>>, vector<1x16xf32>,
      %swap3A_425 = arith.constant 6 : i32
      %swap3A_426 = arith.index_cast %swap3A_425 : i32 to index
      %swap3A_427 = arith.constant 32 : index
      %swap3A_428 = tpu.vector_load %arg12[%swap3A_426, %swap3A_427] {strides = array<i32>} : memref<8x128xf32, #tpu.memory_space<vmem>>, vector<1x16xf32>,
      %swap3A_429 = vector.shape_cast %swap3A_428 : vector<1x16xf32> to vector<16xf32>
      %swap3A_430 = vector.shape_cast %scan3A_411#2 : vector<16xf32> to vector<1x16xf32>
      tpu.vector_store %arg12[%swap3A_426, %swap3A_427], %swap3A_430 {strides = array<i32>} : memref<8x128xf32, #tpu.memory_space<vmem>>, vector<1x16xf32>,
      %swap3A_431 = arith.constant 6 : i32
      %swap3A_432 = arith.index_cast %swap3A_431 : i32 to index
      %swap3A_433 = arith.constant 48 : index
      %swap3A_434 = tpu.vector_load %arg12[%swap3A_432, %swap3A_433] {strides = array<i32>} : memref<8x128xf32, #tpu.memory_space<vmem>>, vector<1x16xf32>,
      %swap3A_435 = vector.shape_cast %swap3A_434 : vector<1x16xf32> to vector<16xf32>
      %swap3A_436 = vector.shape_cast %scan3A_411#3 : vector<16xf32> to vector<1x16xf32>
      tpu.vector_store %arg12[%swap3A_432, %swap3A_433], %swap3A_436 {strides = array<i32>} : memref<8x128xf32, #tpu.memory_space<vmem>>, vector<1x16xf32>,
      %swap3A_437 = arith.constant 6 : i32
      %swap3A_438 = arith.index_cast %swap3A_437 : i32 to index
      %swap3A_439 = arith.constant 64 : index
      %swap3A_440 = tpu.vector_load %arg12[%swap3A_438, %swap3A_439] {strides = array<i32>} : memref<8x128xf32, #tpu.memory_space<vmem>>, vector<1x16xf32>,
      %swap3A_441 = vector.shape_cast %swap3A_440 : vector<1x16xf32> to vector<16xf32>
      %swap3A_442 = vector.shape_cast %scan3A_411#4 : vector<16xf32> to vector<1x16xf32>
      tpu.vector_store %arg12[%swap3A_438, %swap3A_439], %swap3A_442 {strides = array<i32>} : memref<8x128xf32, #tpu.memory_space<vmem>>, vector<1x16xf32>,
      %swap3A_443 = arith.constant 6 : i32
      %swap3A_444 = arith.index_cast %swap3A_443 : i32 to index
      %swap3A_445 = arith.constant 80 : index
      %swap3A_446 = tpu.vector_load %arg12[%swap3A_444, %swap3A_445] {strides = array<i32>} : memref<8x128xf32, #tpu.memory_space<vmem>>, vector<1x16xf32>,
      %swap3A_447 = vector.shape_cast %swap3A_446 : vector<1x16xf32> to vector<16xf32>
      %swap3A_448 = vector.shape_cast %scan3A_411#5 : vector<16xf32> to vector<1x16xf32>
      tpu.vector_store %arg12[%swap3A_444, %swap3A_445], %swap3A_448 {strides = array<i32>} : memref<8x128xf32, #tpu.memory_space<vmem>>, vector<1x16xf32>,
      %swap3A_449 = arith.constant 6 : i32
      %swap3A_450 = arith.index_cast %swap3A_449 : i32 to index
      %swap3A_451 = arith.constant 96 : index
      %swap3A_452 = tpu.vector_load %arg12[%swap3A_450, %swap3A_451] {strides = array<i32>} : memref<8x128xf32, #tpu.memory_space<vmem>>, vector<1x16xf32>,
      %swap3A_453 = vector.shape_cast %swap3A_452 : vector<1x16xf32> to vector<16xf32>
      %swap3A_454 = vector.shape_cast %scan3A_411#6 : vector<16xf32> to vector<1x16xf32>
      tpu.vector_store %arg12[%swap3A_450, %swap3A_451], %swap3A_454 {strides = array<i32>} : memref<8x128xf32, #tpu.memory_space<vmem>>, vector<1x16xf32>,
      %swap3A_455 = arith.constant 6 : i32
      %swap3A_456 = arith.index_cast %swap3A_455 : i32 to index
      %swap3A_457 = arith.constant 112 : index
      %swap3A_458 = tpu.vector_load %arg12[%swap3A_456, %swap3A_457] {strides = array<i32>} : memref<8x128xf32, #tpu.memory_space<vmem>>, vector<1x16xf32>,
      %swap3A_459 = vector.shape_cast %swap3A_458 : vector<1x16xf32> to vector<16xf32>
      %swap3A_460 = vector.shape_cast %scan3A_411#7 : vector<16xf32> to vector<1x16xf32>
      tpu.vector_store %arg12[%swap3A_456, %swap3A_457], %swap3A_460 {strides = array<i32>} : memref<8x128xf32, #tpu.memory_space<vmem>>, vector<1x16xf32>,
      %broadcast_in_dim3A_461 = arith.constant 0.000000e+00 : f32
      %broadcast_in_dim3A_462 = vector.broadcast %broadcast_in_dim3A_461 : f32 to vector<16xf32>
      %scan3A_463 = arith.constant 0 : i32
      %scan3A_464 = arith.constant 8 : i32
      %scan3A_465 = arith.addi %scan3A_463, %scan3A_464 : i32
      %scan3A_466 = arith.constant 1 : i32
      %scan3A_467:8 = scf.for %scan3A_1034 = %scan3A_463 to %scan3A_465 step %scan3A_466 iter_args(%scan3A_1035 = %broadcast_in_dim3A_462, %scan3A_1036 = %broadcast_in_dim3A_462, %scan3A_1037 = %broadcast_in_dim3A_462, %scan3A_1038 = %broadcast_in_dim3A_462, %scan3A_1039 = %broadcast_in_dim3A_462, %scan3A_1040 = %broadcast_in_dim3A_462, %scan3A_1041 = %broadcast_in_dim3A_462, %scan3A_1042 = %broadcast_in_dim3A_462) -> (vector<16xf32>, vector<16xf32>, vector<16xf32>, vector<16xf32>, vector<16xf32>, vector<16xf32>, vector<16xf32>, vector<16xf32>)  : i32 {
        %mul3A_1043 = arith.constant 4 : i32
        %mul3A_1044 = arith.muli %scan3A_1034, %mul3A_1043 : i32
        %add3A_1045 = arith.constant 224 : i32
        %add3A_1046 = arith.addi %add3A_1045, %mul3A_1044 : i32
        %add3A_1047 = arith.constant 0 : i32
        %add3A_1048 = arith.addi %add3A_1046, %add3A_1047 : i32
        %get3A = arith.index_cast %add3A_1048 : i32 to index
        %get3A_1049 = arith.constant 0 : index
        %get3A_1050 = tpu.vector_load %arg10[%get3A, %get3A_1049] {strides = array<i32>} : memref<256x128xf32, #tpu.memory_space<vmem>>, vector<1x16xf32>,
        %get3A_1051 = vector.shape_cast %get3A_1050 : vector<1x16xf32> to vector<16xf32>
        %add3A_1052 = arith.addf %scan3A_1035, %get3A_1051 : vector<16xf32>
        %get3A_1053 = arith.index_cast %add3A_1048 : i32 to index
        %get3A_1054 = arith.constant 16 : index
        %get3A_1055 = tpu.vector_load %arg10[%get3A_1053, %get3A_1054] {strides = array<i32>} : memref<256x128xf32, #tpu.memory_space<vmem>>, vector<1x16xf32>,
        %get3A_1056 = vector.shape_cast %get3A_1055 : vector<1x16xf32> to vector<16xf32>
        %add3A_1057 = arith.addf %scan3A_1036, %get3A_1056 : vector<16xf32>
        %get3A_1058 = arith.index_cast %add3A_1048 : i32 to index
        %get3A_1059 = arith.constant 32 : index
        %get3A_1060 = tpu.vector_load %arg10[%get3A_1058, %get3A_1059] {strides = array<i32>} : memref<256x128xf32, #tpu.memory_space<vmem>>, vector<1x16xf32>,
        %get3A_1061 = vector.shape_cast %get3A_1060 : vector<1x16xf32> to vector<16xf32>
        %add3A_1062 = arith.addf %scan3A_1037, %get3A_1061 : vector<16xf32>
        %get3A_1063 = arith.index_cast %add3A_1048 : i32 to index
        %get3A_1064 = arith.constant 48 : index
        %get3A_1065 = tpu.vector_load %arg10[%get3A_1063, %get3A_1064] {strides = array<i32>} : memref<256x128xf32, #tpu.memory_space<vmem>>, vector<1x16xf32>,
        %get3A_1066 = vector.shape_cast %get3A_1065 : vector<1x16xf32> to vector<16xf32>
        %add3A_1067 = arith.addf %scan3A_1038, %get3A_1066 : vector<16xf32>
        %get3A_1068 = arith.index_cast %add3A_1048 : i32 to index
        %get3A_1069 = arith.constant 64 : index
        %get3A_1070 = tpu.vector_load %arg10[%get3A_1068, %get3A_1069] {strides = array<i32>} : memref<256x128xf32, #tpu.memory_space<vmem>>, vector<1x16xf32>,
        %get3A_1071 = vector.shape_cast %get3A_1070 : vector<1x16xf32> to vector<16xf32>
        %add3A_1072 = arith.addf %scan3A_1039, %get3A_1071 : vector<16xf32>
        %get3A_1073 = arith.index_cast %add3A_1048 : i32 to index
        %get3A_1074 = arith.constant 80 : index
        %get3A_1075 = tpu.vector_load %arg10[%get3A_1073, %get3A_1074] {strides = array<i32>} : memref<256x128xf32, #tpu.memory_space<vmem>>, vector<1x16xf32>,
        %get3A_1076 = vector.shape_cast %get3A_1075 : vector<1x16xf32> to vector<16xf32>
        %add3A_1077 = arith.addf %scan3A_1040, %get3A_1076 : vector<16xf32>
        %get3A_1078 = arith.index_cast %add3A_1048 : i32 to index
        %get3A_1079 = arith.constant 96 : index
        %get3A_1080 = tpu.vector_load %arg10[%get3A_1078, %get3A_1079] {strides = array<i32>} : memref<256x128xf32, #tpu.memory_space<vmem>>, vector<1x16xf32>,
        %get3A_1081 = vector.shape_cast %get3A_1080 : vector<1x16xf32> to vector<16xf32>
        %add3A_1082 = arith.addf %scan3A_1041, %get3A_1081 : vector<16xf32>
        %get3A_1083 = arith.index_cast %add3A_1048 : i32 to index
        %get3A_1084 = arith.constant 112 : index
        %get3A_1085 = tpu.vector_load %arg10[%get3A_1083, %get3A_1084] {strides = array<i32>} : memref<256x128xf32, #tpu.memory_space<vmem>>, vector<1x16xf32>,
        %get3A_1086 = vector.shape_cast %get3A_1085 : vector<1x16xf32> to vector<16xf32>
        %add3A_1087 = arith.addf %scan3A_1042, %get3A_1086 : vector<16xf32>
        %mul3A_1088 = arith.constant 4 : i32
        %mul3A_1089 = arith.muli %scan3A_1034, %mul3A_1088 : i32
        %add3A_1090 = arith.constant 224 : i32
        %add3A_1091 = arith.addi %add3A_1090, %mul3A_1089 : i32
        %add3A_1092 = arith.constant 1 : i32
        %add3A_1093 = arith.addi %add3A_1091, %add3A_1092 : i32
        %get3A_1094 = arith.index_cast %add3A_1093 : i32 to index
        %get3A_1095 = arith.constant 0 : index
        %get3A_1096 = tpu.vector_load %arg10[%get3A_1094, %get3A_1095] {strides = array<i32>} : memref<256x128xf32, #tpu.memory_space<vmem>>, vector<1x16xf32>,
        %get3A_1097 = vector.shape_cast %get3A_1096 : vector<1x16xf32> to vector<16xf32>
        %add3A_1098 = arith.addf %add3A_1052, %get3A_1097 : vector<16xf32>
        %get3A_1099 = arith.index_cast %add3A_1093 : i32 to index
        %get3A_1100 = arith.constant 16 : index
        %get3A_1101 = tpu.vector_load %arg10[%get3A_1099, %get3A_1100] {strides = array<i32>} : memref<256x128xf32, #tpu.memory_space<vmem>>, vector<1x16xf32>,
        %get3A_1102 = vector.shape_cast %get3A_1101 : vector<1x16xf32> to vector<16xf32>
        %add3A_1103 = arith.addf %add3A_1057, %get3A_1102 : vector<16xf32>
        %get3A_1104 = arith.index_cast %add3A_1093 : i32 to index
        %get3A_1105 = arith.constant 32 : index
        %get3A_1106 = tpu.vector_load %arg10[%get3A_1104, %get3A_1105] {strides = array<i32>} : memref<256x128xf32, #tpu.memory_space<vmem>>, vector<1x16xf32>,
        %get3A_1107 = vector.shape_cast %get3A_1106 : vector<1x16xf32> to vector<16xf32>
        %add3A_1108 = arith.addf %add3A_1062, %get3A_1107 : vector<16xf32>
        %get3A_1109 = arith.index_cast %add3A_1093 : i32 to index
        %get3A_1110 = arith.constant 48 : index
        %get3A_1111 = tpu.vector_load %arg10[%get3A_1109, %get3A_1110] {strides = array<i32>} : memref<256x128xf32, #tpu.memory_space<vmem>>, vector<1x16xf32>,
        %get3A_1112 = vector.shape_cast %get3A_1111 : vector<1x16xf32> to vector<16xf32>
        %add3A_1113 = arith.addf %add3A_1067, %get3A_1112 : vector<16xf32>
        %get3A_1114 = arith.index_cast %add3A_1093 : i32 to index
        %get3A_1115 = arith.constant 64 : index
        %get3A_1116 = tpu.vector_load %arg10[%get3A_1114, %get3A_1115] {strides = array<i32>} : memref<256x128xf32, #tpu.memory_space<vmem>>, vector<1x16xf32>,
        %get3A_1117 = vector.shape_cast %get3A_1116 : vector<1x16xf32> to vector<16xf32>
        %add3A_1118 = arith.addf %add3A_1072, %get3A_1117 : vector<16xf32>
        %get3A_1119 = arith.index_cast %add3A_1093 : i32 to index
        %get3A_1120 = arith.constant 80 : index
        %get3A_1121 = tpu.vector_load %arg10[%get3A_1119, %get3A_1120] {strides = array<i32>} : memref<256x128xf32, #tpu.memory_space<vmem>>, vector<1x16xf32>,
        %get3A_1122 = vector.shape_cast %get3A_1121 : vector<1x16xf32> to vector<16xf32>
        %add3A_1123 = arith.addf %add3A_1077, %get3A_1122 : vector<16xf32>
        %get3A_1124 = arith.index_cast %add3A_1093 : i32 to index
        %get3A_1125 = arith.constant 96 : index
        %get3A_1126 = tpu.vector_load %arg10[%get3A_1124, %get3A_1125] {strides = array<i32>} : memref<256x128xf32, #tpu.memory_space<vmem>>, vector<1x16xf32>,
        %get3A_1127 = vector.shape_cast %get3A_1126 : vector<1x16xf32> to vector<16xf32>
        %add3A_1128 = arith.addf %add3A_1082, %get3A_1127 : vector<16xf32>
        %get3A_1129 = arith.index_cast %add3A_1093 : i32 to index
        %get3A_1130 = arith.constant 112 : index
        %get3A_1131 = tpu.vector_load %arg10[%get3A_1129, %get3A_1130] {strides = array<i32>} : memref<256x128xf32, #tpu.memory_space<vmem>>, vector<1x16xf32>,
        %get3A_1132 = vector.shape_cast %get3A_1131 : vector<1x16xf32> to vector<16xf32>
        %add3A_1133 = arith.addf %add3A_1087, %get3A_1132 : vector<16xf32>
        %mul3A_1134 = arith.constant 4 : i32
        %mul3A_1135 = arith.muli %scan3A_1034, %mul3A_1134 : i32
        %add3A_1136 = arith.constant 224 : i32
        %add3A_1137 = arith.addi %add3A_1136, %mul3A_1135 : i32
        %add3A_1138 = arith.constant 2 : i32
        %add3A_1139 = arith.addi %add3A_1137, %add3A_1138 : i32
        %get3A_1140 = arith.index_cast %add3A_1139 : i32 to index
        %get3A_1141 = arith.constant 0 : index
        %get3A_1142 = tpu.vector_load %arg10[%get3A_1140, %get3A_1141] {strides = array<i32>} : memref<256x128xf32, #tpu.memory_space<vmem>>, vector<1x16xf32>,
        %get3A_1143 = vector.shape_cast %get3A_1142 : vector<1x16xf32> to vector<16xf32>
        %add3A_1144 = arith.addf %add3A_1098, %get3A_1143 : vector<16xf32>
        %get3A_1145 = arith.index_cast %add3A_1139 : i32 to index
        %get3A_1146 = arith.constant 16 : index
        %get3A_1147 = tpu.vector_load %arg10[%get3A_1145, %get3A_1146] {strides = array<i32>} : memref<256x128xf32, #tpu.memory_space<vmem>>, vector<1x16xf32>,
        %get3A_1148 = vector.shape_cast %get3A_1147 : vector<1x16xf32> to vector<16xf32>
        %add3A_1149 = arith.addf %add3A_1103, %get3A_1148 : vector<16xf32>
        %get3A_1150 = arith.index_cast %add3A_1139 : i32 to index
        %get3A_1151 = arith.constant 32 : index
        %get3A_1152 = tpu.vector_load %arg10[%get3A_1150, %get3A_1151] {strides = array<i32>} : memref<256x128xf32, #tpu.memory_space<vmem>>, vector<1x16xf32>,
        %get3A_1153 = vector.shape_cast %get3A_1152 : vector<1x16xf32> to vector<16xf32>
        %add3A_1154 = arith.addf %add3A_1108, %get3A_1153 : vector<16xf32>
        %get3A_1155 = arith.index_cast %add3A_1139 : i32 to index
        %get3A_1156 = arith.constant 48 : index
        %get3A_1157 = tpu.vector_load %arg10[%get3A_1155, %get3A_1156] {strides = array<i32>} : memref<256x128xf32, #tpu.memory_space<vmem>>, vector<1x16xf32>,
        %get3A_1158 = vector.shape_cast %get3A_1157 : vector<1x16xf32> to vector<16xf32>
        %add3A_1159 = arith.addf %add3A_1113, %get3A_1158 : vector<16xf32>
        %get3A_1160 = arith.index_cast %add3A_1139 : i32 to index
        %get3A_1161 = arith.constant 64 : index
        %get3A_1162 = tpu.vector_load %arg10[%get3A_1160, %get3A_1161] {strides = array<i32>} : memref<256x128xf32, #tpu.memory_space<vmem>>, vector<1x16xf32>,
        %get3A_1163 = vector.shape_cast %get3A_1162 : vector<1x16xf32> to vector<16xf32>
        %add3A_1164 = arith.addf %add3A_1118, %get3A_1163 : vector<16xf32>
        %get3A_1165 = arith.index_cast %add3A_1139 : i32 to index
        %get3A_1166 = arith.constant 80 : index
        %get3A_1167 = tpu.vector_load %arg10[%get3A_1165, %get3A_1166] {strides = array<i32>} : memref<256x128xf32, #tpu.memory_space<vmem>>, vector<1x16xf32>,
        %get3A_1168 = vector.shape_cast %get3A_1167 : vector<1x16xf32> to vector<16xf32>
        %add3A_1169 = arith.addf %add3A_1123, %get3A_1168 : vector<16xf32>
        %get3A_1170 = arith.index_cast %add3A_1139 : i32 to index
        %get3A_1171 = arith.constant 96 : index
        %get3A_1172 = tpu.vector_load %arg10[%get3A_1170, %get3A_1171] {strides = array<i32>} : memref<256x128xf32, #tpu.memory_space<vmem>>, vector<1x16xf32>,
        %get3A_1173 = vector.shape_cast %get3A_1172 : vector<1x16xf32> to vector<16xf32>
        %add3A_1174 = arith.addf %add3A_1128, %get3A_1173 : vector<16xf32>
        %get3A_1175 = arith.index_cast %add3A_1139 : i32 to index
        %get3A_1176 = arith.constant 112 : index
        %get3A_1177 = tpu.vector_load %arg10[%get3A_1175, %get3A_1176] {strides = array<i32>} : memref<256x128xf32, #tpu.memory_space<vmem>>, vector<1x16xf32>,
        %get3A_1178 = vector.shape_cast %get3A_1177 : vector<1x16xf32> to vector<16xf32>
        %add3A_1179 = arith.addf %add3A_1133, %get3A_1178 : vector<16xf32>
        %mul3A_1180 = arith.constant 4 : i32
        %mul3A_1181 = arith.muli %scan3A_1034, %mul3A_1180 : i32
        %add3A_1182 = arith.constant 224 : i32
        %add3A_1183 = arith.addi %add3A_1182, %mul3A_1181 : i32
        %add3A_1184 = arith.constant 3 : i32
        %add3A_1185 = arith.addi %add3A_1183, %add3A_1184 : i32
        %get3A_1186 = arith.index_cast %add3A_1185 : i32 to index
        %get3A_1187 = arith.constant 0 : index
        %get3A_1188 = tpu.vector_load %arg10[%get3A_1186, %get3A_1187] {strides = array<i32>} : memref<256x128xf32, #tpu.memory_space<vmem>>, vector<1x16xf32>,
        %get3A_1189 = vector.shape_cast %get3A_1188 : vector<1x16xf32> to vector<16xf32>
        %add3A_1190 = arith.addf %add3A_1144, %get3A_1189 : vector<16xf32>
        %get3A_1191 = arith.index_cast %add3A_1185 : i32 to index
        %get3A_1192 = arith.constant 16 : index
        %get3A_1193 = tpu.vector_load %arg10[%get3A_1191, %get3A_1192] {strides = array<i32>} : memref<256x128xf32, #tpu.memory_space<vmem>>, vector<1x16xf32>,
        %get3A_1194 = vector.shape_cast %get3A_1193 : vector<1x16xf32> to vector<16xf32>
        %add3A_1195 = arith.addf %add3A_1149, %get3A_1194 : vector<16xf32>
        %get3A_1196 = arith.index_cast %add3A_1185 : i32 to index
        %get3A_1197 = arith.constant 32 : index
        %get3A_1198 = tpu.vector_load %arg10[%get3A_1196, %get3A_1197] {strides = array<i32>} : memref<256x128xf32, #tpu.memory_space<vmem>>, vector<1x16xf32>,
        %get3A_1199 = vector.shape_cast %get3A_1198 : vector<1x16xf32> to vector<16xf32>
        %add3A_1200 = arith.addf %add3A_1154, %get3A_1199 : vector<16xf32>
        %get3A_1201 = arith.index_cast %add3A_1185 : i32 to index
        %get3A_1202 = arith.constant 48 : index
        %get3A_1203 = tpu.vector_load %arg10[%get3A_1201, %get3A_1202] {strides = array<i32>} : memref<256x128xf32, #tpu.memory_space<vmem>>, vector<1x16xf32>,
        %get3A_1204 = vector.shape_cast %get3A_1203 : vector<1x16xf32> to vector<16xf32>
        %add3A_1205 = arith.addf %add3A_1159, %get3A_1204 : vector<16xf32>
        %get3A_1206 = arith.index_cast %add3A_1185 : i32 to index
        %get3A_1207 = arith.constant 64 : index
        %get3A_1208 = tpu.vector_load %arg10[%get3A_1206, %get3A_1207] {strides = array<i32>} : memref<256x128xf32, #tpu.memory_space<vmem>>, vector<1x16xf32>,
        %get3A_1209 = vector.shape_cast %get3A_1208 : vector<1x16xf32> to vector<16xf32>
        %add3A_1210 = arith.addf %add3A_1164, %get3A_1209 : vector<16xf32>
        %get3A_1211 = arith.index_cast %add3A_1185 : i32 to index
        %get3A_1212 = arith.constant 80 : index
        %get3A_1213 = tpu.vector_load %arg10[%get3A_1211, %get3A_1212] {strides = array<i32>} : memref<256x128xf32, #tpu.memory_space<vmem>>, vector<1x16xf32>,
        %get3A_1214 = vector.shape_cast %get3A_1213 : vector<1x16xf32> to vector<16xf32>
        %add3A_1215 = arith.addf %add3A_1169, %get3A_1214 : vector<16xf32>
        %get3A_1216 = arith.index_cast %add3A_1185 : i32 to index
        %get3A_1217 = arith.constant 96 : index
        %get3A_1218 = tpu.vector_load %arg10[%get3A_1216, %get3A_1217] {strides = array<i32>} : memref<256x128xf32, #tpu.memory_space<vmem>>, vector<1x16xf32>,
        %get3A_1219 = vector.shape_cast %get3A_1218 : vector<1x16xf32> to vector<16xf32>
        %add3A_1220 = arith.addf %add3A_1174, %get3A_1219 : vector<16xf32>
        %get3A_1221 = arith.index_cast %add3A_1185 : i32 to index
        %get3A_1222 = arith.constant 112 : index
        %get3A_1223 = tpu.vector_load %arg10[%get3A_1221, %get3A_1222] {strides = array<i32>} : memref<256x128xf32, #tpu.memory_space<vmem>>, vector<1x16xf32>,
        %get3A_1224 = vector.shape_cast %get3A_1223 : vector<1x16xf32> to vector<16xf32>
        %add3A_1225 = arith.addf %add3A_1179, %get3A_1224 : vector<16xf32>
        scf.yield %add3A_1190, %add3A_1195, %add3A_1200, %add3A_1205, %add3A_1210, %add3A_1215, %add3A_1220, %add3A_1225 : vector<16xf32>, vector<16xf32>, vector<16xf32>, vector<16xf32>, vector<16xf32>, vector<16xf32>, vector<16xf32>, vector<16xf32>
      }
      %scan3A_468 = arith.constant 8 : i32
      %swap3A_469 = arith.constant 7 : i32
      %swap3A_470 = arith.index_cast %swap3A_469 : i32 to index
      %swap3A_471 = arith.constant 0 : index
      %swap3A_472 = tpu.vector_load %arg12[%swap3A_470, %swap3A_471] {strides = array<i32>} : memref<8x128xf32, #tpu.memory_space<vmem>>, vector<1x16xf32>,
      %swap3A_473 = vector.shape_cast %swap3A_472 : vector<1x16xf32> to vector<16xf32>
      %swap3A_474 = vector.shape_cast %scan3A_467#0 : vector<16xf32> to vector<1x16xf32>
      tpu.vector_store %arg12[%swap3A_470, %swap3A_471], %swap3A_474 {strides = array<i32>} : memref<8x128xf32, #tpu.memory_space<vmem>>, vector<1x16xf32>,
      %swap3A_475 = arith.constant 7 : i32
      %swap3A_476 = arith.index_cast %swap3A_475 : i32 to index
      %swap3A_477 = arith.constant 16 : index
      %swap3A_478 = tpu.vector_load %arg12[%swap3A_476, %swap3A_477] {strides = array<i32>} : memref<8x128xf32, #tpu.memory_space<vmem>>, vector<1x16xf32>,
      %swap3A_479 = vector.shape_cast %swap3A_478 : vector<1x16xf32> to vector<16xf32>
      %swap3A_480 = vector.shape_cast %scan3A_467#1 : vector<16xf32> to vector<1x16xf32>
      tpu.vector_store %arg12[%swap3A_476, %swap3A_477], %swap3A_480 {strides = array<i32>} : memref<8x128xf32, #tpu.memory_space<vmem>>, vector<1x16xf32>,
      %swap3A_481 = arith.constant 7 : i32
      %swap3A_482 = arith.index_cast %swap3A_481 : i32 to index
      %swap3A_483 = arith.constant 32 : index
      %swap3A_484 = tpu.vector_load %arg12[%swap3A_482, %swap3A_483] {strides = array<i32>} : memref<8x128xf32, #tpu.memory_space<vmem>>, vector<1x16xf32>,
      %swap3A_485 = vector.shape_cast %swap3A_484 : vector<1x16xf32> to vector<16xf32>
      %swap3A_486 = vector.shape_cast %scan3A_467#2 : vector<16xf32> to vector<1x16xf32>
      tpu.vector_store %arg12[%swap3A_482, %swap3A_483], %swap3A_486 {strides = array<i32>} : memref<8x128xf32, #tpu.memory_space<vmem>>, vector<1x16xf32>,
      %swap3A_487 = arith.constant 7 : i32
      %swap3A_488 = arith.index_cast %swap3A_487 : i32 to index
      %swap3A_489 = arith.constant 48 : index
      %swap3A_490 = tpu.vector_load %arg12[%swap3A_488, %swap3A_489] {strides = array<i32>} : memref<8x128xf32, #tpu.memory_space<vmem>>, vector<1x16xf32>,
      %swap3A_491 = vector.shape_cast %swap3A_490 : vector<1x16xf32> to vector<16xf32>
      %swap3A_492 = vector.shape_cast %scan3A_467#3 : vector<16xf32> to vector<1x16xf32>
      tpu.vector_store %arg12[%swap3A_488, %swap3A_489], %swap3A_492 {strides = array<i32>} : memref<8x128xf32, #tpu.memory_space<vmem>>, vector<1x16xf32>,
      %swap3A_493 = arith.constant 7 : i32
      %swap3A_494 = arith.index_cast %swap3A_493 : i32 to index
      %swap3A_495 = arith.constant 64 : index
      %swap3A_496 = tpu.vector_load %arg12[%swap3A_494, %swap3A_495] {strides = array<i32>} : memref<8x128xf32, #tpu.memory_space<vmem>>, vector<1x16xf32>,
      %swap3A_497 = vector.shape_cast %swap3A_496 : vector<1x16xf32> to vector<16xf32>
      %swap3A_498 = vector.shape_cast %scan3A_467#4 : vector<16xf32> to vector<1x16xf32>
      tpu.vector_store %arg12[%swap3A_494, %swap3A_495], %swap3A_498 {strides = array<i32>} : memref<8x128xf32, #tpu.memory_space<vmem>>, vector<1x16xf32>,
      %swap3A_499 = arith.constant 7 : i32
      %swap3A_500 = arith.index_cast %swap3A_499 : i32 to index
      %swap3A_501 = arith.constant 80 : index
      %swap3A_502 = tpu.vector_load %arg12[%swap3A_500, %swap3A_501] {strides = array<i32>} : memref<8x128xf32, #tpu.memory_space<vmem>>, vector<1x16xf32>,
      %swap3A_503 = vector.shape_cast %swap3A_502 : vector<1x16xf32> to vector<16xf32>
      %swap3A_504 = vector.shape_cast %scan3A_467#5 : vector<16xf32> to vector<1x16xf32>
      tpu.vector_store %arg12[%swap3A_500, %swap3A_501], %swap3A_504 {strides = array<i32>} : memref<8x128xf32, #tpu.memory_space<vmem>>, vector<1x16xf32>,
      %swap3A_505 = arith.constant 7 : i32
      %swap3A_506 = arith.index_cast %swap3A_505 : i32 to index
      %swap3A_507 = arith.constant 96 : index
      %swap3A_508 = tpu.vector_load %arg12[%swap3A_506, %swap3A_507] {strides = array<i32>} : memref<8x128xf32, #tpu.memory_space<vmem>>, vector<1x16xf32>,
      %swap3A_509 = vector.shape_cast %swap3A_508 : vector<1x16xf32> to vector<16xf32>
      %swap3A_510 = vector.shape_cast %scan3A_467#6 : vector<16xf32> to vector<1x16xf32>
      tpu.vector_store %arg12[%swap3A_506, %swap3A_507], %swap3A_510 {strides = array<i32>} : memref<8x128xf32, #tpu.memory_space<vmem>>, vector<1x16xf32>,
      %swap3A_511 = arith.constant 7 : i32
      %swap3A_512 = arith.index_cast %swap3A_511 : i32 to index
      %swap3A_513 = arith.constant 112 : index
      %swap3A_514 = tpu.vector_load %arg12[%swap3A_512, %swap3A_513] {strides = array<i32>} : memref<8x128xf32, #tpu.memory_space<vmem>>, vector<1x16xf32>,
      %swap3A_515 = vector.shape_cast %swap3A_514 : vector<1x16xf32> to vector<16xf32>
      %swap3A_516 = vector.shape_cast %scan3A_467#7 : vector<16xf32> to vector<1x16xf32>
      tpu.vector_store %arg12[%swap3A_512, %swap3A_513], %swap3A_516 {strides = array<i32>} : memref<8x128xf32, #tpu.memory_space<vmem>>, vector<1x16xf32>,
      %mul3A_517 = arith.constant 8 : i32
      %mul3A_518 = arith.muli %mul3A_52, %mul3A_517 : i32
      %add3A_519 = arith.addi %mul3A_2, %mul3A_518 : i32
      %dma_start3A_520 = arith.constant 0 : i32
      %dma_start3A_521 = tpu.memref_slice %arg6[%add3A_519, %dma_start3A_520] : memref<10240x128xf32, #tpu.memory_space<hbm>> -> memref<8x128xf32, #tpu.memory_space<hbm>>
      %dma_start3A_522 = arith.constant 0 : i32
      %dma_start3A_523 = tpu.memref_slice %arg6[%add3A_519, %dma_start3A_522] : memref<10240x128xf32, #tpu.memory_space<hbm>> -> memref<8x128xf32, #tpu.memory_space<hbm>>
      tpu.enqueue_dma source(%arg12 : memref<8x128xf32, #tpu.memory_space<vmem>>) target(%dma_start3A_523 : memref<8x128xf32, #tpu.memory_space<hbm>>) target_semaphore(%arg18 : memref<!tpu.dma_semaphore, #tpu.memory_space<semaphore_mem>>)
      %dma_wait3A_524 = arith.constant 0 : i32
      %dma_wait3A_525 = tpu.memref_slice %arg7[%dma_wait3A_524] : memref<320xi32, #tpu.memory_space<vmem>> -> memref<8xi32, #tpu.memory_space<vmem>>
      %dma_wait3A_526 = arith.constant 0 : i32
      %dma_wait3A_527 = arith.constant 0 : i32
      %dma_wait3A_528 = tpu.memref_slice %arg2[%dma_wait3A_526, %dma_wait3A_527] : memref<50000x128xf32, #tpu.memory_space<hbm>> -> memref<50000x128xf32, #tpu.memory_space<hbm>>
      tpu.wait_indirect_dma semaphore(%arg20 : memref<!tpu.dma_semaphore, #tpu.memory_space<semaphore_mem>>) src(%dma_wait3A_528 : memref<50000x128xf32, #tpu.memory_space<hbm>>) dst(%arg14 : memref<8x128xf32, #tpu.memory_space<vmem>>)
      %not3A_529 = arith.constant true
      %not3A_530 = arith.xori %eq3A_60, %not3A_529 : i1
      %convert_element_type3A_531 = arith.extui %not3A_530 : i1 to i32
      %cond3A_532 = arith.constant 0 : i32
      %cond3A_533 = arith.cmpi ne, %convert_element_type3A_531, %cond3A_532 : i32
      scf.if %cond3A_533 {
        %dma_wait3A_1034 = arith.constant 0 : i32
        %dma_wait3A_1035 = tpu.memref_slice %arg5[%mul3A_2, %dma_wait3A_1034] : memref<10240x128xf32, #tpu.memory_space<hbm>> -> memref<8x128xf32, #tpu.memory_space<hbm>>
        %dma_wait3A_1036 = arith.constant 0 : i32
        %dma_wait3A_1037 = tpu.memref_slice %arg5[%mul3A_2, %dma_wait3A_1036] : memref<10240x128xf32, #tpu.memory_space<hbm>> -> memref<8x128xf32, #tpu.memory_space<hbm>>
        tpu.wait_dma2 semaphore(%arg22 : memref<!tpu.dma_semaphore, #tpu.memory_space<semaphore_mem>>) src(%arg14 : memref<8x128xf32, #tpu.memory_space<vmem>>) dst(%dma_wait3A_1037 : memref<8x128xf32, #tpu.memory_space<hbm>>)
      } else {
      }
      %mul3A_534 = arith.constant 8 : i32
      %mul3A_535 = arith.muli %mul3A_52, %mul3A_534 : i32
      %add3A_536 = arith.addi %mul3A_2, %mul3A_535 : i32
      %dma_start3A_537 = arith.constant 0 : i32
      %dma_start3A_538 = tpu.memref_slice %arg5[%add3A_536, %dma_start3A_537] : memref<10240x128xf32, #tpu.memory_space<hbm>> -> memref<8x128xf32, #tpu.memory_space<hbm>>
      %dma_start3A_539 = arith.constant 0 : i32
      %dma_start3A_540 = tpu.memref_slice %arg5[%add3A_536, %dma_start3A_539] : memref<10240x128xf32, #tpu.memory_space<hbm>> -> memref<8x128xf32, #tpu.memory_space<hbm>>
      tpu.enqueue_dma source(%arg14 : memref<8x128xf32, #tpu.memory_space<vmem>>) target(%dma_start3A_540 : memref<8x128xf32, #tpu.memory_space<hbm>>) target_semaphore(%arg22 : memref<!tpu.dma_semaphore, #tpu.memory_space<semaphore_mem>>)
      %add3A_541 = arith.constant 2 : i32
      %add3A_542 = arith.addi %mul3A_52, %add3A_541 : i32
      %lt3A_543 = arith.constant 40 : i32
      %lt3A_544 = arith.cmpi slt, %add3A_542, %lt3A_543 : i32
      %convert_element_type3A_545 = arith.extui %lt3A_544 : i1 to i32
      %cond3A_546 = arith.constant 0 : i32
      %cond3A_547 = arith.cmpi ne, %convert_element_type3A_545, %cond3A_546 : i32
      scf.if %cond3A_547 {
        %add3A_1034 = arith.constant 2 : i32
        %add3A_1035 = arith.addi %mul3A_52, %add3A_1034 : i32
        %mul3A_1036 = arith.constant 256 : i32
        %mul3A_1037 = arith.muli %add3A_1035, %mul3A_1036 : i32
        %dma_start3A_1038 = tpu.memref_slice %arg9[%mul3A_1037] : memref<10240xi32, #tpu.memory_space<vmem>> -> memref<256xi32, #tpu.memory_space<vmem>>
        %dma_start3A_1039 = arith.constant 0 : i32
        %dma_start3A_1040 = arith.constant 0 : i32
        %dma_start3A_1041 = tpu.memref_slice %arg2[%dma_start3A_1039, %dma_start3A_1040] : memref<50000x128xf32, #tpu.memory_space<hbm>> -> memref<50000x128xf32, #tpu.memory_space<hbm>>
        tpu.enqueue_indirect_dma source(%dma_start3A_1041 : memref<50000x128xf32, #tpu.memory_space<hbm>>) target(%arg10 : memref<256x128xf32, #tpu.memory_space<vmem>>) offsets(%dma_start3A_1038 : memref<256xi32, #tpu.memory_space<vmem>>) semaphore(%arg16 : memref<!tpu.dma_semaphore, #tpu.memory_space<semaphore_mem>>)
        %mul3A_1042 = arith.constant 8 : i32
        %mul3A_1043 = arith.muli %add3A_1035, %mul3A_1042 : i32
        %dma_start3A_1044 = tpu.memref_slice %arg7[%mul3A_1043] : memref<320xi32, #tpu.memory_space<vmem>> -> memref<8xi32, #tpu.memory_space<vmem>>
        %dma_start3A_1045 = arith.constant 0 : i32
        %dma_start3A_1046 = arith.constant 0 : i32
        %dma_start3A_1047 = tpu.memref_slice %arg2[%dma_start3A_1045, %dma_start3A_1046] : memref<50000x128xf32, #tpu.memory_space<hbm>> -> memref<50000x128xf32, #tpu.memory_space<hbm>>
        tpu.enqueue_indirect_dma source(%dma_start3A_1047 : memref<50000x128xf32, #tpu.memory_space<hbm>>) target(%arg14 : memref<8x128xf32, #tpu.memory_space<vmem>>) offsets(%dma_start3A_1044 : memref<8xi32, #tpu.memory_space<vmem>>) semaphore(%arg20 : memref<!tpu.dma_semaphore, #tpu.memory_space<semaphore_mem>>)
      } else {
      }
      %add3A_548 = arith.constant 1 : i32
      %add3A_549 = arith.addi %mul3A_52, %add3A_548 : i32
      %eq3A_550 = arith.constant 0 : i32
      %eq3A_551 = arith.cmpi eq, %scan3A_50, %eq3A_550 : i32
      %dma_wait3A_552 = arith.constant 0 : i32
      %dma_wait3A_553 = tpu.memref_slice %arg9[%dma_wait3A_552] : memref<10240xi32, #tpu.memory_space<vmem>> -> memref<256xi32, #tpu.memory_space<vmem>>
      %dma_wait3A_554 = arith.constant 0 : i32
      %dma_wait3A_555 = arith.constant 0 : i32
      %dma_wait3A_556 = tpu.memref_slice %arg2[%dma_wait3A_554, %dma_wait3A_555] : memref<50000x128xf32, #tpu.memory_space<hbm>> -> memref<50000x128xf32, #tpu.memory_space<hbm>>
      tpu.wait_indirect_dma semaphore(%arg17 : memref<!tpu.dma_semaphore, #tpu.memory_space<semaphore_mem>>) src(%dma_wait3A_556 : memref<50000x128xf32, #tpu.memory_space<hbm>>) dst(%arg11 : memref<256x128xf32, #tpu.memory_space<vmem>>)
      %not3A_557 = arith.constant true
      %not3A_558 = arith.xori %eq3A_551, %not3A_557 : i1
      %convert_element_type3A_559 = arith.extui %not3A_558 : i1 to i32
      %cond3A_560 = arith.constant 0 : i32
      %cond3A_561 = arith.cmpi ne, %convert_element_type3A_559, %cond3A_560 : i32
      scf.if %cond3A_561 {
        %dma_wait3A_1034 = arith.constant 0 : i32
        %dma_wait3A_1035 = tpu.memref_slice %arg6[%mul3A_2, %dma_wait3A_1034] : memref<10240x128xf32, #tpu.memory_space<hbm>> -> memref<8x128xf32, #tpu.memory_space<hbm>>
        %dma_wait3A_1036 = arith.constant 0 : i32
        %dma_wait3A_1037 = tpu.memref_slice %arg6[%mul3A_2, %dma_wait3A_1036] : memref<10240x128xf32, #tpu.memory_space<hbm>> -> memref<8x128xf32, #tpu.memory_space<hbm>>
        tpu.wait_dma2 semaphore(%arg19 : memref<!tpu.dma_semaphore, #tpu.memory_space<semaphore_mem>>) src(%arg13 : memref<8x128xf32, #tpu.memory_space<vmem>>) dst(%dma_wait3A_1037 : memref<8x128xf32, #tpu.memory_space<hbm>>)
      } else {
      }
      %broadcast_in_dim3A_562 = arith.constant 0.000000e+00 : f32
      %broadcast_in_dim3A_563 = vector.broadcast %broadcast_in_dim3A_562 : f32 to vector<16xf32>
      %scan3A_564 = arith.constant 0 : i32
      %scan3A_565 = arith.constant 8 : i32
      %scan3A_566 = arith.addi %scan3A_564, %scan3A_565 : i32
      %scan3A_567 = arith.constant 1 : i32
      %scan3A_568:8 = scf.for %scan3A_1034 = %scan3A_564 to %scan3A_566 step %scan3A_567 iter_args(%scan3A_1035 = %broadcast_in_dim3A_563, %scan3A_1036 = %broadcast_in_dim3A_563, %scan3A_1037 = %broadcast_in_dim3A_563, %scan3A_1038 = %broadcast_in_dim3A_563, %scan3A_1039 = %broadcast_in_dim3A_563, %scan3A_1040 = %broadcast_in_dim3A_563, %scan3A_1041 = %broadcast_in_dim3A_563, %scan3A_1042 = %broadcast_in_dim3A_563) -> (vector<16xf32>, vector<16xf32>, vector<16xf32>, vector<16xf32>, vector<16xf32>, vector<16xf32>, vector<16xf32>, vector<16xf32>)  : i32 {
        %mul3A_1043 = arith.constant 4 : i32
        %mul3A_1044 = arith.muli %scan3A_1034, %mul3A_1043 : i32
        %add3A_1045 = arith.constant 0 : i32
        %add3A_1046 = arith.addi %add3A_1045, %mul3A_1044 : i32
        %add3A_1047 = arith.constant 0 : i32
        %add3A_1048 = arith.addi %add3A_1046, %add3A_1047 : i32
        %get3A = arith.index_cast %add3A_1048 : i32 to index
        %get3A_1049 = arith.constant 0 : index
        %get3A_1050 = tpu.vector_load %arg11[%get3A, %get3A_1049] {strides = array<i32>} : memref<256x128xf32, #tpu.memory_space<vmem>>, vector<1x16xf32>,
        %get3A_1051 = vector.shape_cast %get3A_1050 : vector<1x16xf32> to vector<16xf32>
        %add3A_1052 = arith.addf %scan3A_1035, %get3A_1051 : vector<16xf32>
        %get3A_1053 = arith.index_cast %add3A_1048 : i32 to index
        %get3A_1054 = arith.constant 16 : index
        %get3A_1055 = tpu.vector_load %arg11[%get3A_1053, %get3A_1054] {strides = array<i32>} : memref<256x128xf32, #tpu.memory_space<vmem>>, vector<1x16xf32>,
        %get3A_1056 = vector.shape_cast %get3A_1055 : vector<1x16xf32> to vector<16xf32>
        %add3A_1057 = arith.addf %scan3A_1036, %get3A_1056 : vector<16xf32>
        %get3A_1058 = arith.index_cast %add3A_1048 : i32 to index
        %get3A_1059 = arith.constant 32 : index
        %get3A_1060 = tpu.vector_load %arg11[%get3A_1058, %get3A_1059] {strides = array<i32>} : memref<256x128xf32, #tpu.memory_space<vmem>>, vector<1x16xf32>,
        %get3A_1061 = vector.shape_cast %get3A_1060 : vector<1x16xf32> to vector<16xf32>
        %add3A_1062 = arith.addf %scan3A_1037, %get3A_1061 : vector<16xf32>
        %get3A_1063 = arith.index_cast %add3A_1048 : i32 to index
        %get3A_1064 = arith.constant 48 : index
        %get3A_1065 = tpu.vector_load %arg11[%get3A_1063, %get3A_1064] {strides = array<i32>} : memref<256x128xf32, #tpu.memory_space<vmem>>, vector<1x16xf32>,
        %get3A_1066 = vector.shape_cast %get3A_1065 : vector<1x16xf32> to vector<16xf32>
        %add3A_1067 = arith.addf %scan3A_1038, %get3A_1066 : vector<16xf32>
        %get3A_1068 = arith.index_cast %add3A_1048 : i32 to index
        %get3A_1069 = arith.constant 64 : index
        %get3A_1070 = tpu.vector_load %arg11[%get3A_1068, %get3A_1069] {strides = array<i32>} : memref<256x128xf32, #tpu.memory_space<vmem>>, vector<1x16xf32>,
        %get3A_1071 = vector.shape_cast %get3A_1070 : vector<1x16xf32> to vector<16xf32>
        %add3A_1072 = arith.addf %scan3A_1039, %get3A_1071 : vector<16xf32>
        %get3A_1073 = arith.index_cast %add3A_1048 : i32 to index
        %get3A_1074 = arith.constant 80 : index
        %get3A_1075 = tpu.vector_load %arg11[%get3A_1073, %get3A_1074] {strides = array<i32>} : memref<256x128xf32, #tpu.memory_space<vmem>>, vector<1x16xf32>,
        %get3A_1076 = vector.shape_cast %get3A_1075 : vector<1x16xf32> to vector<16xf32>
        %add3A_1077 = arith.addf %scan3A_1040, %get3A_1076 : vector<16xf32>
        %get3A_1078 = arith.index_cast %add3A_1048 : i32 to index
        %get3A_1079 = arith.constant 96 : index
        %get3A_1080 = tpu.vector_load %arg11[%get3A_1078, %get3A_1079] {strides = array<i32>} : memref<256x128xf32, #tpu.memory_space<vmem>>, vector<1x16xf32>,
        %get3A_1081 = vector.shape_cast %get3A_1080 : vector<1x16xf32> to vector<16xf32>
        %add3A_1082 = arith.addf %scan3A_1041, %get3A_1081 : vector<16xf32>
        %get3A_1083 = arith.index_cast %add3A_1048 : i32 to index
        %get3A_1084 = arith.constant 112 : index
        %get3A_1085 = tpu.vector_load %arg11[%get3A_1083, %get3A_1084] {strides = array<i32>} : memref<256x128xf32, #tpu.memory_space<vmem>>, vector<1x16xf32>,
        %get3A_1086 = vector.shape_cast %get3A_1085 : vector<1x16xf32> to vector<16xf32>
        %add3A_1087 = arith.addf %scan3A_1042, %get3A_1086 : vector<16xf32>
        %mul3A_1088 = arith.constant 4 : i32
        %mul3A_1089 = arith.muli %scan3A_1034, %mul3A_1088 : i32
        %add3A_1090 = arith.constant 0 : i32
        %add3A_1091 = arith.addi %add3A_1090, %mul3A_1089 : i32
        %add3A_1092 = arith.constant 1 : i32
        %add3A_1093 = arith.addi %add3A_1091, %add3A_1092 : i32
        %get3A_1094 = arith.index_cast %add3A_1093 : i32 to index
        %get3A_1095 = arith.constant 0 : index
        %get3A_1096 = tpu.vector_load %arg11[%get3A_1094, %get3A_1095] {strides = array<i32>} : memref<256x128xf32, #tpu.memory_space<vmem>>, vector<1x16xf32>,
        %get3A_1097 = vector.shape_cast %get3A_1096 : vector<1x16xf32> to vector<16xf32>
        %add3A_1098 = arith.addf %add3A_1052, %get3A_1097 : vector<16xf32>
        %get3A_1099 = arith.index_cast %add3A_1093 : i32 to index
        %get3A_1100 = arith.constant 16 : index
        %get3A_1101 = tpu.vector_load %arg11[%get3A_1099, %get3A_1100] {strides = array<i32>} : memref<256x128xf32, #tpu.memory_space<vmem>>, vector<1x16xf32>,
        %get3A_1102 = vector.shape_cast %get3A_1101 : vector<1x16xf32> to vector<16xf32>
        %add3A_1103 = arith.addf %add3A_1057, %get3A_1102 : vector<16xf32>
        %get3A_1104 = arith.index_cast %add3A_1093 : i32 to index
        %get3A_1105 = arith.constant 32 : index
        %get3A_1106 = tpu.vector_load %arg11[%get3A_1104, %get3A_1105] {strides = array<i32>} : memref<256x128xf32, #tpu.memory_space<vmem>>, vector<1x16xf32>,
        %get3A_1107 = vector.shape_cast %get3A_1106 : vector<1x16xf32> to vector<16xf32>
        %add3A_1108 = arith.addf %add3A_1062, %get3A_1107 : vector<16xf32>
        %get3A_1109 = arith.index_cast %add3A_1093 : i32 to index
        %get3A_1110 = arith.constant 48 : index
        %get3A_1111 = tpu.vector_load %arg11[%get3A_1109, %get3A_1110] {strides = array<i32>} : memref<256x128xf32, #tpu.memory_space<vmem>>, vector<1x16xf32>,
        %get3A_1112 = vector.shape_cast %get3A_1111 : vector<1x16xf32> to vector<16xf32>
        %add3A_1113 = arith.addf %add3A_1067, %get3A_1112 : vector<16xf32>
        %get3A_1114 = arith.index_cast %add3A_1093 : i32 to index
        %get3A_1115 = arith.constant 64 : index
        %get3A_1116 = tpu.vector_load %arg11[%get3A_1114, %get3A_1115] {strides = array<i32>} : memref<256x128xf32, #tpu.memory_space<vmem>>, vector<1x16xf32>,
        %get3A_1117 = vector.shape_cast %get3A_1116 : vector<1x16xf32> to vector<16xf32>
        %add3A_1118 = arith.addf %add3A_1072, %get3A_1117 : vector<16xf32>
        %get3A_1119 = arith.index_cast %add3A_1093 : i32 to index
        %get3A_1120 = arith.constant 80 : index
        %get3A_1121 = tpu.vector_load %arg11[%get3A_1119, %get3A_1120] {strides = array<i32>} : memref<256x128xf32, #tpu.memory_space<vmem>>, vector<1x16xf32>,
        %get3A_1122 = vector.shape_cast %get3A_1121 : vector<1x16xf32> to vector<16xf32>
        %add3A_1123 = arith.addf %add3A_1077, %get3A_1122 : vector<16xf32>
        %get3A_1124 = arith.index_cast %add3A_1093 : i32 to index
        %get3A_1125 = arith.constant 96 : index
        %get3A_1126 = tpu.vector_load %arg11[%get3A_1124, %get3A_1125] {strides = array<i32>} : memref<256x128xf32, #tpu.memory_space<vmem>>, vector<1x16xf32>,
        %get3A_1127 = vector.shape_cast %get3A_1126 : vector<1x16xf32> to vector<16xf32>
        %add3A_1128 = arith.addf %add3A_1082, %get3A_1127 : vector<16xf32>
        %get3A_1129 = arith.index_cast %add3A_1093 : i32 to index
        %get3A_1130 = arith.constant 112 : index
        %get3A_1131 = tpu.vector_load %arg11[%get3A_1129, %get3A_1130] {strides = array<i32>} : memref<256x128xf32, #tpu.memory_space<vmem>>, vector<1x16xf32>,
        %get3A_1132 = vector.shape_cast %get3A_1131 : vector<1x16xf32> to vector<16xf32>
        %add3A_1133 = arith.addf %add3A_1087, %get3A_1132 : vector<16xf32>
        %mul3A_1134 = arith.constant 4 : i32
        %mul3A_1135 = arith.muli %scan3A_1034, %mul3A_1134 : i32
        %add3A_1136 = arith.constant 0 : i32
        %add3A_1137 = arith.addi %add3A_1136, %mul3A_1135 : i32
        %add3A_1138 = arith.constant 2 : i32
        %add3A_1139 = arith.addi %add3A_1137, %add3A_1138 : i32
        %get3A_1140 = arith.index_cast %add3A_1139 : i32 to index
        %get3A_1141 = arith.constant 0 : index
        %get3A_1142 = tpu.vector_load %arg11[%get3A_1140, %get3A_1141] {strides = array<i32>} : memref<256x128xf32, #tpu.memory_space<vmem>>, vector<1x16xf32>,
        %get3A_1143 = vector.shape_cast %get3A_1142 : vector<1x16xf32> to vector<16xf32>
        %add3A_1144 = arith.addf %add3A_1098, %get3A_1143 : vector<16xf32>
        %get3A_1145 = arith.index_cast %add3A_1139 : i32 to index
        %get3A_1146 = arith.constant 16 : index
        %get3A_1147 = tpu.vector_load %arg11[%get3A_1145, %get3A_1146] {strides = array<i32>} : memref<256x128xf32, #tpu.memory_space<vmem>>, vector<1x16xf32>,
        %get3A_1148 = vector.shape_cast %get3A_1147 : vector<1x16xf32> to vector<16xf32>
        %add3A_1149 = arith.addf %add3A_1103, %get3A_1148 : vector<16xf32>
        %get3A_1150 = arith.index_cast %add3A_1139 : i32 to index
        %get3A_1151 = arith.constant 32 : index
        %get3A_1152 = tpu.vector_load %arg11[%get3A_1150, %get3A_1151] {strides = array<i32>} : memref<256x128xf32, #tpu.memory_space<vmem>>, vector<1x16xf32>,
        %get3A_1153 = vector.shape_cast %get3A_1152 : vector<1x16xf32> to vector<16xf32>
        %add3A_1154 = arith.addf %add3A_1108, %get3A_1153 : vector<16xf32>
        %get3A_1155 = arith.index_cast %add3A_1139 : i32 to index
        %get3A_1156 = arith.constant 48 : index
        %get3A_1157 = tpu.vector_load %arg11[%get3A_1155, %get3A_1156] {strides = array<i32>} : memref<256x128xf32, #tpu.memory_space<vmem>>, vector<1x16xf32>,
        %get3A_1158 = vector.shape_cast %get3A_1157 : vector<1x16xf32> to vector<16xf32>
        %add3A_1159 = arith.addf %add3A_1113, %get3A_1158 : vector<16xf32>
        %get3A_1160 = arith.index_cast %add3A_1139 : i32 to index
        %get3A_1161 = arith.constant 64 : index
        %get3A_1162 = tpu.vector_load %arg11[%get3A_1160, %get3A_1161] {strides = array<i32>} : memref<256x128xf32, #tpu.memory_space<vmem>>, vector<1x16xf32>,
        %get3A_1163 = vector.shape_cast %get3A_1162 : vector<1x16xf32> to vector<16xf32>
        %add3A_1164 = arith.addf %add3A_1118, %get3A_1163 : vector<16xf32>
        %get3A_1165 = arith.index_cast %add3A_1139 : i32 to index
        %get3A_1166 = arith.constant 80 : index
        %get3A_1167 = tpu.vector_load %arg11[%get3A_1165, %get3A_1166] {strides = array<i32>} : memref<256x128xf32, #tpu.memory_space<vmem>>, vector<1x16xf32>,
        %get3A_1168 = vector.shape_cast %get3A_1167 : vector<1x16xf32> to vector<16xf32>
        %add3A_1169 = arith.addf %add3A_1123, %get3A_1168 : vector<16xf32>
        %get3A_1170 = arith.index_cast %add3A_1139 : i32 to index
        %get3A_1171 = arith.constant 96 : index
        %get3A_1172 = tpu.vector_load %arg11[%get3A_1170, %get3A_1171] {strides = array<i32>} : memref<256x128xf32, #tpu.memory_space<vmem>>, vector<1x16xf32>,
        %get3A_1173 = vector.shape_cast %get3A_1172 : vector<1x16xf32> to vector<16xf32>
        %add3A_1174 = arith.addf %add3A_1128, %get3A_1173 : vector<16xf32>
        %get3A_1175 = arith.index_cast %add3A_1139 : i32 to index
        %get3A_1176 = arith.constant 112 : index
        %get3A_1177 = tpu.vector_load %arg11[%get3A_1175, %get3A_1176] {strides = array<i32>} : memref<256x128xf32, #tpu.memory_space<vmem>>, vector<1x16xf32>,
        %get3A_1178 = vector.shape_cast %get3A_1177 : vector<1x16xf32> to vector<16xf32>
        %add3A_1179 = arith.addf %add3A_1133, %get3A_1178 : vector<16xf32>
        %mul3A_1180 = arith.constant 4 : i32
        %mul3A_1181 = arith.muli %scan3A_1034, %mul3A_1180 : i32
        %add3A_1182 = arith.constant 0 : i32
        %add3A_1183 = arith.addi %add3A_1182, %mul3A_1181 : i32
        %add3A_1184 = arith.constant 3 : i32
        %add3A_1185 = arith.addi %add3A_1183, %add3A_1184 : i32
        %get3A_1186 = arith.index_cast %add3A_1185 : i32 to index
        %get3A_1187 = arith.constant 0 : index
        %get3A_1188 = tpu.vector_load %arg11[%get3A_1186, %get3A_1187] {strides = array<i32>} : memref<256x128xf32, #tpu.memory_space<vmem>>, vector<1x16xf32>,
        %get3A_1189 = vector.shape_cast %get3A_1188 : vector<1x16xf32> to vector<16xf32>
        %add3A_1190 = arith.addf %add3A_1144, %get3A_1189 : vector<16xf32>
        %get3A_1191 = arith.index_cast %add3A_1185 : i32 to index
        %get3A_1192 = arith.constant 16 : index
        %get3A_1193 = tpu.vector_load %arg11[%get3A_1191, %get3A_1192] {strides = array<i32>} : memref<256x128xf32, #tpu.memory_space<vmem>>, vector<1x16xf32>,
        %get3A_1194 = vector.shape_cast %get3A_1193 : vector<1x16xf32> to vector<16xf32>
        %add3A_1195 = arith.addf %add3A_1149, %get3A_1194 : vector<16xf32>
        %get3A_1196 = arith.index_cast %add3A_1185 : i32 to index
        %get3A_1197 = arith.constant 32 : index
        %get3A_1198 = tpu.vector_load %arg11[%get3A_1196, %get3A_1197] {strides = array<i32>} : memref<256x128xf32, #tpu.memory_space<vmem>>, vector<1x16xf32>,
        %get3A_1199 = vector.shape_cast %get3A_1198 : vector<1x16xf32> to vector<16xf32>
        %add3A_1200 = arith.addf %add3A_1154, %get3A_1199 : vector<16xf32>
        %get3A_1201 = arith.index_cast %add3A_1185 : i32 to index
        %get3A_1202 = arith.constant 48 : index
        %get3A_1203 = tpu.vector_load %arg11[%get3A_1201, %get3A_1202] {strides = array<i32>} : memref<256x128xf32, #tpu.memory_space<vmem>>, vector<1x16xf32>,
        %get3A_1204 = vector.shape_cast %get3A_1203 : vector<1x16xf32> to vector<16xf32>
        %add3A_1205 = arith.addf %add3A_1159, %get3A_1204 : vector<16xf32>
        %get3A_1206 = arith.index_cast %add3A_1185 : i32 to index
        %get3A_1207 = arith.constant 64 : index
        %get3A_1208 = tpu.vector_load %arg11[%get3A_1206, %get3A_1207] {strides = array<i32>} : memref<256x128xf32, #tpu.memory_space<vmem>>, vector<1x16xf32>,
        %get3A_1209 = vector.shape_cast %get3A_1208 : vector<1x16xf32> to vector<16xf32>
        %add3A_1210 = arith.addf %add3A_1164, %get3A_1209 : vector<16xf32>
        %get3A_1211 = arith.index_cast %add3A_1185 : i32 to index
        %get3A_1212 = arith.constant 80 : index
        %get3A_1213 = tpu.vector_load %arg11[%get3A_1211, %get3A_1212] {strides = array<i32>} : memref<256x128xf32, #tpu.memory_space<vmem>>, vector<1x16xf32>,
        %get3A_1214 = vector.shape_cast %get3A_1213 : vector<1x16xf32> to vector<16xf32>
        %add3A_1215 = arith.addf %add3A_1169, %get3A_1214 : vector<16xf32>
        %get3A_1216 = arith.index_cast %add3A_1185 : i32 to index
        %get3A_1217 = arith.constant 96 : index
        %get3A_1218 = tpu.vector_load %arg11[%get3A_1216, %get3A_1217] {strides = array<i32>} : memref<256x128xf32, #tpu.memory_space<vmem>>, vector<1x16xf32>,
        %get3A_1219 = vector.shape_cast %get3A_1218 : vector<1x16xf32> to vector<16xf32>
        %add3A_1220 = arith.addf %add3A_1174, %get3A_1219 : vector<16xf32>
        %get3A_1221 = arith.index_cast %add3A_1185 : i32 to index
        %get3A_1222 = arith.constant 112 : index
        %get3A_1223 = tpu.vector_load %arg11[%get3A_1221, %get3A_1222] {strides = array<i32>} : memref<256x128xf32, #tpu.memory_space<vmem>>, vector<1x16xf32>,
        %get3A_1224 = vector.shape_cast %get3A_1223 : vector<1x16xf32> to vector<16xf32>
        %add3A_1225 = arith.addf %add3A_1179, %get3A_1224 : vector<16xf32>
        scf.yield %add3A_1190, %add3A_1195, %add3A_1200, %add3A_1205, %add3A_1210, %add3A_1215, %add3A_1220, %add3A_1225 : vector<16xf32>, vector<16xf32>, vector<16xf32>, vector<16xf32>, vector<16xf32>, vector<16xf32>, vector<16xf32>, vector<16xf32>
      }
      %scan3A_569 = arith.constant 8 : i32
      %swap3A_570 = arith.constant 0 : i32
      %swap3A_571 = arith.index_cast %swap3A_570 : i32 to index
      %swap3A_572 = arith.constant 0 : index
      %swap3A_573 = tpu.vector_load %arg13[%swap3A_571, %swap3A_572] {strides = array<i32>} : memref<8x128xf32, #tpu.memory_space<vmem>>, vector<1x16xf32>,
      %swap3A_574 = vector.shape_cast %swap3A_573 : vector<1x16xf32> to vector<16xf32>
      %swap3A_575 = vector.shape_cast %scan3A_568#0 : vector<16xf32> to vector<1x16xf32>
      tpu.vector_store %arg13[%swap3A_571, %swap3A_572], %swap3A_575 {strides = array<i32>} : memref<8x128xf32, #tpu.memory_space<vmem>>, vector<1x16xf32>,
      %swap3A_576 = arith.constant 0 : i32
      %swap3A_577 = arith.index_cast %swap3A_576 : i32 to index
      %swap3A_578 = arith.constant 16 : index
      %swap3A_579 = tpu.vector_load %arg13[%swap3A_577, %swap3A_578] {strides = array<i32>} : memref<8x128xf32, #tpu.memory_space<vmem>>, vector<1x16xf32>,
      %swap3A_580 = vector.shape_cast %swap3A_579 : vector<1x16xf32> to vector<16xf32>
      %swap3A_581 = vector.shape_cast %scan3A_568#1 : vector<16xf32> to vector<1x16xf32>
      tpu.vector_store %arg13[%swap3A_577, %swap3A_578], %swap3A_581 {strides = array<i32>} : memref<8x128xf32, #tpu.memory_space<vmem>>, vector<1x16xf32>,
      %swap3A_582 = arith.constant 0 : i32
      %swap3A_583 = arith.index_cast %swap3A_582 : i32 to index
      %swap3A_584 = arith.constant 32 : index
      %swap3A_585 = tpu.vector_load %arg13[%swap3A_583, %swap3A_584] {strides = array<i32>} : memref<8x128xf32, #tpu.memory_space<vmem>>, vector<1x16xf32>,
      %swap3A_586 = vector.shape_cast %swap3A_585 : vector<1x16xf32> to vector<16xf32>
      %swap3A_587 = vector.shape_cast %scan3A_568#2 : vector<16xf32> to vector<1x16xf32>
      tpu.vector_store %arg13[%swap3A_583, %swap3A_584], %swap3A_587 {strides = array<i32>} : memref<8x128xf32, #tpu.memory_space<vmem>>, vector<1x16xf32>,
      %swap3A_588 = arith.constant 0 : i32
      %swap3A_589 = arith.index_cast %swap3A_588 : i32 to index
      %swap3A_590 = arith.constant 48 : index
      %swap3A_591 = tpu.vector_load %arg13[%swap3A_589, %swap3A_590] {strides = array<i32>} : memref<8x128xf32, #tpu.memory_space<vmem>>, vector<1x16xf32>,
      %swap3A_592 = vector.shape_cast %swap3A_591 : vector<1x16xf32> to vector<16xf32>
      %swap3A_593 = vector.shape_cast %scan3A_568#3 : vector<16xf32> to vector<1x16xf32>
      tpu.vector_store %arg13[%swap3A_589, %swap3A_590], %swap3A_593 {strides = array<i32>} : memref<8x128xf32, #tpu.memory_space<vmem>>, vector<1x16xf32>,
      %swap3A_594 = arith.constant 0 : i32
      %swap3A_595 = arith.index_cast %swap3A_594 : i32 to index
      %swap3A_596 = arith.constant 64 : index
      %swap3A_597 = tpu.vector_load %arg13[%swap3A_595, %swap3A_596] {strides = array<i32>} : memref<8x128xf32, #tpu.memory_space<vmem>>, vector<1x16xf32>,
      %swap3A_598 = vector.shape_cast %swap3A_597 : vector<1x16xf32> to vector<16xf32>
      %swap3A_599 = vector.shape_cast %scan3A_568#4 : vector<16xf32> to vector<1x16xf32>
      tpu.vector_store %arg13[%swap3A_595, %swap3A_596], %swap3A_599 {strides = array<i32>} : memref<8x128xf32, #tpu.memory_space<vmem>>, vector<1x16xf32>,
      %swap3A_600 = arith.constant 0 : i32
      %swap3A_601 = arith.index_cast %swap3A_600 : i32 to index
      %swap3A_602 = arith.constant 80 : index
      %swap3A_603 = tpu.vector_load %arg13[%swap3A_601, %swap3A_602] {strides = array<i32>} : memref<8x128xf32, #tpu.memory_space<vmem>>, vector<1x16xf32>,
      %swap3A_604 = vector.shape_cast %swap3A_603 : vector<1x16xf32> to vector<16xf32>
      %swap3A_605 = vector.shape_cast %scan3A_568#5 : vector<16xf32> to vector<1x16xf32>
      tpu.vector_store %arg13[%swap3A_601, %swap3A_602], %swap3A_605 {strides = array<i32>} : memref<8x128xf32, #tpu.memory_space<vmem>>, vector<1x16xf32>,
      %swap3A_606 = arith.constant 0 : i32
      %swap3A_607 = arith.index_cast %swap3A_606 : i32 to index
      %swap3A_608 = arith.constant 96 : index
      %swap3A_609 = tpu.vector_load %arg13[%swap3A_607, %swap3A_608] {strides = array<i32>} : memref<8x128xf32, #tpu.memory_space<vmem>>, vector<1x16xf32>,
      %swap3A_610 = vector.shape_cast %swap3A_609 : vector<1x16xf32> to vector<16xf32>
      %swap3A_611 = vector.shape_cast %scan3A_568#6 : vector<16xf32> to vector<1x16xf32>
      tpu.vector_store %arg13[%swap3A_607, %swap3A_608], %swap3A_611 {strides = array<i32>} : memref<8x128xf32, #tpu.memory_space<vmem>>, vector<1x16xf32>,
      %swap3A_612 = arith.constant 0 : i32
      %swap3A_613 = arith.index_cast %swap3A_612 : i32 to index
      %swap3A_614 = arith.constant 112 : index
      %swap3A_615 = tpu.vector_load %arg13[%swap3A_613, %swap3A_614] {strides = array<i32>} : memref<8x128xf32, #tpu.memory_space<vmem>>, vector<1x16xf32>,
      %swap3A_616 = vector.shape_cast %swap3A_615 : vector<1x16xf32> to vector<16xf32>
      %swap3A_617 = vector.shape_cast %scan3A_568#7 : vector<16xf32> to vector<1x16xf32>
      tpu.vector_store %arg13[%swap3A_613, %swap3A_614], %swap3A_617 {strides = array<i32>} : memref<8x128xf32, #tpu.memory_space<vmem>>, vector<1x16xf32>,
      %broadcast_in_dim3A_618 = arith.constant 0.000000e+00 : f32
      %broadcast_in_dim3A_619 = vector.broadcast %broadcast_in_dim3A_618 : f32 to vector<16xf32>
      %scan3A_620 = arith.constant 0 : i32
      %scan3A_621 = arith.constant 8 : i32
      %scan3A_622 = arith.addi %scan3A_620, %scan3A_621 : i32
      %scan3A_623 = arith.constant 1 : i32
      %scan3A_624:8 = scf.for %scan3A_1034 = %scan3A_620 to %scan3A_622 step %scan3A_623 iter_args(%scan3A_1035 = %broadcast_in_dim3A_619, %scan3A_1036 = %broadcast_in_dim3A_619, %scan3A_1037 = %broadcast_in_dim3A_619, %scan3A_1038 = %broadcast_in_dim3A_619, %scan3A_1039 = %broadcast_in_dim3A_619, %scan3A_1040 = %broadcast_in_dim3A_619, %scan3A_1041 = %broadcast_in_dim3A_619, %scan3A_1042 = %broadcast_in_dim3A_619) -> (vector<16xf32>, vector<16xf32>, vector<16xf32>, vector<16xf32>, vector<16xf32>, vector<16xf32>, vector<16xf32>, vector<16xf32>)  : i32 {
        %mul3A_1043 = arith.constant 4 : i32
        %mul3A_1044 = arith.muli %scan3A_1034, %mul3A_1043 : i32
        %add3A_1045 = arith.constant 32 : i32
        %add3A_1046 = arith.addi %add3A_1045, %mul3A_1044 : i32
        %add3A_1047 = arith.constant 0 : i32
        %add3A_1048 = arith.addi %add3A_1046, %add3A_1047 : i32
        %get3A = arith.index_cast %add3A_1048 : i32 to index
        %get3A_1049 = arith.constant 0 : index
        %get3A_1050 = tpu.vector_load %arg11[%get3A, %get3A_1049] {strides = array<i32>} : memref<256x128xf32, #tpu.memory_space<vmem>>, vector<1x16xf32>,
        %get3A_1051 = vector.shape_cast %get3A_1050 : vector<1x16xf32> to vector<16xf32>
        %add3A_1052 = arith.addf %scan3A_1035, %get3A_1051 : vector<16xf32>
        %get3A_1053 = arith.index_cast %add3A_1048 : i32 to index
        %get3A_1054 = arith.constant 16 : index
        %get3A_1055 = tpu.vector_load %arg11[%get3A_1053, %get3A_1054] {strides = array<i32>} : memref<256x128xf32, #tpu.memory_space<vmem>>, vector<1x16xf32>,
        %get3A_1056 = vector.shape_cast %get3A_1055 : vector<1x16xf32> to vector<16xf32>
        %add3A_1057 = arith.addf %scan3A_1036, %get3A_1056 : vector<16xf32>
        %get3A_1058 = arith.index_cast %add3A_1048 : i32 to index
        %get3A_1059 = arith.constant 32 : index
        %get3A_1060 = tpu.vector_load %arg11[%get3A_1058, %get3A_1059] {strides = array<i32>} : memref<256x128xf32, #tpu.memory_space<vmem>>, vector<1x16xf32>,
        %get3A_1061 = vector.shape_cast %get3A_1060 : vector<1x16xf32> to vector<16xf32>
        %add3A_1062 = arith.addf %scan3A_1037, %get3A_1061 : vector<16xf32>
        %get3A_1063 = arith.index_cast %add3A_1048 : i32 to index
        %get3A_1064 = arith.constant 48 : index
        %get3A_1065 = tpu.vector_load %arg11[%get3A_1063, %get3A_1064] {strides = array<i32>} : memref<256x128xf32, #tpu.memory_space<vmem>>, vector<1x16xf32>,
        %get3A_1066 = vector.shape_cast %get3A_1065 : vector<1x16xf32> to vector<16xf32>
        %add3A_1067 = arith.addf %scan3A_1038, %get3A_1066 : vector<16xf32>
        %get3A_1068 = arith.index_cast %add3A_1048 : i32 to index
        %get3A_1069 = arith.constant 64 : index
        %get3A_1070 = tpu.vector_load %arg11[%get3A_1068, %get3A_1069] {strides = array<i32>} : memref<256x128xf32, #tpu.memory_space<vmem>>, vector<1x16xf32>,
        %get3A_1071 = vector.shape_cast %get3A_1070 : vector<1x16xf32> to vector<16xf32>
        %add3A_1072 = arith.addf %scan3A_1039, %get3A_1071 : vector<16xf32>
        %get3A_1073 = arith.index_cast %add3A_1048 : i32 to index
        %get3A_1074 = arith.constant 80 : index
        %get3A_1075 = tpu.vector_load %arg11[%get3A_1073, %get3A_1074] {strides = array<i32>} : memref<256x128xf32, #tpu.memory_space<vmem>>, vector<1x16xf32>,
        %get3A_1076 = vector.shape_cast %get3A_1075 : vector<1x16xf32> to vector<16xf32>
        %add3A_1077 = arith.addf %scan3A_1040, %get3A_1076 : vector<16xf32>
        %get3A_1078 = arith.index_cast %add3A_1048 : i32 to index
        %get3A_1079 = arith.constant 96 : index
        %get3A_1080 = tpu.vector_load %arg11[%get3A_1078, %get3A_1079] {strides = array<i32>} : memref<256x128xf32, #tpu.memory_space<vmem>>, vector<1x16xf32>,
        %get3A_1081 = vector.shape_cast %get3A_1080 : vector<1x16xf32> to vector<16xf32>
        %add3A_1082 = arith.addf %scan3A_1041, %get3A_1081 : vector<16xf32>
        %get3A_1083 = arith.index_cast %add3A_1048 : i32 to index
        %get3A_1084 = arith.constant 112 : index
        %get3A_1085 = tpu.vector_load %arg11[%get3A_1083, %get3A_1084] {strides = array<i32>} : memref<256x128xf32, #tpu.memory_space<vmem>>, vector<1x16xf32>,
        %get3A_1086 = vector.shape_cast %get3A_1085 : vector<1x16xf32> to vector<16xf32>
        %add3A_1087 = arith.addf %scan3A_1042, %get3A_1086 : vector<16xf32>
        %mul3A_1088 = arith.constant 4 : i32
        %mul3A_1089 = arith.muli %scan3A_1034, %mul3A_1088 : i32
        %add3A_1090 = arith.constant 32 : i32
        %add3A_1091 = arith.addi %add3A_1090, %mul3A_1089 : i32
        %add3A_1092 = arith.constant 1 : i32
        %add3A_1093 = arith.addi %add3A_1091, %add3A_1092 : i32
        %get3A_1094 = arith.index_cast %add3A_1093 : i32 to index
        %get3A_1095 = arith.constant 0 : index
        %get3A_1096 = tpu.vector_load %arg11[%get3A_1094, %get3A_1095] {strides = array<i32>} : memref<256x128xf32, #tpu.memory_space<vmem>>, vector<1x16xf32>,
        %get3A_1097 = vector.shape_cast %get3A_1096 : vector<1x16xf32> to vector<16xf32>
        %add3A_1098 = arith.addf %add3A_1052, %get3A_1097 : vector<16xf32>
        %get3A_1099 = arith.index_cast %add3A_1093 : i32 to index
        %get3A_1100 = arith.constant 16 : index
        %get3A_1101 = tpu.vector_load %arg11[%get3A_1099, %get3A_1100] {strides = array<i32>} : memref<256x128xf32, #tpu.memory_space<vmem>>, vector<1x16xf32>,
        %get3A_1102 = vector.shape_cast %get3A_1101 : vector<1x16xf32> to vector<16xf32>
        %add3A_1103 = arith.addf %add3A_1057, %get3A_1102 : vector<16xf32>
        %get3A_1104 = arith.index_cast %add3A_1093 : i32 to index
        %get3A_1105 = arith.constant 32 : index
        %get3A_1106 = tpu.vector_load %arg11[%get3A_1104, %get3A_1105] {strides = array<i32>} : memref<256x128xf32, #tpu.memory_space<vmem>>, vector<1x16xf32>,
        %get3A_1107 = vector.shape_cast %get3A_1106 : vector<1x16xf32> to vector<16xf32>
        %add3A_1108 = arith.addf %add3A_1062, %get3A_1107 : vector<16xf32>
        %get3A_1109 = arith.index_cast %add3A_1093 : i32 to index
        %get3A_1110 = arith.constant 48 : index
        %get3A_1111 = tpu.vector_load %arg11[%get3A_1109, %get3A_1110] {strides = array<i32>} : memref<256x128xf32, #tpu.memory_space<vmem>>, vector<1x16xf32>,
        %get3A_1112 = vector.shape_cast %get3A_1111 : vector<1x16xf32> to vector<16xf32>
        %add3A_1113 = arith.addf %add3A_1067, %get3A_1112 : vector<16xf32>
        %get3A_1114 = arith.index_cast %add3A_1093 : i32 to index
        %get3A_1115 = arith.constant 64 : index
        %get3A_1116 = tpu.vector_load %arg11[%get3A_1114, %get3A_1115] {strides = array<i32>} : memref<256x128xf32, #tpu.memory_space<vmem>>, vector<1x16xf32>,
        %get3A_1117 = vector.shape_cast %get3A_1116 : vector<1x16xf32> to vector<16xf32>
        %add3A_1118 = arith.addf %add3A_1072, %get3A_1117 : vector<16xf32>
        %get3A_1119 = arith.index_cast %add3A_1093 : i32 to index
        %get3A_1120 = arith.constant 80 : index
        %get3A_1121 = tpu.vector_load %arg11[%get3A_1119, %get3A_1120] {strides = array<i32>} : memref<256x128xf32, #tpu.memory_space<vmem>>, vector<1x16xf32>,
        %get3A_1122 = vector.shape_cast %get3A_1121 : vector<1x16xf32> to vector<16xf32>
        %add3A_1123 = arith.addf %add3A_1077, %get3A_1122 : vector<16xf32>
        %get3A_1124 = arith.index_cast %add3A_1093 : i32 to index
        %get3A_1125 = arith.constant 96 : index
        %get3A_1126 = tpu.vector_load %arg11[%get3A_1124, %get3A_1125] {strides = array<i32>} : memref<256x128xf32, #tpu.memory_space<vmem>>, vector<1x16xf32>,
        %get3A_1127 = vector.shape_cast %get3A_1126 : vector<1x16xf32> to vector<16xf32>
        %add3A_1128 = arith.addf %add3A_1082, %get3A_1127 : vector<16xf32>
        %get3A_1129 = arith.index_cast %add3A_1093 : i32 to index
        %get3A_1130 = arith.constant 112 : index
        %get3A_1131 = tpu.vector_load %arg11[%get3A_1129, %get3A_1130] {strides = array<i32>} : memref<256x128xf32, #tpu.memory_space<vmem>>, vector<1x16xf32>,
        %get3A_1132 = vector.shape_cast %get3A_1131 : vector<1x16xf32> to vector<16xf32>
        %add3A_1133 = arith.addf %add3A_1087, %get3A_1132 : vector<16xf32>
        %mul3A_1134 = arith.constant 4 : i32
        %mul3A_1135 = arith.muli %scan3A_1034, %mul3A_1134 : i32
        %add3A_1136 = arith.constant 32 : i32
        %add3A_1137 = arith.addi %add3A_1136, %mul3A_1135 : i32
        %add3A_1138 = arith.constant 2 : i32
        %add3A_1139 = arith.addi %add3A_1137, %add3A_1138 : i32
        %get3A_1140 = arith.index_cast %add3A_1139 : i32 to index
        %get3A_1141 = arith.constant 0 : index
        %get3A_1142 = tpu.vector_load %arg11[%get3A_1140, %get3A_1141] {strides = array<i32>} : memref<256x128xf32, #tpu.memory_space<vmem>>, vector<1x16xf32>,
        %get3A_1143 = vector.shape_cast %get3A_1142 : vector<1x16xf32> to vector<16xf32>
        %add3A_1144 = arith.addf %add3A_1098, %get3A_1143 : vector<16xf32>
        %get3A_1145 = arith.index_cast %add3A_1139 : i32 to index
        %get3A_1146 = arith.constant 16 : index
        %get3A_1147 = tpu.vector_load %arg11[%get3A_1145, %get3A_1146] {strides = array<i32>} : memref<256x128xf32, #tpu.memory_space<vmem>>, vector<1x16xf32>,
        %get3A_1148 = vector.shape_cast %get3A_1147 : vector<1x16xf32> to vector<16xf32>
        %add3A_1149 = arith.addf %add3A_1103, %get3A_1148 : vector<16xf32>
        %get3A_1150 = arith.index_cast %add3A_1139 : i32 to index
        %get3A_1151 = arith.constant 32 : index
        %get3A_1152 = tpu.vector_load %arg11[%get3A_1150, %get3A_1151] {strides = array<i32>} : memref<256x128xf32, #tpu.memory_space<vmem>>, vector<1x16xf32>,
        %get3A_1153 = vector.shape_cast %get3A_1152 : vector<1x16xf32> to vector<16xf32>
        %add3A_1154 = arith.addf %add3A_1108, %get3A_1153 : vector<16xf32>
        %get3A_1155 = arith.index_cast %add3A_1139 : i32 to index
        %get3A_1156 = arith.constant 48 : index
        %get3A_1157 = tpu.vector_load %arg11[%get3A_1155, %get3A_1156] {strides = array<i32>} : memref<256x128xf32, #tpu.memory_space<vmem>>, vector<1x16xf32>,
        %get3A_1158 = vector.shape_cast %get3A_1157 : vector<1x16xf32> to vector<16xf32>
        %add3A_1159 = arith.addf %add3A_1113, %get3A_1158 : vector<16xf32>
        %get3A_1160 = arith.index_cast %add3A_1139 : i32 to index
        %get3A_1161 = arith.constant 64 : index
        %get3A_1162 = tpu.vector_load %arg11[%get3A_1160, %get3A_1161] {strides = array<i32>} : memref<256x128xf32, #tpu.memory_space<vmem>>, vector<1x16xf32>,
        %get3A_1163 = vector.shape_cast %get3A_1162 : vector<1x16xf32> to vector<16xf32>
        %add3A_1164 = arith.addf %add3A_1118, %get3A_1163 : vector<16xf32>
        %get3A_1165 = arith.index_cast %add3A_1139 : i32 to index
        %get3A_1166 = arith.constant 80 : index
        %get3A_1167 = tpu.vector_load %arg11[%get3A_1165, %get3A_1166] {strides = array<i32>} : memref<256x128xf32, #tpu.memory_space<vmem>>, vector<1x16xf32>,
        %get3A_1168 = vector.shape_cast %get3A_1167 : vector<1x16xf32> to vector<16xf32>
        %add3A_1169 = arith.addf %add3A_1123, %get3A_1168 : vector<16xf32>
        %get3A_1170 = arith.index_cast %add3A_1139 : i32 to index
        %get3A_1171 = arith.constant 96 : index
        %get3A_1172 = tpu.vector_load %arg11[%get3A_1170, %get3A_1171] {strides = array<i32>} : memref<256x128xf32, #tpu.memory_space<vmem>>, vector<1x16xf32>,
        %get3A_1173 = vector.shape_cast %get3A_1172 : vector<1x16xf32> to vector<16xf32>
        %add3A_1174 = arith.addf %add3A_1128, %get3A_1173 : vector<16xf32>
        %get3A_1175 = arith.index_cast %add3A_1139 : i32 to index
        %get3A_1176 = arith.constant 112 : index
        %get3A_1177 = tpu.vector_load %arg11[%get3A_1175, %get3A_1176] {strides = array<i32>} : memref<256x128xf32, #tpu.memory_space<vmem>>, vector<1x16xf32>,
        %get3A_1178 = vector.shape_cast %get3A_1177 : vector<1x16xf32> to vector<16xf32>
        %add3A_1179 = arith.addf %add3A_1133, %get3A_1178 : vector<16xf32>
        %mul3A_1180 = arith.constant 4 : i32
        %mul3A_1181 = arith.muli %scan3A_1034, %mul3A_1180 : i32
        %add3A_1182 = arith.constant 32 : i32
        %add3A_1183 = arith.addi %add3A_1182, %mul3A_1181 : i32
        %add3A_1184 = arith.constant 3 : i32
        %add3A_1185 = arith.addi %add3A_1183, %add3A_1184 : i32
        %get3A_1186 = arith.index_cast %add3A_1185 : i32 to index
        %get3A_1187 = arith.constant 0 : index
        %get3A_1188 = tpu.vector_load %arg11[%get3A_1186, %get3A_1187] {strides = array<i32>} : memref<256x128xf32, #tpu.memory_space<vmem>>, vector<1x16xf32>,
        %get3A_1189 = vector.shape_cast %get3A_1188 : vector<1x16xf32> to vector<16xf32>
        %add3A_1190 = arith.addf %add3A_1144, %get3A_1189 : vector<16xf32>
        %get3A_1191 = arith.index_cast %add3A_1185 : i32 to index
        %get3A_1192 = arith.constant 16 : index
        %get3A_1193 = tpu.vector_load %arg11[%get3A_1191, %get3A_1192] {strides = array<i32>} : memref<256x128xf32, #tpu.memory_space<vmem>>, vector<1x16xf32>,
        %get3A_1194 = vector.shape_cast %get3A_1193 : vector<1x16xf32> to vector<16xf32>
        %add3A_1195 = arith.addf %add3A_1149, %get3A_1194 : vector<16xf32>
        %get3A_1196 = arith.index_cast %add3A_1185 : i32 to index
        %get3A_1197 = arith.constant 32 : index
        %get3A_1198 = tpu.vector_load %arg11[%get3A_1196, %get3A_1197] {strides = array<i32>} : memref<256x128xf32, #tpu.memory_space<vmem>>, vector<1x16xf32>,
        %get3A_1199 = vector.shape_cast %get3A_1198 : vector<1x16xf32> to vector<16xf32>
        %add3A_1200 = arith.addf %add3A_1154, %get3A_1199 : vector<16xf32>
        %get3A_1201 = arith.index_cast %add3A_1185 : i32 to index
        %get3A_1202 = arith.constant 48 : index
        %get3A_1203 = tpu.vector_load %arg11[%get3A_1201, %get3A_1202] {strides = array<i32>} : memref<256x128xf32, #tpu.memory_space<vmem>>, vector<1x16xf32>,
        %get3A_1204 = vector.shape_cast %get3A_1203 : vector<1x16xf32> to vector<16xf32>
        %add3A_1205 = arith.addf %add3A_1159, %get3A_1204 : vector<16xf32>
        %get3A_1206 = arith.index_cast %add3A_1185 : i32 to index
        %get3A_1207 = arith.constant 64 : index
        %get3A_1208 = tpu.vector_load %arg11[%get3A_1206, %get3A_1207] {strides = array<i32>} : memref<256x128xf32, #tpu.memory_space<vmem>>, vector<1x16xf32>,
        %get3A_1209 = vector.shape_cast %get3A_1208 : vector<1x16xf32> to vector<16xf32>
        %add3A_1210 = arith.addf %add3A_1164, %get3A_1209 : vector<16xf32>
        %get3A_1211 = arith.index_cast %add3A_1185 : i32 to index
        %get3A_1212 = arith.constant 80 : index
        %get3A_1213 = tpu.vector_load %arg11[%get3A_1211, %get3A_1212] {strides = array<i32>} : memref<256x128xf32, #tpu.memory_space<vmem>>, vector<1x16xf32>,
        %get3A_1214 = vector.shape_cast %get3A_1213 : vector<1x16xf32> to vector<16xf32>
        %add3A_1215 = arith.addf %add3A_1169, %get3A_1214 : vector<16xf32>
        %get3A_1216 = arith.index_cast %add3A_1185 : i32 to index
        %get3A_1217 = arith.constant 96 : index
        %get3A_1218 = tpu.vector_load %arg11[%get3A_1216, %get3A_1217] {strides = array<i32>} : memref<256x128xf32, #tpu.memory_space<vmem>>, vector<1x16xf32>,
        %get3A_1219 = vector.shape_cast %get3A_1218 : vector<1x16xf32> to vector<16xf32>
        %add3A_1220 = arith.addf %add3A_1174, %get3A_1219 : vector<16xf32>
        %get3A_1221 = arith.index_cast %add3A_1185 : i32 to index
        %get3A_1222 = arith.constant 112 : index
        %get3A_1223 = tpu.vector_load %arg11[%get3A_1221, %get3A_1222] {strides = array<i32>} : memref<256x128xf32, #tpu.memory_space<vmem>>, vector<1x16xf32>,
        %get3A_1224 = vector.shape_cast %get3A_1223 : vector<1x16xf32> to vector<16xf32>
        %add3A_1225 = arith.addf %add3A_1179, %get3A_1224 : vector<16xf32>
        scf.yield %add3A_1190, %add3A_1195, %add3A_1200, %add3A_1205, %add3A_1210, %add3A_1215, %add3A_1220, %add3A_1225 : vector<16xf32>, vector<16xf32>, vector<16xf32>, vector<16xf32>, vector<16xf32>, vector<16xf32>, vector<16xf32>, vector<16xf32>
      }
      %scan3A_625 = arith.constant 8 : i32
      %swap3A_626 = arith.constant 1 : i32
      %swap3A_627 = arith.index_cast %swap3A_626 : i32 to index
      %swap3A_628 = arith.constant 0 : index
      %swap3A_629 = tpu.vector_load %arg13[%swap3A_627, %swap3A_628] {strides = array<i32>} : memref<8x128xf32, #tpu.memory_space<vmem>>, vector<1x16xf32>,
      %swap3A_630 = vector.shape_cast %swap3A_629 : vector<1x16xf32> to vector<16xf32>
      %swap3A_631 = vector.shape_cast %scan3A_624#0 : vector<16xf32> to vector<1x16xf32>
      tpu.vector_store %arg13[%swap3A_627, %swap3A_628], %swap3A_631 {strides = array<i32>} : memref<8x128xf32, #tpu.memory_space<vmem>>, vector<1x16xf32>,
      %swap3A_632 = arith.constant 1 : i32
      %swap3A_633 = arith.index_cast %swap3A_632 : i32 to index
      %swap3A_634 = arith.constant 16 : index
      %swap3A_635 = tpu.vector_load %arg13[%swap3A_633, %swap3A_634] {strides = array<i32>} : memref<8x128xf32, #tpu.memory_space<vmem>>, vector<1x16xf32>,
      %swap3A_636 = vector.shape_cast %swap3A_635 : vector<1x16xf32> to vector<16xf32>
      %swap3A_637 = vector.shape_cast %scan3A_624#1 : vector<16xf32> to vector<1x16xf32>
      tpu.vector_store %arg13[%swap3A_633, %swap3A_634], %swap3A_637 {strides = array<i32>} : memref<8x128xf32, #tpu.memory_space<vmem>>, vector<1x16xf32>,
      %swap3A_638 = arith.constant 1 : i32
      %swap3A_639 = arith.index_cast %swap3A_638 : i32 to index
      %swap3A_640 = arith.constant 32 : index
      %swap3A_641 = tpu.vector_load %arg13[%swap3A_639, %swap3A_640] {strides = array<i32>} : memref<8x128xf32, #tpu.memory_space<vmem>>, vector<1x16xf32>,
      %swap3A_642 = vector.shape_cast %swap3A_641 : vector<1x16xf32> to vector<16xf32>
      %swap3A_643 = vector.shape_cast %scan3A_624#2 : vector<16xf32> to vector<1x16xf32>
      tpu.vector_store %arg13[%swap3A_639, %swap3A_640], %swap3A_643 {strides = array<i32>} : memref<8x128xf32, #tpu.memory_space<vmem>>, vector<1x16xf32>,
      %swap3A_644 = arith.constant 1 : i32
      %swap3A_645 = arith.index_cast %swap3A_644 : i32 to index
      %swap3A_646 = arith.constant 48 : index
      %swap3A_647 = tpu.vector_load %arg13[%swap3A_645, %swap3A_646] {strides = array<i32>} : memref<8x128xf32, #tpu.memory_space<vmem>>, vector<1x16xf32>,
      %swap3A_648 = vector.shape_cast %swap3A_647 : vector<1x16xf32> to vector<16xf32>
      %swap3A_649 = vector.shape_cast %scan3A_624#3 : vector<16xf32> to vector<1x16xf32>
      tpu.vector_store %arg13[%swap3A_645, %swap3A_646], %swap3A_649 {strides = array<i32>} : memref<8x128xf32, #tpu.memory_space<vmem>>, vector<1x16xf32>,
      %swap3A_650 = arith.constant 1 : i32
      %swap3A_651 = arith.index_cast %swap3A_650 : i32 to index
      %swap3A_652 = arith.constant 64 : index
      %swap3A_653 = tpu.vector_load %arg13[%swap3A_651, %swap3A_652] {strides = array<i32>} : memref<8x128xf32, #tpu.memory_space<vmem>>, vector<1x16xf32>,
      %swap3A_654 = vector.shape_cast %swap3A_653 : vector<1x16xf32> to vector<16xf32>
      %swap3A_655 = vector.shape_cast %scan3A_624#4 : vector<16xf32> to vector<1x16xf32>
      tpu.vector_store %arg13[%swap3A_651, %swap3A_652], %swap3A_655 {strides = array<i32>} : memref<8x128xf32, #tpu.memory_space<vmem>>, vector<1x16xf32>,
      %swap3A_656 = arith.constant 1 : i32
      %swap3A_657 = arith.index_cast %swap3A_656 : i32 to index
      %swap3A_658 = arith.constant 80 : index
      %swap3A_659 = tpu.vector_load %arg13[%swap3A_657, %swap3A_658] {strides = array<i32>} : memref<8x128xf32, #tpu.memory_space<vmem>>, vector<1x16xf32>,
      %swap3A_660 = vector.shape_cast %swap3A_659 : vector<1x16xf32> to vector<16xf32>
      %swap3A_661 = vector.shape_cast %scan3A_624#5 : vector<16xf32> to vector<1x16xf32>
      tpu.vector_store %arg13[%swap3A_657, %swap3A_658], %swap3A_661 {strides = array<i32>} : memref<8x128xf32, #tpu.memory_space<vmem>>, vector<1x16xf32>,
      %swap3A_662 = arith.constant 1 : i32
      %swap3A_663 = arith.index_cast %swap3A_662 : i32 to index
      %swap3A_664 = arith.constant 96 : index
      %swap3A_665 = tpu.vector_load %arg13[%swap3A_663, %swap3A_664] {strides = array<i32>} : memref<8x128xf32, #tpu.memory_space<vmem>>, vector<1x16xf32>,
      %swap3A_666 = vector.shape_cast %swap3A_665 : vector<1x16xf32> to vector<16xf32>
      %swap3A_667 = vector.shape_cast %scan3A_624#6 : vector<16xf32> to vector<1x16xf32>
      tpu.vector_store %arg13[%swap3A_663, %swap3A_664], %swap3A_667 {strides = array<i32>} : memref<8x128xf32, #tpu.memory_space<vmem>>, vector<1x16xf32>,
      %swap3A_668 = arith.constant 1 : i32
      %swap3A_669 = arith.index_cast %swap3A_668 : i32 to index
      %swap3A_670 = arith.constant 112 : index
      %swap3A_671 = tpu.vector_load %arg13[%swap3A_669, %swap3A_670] {strides = array<i32>} : memref<8x128xf32, #tpu.memory_space<vmem>>, vector<1x16xf32>,
      %swap3A_672 = vector.shape_cast %swap3A_671 : vector<1x16xf32> to vector<16xf32>
      %swap3A_673 = vector.shape_cast %scan3A_624#7 : vector<16xf32> to vector<1x16xf32>
      tpu.vector_store %arg13[%swap3A_669, %swap3A_670], %swap3A_673 {strides = array<i32>} : memref<8x128xf32, #tpu.memory_space<vmem>>, vector<1x16xf32>,
      %broadcast_in_dim3A_674 = arith.constant 0.000000e+00 : f32
      %broadcast_in_dim3A_675 = vector.broadcast %broadcast_in_dim3A_674 : f32 to vector<16xf32>
      %scan3A_676 = arith.constant 0 : i32
      %scan3A_677 = arith.constant 8 : i32
      %scan3A_678 = arith.addi %scan3A_676, %scan3A_677 : i32
      %scan3A_679 = arith.constant 1 : i32
      %scan3A_680:8 = scf.for %scan3A_1034 = %scan3A_676 to %scan3A_678 step %scan3A_679 iter_args(%scan3A_1035 = %broadcast_in_dim3A_675, %scan3A_1036 = %broadcast_in_dim3A_675, %scan3A_1037 = %broadcast_in_dim3A_675, %scan3A_1038 = %broadcast_in_dim3A_675, %scan3A_1039 = %broadcast_in_dim3A_675, %scan3A_1040 = %broadcast_in_dim3A_675, %scan3A_1041 = %broadcast_in_dim3A_675, %scan3A_1042 = %broadcast_in_dim3A_675) -> (vector<16xf32>, vector<16xf32>, vector<16xf32>, vector<16xf32>, vector<16xf32>, vector<16xf32>, vector<16xf32>, vector<16xf32>)  : i32 {
        %mul3A_1043 = arith.constant 4 : i32
        %mul3A_1044 = arith.muli %scan3A_1034, %mul3A_1043 : i32
        %add3A_1045 = arith.constant 64 : i32
        %add3A_1046 = arith.addi %add3A_1045, %mul3A_1044 : i32
        %add3A_1047 = arith.constant 0 : i32
        %add3A_1048 = arith.addi %add3A_1046, %add3A_1047 : i32
        %get3A = arith.index_cast %add3A_1048 : i32 to index
        %get3A_1049 = arith.constant 0 : index
        %get3A_1050 = tpu.vector_load %arg11[%get3A, %get3A_1049] {strides = array<i32>} : memref<256x128xf32, #tpu.memory_space<vmem>>, vector<1x16xf32>,
        %get3A_1051 = vector.shape_cast %get3A_1050 : vector<1x16xf32> to vector<16xf32>
        %add3A_1052 = arith.addf %scan3A_1035, %get3A_1051 : vector<16xf32>
        %get3A_1053 = arith.index_cast %add3A_1048 : i32 to index
        %get3A_1054 = arith.constant 16 : index
        %get3A_1055 = tpu.vector_load %arg11[%get3A_1053, %get3A_1054] {strides = array<i32>} : memref<256x128xf32, #tpu.memory_space<vmem>>, vector<1x16xf32>,
        %get3A_1056 = vector.shape_cast %get3A_1055 : vector<1x16xf32> to vector<16xf32>
        %add3A_1057 = arith.addf %scan3A_1036, %get3A_1056 : vector<16xf32>
        %get3A_1058 = arith.index_cast %add3A_1048 : i32 to index
        %get3A_1059 = arith.constant 32 : index
        %get3A_1060 = tpu.vector_load %arg11[%get3A_1058, %get3A_1059] {strides = array<i32>} : memref<256x128xf32, #tpu.memory_space<vmem>>, vector<1x16xf32>,
        %get3A_1061 = vector.shape_cast %get3A_1060 : vector<1x16xf32> to vector<16xf32>
        %add3A_1062 = arith.addf %scan3A_1037, %get3A_1061 : vector<16xf32>
        %get3A_1063 = arith.index_cast %add3A_1048 : i32 to index
        %get3A_1064 = arith.constant 48 : index
        %get3A_1065 = tpu.vector_load %arg11[%get3A_1063, %get3A_1064] {strides = array<i32>} : memref<256x128xf32, #tpu.memory_space<vmem>>, vector<1x16xf32>,
        %get3A_1066 = vector.shape_cast %get3A_1065 : vector<1x16xf32> to vector<16xf32>
        %add3A_1067 = arith.addf %scan3A_1038, %get3A_1066 : vector<16xf32>
        %get3A_1068 = arith.index_cast %add3A_1048 : i32 to index
        %get3A_1069 = arith.constant 64 : index
        %get3A_1070 = tpu.vector_load %arg11[%get3A_1068, %get3A_1069] {strides = array<i32>} : memref<256x128xf32, #tpu.memory_space<vmem>>, vector<1x16xf32>,
        %get3A_1071 = vector.shape_cast %get3A_1070 : vector<1x16xf32> to vector<16xf32>
        %add3A_1072 = arith.addf %scan3A_1039, %get3A_1071 : vector<16xf32>
        %get3A_1073 = arith.index_cast %add3A_1048 : i32 to index
        %get3A_1074 = arith.constant 80 : index
        %get3A_1075 = tpu.vector_load %arg11[%get3A_1073, %get3A_1074] {strides = array<i32>} : memref<256x128xf32, #tpu.memory_space<vmem>>, vector<1x16xf32>,
        %get3A_1076 = vector.shape_cast %get3A_1075 : vector<1x16xf32> to vector<16xf32>
        %add3A_1077 = arith.addf %scan3A_1040, %get3A_1076 : vector<16xf32>
        %get3A_1078 = arith.index_cast %add3A_1048 : i32 to index
        %get3A_1079 = arith.constant 96 : index
        %get3A_1080 = tpu.vector_load %arg11[%get3A_1078, %get3A_1079] {strides = array<i32>} : memref<256x128xf32, #tpu.memory_space<vmem>>, vector<1x16xf32>,
        %get3A_1081 = vector.shape_cast %get3A_1080 : vector<1x16xf32> to vector<16xf32>
        %add3A_1082 = arith.addf %scan3A_1041, %get3A_1081 : vector<16xf32>
        %get3A_1083 = arith.index_cast %add3A_1048 : i32 to index
        %get3A_1084 = arith.constant 112 : index
        %get3A_1085 = tpu.vector_load %arg11[%get3A_1083, %get3A_1084] {strides = array<i32>} : memref<256x128xf32, #tpu.memory_space<vmem>>, vector<1x16xf32>,
        %get3A_1086 = vector.shape_cast %get3A_1085 : vector<1x16xf32> to vector<16xf32>
        %add3A_1087 = arith.addf %scan3A_1042, %get3A_1086 : vector<16xf32>
        %mul3A_1088 = arith.constant 4 : i32
        %mul3A_1089 = arith.muli %scan3A_1034, %mul3A_1088 : i32
        %add3A_1090 = arith.constant 64 : i32
        %add3A_1091 = arith.addi %add3A_1090, %mul3A_1089 : i32
        %add3A_1092 = arith.constant 1 : i32
        %add3A_1093 = arith.addi %add3A_1091, %add3A_1092 : i32
        %get3A_1094 = arith.index_cast %add3A_1093 : i32 to index
        %get3A_1095 = arith.constant 0 : index
        %get3A_1096 = tpu.vector_load %arg11[%get3A_1094, %get3A_1095] {strides = array<i32>} : memref<256x128xf32, #tpu.memory_space<vmem>>, vector<1x16xf32>,
        %get3A_1097 = vector.shape_cast %get3A_1096 : vector<1x16xf32> to vector<16xf32>
        %add3A_1098 = arith.addf %add3A_1052, %get3A_1097 : vector<16xf32>
        %get3A_1099 = arith.index_cast %add3A_1093 : i32 to index
        %get3A_1100 = arith.constant 16 : index
        %get3A_1101 = tpu.vector_load %arg11[%get3A_1099, %get3A_1100] {strides = array<i32>} : memref<256x128xf32, #tpu.memory_space<vmem>>, vector<1x16xf32>,
        %get3A_1102 = vector.shape_cast %get3A_1101 : vector<1x16xf32> to vector<16xf32>
        %add3A_1103 = arith.addf %add3A_1057, %get3A_1102 : vector<16xf32>
        %get3A_1104 = arith.index_cast %add3A_1093 : i32 to index
        %get3A_1105 = arith.constant 32 : index
        %get3A_1106 = tpu.vector_load %arg11[%get3A_1104, %get3A_1105] {strides = array<i32>} : memref<256x128xf32, #tpu.memory_space<vmem>>, vector<1x16xf32>,
        %get3A_1107 = vector.shape_cast %get3A_1106 : vector<1x16xf32> to vector<16xf32>
        %add3A_1108 = arith.addf %add3A_1062, %get3A_1107 : vector<16xf32>
        %get3A_1109 = arith.index_cast %add3A_1093 : i32 to index
        %get3A_1110 = arith.constant 48 : index
        %get3A_1111 = tpu.vector_load %arg11[%get3A_1109, %get3A_1110] {strides = array<i32>} : memref<256x128xf32, #tpu.memory_space<vmem>>, vector<1x16xf32>,
        %get3A_1112 = vector.shape_cast %get3A_1111 : vector<1x16xf32> to vector<16xf32>
        %add3A_1113 = arith.addf %add3A_1067, %get3A_1112 : vector<16xf32>
        %get3A_1114 = arith.index_cast %add3A_1093 : i32 to index
        %get3A_1115 = arith.constant 64 : index
        %get3A_1116 = tpu.vector_load %arg11[%get3A_1114, %get3A_1115] {strides = array<i32>} : memref<256x128xf32, #tpu.memory_space<vmem>>, vector<1x16xf32>,
        %get3A_1117 = vector.shape_cast %get3A_1116 : vector<1x16xf32> to vector<16xf32>
        %add3A_1118 = arith.addf %add3A_1072, %get3A_1117 : vector<16xf32>
        %get3A_1119 = arith.index_cast %add3A_1093 : i32 to index
        %get3A_1120 = arith.constant 80 : index
        %get3A_1121 = tpu.vector_load %arg11[%get3A_1119, %get3A_1120] {strides = array<i32>} : memref<256x128xf32, #tpu.memory_space<vmem>>, vector<1x16xf32>,
        %get3A_1122 = vector.shape_cast %get3A_1121 : vector<1x16xf32> to vector<16xf32>
        %add3A_1123 = arith.addf %add3A_1077, %get3A_1122 : vector<16xf32>
        %get3A_1124 = arith.index_cast %add3A_1093 : i32 to index
        %get3A_1125 = arith.constant 96 : index
        %get3A_1126 = tpu.vector_load %arg11[%get3A_1124, %get3A_1125] {strides = array<i32>} : memref<256x128xf32, #tpu.memory_space<vmem>>, vector<1x16xf32>,
        %get3A_1127 = vector.shape_cast %get3A_1126 : vector<1x16xf32> to vector<16xf32>
        %add3A_1128 = arith.addf %add3A_1082, %get3A_1127 : vector<16xf32>
        %get3A_1129 = arith.index_cast %add3A_1093 : i32 to index
        %get3A_1130 = arith.constant 112 : index
        %get3A_1131 = tpu.vector_load %arg11[%get3A_1129, %get3A_1130] {strides = array<i32>} : memref<256x128xf32, #tpu.memory_space<vmem>>, vector<1x16xf32>,
        %get3A_1132 = vector.shape_cast %get3A_1131 : vector<1x16xf32> to vector<16xf32>
        %add3A_1133 = arith.addf %add3A_1087, %get3A_1132 : vector<16xf32>
        %mul3A_1134 = arith.constant 4 : i32
        %mul3A_1135 = arith.muli %scan3A_1034, %mul3A_1134 : i32
        %add3A_1136 = arith.constant 64 : i32
        %add3A_1137 = arith.addi %add3A_1136, %mul3A_1135 : i32
        %add3A_1138 = arith.constant 2 : i32
        %add3A_1139 = arith.addi %add3A_1137, %add3A_1138 : i32
        %get3A_1140 = arith.index_cast %add3A_1139 : i32 to index
        %get3A_1141 = arith.constant 0 : index
        %get3A_1142 = tpu.vector_load %arg11[%get3A_1140, %get3A_1141] {strides = array<i32>} : memref<256x128xf32, #tpu.memory_space<vmem>>, vector<1x16xf32>,
        %get3A_1143 = vector.shape_cast %get3A_1142 : vector<1x16xf32> to vector<16xf32>
        %add3A_1144 = arith.addf %add3A_1098, %get3A_1143 : vector<16xf32>
        %get3A_1145 = arith.index_cast %add3A_1139 : i32 to index
        %get3A_1146 = arith.constant 16 : index
        %get3A_1147 = tpu.vector_load %arg11[%get3A_1145, %get3A_1146] {strides = array<i32>} : memref<256x128xf32, #tpu.memory_space<vmem>>, vector<1x16xf32>,
        %get3A_1148 = vector.shape_cast %get3A_1147 : vector<1x16xf32> to vector<16xf32>
        %add3A_1149 = arith.addf %add3A_1103, %get3A_1148 : vector<16xf32>
        %get3A_1150 = arith.index_cast %add3A_1139 : i32 to index
        %get3A_1151 = arith.constant 32 : index
        %get3A_1152 = tpu.vector_load %arg11[%get3A_1150, %get3A_1151] {strides = array<i32>} : memref<256x128xf32, #tpu.memory_space<vmem>>, vector<1x16xf32>,
        %get3A_1153 = vector.shape_cast %get3A_1152 : vector<1x16xf32> to vector<16xf32>
        %add3A_1154 = arith.addf %add3A_1108, %get3A_1153 : vector<16xf32>
        %get3A_1155 = arith.index_cast %add3A_1139 : i32 to index
        %get3A_1156 = arith.constant 48 : index
        %get3A_1157 = tpu.vector_load %arg11[%get3A_1155, %get3A_1156] {strides = array<i32>} : memref<256x128xf32, #tpu.memory_space<vmem>>, vector<1x16xf32>,
        %get3A_1158 = vector.shape_cast %get3A_1157 : vector<1x16xf32> to vector<16xf32>
        %add3A_1159 = arith.addf %add3A_1113, %get3A_1158 : vector<16xf32>
        %get3A_1160 = arith.index_cast %add3A_1139 : i32 to index
        %get3A_1161 = arith.constant 64 : index
        %get3A_1162 = tpu.vector_load %arg11[%get3A_1160, %get3A_1161] {strides = array<i32>} : memref<256x128xf32, #tpu.memory_space<vmem>>, vector<1x16xf32>,
        %get3A_1163 = vector.shape_cast %get3A_1162 : vector<1x16xf32> to vector<16xf32>
        %add3A_1164 = arith.addf %add3A_1118, %get3A_1163 : vector<16xf32>
        %get3A_1165 = arith.index_cast %add3A_1139 : i32 to index
        %get3A_1166 = arith.constant 80 : index
        %get3A_1167 = tpu.vector_load %arg11[%get3A_1165, %get3A_1166] {strides = array<i32>} : memref<256x128xf32, #tpu.memory_space<vmem>>, vector<1x16xf32>,
        %get3A_1168 = vector.shape_cast %get3A_1167 : vector<1x16xf32> to vector<16xf32>
        %add3A_1169 = arith.addf %add3A_1123, %get3A_1168 : vector<16xf32>
        %get3A_1170 = arith.index_cast %add3A_1139 : i32 to index
        %get3A_1171 = arith.constant 96 : index
        %get3A_1172 = tpu.vector_load %arg11[%get3A_1170, %get3A_1171] {strides = array<i32>} : memref<256x128xf32, #tpu.memory_space<vmem>>, vector<1x16xf32>,
        %get3A_1173 = vector.shape_cast %get3A_1172 : vector<1x16xf32> to vector<16xf32>
        %add3A_1174 = arith.addf %add3A_1128, %get3A_1173 : vector<16xf32>
        %get3A_1175 = arith.index_cast %add3A_1139 : i32 to index
        %get3A_1176 = arith.constant 112 : index
        %get3A_1177 = tpu.vector_load %arg11[%get3A_1175, %get3A_1176] {strides = array<i32>} : memref<256x128xf32, #tpu.memory_space<vmem>>, vector<1x16xf32>,
        %get3A_1178 = vector.shape_cast %get3A_1177 : vector<1x16xf32> to vector<16xf32>
        %add3A_1179 = arith.addf %add3A_1133, %get3A_1178 : vector<16xf32>
        %mul3A_1180 = arith.constant 4 : i32
        %mul3A_1181 = arith.muli %scan3A_1034, %mul3A_1180 : i32
        %add3A_1182 = arith.constant 64 : i32
        %add3A_1183 = arith.addi %add3A_1182, %mul3A_1181 : i32
        %add3A_1184 = arith.constant 3 : i32
        %add3A_1185 = arith.addi %add3A_1183, %add3A_1184 : i32
        %get3A_1186 = arith.index_cast %add3A_1185 : i32 to index
        %get3A_1187 = arith.constant 0 : index
        %get3A_1188 = tpu.vector_load %arg11[%get3A_1186, %get3A_1187] {strides = array<i32>} : memref<256x128xf32, #tpu.memory_space<vmem>>, vector<1x16xf32>,
        %get3A_1189 = vector.shape_cast %get3A_1188 : vector<1x16xf32> to vector<16xf32>
        %add3A_1190 = arith.addf %add3A_1144, %get3A_1189 : vector<16xf32>
        %get3A_1191 = arith.index_cast %add3A_1185 : i32 to index
        %get3A_1192 = arith.constant 16 : index
        %get3A_1193 = tpu.vector_load %arg11[%get3A_1191, %get3A_1192] {strides = array<i32>} : memref<256x128xf32, #tpu.memory_space<vmem>>, vector<1x16xf32>,
        %get3A_1194 = vector.shape_cast %get3A_1193 : vector<1x16xf32> to vector<16xf32>
        %add3A_1195 = arith.addf %add3A_1149, %get3A_1194 : vector<16xf32>
        %get3A_1196 = arith.index_cast %add3A_1185 : i32 to index
        %get3A_1197 = arith.constant 32 : index
        %get3A_1198 = tpu.vector_load %arg11[%get3A_1196, %get3A_1197] {strides = array<i32>} : memref<256x128xf32, #tpu.memory_space<vmem>>, vector<1x16xf32>,
        %get3A_1199 = vector.shape_cast %get3A_1198 : vector<1x16xf32> to vector<16xf32>
        %add3A_1200 = arith.addf %add3A_1154, %get3A_1199 : vector<16xf32>
        %get3A_1201 = arith.index_cast %add3A_1185 : i32 to index
        %get3A_1202 = arith.constant 48 : index
        %get3A_1203 = tpu.vector_load %arg11[%get3A_1201, %get3A_1202] {strides = array<i32>} : memref<256x128xf32, #tpu.memory_space<vmem>>, vector<1x16xf32>,
        %get3A_1204 = vector.shape_cast %get3A_1203 : vector<1x16xf32> to vector<16xf32>
        %add3A_1205 = arith.addf %add3A_1159, %get3A_1204 : vector<16xf32>
        %get3A_1206 = arith.index_cast %add3A_1185 : i32 to index
        %get3A_1207 = arith.constant 64 : index
        %get3A_1208 = tpu.vector_load %arg11[%get3A_1206, %get3A_1207] {strides = array<i32>} : memref<256x128xf32, #tpu.memory_space<vmem>>, vector<1x16xf32>,
        %get3A_1209 = vector.shape_cast %get3A_1208 : vector<1x16xf32> to vector<16xf32>
        %add3A_1210 = arith.addf %add3A_1164, %get3A_1209 : vector<16xf32>
        %get3A_1211 = arith.index_cast %add3A_1185 : i32 to index
        %get3A_1212 = arith.constant 80 : index
        %get3A_1213 = tpu.vector_load %arg11[%get3A_1211, %get3A_1212] {strides = array<i32>} : memref<256x128xf32, #tpu.memory_space<vmem>>, vector<1x16xf32>,
        %get3A_1214 = vector.shape_cast %get3A_1213 : vector<1x16xf32> to vector<16xf32>
        %add3A_1215 = arith.addf %add3A_1169, %get3A_1214 : vector<16xf32>
        %get3A_1216 = arith.index_cast %add3A_1185 : i32 to index
        %get3A_1217 = arith.constant 96 : index
        %get3A_1218 = tpu.vector_load %arg11[%get3A_1216, %get3A_1217] {strides = array<i32>} : memref<256x128xf32, #tpu.memory_space<vmem>>, vector<1x16xf32>,
        %get3A_1219 = vector.shape_cast %get3A_1218 : vector<1x16xf32> to vector<16xf32>
        %add3A_1220 = arith.addf %add3A_1174, %get3A_1219 : vector<16xf32>
        %get3A_1221 = arith.index_cast %add3A_1185 : i32 to index
        %get3A_1222 = arith.constant 112 : index
        %get3A_1223 = tpu.vector_load %arg11[%get3A_1221, %get3A_1222] {strides = array<i32>} : memref<256x128xf32, #tpu.memory_space<vmem>>, vector<1x16xf32>,
        %get3A_1224 = vector.shape_cast %get3A_1223 : vector<1x16xf32> to vector<16xf32>
        %add3A_1225 = arith.addf %add3A_1179, %get3A_1224 : vector<16xf32>
        scf.yield %add3A_1190, %add3A_1195, %add3A_1200, %add3A_1205, %add3A_1210, %add3A_1215, %add3A_1220, %add3A_1225 : vector<16xf32>, vector<16xf32>, vector<16xf32>, vector<16xf32>, vector<16xf32>, vector<16xf32>, vector<16xf32>, vector<16xf32>
      }
      %scan3A_681 = arith.constant 8 : i32
      %swap3A_682 = arith.constant 2 : i32
      %swap3A_683 = arith.index_cast %swap3A_682 : i32 to index
      %swap3A_684 = arith.constant 0 : index
      %swap3A_685 = tpu.vector_load %arg13[%swap3A_683, %swap3A_684] {strides = array<i32>} : memref<8x128xf32, #tpu.memory_space<vmem>>, vector<1x16xf32>,
      %swap3A_686 = vector.shape_cast %swap3A_685 : vector<1x16xf32> to vector<16xf32>
      %swap3A_687 = vector.shape_cast %scan3A_680#0 : vector<16xf32> to vector<1x16xf32>
      tpu.vector_store %arg13[%swap3A_683, %swap3A_684], %swap3A_687 {strides = array<i32>} : memref<8x128xf32, #tpu.memory_space<vmem>>, vector<1x16xf32>,
      %swap3A_688 = arith.constant 2 : i32
      %swap3A_689 = arith.index_cast %swap3A_688 : i32 to index
      %swap3A_690 = arith.constant 16 : index
      %swap3A_691 = tpu.vector_load %arg13[%swap3A_689, %swap3A_690] {strides = array<i32>} : memref<8x128xf32, #tpu.memory_space<vmem>>, vector<1x16xf32>,
      %swap3A_692 = vector.shape_cast %swap3A_691 : vector<1x16xf32> to vector<16xf32>
      %swap3A_693 = vector.shape_cast %scan3A_680#1 : vector<16xf32> to vector<1x16xf32>
      tpu.vector_store %arg13[%swap3A_689, %swap3A_690], %swap3A_693 {strides = array<i32>} : memref<8x128xf32, #tpu.memory_space<vmem>>, vector<1x16xf32>,
      %swap3A_694 = arith.constant 2 : i32
      %swap3A_695 = arith.index_cast %swap3A_694 : i32 to index
      %swap3A_696 = arith.constant 32 : index
      %swap3A_697 = tpu.vector_load %arg13[%swap3A_695, %swap3A_696] {strides = array<i32>} : memref<8x128xf32, #tpu.memory_space<vmem>>, vector<1x16xf32>,
      %swap3A_698 = vector.shape_cast %swap3A_697 : vector<1x16xf32> to vector<16xf32>
      %swap3A_699 = vector.shape_cast %scan3A_680#2 : vector<16xf32> to vector<1x16xf32>
      tpu.vector_store %arg13[%swap3A_695, %swap3A_696], %swap3A_699 {strides = array<i32>} : memref<8x128xf32, #tpu.memory_space<vmem>>, vector<1x16xf32>,
      %swap3A_700 = arith.constant 2 : i32
      %swap3A_701 = arith.index_cast %swap3A_700 : i32 to index
      %swap3A_702 = arith.constant 48 : index
      %swap3A_703 = tpu.vector_load %arg13[%swap3A_701, %swap3A_702] {strides = array<i32>} : memref<8x128xf32, #tpu.memory_space<vmem>>, vector<1x16xf32>,
      %swap3A_704 = vector.shape_cast %swap3A_703 : vector<1x16xf32> to vector<16xf32>
      %swap3A_705 = vector.shape_cast %scan3A_680#3 : vector<16xf32> to vector<1x16xf32>
      tpu.vector_store %arg13[%swap3A_701, %swap3A_702], %swap3A_705 {strides = array<i32>} : memref<8x128xf32, #tpu.memory_space<vmem>>, vector<1x16xf32>,
      %swap3A_706 = arith.constant 2 : i32
      %swap3A_707 = arith.index_cast %swap3A_706 : i32 to index
      %swap3A_708 = arith.constant 64 : index
      %swap3A_709 = tpu.vector_load %arg13[%swap3A_707, %swap3A_708] {strides = array<i32>} : memref<8x128xf32, #tpu.memory_space<vmem>>, vector<1x16xf32>,
      %swap3A_710 = vector.shape_cast %swap3A_709 : vector<1x16xf32> to vector<16xf32>
      %swap3A_711 = vector.shape_cast %scan3A_680#4 : vector<16xf32> to vector<1x16xf32>
      tpu.vector_store %arg13[%swap3A_707, %swap3A_708], %swap3A_711 {strides = array<i32>} : memref<8x128xf32, #tpu.memory_space<vmem>>, vector<1x16xf32>,
      %swap3A_712 = arith.constant 2 : i32
      %swap3A_713 = arith.index_cast %swap3A_712 : i32 to index
      %swap3A_714 = arith.constant 80 : index
      %swap3A_715 = tpu.vector_load %arg13[%swap3A_713, %swap3A_714] {strides = array<i32>} : memref<8x128xf32, #tpu.memory_space<vmem>>, vector<1x16xf32>,
      %swap3A_716 = vector.shape_cast %swap3A_715 : vector<1x16xf32> to vector<16xf32>
      %swap3A_717 = vector.shape_cast %scan3A_680#5 : vector<16xf32> to vector<1x16xf32>
      tpu.vector_store %arg13[%swap3A_713, %swap3A_714], %swap3A_717 {strides = array<i32>} : memref<8x128xf32, #tpu.memory_space<vmem>>, vector<1x16xf32>,
      %swap3A_718 = arith.constant 2 : i32
      %swap3A_719 = arith.index_cast %swap3A_718 : i32 to index
      %swap3A_720 = arith.constant 96 : index
      %swap3A_721 = tpu.vector_load %arg13[%swap3A_719, %swap3A_720] {strides = array<i32>} : memref<8x128xf32, #tpu.memory_space<vmem>>, vector<1x16xf32>,
      %swap3A_722 = vector.shape_cast %swap3A_721 : vector<1x16xf32> to vector<16xf32>
      %swap3A_723 = vector.shape_cast %scan3A_680#6 : vector<16xf32> to vector<1x16xf32>
      tpu.vector_store %arg13[%swap3A_719, %swap3A_720], %swap3A_723 {strides = array<i32>} : memref<8x128xf32, #tpu.memory_space<vmem>>, vector<1x16xf32>,
      %swap3A_724 = arith.constant 2 : i32
      %swap3A_725 = arith.index_cast %swap3A_724 : i32 to index
      %swap3A_726 = arith.constant 112 : index
      %swap3A_727 = tpu.vector_load %arg13[%swap3A_725, %swap3A_726] {strides = array<i32>} : memref<8x128xf32, #tpu.memory_space<vmem>>, vector<1x16xf32>,
      %swap3A_728 = vector.shape_cast %swap3A_727 : vector<1x16xf32> to vector<16xf32>
      %swap3A_729 = vector.shape_cast %scan3A_680#7 : vector<16xf32> to vector<1x16xf32>
      tpu.vector_store %arg13[%swap3A_725, %swap3A_726], %swap3A_729 {strides = array<i32>} : memref<8x128xf32, #tpu.memory_space<vmem>>, vector<1x16xf32>,
      %broadcast_in_dim3A_730 = arith.constant 0.000000e+00 : f32
      %broadcast_in_dim3A_731 = vector.broadcast %broadcast_in_dim3A_730 : f32 to vector<16xf32>
      %scan3A_732 = arith.constant 0 : i32
      %scan3A_733 = arith.constant 8 : i32
      %scan3A_734 = arith.addi %scan3A_732, %scan3A_733 : i32
      %scan3A_735 = arith.constant 1 : i32
      %scan3A_736:8 = scf.for %scan3A_1034 = %scan3A_732 to %scan3A_734 step %scan3A_735 iter_args(%scan3A_1035 = %broadcast_in_dim3A_731, %scan3A_1036 = %broadcast_in_dim3A_731, %scan3A_1037 = %broadcast_in_dim3A_731, %scan3A_1038 = %broadcast_in_dim3A_731, %scan3A_1039 = %broadcast_in_dim3A_731, %scan3A_1040 = %broadcast_in_dim3A_731, %scan3A_1041 = %broadcast_in_dim3A_731, %scan3A_1042 = %broadcast_in_dim3A_731) -> (vector<16xf32>, vector<16xf32>, vector<16xf32>, vector<16xf32>, vector<16xf32>, vector<16xf32>, vector<16xf32>, vector<16xf32>)  : i32 {
        %mul3A_1043 = arith.constant 4 : i32
        %mul3A_1044 = arith.muli %scan3A_1034, %mul3A_1043 : i32
        %add3A_1045 = arith.constant 96 : i32
        %add3A_1046 = arith.addi %add3A_1045, %mul3A_1044 : i32
        %add3A_1047 = arith.constant 0 : i32
        %add3A_1048 = arith.addi %add3A_1046, %add3A_1047 : i32
        %get3A = arith.index_cast %add3A_1048 : i32 to index
        %get3A_1049 = arith.constant 0 : index
        %get3A_1050 = tpu.vector_load %arg11[%get3A, %get3A_1049] {strides = array<i32>} : memref<256x128xf32, #tpu.memory_space<vmem>>, vector<1x16xf32>,
        %get3A_1051 = vector.shape_cast %get3A_1050 : vector<1x16xf32> to vector<16xf32>
        %add3A_1052 = arith.addf %scan3A_1035, %get3A_1051 : vector<16xf32>
        %get3A_1053 = arith.index_cast %add3A_1048 : i32 to index
        %get3A_1054 = arith.constant 16 : index
        %get3A_1055 = tpu.vector_load %arg11[%get3A_1053, %get3A_1054] {strides = array<i32>} : memref<256x128xf32, #tpu.memory_space<vmem>>, vector<1x16xf32>,
        %get3A_1056 = vector.shape_cast %get3A_1055 : vector<1x16xf32> to vector<16xf32>
        %add3A_1057 = arith.addf %scan3A_1036, %get3A_1056 : vector<16xf32>
        %get3A_1058 = arith.index_cast %add3A_1048 : i32 to index
        %get3A_1059 = arith.constant 32 : index
        %get3A_1060 = tpu.vector_load %arg11[%get3A_1058, %get3A_1059] {strides = array<i32>} : memref<256x128xf32, #tpu.memory_space<vmem>>, vector<1x16xf32>,
        %get3A_1061 = vector.shape_cast %get3A_1060 : vector<1x16xf32> to vector<16xf32>
        %add3A_1062 = arith.addf %scan3A_1037, %get3A_1061 : vector<16xf32>
        %get3A_1063 = arith.index_cast %add3A_1048 : i32 to index
        %get3A_1064 = arith.constant 48 : index
        %get3A_1065 = tpu.vector_load %arg11[%get3A_1063, %get3A_1064] {strides = array<i32>} : memref<256x128xf32, #tpu.memory_space<vmem>>, vector<1x16xf32>,
        %get3A_1066 = vector.shape_cast %get3A_1065 : vector<1x16xf32> to vector<16xf32>
        %add3A_1067 = arith.addf %scan3A_1038, %get3A_1066 : vector<16xf32>
        %get3A_1068 = arith.index_cast %add3A_1048 : i32 to index
        %get3A_1069 = arith.constant 64 : index
        %get3A_1070 = tpu.vector_load %arg11[%get3A_1068, %get3A_1069] {strides = array<i32>} : memref<256x128xf32, #tpu.memory_space<vmem>>, vector<1x16xf32>,
        %get3A_1071 = vector.shape_cast %get3A_1070 : vector<1x16xf32> to vector<16xf32>
        %add3A_1072 = arith.addf %scan3A_1039, %get3A_1071 : vector<16xf32>
        %get3A_1073 = arith.index_cast %add3A_1048 : i32 to index
        %get3A_1074 = arith.constant 80 : index
        %get3A_1075 = tpu.vector_load %arg11[%get3A_1073, %get3A_1074] {strides = array<i32>} : memref<256x128xf32, #tpu.memory_space<vmem>>, vector<1x16xf32>,
        %get3A_1076 = vector.shape_cast %get3A_1075 : vector<1x16xf32> to vector<16xf32>
        %add3A_1077 = arith.addf %scan3A_1040, %get3A_1076 : vector<16xf32>
        %get3A_1078 = arith.index_cast %add3A_1048 : i32 to index
        %get3A_1079 = arith.constant 96 : index
        %get3A_1080 = tpu.vector_load %arg11[%get3A_1078, %get3A_1079] {strides = array<i32>} : memref<256x128xf32, #tpu.memory_space<vmem>>, vector<1x16xf32>,
        %get3A_1081 = vector.shape_cast %get3A_1080 : vector<1x16xf32> to vector<16xf32>
        %add3A_1082 = arith.addf %scan3A_1041, %get3A_1081 : vector<16xf32>
        %get3A_1083 = arith.index_cast %add3A_1048 : i32 to index
        %get3A_1084 = arith.constant 112 : index
        %get3A_1085 = tpu.vector_load %arg11[%get3A_1083, %get3A_1084] {strides = array<i32>} : memref<256x128xf32, #tpu.memory_space<vmem>>, vector<1x16xf32>,
        %get3A_1086 = vector.shape_cast %get3A_1085 : vector<1x16xf32> to vector<16xf32>
        %add3A_1087 = arith.addf %scan3A_1042, %get3A_1086 : vector<16xf32>
        %mul3A_1088 = arith.constant 4 : i32
        %mul3A_1089 = arith.muli %scan3A_1034, %mul3A_1088 : i32
        %add3A_1090 = arith.constant 96 : i32
        %add3A_1091 = arith.addi %add3A_1090, %mul3A_1089 : i32
        %add3A_1092 = arith.constant 1 : i32
        %add3A_1093 = arith.addi %add3A_1091, %add3A_1092 : i32
        %get3A_1094 = arith.index_cast %add3A_1093 : i32 to index
        %get3A_1095 = arith.constant 0 : index
        %get3A_1096 = tpu.vector_load %arg11[%get3A_1094, %get3A_1095] {strides = array<i32>} : memref<256x128xf32, #tpu.memory_space<vmem>>, vector<1x16xf32>,
        %get3A_1097 = vector.shape_cast %get3A_1096 : vector<1x16xf32> to vector<16xf32>
        %add3A_1098 = arith.addf %add3A_1052, %get3A_1097 : vector<16xf32>
        %get3A_1099 = arith.index_cast %add3A_1093 : i32 to index
        %get3A_1100 = arith.constant 16 : index
        %get3A_1101 = tpu.vector_load %arg11[%get3A_1099, %get3A_1100] {strides = array<i32>} : memref<256x128xf32, #tpu.memory_space<vmem>>, vector<1x16xf32>,
        %get3A_1102 = vector.shape_cast %get3A_1101 : vector<1x16xf32> to vector<16xf32>
        %add3A_1103 = arith.addf %add3A_1057, %get3A_1102 : vector<16xf32>
        %get3A_1104 = arith.index_cast %add3A_1093 : i32 to index
        %get3A_1105 = arith.constant 32 : index
        %get3A_1106 = tpu.vector_load %arg11[%get3A_1104, %get3A_1105] {strides = array<i32>} : memref<256x128xf32, #tpu.memory_space<vmem>>, vector<1x16xf32>,
        %get3A_1107 = vector.shape_cast %get3A_1106 : vector<1x16xf32> to vector<16xf32>
        %add3A_1108 = arith.addf %add3A_1062, %get3A_1107 : vector<16xf32>
        %get3A_1109 = arith.index_cast %add3A_1093 : i32 to index
        %get3A_1110 = arith.constant 48 : index
        %get3A_1111 = tpu.vector_load %arg11[%get3A_1109, %get3A_1110] {strides = array<i32>} : memref<256x128xf32, #tpu.memory_space<vmem>>, vector<1x16xf32>,
        %get3A_1112 = vector.shape_cast %get3A_1111 : vector<1x16xf32> to vector<16xf32>
        %add3A_1113 = arith.addf %add3A_1067, %get3A_1112 : vector<16xf32>
        %get3A_1114 = arith.index_cast %add3A_1093 : i32 to index
        %get3A_1115 = arith.constant 64 : index
        %get3A_1116 = tpu.vector_load %arg11[%get3A_1114, %get3A_1115] {strides = array<i32>} : memref<256x128xf32, #tpu.memory_space<vmem>>, vector<1x16xf32>,
        %get3A_1117 = vector.shape_cast %get3A_1116 : vector<1x16xf32> to vector<16xf32>
        %add3A_1118 = arith.addf %add3A_1072, %get3A_1117 : vector<16xf32>
        %get3A_1119 = arith.index_cast %add3A_1093 : i32 to index
        %get3A_1120 = arith.constant 80 : index
        %get3A_1121 = tpu.vector_load %arg11[%get3A_1119, %get3A_1120] {strides = array<i32>} : memref<256x128xf32, #tpu.memory_space<vmem>>, vector<1x16xf32>,
        %get3A_1122 = vector.shape_cast %get3A_1121 : vector<1x16xf32> to vector<16xf32>
        %add3A_1123 = arith.addf %add3A_1077, %get3A_1122 : vector<16xf32>
        %get3A_1124 = arith.index_cast %add3A_1093 : i32 to index
        %get3A_1125 = arith.constant 96 : index
        %get3A_1126 = tpu.vector_load %arg11[%get3A_1124, %get3A_1125] {strides = array<i32>} : memref<256x128xf32, #tpu.memory_space<vmem>>, vector<1x16xf32>,
        %get3A_1127 = vector.shape_cast %get3A_1126 : vector<1x16xf32> to vector<16xf32>
        %add3A_1128 = arith.addf %add3A_1082, %get3A_1127 : vector<16xf32>
        %get3A_1129 = arith.index_cast %add3A_1093 : i32 to index
        %get3A_1130 = arith.constant 112 : index
        %get3A_1131 = tpu.vector_load %arg11[%get3A_1129, %get3A_1130] {strides = array<i32>} : memref<256x128xf32, #tpu.memory_space<vmem>>, vector<1x16xf32>,
        %get3A_1132 = vector.shape_cast %get3A_1131 : vector<1x16xf32> to vector<16xf32>
        %add3A_1133 = arith.addf %add3A_1087, %get3A_1132 : vector<16xf32>
        %mul3A_1134 = arith.constant 4 : i32
        %mul3A_1135 = arith.muli %scan3A_1034, %mul3A_1134 : i32
        %add3A_1136 = arith.constant 96 : i32
        %add3A_1137 = arith.addi %add3A_1136, %mul3A_1135 : i32
        %add3A_1138 = arith.constant 2 : i32
        %add3A_1139 = arith.addi %add3A_1137, %add3A_1138 : i32
        %get3A_1140 = arith.index_cast %add3A_1139 : i32 to index
        %get3A_1141 = arith.constant 0 : index
        %get3A_1142 = tpu.vector_load %arg11[%get3A_1140, %get3A_1141] {strides = array<i32>} : memref<256x128xf32, #tpu.memory_space<vmem>>, vector<1x16xf32>,
        %get3A_1143 = vector.shape_cast %get3A_1142 : vector<1x16xf32> to vector<16xf32>
        %add3A_1144 = arith.addf %add3A_1098, %get3A_1143 : vector<16xf32>
        %get3A_1145 = arith.index_cast %add3A_1139 : i32 to index
        %get3A_1146 = arith.constant 16 : index
        %get3A_1147 = tpu.vector_load %arg11[%get3A_1145, %get3A_1146] {strides = array<i32>} : memref<256x128xf32, #tpu.memory_space<vmem>>, vector<1x16xf32>,
        %get3A_1148 = vector.shape_cast %get3A_1147 : vector<1x16xf32> to vector<16xf32>
        %add3A_1149 = arith.addf %add3A_1103, %get3A_1148 : vector<16xf32>
        %get3A_1150 = arith.index_cast %add3A_1139 : i32 to index
        %get3A_1151 = arith.constant 32 : index
        %get3A_1152 = tpu.vector_load %arg11[%get3A_1150, %get3A_1151] {strides = array<i32>} : memref<256x128xf32, #tpu.memory_space<vmem>>, vector<1x16xf32>,
        %get3A_1153 = vector.shape_cast %get3A_1152 : vector<1x16xf32> to vector<16xf32>
        %add3A_1154 = arith.addf %add3A_1108, %get3A_1153 : vector<16xf32>
        %get3A_1155 = arith.index_cast %add3A_1139 : i32 to index
        %get3A_1156 = arith.constant 48 : index
        %get3A_1157 = tpu.vector_load %arg11[%get3A_1155, %get3A_1156] {strides = array<i32>} : memref<256x128xf32, #tpu.memory_space<vmem>>, vector<1x16xf32>,
        %get3A_1158 = vector.shape_cast %get3A_1157 : vector<1x16xf32> to vector<16xf32>
        %add3A_1159 = arith.addf %add3A_1113, %get3A_1158 : vector<16xf32>
        %get3A_1160 = arith.index_cast %add3A_1139 : i32 to index
        %get3A_1161 = arith.constant 64 : index
        %get3A_1162 = tpu.vector_load %arg11[%get3A_1160, %get3A_1161] {strides = array<i32>} : memref<256x128xf32, #tpu.memory_space<vmem>>, vector<1x16xf32>,
        %get3A_1163 = vector.shape_cast %get3A_1162 : vector<1x16xf32> to vector<16xf32>
        %add3A_1164 = arith.addf %add3A_1118, %get3A_1163 : vector<16xf32>
        %get3A_1165 = arith.index_cast %add3A_1139 : i32 to index
        %get3A_1166 = arith.constant 80 : index
        %get3A_1167 = tpu.vector_load %arg11[%get3A_1165, %get3A_1166] {strides = array<i32>} : memref<256x128xf32, #tpu.memory_space<vmem>>, vector<1x16xf32>,
        %get3A_1168 = vector.shape_cast %get3A_1167 : vector<1x16xf32> to vector<16xf32>
        %add3A_1169 = arith.addf %add3A_1123, %get3A_1168 : vector<16xf32>
        %get3A_1170 = arith.index_cast %add3A_1139 : i32 to index
        %get3A_1171 = arith.constant 96 : index
        %get3A_1172 = tpu.vector_load %arg11[%get3A_1170, %get3A_1171] {strides = array<i32>} : memref<256x128xf32, #tpu.memory_space<vmem>>, vector<1x16xf32>,
        %get3A_1173 = vector.shape_cast %get3A_1172 : vector<1x16xf32> to vector<16xf32>
        %add3A_1174 = arith.addf %add3A_1128, %get3A_1173 : vector<16xf32>
        %get3A_1175 = arith.index_cast %add3A_1139 : i32 to index
        %get3A_1176 = arith.constant 112 : index
        %get3A_1177 = tpu.vector_load %arg11[%get3A_1175, %get3A_1176] {strides = array<i32>} : memref<256x128xf32, #tpu.memory_space<vmem>>, vector<1x16xf32>,
        %get3A_1178 = vector.shape_cast %get3A_1177 : vector<1x16xf32> to vector<16xf32>
        %add3A_1179 = arith.addf %add3A_1133, %get3A_1178 : vector<16xf32>
        %mul3A_1180 = arith.constant 4 : i32
        %mul3A_1181 = arith.muli %scan3A_1034, %mul3A_1180 : i32
        %add3A_1182 = arith.constant 96 : i32
        %add3A_1183 = arith.addi %add3A_1182, %mul3A_1181 : i32
        %add3A_1184 = arith.constant 3 : i32
        %add3A_1185 = arith.addi %add3A_1183, %add3A_1184 : i32
        %get3A_1186 = arith.index_cast %add3A_1185 : i32 to index
        %get3A_1187 = arith.constant 0 : index
        %get3A_1188 = tpu.vector_load %arg11[%get3A_1186, %get3A_1187] {strides = array<i32>} : memref<256x128xf32, #tpu.memory_space<vmem>>, vector<1x16xf32>,
        %get3A_1189 = vector.shape_cast %get3A_1188 : vector<1x16xf32> to vector<16xf32>
        %add3A_1190 = arith.addf %add3A_1144, %get3A_1189 : vector<16xf32>
        %get3A_1191 = arith.index_cast %add3A_1185 : i32 to index
        %get3A_1192 = arith.constant 16 : index
        %get3A_1193 = tpu.vector_load %arg11[%get3A_1191, %get3A_1192] {strides = array<i32>} : memref<256x128xf32, #tpu.memory_space<vmem>>, vector<1x16xf32>,
        %get3A_1194 = vector.shape_cast %get3A_1193 : vector<1x16xf32> to vector<16xf32>
        %add3A_1195 = arith.addf %add3A_1149, %get3A_1194 : vector<16xf32>
        %get3A_1196 = arith.index_cast %add3A_1185 : i32 to index
        %get3A_1197 = arith.constant 32 : index
        %get3A_1198 = tpu.vector_load %arg11[%get3A_1196, %get3A_1197] {strides = array<i32>} : memref<256x128xf32, #tpu.memory_space<vmem>>, vector<1x16xf32>,
        %get3A_1199 = vector.shape_cast %get3A_1198 : vector<1x16xf32> to vector<16xf32>
        %add3A_1200 = arith.addf %add3A_1154, %get3A_1199 : vector<16xf32>
        %get3A_1201 = arith.index_cast %add3A_1185 : i32 to index
        %get3A_1202 = arith.constant 48 : index
        %get3A_1203 = tpu.vector_load %arg11[%get3A_1201, %get3A_1202] {strides = array<i32>} : memref<256x128xf32, #tpu.memory_space<vmem>>, vector<1x16xf32>,
        %get3A_1204 = vector.shape_cast %get3A_1203 : vector<1x16xf32> to vector<16xf32>
        %add3A_1205 = arith.addf %add3A_1159, %get3A_1204 : vector<16xf32>
        %get3A_1206 = arith.index_cast %add3A_1185 : i32 to index
        %get3A_1207 = arith.constant 64 : index
        %get3A_1208 = tpu.vector_load %arg11[%get3A_1206, %get3A_1207] {strides = array<i32>} : memref<256x128xf32, #tpu.memory_space<vmem>>, vector<1x16xf32>,
        %get3A_1209 = vector.shape_cast %get3A_1208 : vector<1x16xf32> to vector<16xf32>
        %add3A_1210 = arith.addf %add3A_1164, %get3A_1209 : vector<16xf32>
        %get3A_1211 = arith.index_cast %add3A_1185 : i32 to index
        %get3A_1212 = arith.constant 80 : index
        %get3A_1213 = tpu.vector_load %arg11[%get3A_1211, %get3A_1212] {strides = array<i32>} : memref<256x128xf32, #tpu.memory_space<vmem>>, vector<1x16xf32>,
        %get3A_1214 = vector.shape_cast %get3A_1213 : vector<1x16xf32> to vector<16xf32>
        %add3A_1215 = arith.addf %add3A_1169, %get3A_1214 : vector<16xf32>
        %get3A_1216 = arith.index_cast %add3A_1185 : i32 to index
        %get3A_1217 = arith.constant 96 : index
        %get3A_1218 = tpu.vector_load %arg11[%get3A_1216, %get3A_1217] {strides = array<i32>} : memref<256x128xf32, #tpu.memory_space<vmem>>, vector<1x16xf32>,
        %get3A_1219 = vector.shape_cast %get3A_1218 : vector<1x16xf32> to vector<16xf32>
        %add3A_1220 = arith.addf %add3A_1174, %get3A_1219 : vector<16xf32>
        %get3A_1221 = arith.index_cast %add3A_1185 : i32 to index
        %get3A_1222 = arith.constant 112 : index
        %get3A_1223 = tpu.vector_load %arg11[%get3A_1221, %get3A_1222] {strides = array<i32>} : memref<256x128xf32, #tpu.memory_space<vmem>>, vector<1x16xf32>,
        %get3A_1224 = vector.shape_cast %get3A_1223 : vector<1x16xf32> to vector<16xf32>
        %add3A_1225 = arith.addf %add3A_1179, %get3A_1224 : vector<16xf32>
        scf.yield %add3A_1190, %add3A_1195, %add3A_1200, %add3A_1205, %add3A_1210, %add3A_1215, %add3A_1220, %add3A_1225 : vector<16xf32>, vector<16xf32>, vector<16xf32>, vector<16xf32>, vector<16xf32>, vector<16xf32>, vector<16xf32>, vector<16xf32>
      }
      %scan3A_737 = arith.constant 8 : i32
      %swap3A_738 = arith.constant 3 : i32
      %swap3A_739 = arith.index_cast %swap3A_738 : i32 to index
      %swap3A_740 = arith.constant 0 : index
      %swap3A_741 = tpu.vector_load %arg13[%swap3A_739, %swap3A_740] {strides = array<i32>} : memref<8x128xf32, #tpu.memory_space<vmem>>, vector<1x16xf32>,
      %swap3A_742 = vector.shape_cast %swap3A_741 : vector<1x16xf32> to vector<16xf32>
      %swap3A_743 = vector.shape_cast %scan3A_736#0 : vector<16xf32> to vector<1x16xf32>
      tpu.vector_store %arg13[%swap3A_739, %swap3A_740], %swap3A_743 {strides = array<i32>} : memref<8x128xf32, #tpu.memory_space<vmem>>, vector<1x16xf32>,
      %swap3A_744 = arith.constant 3 : i32
      %swap3A_745 = arith.index_cast %swap3A_744 : i32 to index
      %swap3A_746 = arith.constant 16 : index
      %swap3A_747 = tpu.vector_load %arg13[%swap3A_745, %swap3A_746] {strides = array<i32>} : memref<8x128xf32, #tpu.memory_space<vmem>>, vector<1x16xf32>,
      %swap3A_748 = vector.shape_cast %swap3A_747 : vector<1x16xf32> to vector<16xf32>
      %swap3A_749 = vector.shape_cast %scan3A_736#1 : vector<16xf32> to vector<1x16xf32>
      tpu.vector_store %arg13[%swap3A_745, %swap3A_746], %swap3A_749 {strides = array<i32>} : memref<8x128xf32, #tpu.memory_space<vmem>>, vector<1x16xf32>,
      %swap3A_750 = arith.constant 3 : i32
      %swap3A_751 = arith.index_cast %swap3A_750 : i32 to index
      %swap3A_752 = arith.constant 32 : index
      %swap3A_753 = tpu.vector_load %arg13[%swap3A_751, %swap3A_752] {strides = array<i32>} : memref<8x128xf32, #tpu.memory_space<vmem>>, vector<1x16xf32>,
      %swap3A_754 = vector.shape_cast %swap3A_753 : vector<1x16xf32> to vector<16xf32>
      %swap3A_755 = vector.shape_cast %scan3A_736#2 : vector<16xf32> to vector<1x16xf32>
      tpu.vector_store %arg13[%swap3A_751, %swap3A_752], %swap3A_755 {strides = array<i32>} : memref<8x128xf32, #tpu.memory_space<vmem>>, vector<1x16xf32>,
      %swap3A_756 = arith.constant 3 : i32
      %swap3A_757 = arith.index_cast %swap3A_756 : i32 to index
      %swap3A_758 = arith.constant 48 : index
      %swap3A_759 = tpu.vector_load %arg13[%swap3A_757, %swap3A_758] {strides = array<i32>} : memref<8x128xf32, #tpu.memory_space<vmem>>, vector<1x16xf32>,
      %swap3A_760 = vector.shape_cast %swap3A_759 : vector<1x16xf32> to vector<16xf32>
      %swap3A_761 = vector.shape_cast %scan3A_736#3 : vector<16xf32> to vector<1x16xf32>
      tpu.vector_store %arg13[%swap3A_757, %swap3A_758], %swap3A_761 {strides = array<i32>} : memref<8x128xf32, #tpu.memory_space<vmem>>, vector<1x16xf32>,
      %swap3A_762 = arith.constant 3 : i32
      %swap3A_763 = arith.index_cast %swap3A_762 : i32 to index
      %swap3A_764 = arith.constant 64 : index
      %swap3A_765 = tpu.vector_load %arg13[%swap3A_763, %swap3A_764] {strides = array<i32>} : memref<8x128xf32, #tpu.memory_space<vmem>>, vector<1x16xf32>,
      %swap3A_766 = vector.shape_cast %swap3A_765 : vector<1x16xf32> to vector<16xf32>
      %swap3A_767 = vector.shape_cast %scan3A_736#4 : vector<16xf32> to vector<1x16xf32>
      tpu.vector_store %arg13[%swap3A_763, %swap3A_764], %swap3A_767 {strides = array<i32>} : memref<8x128xf32, #tpu.memory_space<vmem>>, vector<1x16xf32>,
      %swap3A_768 = arith.constant 3 : i32
      %swap3A_769 = arith.index_cast %swap3A_768 : i32 to index
      %swap3A_770 = arith.constant 80 : index
      %swap3A_771 = tpu.vector_load %arg13[%swap3A_769, %swap3A_770] {strides = array<i32>} : memref<8x128xf32, #tpu.memory_space<vmem>>, vector<1x16xf32>,
      %swap3A_772 = vector.shape_cast %swap3A_771 : vector<1x16xf32> to vector<16xf32>
      %swap3A_773 = vector.shape_cast %scan3A_736#5 : vector<16xf32> to vector<1x16xf32>
      tpu.vector_store %arg13[%swap3A_769, %swap3A_770], %swap3A_773 {strides = array<i32>} : memref<8x128xf32, #tpu.memory_space<vmem>>, vector<1x16xf32>,
      %swap3A_774 = arith.constant 3 : i32
      %swap3A_775 = arith.index_cast %swap3A_774 : i32 to index
      %swap3A_776 = arith.constant 96 : index
      %swap3A_777 = tpu.vector_load %arg13[%swap3A_775, %swap3A_776] {strides = array<i32>} : memref<8x128xf32, #tpu.memory_space<vmem>>, vector<1x16xf32>,
      %swap3A_778 = vector.shape_cast %swap3A_777 : vector<1x16xf32> to vector<16xf32>
      %swap3A_779 = vector.shape_cast %scan3A_736#6 : vector<16xf32> to vector<1x16xf32>
      tpu.vector_store %arg13[%swap3A_775, %swap3A_776], %swap3A_779 {strides = array<i32>} : memref<8x128xf32, #tpu.memory_space<vmem>>, vector<1x16xf32>,
      %swap3A_780 = arith.constant 3 : i32
      %swap3A_781 = arith.index_cast %swap3A_780 : i32 to index
      %swap3A_782 = arith.constant 112 : index
      %swap3A_783 = tpu.vector_load %arg13[%swap3A_781, %swap3A_782] {strides = array<i32>} : memref<8x128xf32, #tpu.memory_space<vmem>>, vector<1x16xf32>,
      %swap3A_784 = vector.shape_cast %swap3A_783 : vector<1x16xf32> to vector<16xf32>
      %swap3A_785 = vector.shape_cast %scan3A_736#7 : vector<16xf32> to vector<1x16xf32>
      tpu.vector_store %arg13[%swap3A_781, %swap3A_782], %swap3A_785 {strides = array<i32>} : memref<8x128xf32, #tpu.memory_space<vmem>>, vector<1x16xf32>,
      %broadcast_in_dim3A_786 = arith.constant 0.000000e+00 : f32
      %broadcast_in_dim3A_787 = vector.broadcast %broadcast_in_dim3A_786 : f32 to vector<16xf32>
      %scan3A_788 = arith.constant 0 : i32
      %scan3A_789 = arith.constant 8 : i32
      %scan3A_790 = arith.addi %scan3A_788, %scan3A_789 : i32
      %scan3A_791 = arith.constant 1 : i32
      %scan3A_792:8 = scf.for %scan3A_1034 = %scan3A_788 to %scan3A_790 step %scan3A_791 iter_args(%scan3A_1035 = %broadcast_in_dim3A_787, %scan3A_1036 = %broadcast_in_dim3A_787, %scan3A_1037 = %broadcast_in_dim3A_787, %scan3A_1038 = %broadcast_in_dim3A_787, %scan3A_1039 = %broadcast_in_dim3A_787, %scan3A_1040 = %broadcast_in_dim3A_787, %scan3A_1041 = %broadcast_in_dim3A_787, %scan3A_1042 = %broadcast_in_dim3A_787) -> (vector<16xf32>, vector<16xf32>, vector<16xf32>, vector<16xf32>, vector<16xf32>, vector<16xf32>, vector<16xf32>, vector<16xf32>)  : i32 {
        %mul3A_1043 = arith.constant 4 : i32
        %mul3A_1044 = arith.muli %scan3A_1034, %mul3A_1043 : i32
        %add3A_1045 = arith.constant 128 : i32
        %add3A_1046 = arith.addi %add3A_1045, %mul3A_1044 : i32
        %add3A_1047 = arith.constant 0 : i32
        %add3A_1048 = arith.addi %add3A_1046, %add3A_1047 : i32
        %get3A = arith.index_cast %add3A_1048 : i32 to index
        %get3A_1049 = arith.constant 0 : index
        %get3A_1050 = tpu.vector_load %arg11[%get3A, %get3A_1049] {strides = array<i32>} : memref<256x128xf32, #tpu.memory_space<vmem>>, vector<1x16xf32>,
        %get3A_1051 = vector.shape_cast %get3A_1050 : vector<1x16xf32> to vector<16xf32>
        %add3A_1052 = arith.addf %scan3A_1035, %get3A_1051 : vector<16xf32>
        %get3A_1053 = arith.index_cast %add3A_1048 : i32 to index
        %get3A_1054 = arith.constant 16 : index
        %get3A_1055 = tpu.vector_load %arg11[%get3A_1053, %get3A_1054] {strides = array<i32>} : memref<256x128xf32, #tpu.memory_space<vmem>>, vector<1x16xf32>,
        %get3A_1056 = vector.shape_cast %get3A_1055 : vector<1x16xf32> to vector<16xf32>
        %add3A_1057 = arith.addf %scan3A_1036, %get3A_1056 : vector<16xf32>
        %get3A_1058 = arith.index_cast %add3A_1048 : i32 to index
        %get3A_1059 = arith.constant 32 : index
        %get3A_1060 = tpu.vector_load %arg11[%get3A_1058, %get3A_1059] {strides = array<i32>} : memref<256x128xf32, #tpu.memory_space<vmem>>, vector<1x16xf32>,
        %get3A_1061 = vector.shape_cast %get3A_1060 : vector<1x16xf32> to vector<16xf32>
        %add3A_1062 = arith.addf %scan3A_1037, %get3A_1061 : vector<16xf32>
        %get3A_1063 = arith.index_cast %add3A_1048 : i32 to index
        %get3A_1064 = arith.constant 48 : index
        %get3A_1065 = tpu.vector_load %arg11[%get3A_1063, %get3A_1064] {strides = array<i32>} : memref<256x128xf32, #tpu.memory_space<vmem>>, vector<1x16xf32>,
        %get3A_1066 = vector.shape_cast %get3A_1065 : vector<1x16xf32> to vector<16xf32>
        %add3A_1067 = arith.addf %scan3A_1038, %get3A_1066 : vector<16xf32>
        %get3A_1068 = arith.index_cast %add3A_1048 : i32 to index
        %get3A_1069 = arith.constant 64 : index
        %get3A_1070 = tpu.vector_load %arg11[%get3A_1068, %get3A_1069] {strides = array<i32>} : memref<256x128xf32, #tpu.memory_space<vmem>>, vector<1x16xf32>,
        %get3A_1071 = vector.shape_cast %get3A_1070 : vector<1x16xf32> to vector<16xf32>
        %add3A_1072 = arith.addf %scan3A_1039, %get3A_1071 : vector<16xf32>
        %get3A_1073 = arith.index_cast %add3A_1048 : i32 to index
        %get3A_1074 = arith.constant 80 : index
        %get3A_1075 = tpu.vector_load %arg11[%get3A_1073, %get3A_1074] {strides = array<i32>} : memref<256x128xf32, #tpu.memory_space<vmem>>, vector<1x16xf32>,
        %get3A_1076 = vector.shape_cast %get3A_1075 : vector<1x16xf32> to vector<16xf32>
        %add3A_1077 = arith.addf %scan3A_1040, %get3A_1076 : vector<16xf32>
        %get3A_1078 = arith.index_cast %add3A_1048 : i32 to index
        %get3A_1079 = arith.constant 96 : index
        %get3A_1080 = tpu.vector_load %arg11[%get3A_1078, %get3A_1079] {strides = array<i32>} : memref<256x128xf32, #tpu.memory_space<vmem>>, vector<1x16xf32>,
        %get3A_1081 = vector.shape_cast %get3A_1080 : vector<1x16xf32> to vector<16xf32>
        %add3A_1082 = arith.addf %scan3A_1041, %get3A_1081 : vector<16xf32>
        %get3A_1083 = arith.index_cast %add3A_1048 : i32 to index
        %get3A_1084 = arith.constant 112 : index
        %get3A_1085 = tpu.vector_load %arg11[%get3A_1083, %get3A_1084] {strides = array<i32>} : memref<256x128xf32, #tpu.memory_space<vmem>>, vector<1x16xf32>,
        %get3A_1086 = vector.shape_cast %get3A_1085 : vector<1x16xf32> to vector<16xf32>
        %add3A_1087 = arith.addf %scan3A_1042, %get3A_1086 : vector<16xf32>
        %mul3A_1088 = arith.constant 4 : i32
        %mul3A_1089 = arith.muli %scan3A_1034, %mul3A_1088 : i32
        %add3A_1090 = arith.constant 128 : i32
        %add3A_1091 = arith.addi %add3A_1090, %mul3A_1089 : i32
        %add3A_1092 = arith.constant 1 : i32
        %add3A_1093 = arith.addi %add3A_1091, %add3A_1092 : i32
        %get3A_1094 = arith.index_cast %add3A_1093 : i32 to index
        %get3A_1095 = arith.constant 0 : index
        %get3A_1096 = tpu.vector_load %arg11[%get3A_1094, %get3A_1095] {strides = array<i32>} : memref<256x128xf32, #tpu.memory_space<vmem>>, vector<1x16xf32>,
        %get3A_1097 = vector.shape_cast %get3A_1096 : vector<1x16xf32> to vector<16xf32>
        %add3A_1098 = arith.addf %add3A_1052, %get3A_1097 : vector<16xf32>
        %get3A_1099 = arith.index_cast %add3A_1093 : i32 to index
        %get3A_1100 = arith.constant 16 : index
        %get3A_1101 = tpu.vector_load %arg11[%get3A_1099, %get3A_1100] {strides = array<i32>} : memref<256x128xf32, #tpu.memory_space<vmem>>, vector<1x16xf32>,
        %get3A_1102 = vector.shape_cast %get3A_1101 : vector<1x16xf32> to vector<16xf32>
        %add3A_1103 = arith.addf %add3A_1057, %get3A_1102 : vector<16xf32>
        %get3A_1104 = arith.index_cast %add3A_1093 : i32 to index
        %get3A_1105 = arith.constant 32 : index
        %get3A_1106 = tpu.vector_load %arg11[%get3A_1104, %get3A_1105] {strides = array<i32>} : memref<256x128xf32, #tpu.memory_space<vmem>>, vector<1x16xf32>,
        %get3A_1107 = vector.shape_cast %get3A_1106 : vector<1x16xf32> to vector<16xf32>
        %add3A_1108 = arith.addf %add3A_1062, %get3A_1107 : vector<16xf32>
        %get3A_1109 = arith.index_cast %add3A_1093 : i32 to index
        %get3A_1110 = arith.constant 48 : index
        %get3A_1111 = tpu.vector_load %arg11[%get3A_1109, %get3A_1110] {strides = array<i32>} : memref<256x128xf32, #tpu.memory_space<vmem>>, vector<1x16xf32>,
        %get3A_1112 = vector.shape_cast %get3A_1111 : vector<1x16xf32> to vector<16xf32>
        %add3A_1113 = arith.addf %add3A_1067, %get3A_1112 : vector<16xf32>
        %get3A_1114 = arith.index_cast %add3A_1093 : i32 to index
        %get3A_1115 = arith.constant 64 : index
        %get3A_1116 = tpu.vector_load %arg11[%get3A_1114, %get3A_1115] {strides = array<i32>} : memref<256x128xf32, #tpu.memory_space<vmem>>, vector<1x16xf32>,
        %get3A_1117 = vector.shape_cast %get3A_1116 : vector<1x16xf32> to vector<16xf32>
        %add3A_1118 = arith.addf %add3A_1072, %get3A_1117 : vector<16xf32>
        %get3A_1119 = arith.index_cast %add3A_1093 : i32 to index
        %get3A_1120 = arith.constant 80 : index
        %get3A_1121 = tpu.vector_load %arg11[%get3A_1119, %get3A_1120] {strides = array<i32>} : memref<256x128xf32, #tpu.memory_space<vmem>>, vector<1x16xf32>,
        %get3A_1122 = vector.shape_cast %get3A_1121 : vector<1x16xf32> to vector<16xf32>
        %add3A_1123 = arith.addf %add3A_1077, %get3A_1122 : vector<16xf32>
        %get3A_1124 = arith.index_cast %add3A_1093 : i32 to index
        %get3A_1125 = arith.constant 96 : index
        %get3A_1126 = tpu.vector_load %arg11[%get3A_1124, %get3A_1125] {strides = array<i32>} : memref<256x128xf32, #tpu.memory_space<vmem>>, vector<1x16xf32>,
        %get3A_1127 = vector.shape_cast %get3A_1126 : vector<1x16xf32> to vector<16xf32>
        %add3A_1128 = arith.addf %add3A_1082, %get3A_1127 : vector<16xf32>
        %get3A_1129 = arith.index_cast %add3A_1093 : i32 to index
        %get3A_1130 = arith.constant 112 : index
        %get3A_1131 = tpu.vector_load %arg11[%get3A_1129, %get3A_1130] {strides = array<i32>} : memref<256x128xf32, #tpu.memory_space<vmem>>, vector<1x16xf32>,
        %get3A_1132 = vector.shape_cast %get3A_1131 : vector<1x16xf32> to vector<16xf32>
        %add3A_1133 = arith.addf %add3A_1087, %get3A_1132 : vector<16xf32>
        %mul3A_1134 = arith.constant 4 : i32
        %mul3A_1135 = arith.muli %scan3A_1034, %mul3A_1134 : i32
        %add3A_1136 = arith.constant 128 : i32
        %add3A_1137 = arith.addi %add3A_1136, %mul3A_1135 : i32
        %add3A_1138 = arith.constant 2 : i32
        %add3A_1139 = arith.addi %add3A_1137, %add3A_1138 : i32
        %get3A_1140 = arith.index_cast %add3A_1139 : i32 to index
        %get3A_1141 = arith.constant 0 : index
        %get3A_1142 = tpu.vector_load %arg11[%get3A_1140, %get3A_1141] {strides = array<i32>} : memref<256x128xf32, #tpu.memory_space<vmem>>, vector<1x16xf32>,
        %get3A_1143 = vector.shape_cast %get3A_1142 : vector<1x16xf32> to vector<16xf32>
        %add3A_1144 = arith.addf %add3A_1098, %get3A_1143 : vector<16xf32>
        %get3A_1145 = arith.index_cast %add3A_1139 : i32 to index
        %get3A_1146 = arith.constant 16 : index
        %get3A_1147 = tpu.vector_load %arg11[%get3A_1145, %get3A_1146] {strides = array<i32>} : memref<256x128xf32, #tpu.memory_space<vmem>>, vector<1x16xf32>,
        %get3A_1148 = vector.shape_cast %get3A_1147 : vector<1x16xf32> to vector<16xf32>
        %add3A_1149 = arith.addf %add3A_1103, %get3A_1148 : vector<16xf32>
        %get3A_1150 = arith.index_cast %add3A_1139 : i32 to index
        %get3A_1151 = arith.constant 32 : index
        %get3A_1152 = tpu.vector_load %arg11[%get3A_1150, %get3A_1151] {strides = array<i32>} : memref<256x128xf32, #tpu.memory_space<vmem>>, vector<1x16xf32>,
        %get3A_1153 = vector.shape_cast %get3A_1152 : vector<1x16xf32> to vector<16xf32>
        %add3A_1154 = arith.addf %add3A_1108, %get3A_1153 : vector<16xf32>
        %get3A_1155 = arith.index_cast %add3A_1139 : i32 to index
        %get3A_1156 = arith.constant 48 : index
        %get3A_1157 = tpu.vector_load %arg11[%get3A_1155, %get3A_1156] {strides = array<i32>} : memref<256x128xf32, #tpu.memory_space<vmem>>, vector<1x16xf32>,
        %get3A_1158 = vector.shape_cast %get3A_1157 : vector<1x16xf32> to vector<16xf32>
        %add3A_1159 = arith.addf %add3A_1113, %get3A_1158 : vector<16xf32>
        %get3A_1160 = arith.index_cast %add3A_1139 : i32 to index
        %get3A_1161 = arith.constant 64 : index
        %get3A_1162 = tpu.vector_load %arg11[%get3A_1160, %get3A_1161] {strides = array<i32>} : memref<256x128xf32, #tpu.memory_space<vmem>>, vector<1x16xf32>,
        %get3A_1163 = vector.shape_cast %get3A_1162 : vector<1x16xf32> to vector<16xf32>
        %add3A_1164 = arith.addf %add3A_1118, %get3A_1163 : vector<16xf32>
        %get3A_1165 = arith.index_cast %add3A_1139 : i32 to index
        %get3A_1166 = arith.constant 80 : index
        %get3A_1167 = tpu.vector_load %arg11[%get3A_1165, %get3A_1166] {strides = array<i32>} : memref<256x128xf32, #tpu.memory_space<vmem>>, vector<1x16xf32>,
        %get3A_1168 = vector.shape_cast %get3A_1167 : vector<1x16xf32> to vector<16xf32>
        %add3A_1169 = arith.addf %add3A_1123, %get3A_1168 : vector<16xf32>
        %get3A_1170 = arith.index_cast %add3A_1139 : i32 to index
        %get3A_1171 = arith.constant 96 : index
        %get3A_1172 = tpu.vector_load %arg11[%get3A_1170, %get3A_1171] {strides = array<i32>} : memref<256x128xf32, #tpu.memory_space<vmem>>, vector<1x16xf32>,
        %get3A_1173 = vector.shape_cast %get3A_1172 : vector<1x16xf32> to vector<16xf32>
        %add3A_1174 = arith.addf %add3A_1128, %get3A_1173 : vector<16xf32>
        %get3A_1175 = arith.index_cast %add3A_1139 : i32 to index
        %get3A_1176 = arith.constant 112 : index
        %get3A_1177 = tpu.vector_load %arg11[%get3A_1175, %get3A_1176] {strides = array<i32>} : memref<256x128xf32, #tpu.memory_space<vmem>>, vector<1x16xf32>,
        %get3A_1178 = vector.shape_cast %get3A_1177 : vector<1x16xf32> to vector<16xf32>
        %add3A_1179 = arith.addf %add3A_1133, %get3A_1178 : vector<16xf32>
        %mul3A_1180 = arith.constant 4 : i32
        %mul3A_1181 = arith.muli %scan3A_1034, %mul3A_1180 : i32
        %add3A_1182 = arith.constant 128 : i32
        %add3A_1183 = arith.addi %add3A_1182, %mul3A_1181 : i32
        %add3A_1184 = arith.constant 3 : i32
        %add3A_1185 = arith.addi %add3A_1183, %add3A_1184 : i32
        %get3A_1186 = arith.index_cast %add3A_1185 : i32 to index
        %get3A_1187 = arith.constant 0 : index
        %get3A_1188 = tpu.vector_load %arg11[%get3A_1186, %get3A_1187] {strides = array<i32>} : memref<256x128xf32, #tpu.memory_space<vmem>>, vector<1x16xf32>,
        %get3A_1189 = vector.shape_cast %get3A_1188 : vector<1x16xf32> to vector<16xf32>
        %add3A_1190 = arith.addf %add3A_1144, %get3A_1189 : vector<16xf32>
        %get3A_1191 = arith.index_cast %add3A_1185 : i32 to index
        %get3A_1192 = arith.constant 16 : index
        %get3A_1193 = tpu.vector_load %arg11[%get3A_1191, %get3A_1192] {strides = array<i32>} : memref<256x128xf32, #tpu.memory_space<vmem>>, vector<1x16xf32>,
        %get3A_1194 = vector.shape_cast %get3A_1193 : vector<1x16xf32> to vector<16xf32>
        %add3A_1195 = arith.addf %add3A_1149, %get3A_1194 : vector<16xf32>
        %get3A_1196 = arith.index_cast %add3A_1185 : i32 to index
        %get3A_1197 = arith.constant 32 : index
        %get3A_1198 = tpu.vector_load %arg11[%get3A_1196, %get3A_1197] {strides = array<i32>} : memref<256x128xf32, #tpu.memory_space<vmem>>, vector<1x16xf32>,
        %get3A_1199 = vector.shape_cast %get3A_1198 : vector<1x16xf32> to vector<16xf32>
        %add3A_1200 = arith.addf %add3A_1154, %get3A_1199 : vector<16xf32>
        %get3A_1201 = arith.index_cast %add3A_1185 : i32 to index
        %get3A_1202 = arith.constant 48 : index
        %get3A_1203 = tpu.vector_load %arg11[%get3A_1201, %get3A_1202] {strides = array<i32>} : memref<256x128xf32, #tpu.memory_space<vmem>>, vector<1x16xf32>,
        %get3A_1204 = vector.shape_cast %get3A_1203 : vector<1x16xf32> to vector<16xf32>
        %add3A_1205 = arith.addf %add3A_1159, %get3A_1204 : vector<16xf32>
        %get3A_1206 = arith.index_cast %add3A_1185 : i32 to index
        %get3A_1207 = arith.constant 64 : index
        %get3A_1208 = tpu.vector_load %arg11[%get3A_1206, %get3A_1207] {strides = array<i32>} : memref<256x128xf32, #tpu.memory_space<vmem>>, vector<1x16xf32>,
        %get3A_1209 = vector.shape_cast %get3A_1208 : vector<1x16xf32> to vector<16xf32>
        %add3A_1210 = arith.addf %add3A_1164, %get3A_1209 : vector<16xf32>
        %get3A_1211 = arith.index_cast %add3A_1185 : i32 to index
        %get3A_1212 = arith.constant 80 : index
        %get3A_1213 = tpu.vector_load %arg11[%get3A_1211, %get3A_1212] {strides = array<i32>} : memref<256x128xf32, #tpu.memory_space<vmem>>, vector<1x16xf32>,
        %get3A_1214 = vector.shape_cast %get3A_1213 : vector<1x16xf32> to vector<16xf32>
        %add3A_1215 = arith.addf %add3A_1169, %get3A_1214 : vector<16xf32>
        %get3A_1216 = arith.index_cast %add3A_1185 : i32 to index
        %get3A_1217 = arith.constant 96 : index
        %get3A_1218 = tpu.vector_load %arg11[%get3A_1216, %get3A_1217] {strides = array<i32>} : memref<256x128xf32, #tpu.memory_space<vmem>>, vector<1x16xf32>,
        %get3A_1219 = vector.shape_cast %get3A_1218 : vector<1x16xf32> to vector<16xf32>
        %add3A_1220 = arith.addf %add3A_1174, %get3A_1219 : vector<16xf32>
        %get3A_1221 = arith.index_cast %add3A_1185 : i32 to index
        %get3A_1222 = arith.constant 112 : index
        %get3A_1223 = tpu.vector_load %arg11[%get3A_1221, %get3A_1222] {strides = array<i32>} : memref<256x128xf32, #tpu.memory_space<vmem>>, vector<1x16xf32>,
        %get3A_1224 = vector.shape_cast %get3A_1223 : vector<1x16xf32> to vector<16xf32>
        %add3A_1225 = arith.addf %add3A_1179, %get3A_1224 : vector<16xf32>
        scf.yield %add3A_1190, %add3A_1195, %add3A_1200, %add3A_1205, %add3A_1210, %add3A_1215, %add3A_1220, %add3A_1225 : vector<16xf32>, vector<16xf32>, vector<16xf32>, vector<16xf32>, vector<16xf32>, vector<16xf32>, vector<16xf32>, vector<16xf32>
      }
      %scan3A_793 = arith.constant 8 : i32
      %swap3A_794 = arith.constant 4 : i32
      %swap3A_795 = arith.index_cast %swap3A_794 : i32 to index
      %swap3A_796 = arith.constant 0 : index
      %swap3A_797 = tpu.vector_load %arg13[%swap3A_795, %swap3A_796] {strides = array<i32>} : memref<8x128xf32, #tpu.memory_space<vmem>>, vector<1x16xf32>,
      %swap3A_798 = vector.shape_cast %swap3A_797 : vector<1x16xf32> to vector<16xf32>
      %swap3A_799 = vector.shape_cast %scan3A_792#0 : vector<16xf32> to vector<1x16xf32>
      tpu.vector_store %arg13[%swap3A_795, %swap3A_796], %swap3A_799 {strides = array<i32>} : memref<8x128xf32, #tpu.memory_space<vmem>>, vector<1x16xf32>,
      %swap3A_800 = arith.constant 4 : i32
      %swap3A_801 = arith.index_cast %swap3A_800 : i32 to index
      %swap3A_802 = arith.constant 16 : index
      %swap3A_803 = tpu.vector_load %arg13[%swap3A_801, %swap3A_802] {strides = array<i32>} : memref<8x128xf32, #tpu.memory_space<vmem>>, vector<1x16xf32>,
      %swap3A_804 = vector.shape_cast %swap3A_803 : vector<1x16xf32> to vector<16xf32>
      %swap3A_805 = vector.shape_cast %scan3A_792#1 : vector<16xf32> to vector<1x16xf32>
      tpu.vector_store %arg13[%swap3A_801, %swap3A_802], %swap3A_805 {strides = array<i32>} : memref<8x128xf32, #tpu.memory_space<vmem>>, vector<1x16xf32>,
      %swap3A_806 = arith.constant 4 : i32
      %swap3A_807 = arith.index_cast %swap3A_806 : i32 to index
      %swap3A_808 = arith.constant 32 : index
      %swap3A_809 = tpu.vector_load %arg13[%swap3A_807, %swap3A_808] {strides = array<i32>} : memref<8x128xf32, #tpu.memory_space<vmem>>, vector<1x16xf32>,
      %swap3A_810 = vector.shape_cast %swap3A_809 : vector<1x16xf32> to vector<16xf32>
      %swap3A_811 = vector.shape_cast %scan3A_792#2 : vector<16xf32> to vector<1x16xf32>
      tpu.vector_store %arg13[%swap3A_807, %swap3A_808], %swap3A_811 {strides = array<i32>} : memref<8x128xf32, #tpu.memory_space<vmem>>, vector<1x16xf32>,
      %swap3A_812 = arith.constant 4 : i32
      %swap3A_813 = arith.index_cast %swap3A_812 : i32 to index
      %swap3A_814 = arith.constant 48 : index
      %swap3A_815 = tpu.vector_load %arg13[%swap3A_813, %swap3A_814] {strides = array<i32>} : memref<8x128xf32, #tpu.memory_space<vmem>>, vector<1x16xf32>,
      %swap3A_816 = vector.shape_cast %swap3A_815 : vector<1x16xf32> to vector<16xf32>
      %swap3A_817 = vector.shape_cast %scan3A_792#3 : vector<16xf32> to vector<1x16xf32>
      tpu.vector_store %arg13[%swap3A_813, %swap3A_814], %swap3A_817 {strides = array<i32>} : memref<8x128xf32, #tpu.memory_space<vmem>>, vector<1x16xf32>,
      %swap3A_818 = arith.constant 4 : i32
      %swap3A_819 = arith.index_cast %swap3A_818 : i32 to index
      %swap3A_820 = arith.constant 64 : index
      %swap3A_821 = tpu.vector_load %arg13[%swap3A_819, %swap3A_820] {strides = array<i32>} : memref<8x128xf32, #tpu.memory_space<vmem>>, vector<1x16xf32>,
      %swap3A_822 = vector.shape_cast %swap3A_821 : vector<1x16xf32> to vector<16xf32>
      %swap3A_823 = vector.shape_cast %scan3A_792#4 : vector<16xf32> to vector<1x16xf32>
      tpu.vector_store %arg13[%swap3A_819, %swap3A_820], %swap3A_823 {strides = array<i32>} : memref<8x128xf32, #tpu.memory_space<vmem>>, vector<1x16xf32>,
      %swap3A_824 = arith.constant 4 : i32
      %swap3A_825 = arith.index_cast %swap3A_824 : i32 to index
      %swap3A_826 = arith.constant 80 : index
      %swap3A_827 = tpu.vector_load %arg13[%swap3A_825, %swap3A_826] {strides = array<i32>} : memref<8x128xf32, #tpu.memory_space<vmem>>, vector<1x16xf32>,
      %swap3A_828 = vector.shape_cast %swap3A_827 : vector<1x16xf32> to vector<16xf32>
      %swap3A_829 = vector.shape_cast %scan3A_792#5 : vector<16xf32> to vector<1x16xf32>
      tpu.vector_store %arg13[%swap3A_825, %swap3A_826], %swap3A_829 {strides = array<i32>} : memref<8x128xf32, #tpu.memory_space<vmem>>, vector<1x16xf32>,
      %swap3A_830 = arith.constant 4 : i32
      %swap3A_831 = arith.index_cast %swap3A_830 : i32 to index
      %swap3A_832 = arith.constant 96 : index
      %swap3A_833 = tpu.vector_load %arg13[%swap3A_831, %swap3A_832] {strides = array<i32>} : memref<8x128xf32, #tpu.memory_space<vmem>>, vector<1x16xf32>,
      %swap3A_834 = vector.shape_cast %swap3A_833 : vector<1x16xf32> to vector<16xf32>
      %swap3A_835 = vector.shape_cast %scan3A_792#6 : vector<16xf32> to vector<1x16xf32>
      tpu.vector_store %arg13[%swap3A_831, %swap3A_832], %swap3A_835 {strides = array<i32>} : memref<8x128xf32, #tpu.memory_space<vmem>>, vector<1x16xf32>,
      %swap3A_836 = arith.constant 4 : i32
      %swap3A_837 = arith.index_cast %swap3A_836 : i32 to index
      %swap3A_838 = arith.constant 112 : index
      %swap3A_839 = tpu.vector_load %arg13[%swap3A_837, %swap3A_838] {strides = array<i32>} : memref<8x128xf32, #tpu.memory_space<vmem>>, vector<1x16xf32>,
      %swap3A_840 = vector.shape_cast %swap3A_839 : vector<1x16xf32> to vector<16xf32>
      %swap3A_841 = vector.shape_cast %scan3A_792#7 : vector<16xf32> to vector<1x16xf32>
      tpu.vector_store %arg13[%swap3A_837, %swap3A_838], %swap3A_841 {strides = array<i32>} : memref<8x128xf32, #tpu.memory_space<vmem>>, vector<1x16xf32>,
      %broadcast_in_dim3A_842 = arith.constant 0.000000e+00 : f32
      %broadcast_in_dim3A_843 = vector.broadcast %broadcast_in_dim3A_842 : f32 to vector<16xf32>
      %scan3A_844 = arith.constant 0 : i32
      %scan3A_845 = arith.constant 8 : i32
      %scan3A_846 = arith.addi %scan3A_844, %scan3A_845 : i32
      %scan3A_847 = arith.constant 1 : i32
      %scan3A_848:8 = scf.for %scan3A_1034 = %scan3A_844 to %scan3A_846 step %scan3A_847 iter_args(%scan3A_1035 = %broadcast_in_dim3A_843, %scan3A_1036 = %broadcast_in_dim3A_843, %scan3A_1037 = %broadcast_in_dim3A_843, %scan3A_1038 = %broadcast_in_dim3A_843, %scan3A_1039 = %broadcast_in_dim3A_843, %scan3A_1040 = %broadcast_in_dim3A_843, %scan3A_1041 = %broadcast_in_dim3A_843, %scan3A_1042 = %broadcast_in_dim3A_843) -> (vector<16xf32>, vector<16xf32>, vector<16xf32>, vector<16xf32>, vector<16xf32>, vector<16xf32>, vector<16xf32>, vector<16xf32>)  : i32 {
        %mul3A_1043 = arith.constant 4 : i32
        %mul3A_1044 = arith.muli %scan3A_1034, %mul3A_1043 : i32
        %add3A_1045 = arith.constant 160 : i32
        %add3A_1046 = arith.addi %add3A_1045, %mul3A_1044 : i32
        %add3A_1047 = arith.constant 0 : i32
        %add3A_1048 = arith.addi %add3A_1046, %add3A_1047 : i32
        %get3A = arith.index_cast %add3A_1048 : i32 to index
        %get3A_1049 = arith.constant 0 : index
        %get3A_1050 = tpu.vector_load %arg11[%get3A, %get3A_1049] {strides = array<i32>} : memref<256x128xf32, #tpu.memory_space<vmem>>, vector<1x16xf32>,
        %get3A_1051 = vector.shape_cast %get3A_1050 : vector<1x16xf32> to vector<16xf32>
        %add3A_1052 = arith.addf %scan3A_1035, %get3A_1051 : vector<16xf32>
        %get3A_1053 = arith.index_cast %add3A_1048 : i32 to index
        %get3A_1054 = arith.constant 16 : index
        %get3A_1055 = tpu.vector_load %arg11[%get3A_1053, %get3A_1054] {strides = array<i32>} : memref<256x128xf32, #tpu.memory_space<vmem>>, vector<1x16xf32>,
        %get3A_1056 = vector.shape_cast %get3A_1055 : vector<1x16xf32> to vector<16xf32>
        %add3A_1057 = arith.addf %scan3A_1036, %get3A_1056 : vector<16xf32>
        %get3A_1058 = arith.index_cast %add3A_1048 : i32 to index
        %get3A_1059 = arith.constant 32 : index
        %get3A_1060 = tpu.vector_load %arg11[%get3A_1058, %get3A_1059] {strides = array<i32>} : memref<256x128xf32, #tpu.memory_space<vmem>>, vector<1x16xf32>,
        %get3A_1061 = vector.shape_cast %get3A_1060 : vector<1x16xf32> to vector<16xf32>
        %add3A_1062 = arith.addf %scan3A_1037, %get3A_1061 : vector<16xf32>
        %get3A_1063 = arith.index_cast %add3A_1048 : i32 to index
        %get3A_1064 = arith.constant 48 : index
        %get3A_1065 = tpu.vector_load %arg11[%get3A_1063, %get3A_1064] {strides = array<i32>} : memref<256x128xf32, #tpu.memory_space<vmem>>, vector<1x16xf32>,
        %get3A_1066 = vector.shape_cast %get3A_1065 : vector<1x16xf32> to vector<16xf32>
        %add3A_1067 = arith.addf %scan3A_1038, %get3A_1066 : vector<16xf32>
        %get3A_1068 = arith.index_cast %add3A_1048 : i32 to index
        %get3A_1069 = arith.constant 64 : index
        %get3A_1070 = tpu.vector_load %arg11[%get3A_1068, %get3A_1069] {strides = array<i32>} : memref<256x128xf32, #tpu.memory_space<vmem>>, vector<1x16xf32>,
        %get3A_1071 = vector.shape_cast %get3A_1070 : vector<1x16xf32> to vector<16xf32>
        %add3A_1072 = arith.addf %scan3A_1039, %get3A_1071 : vector<16xf32>
        %get3A_1073 = arith.index_cast %add3A_1048 : i32 to index
        %get3A_1074 = arith.constant 80 : index
        %get3A_1075 = tpu.vector_load %arg11[%get3A_1073, %get3A_1074] {strides = array<i32>} : memref<256x128xf32, #tpu.memory_space<vmem>>, vector<1x16xf32>,
        %get3A_1076 = vector.shape_cast %get3A_1075 : vector<1x16xf32> to vector<16xf32>
        %add3A_1077 = arith.addf %scan3A_1040, %get3A_1076 : vector<16xf32>
        %get3A_1078 = arith.index_cast %add3A_1048 : i32 to index
        %get3A_1079 = arith.constant 96 : index
        %get3A_1080 = tpu.vector_load %arg11[%get3A_1078, %get3A_1079] {strides = array<i32>} : memref<256x128xf32, #tpu.memory_space<vmem>>, vector<1x16xf32>,
        %get3A_1081 = vector.shape_cast %get3A_1080 : vector<1x16xf32> to vector<16xf32>
        %add3A_1082 = arith.addf %scan3A_1041, %get3A_1081 : vector<16xf32>
        %get3A_1083 = arith.index_cast %add3A_1048 : i32 to index
        %get3A_1084 = arith.constant 112 : index
        %get3A_1085 = tpu.vector_load %arg11[%get3A_1083, %get3A_1084] {strides = array<i32>} : memref<256x128xf32, #tpu.memory_space<vmem>>, vector<1x16xf32>,
        %get3A_1086 = vector.shape_cast %get3A_1085 : vector<1x16xf32> to vector<16xf32>
        %add3A_1087 = arith.addf %scan3A_1042, %get3A_1086 : vector<16xf32>
        %mul3A_1088 = arith.constant 4 : i32
        %mul3A_1089 = arith.muli %scan3A_1034, %mul3A_1088 : i32
        %add3A_1090 = arith.constant 160 : i32
        %add3A_1091 = arith.addi %add3A_1090, %mul3A_1089 : i32
        %add3A_1092 = arith.constant 1 : i32
        %add3A_1093 = arith.addi %add3A_1091, %add3A_1092 : i32
        %get3A_1094 = arith.index_cast %add3A_1093 : i32 to index
        %get3A_1095 = arith.constant 0 : index
        %get3A_1096 = tpu.vector_load %arg11[%get3A_1094, %get3A_1095] {strides = array<i32>} : memref<256x128xf32, #tpu.memory_space<vmem>>, vector<1x16xf32>,
        %get3A_1097 = vector.shape_cast %get3A_1096 : vector<1x16xf32> to vector<16xf32>
        %add3A_1098 = arith.addf %add3A_1052, %get3A_1097 : vector<16xf32>
        %get3A_1099 = arith.index_cast %add3A_1093 : i32 to index
        %get3A_1100 = arith.constant 16 : index
        %get3A_1101 = tpu.vector_load %arg11[%get3A_1099, %get3A_1100] {strides = array<i32>} : memref<256x128xf32, #tpu.memory_space<vmem>>, vector<1x16xf32>,
        %get3A_1102 = vector.shape_cast %get3A_1101 : vector<1x16xf32> to vector<16xf32>
        %add3A_1103 = arith.addf %add3A_1057, %get3A_1102 : vector<16xf32>
        %get3A_1104 = arith.index_cast %add3A_1093 : i32 to index
        %get3A_1105 = arith.constant 32 : index
        %get3A_1106 = tpu.vector_load %arg11[%get3A_1104, %get3A_1105] {strides = array<i32>} : memref<256x128xf32, #tpu.memory_space<vmem>>, vector<1x16xf32>,
        %get3A_1107 = vector.shape_cast %get3A_1106 : vector<1x16xf32> to vector<16xf32>
        %add3A_1108 = arith.addf %add3A_1062, %get3A_1107 : vector<16xf32>
        %get3A_1109 = arith.index_cast %add3A_1093 : i32 to index
        %get3A_1110 = arith.constant 48 : index
        %get3A_1111 = tpu.vector_load %arg11[%get3A_1109, %get3A_1110] {strides = array<i32>} : memref<256x128xf32, #tpu.memory_space<vmem>>, vector<1x16xf32>,
        %get3A_1112 = vector.shape_cast %get3A_1111 : vector<1x16xf32> to vector<16xf32>
        %add3A_1113 = arith.addf %add3A_1067, %get3A_1112 : vector<16xf32>
        %get3A_1114 = arith.index_cast %add3A_1093 : i32 to index
        %get3A_1115 = arith.constant 64 : index
        %get3A_1116 = tpu.vector_load %arg11[%get3A_1114, %get3A_1115] {strides = array<i32>} : memref<256x128xf32, #tpu.memory_space<vmem>>, vector<1x16xf32>,
        %get3A_1117 = vector.shape_cast %get3A_1116 : vector<1x16xf32> to vector<16xf32>
        %add3A_1118 = arith.addf %add3A_1072, %get3A_1117 : vector<16xf32>
        %get3A_1119 = arith.index_cast %add3A_1093 : i32 to index
        %get3A_1120 = arith.constant 80 : index
        %get3A_1121 = tpu.vector_load %arg11[%get3A_1119, %get3A_1120] {strides = array<i32>} : memref<256x128xf32, #tpu.memory_space<vmem>>, vector<1x16xf32>,
        %get3A_1122 = vector.shape_cast %get3A_1121 : vector<1x16xf32> to vector<16xf32>
        %add3A_1123 = arith.addf %add3A_1077, %get3A_1122 : vector<16xf32>
        %get3A_1124 = arith.index_cast %add3A_1093 : i32 to index
        %get3A_1125 = arith.constant 96 : index
        %get3A_1126 = tpu.vector_load %arg11[%get3A_1124, %get3A_1125] {strides = array<i32>} : memref<256x128xf32, #tpu.memory_space<vmem>>, vector<1x16xf32>,
        %get3A_1127 = vector.shape_cast %get3A_1126 : vector<1x16xf32> to vector<16xf32>
        %add3A_1128 = arith.addf %add3A_1082, %get3A_1127 : vector<16xf32>
        %get3A_1129 = arith.index_cast %add3A_1093 : i32 to index
        %get3A_1130 = arith.constant 112 : index
        %get3A_1131 = tpu.vector_load %arg11[%get3A_1129, %get3A_1130] {strides = array<i32>} : memref<256x128xf32, #tpu.memory_space<vmem>>, vector<1x16xf32>,
        %get3A_1132 = vector.shape_cast %get3A_1131 : vector<1x16xf32> to vector<16xf32>
        %add3A_1133 = arith.addf %add3A_1087, %get3A_1132 : vector<16xf32>
        %mul3A_1134 = arith.constant 4 : i32
        %mul3A_1135 = arith.muli %scan3A_1034, %mul3A_1134 : i32
        %add3A_1136 = arith.constant 160 : i32
        %add3A_1137 = arith.addi %add3A_1136, %mul3A_1135 : i32
        %add3A_1138 = arith.constant 2 : i32
        %add3A_1139 = arith.addi %add3A_1137, %add3A_1138 : i32
        %get3A_1140 = arith.index_cast %add3A_1139 : i32 to index
        %get3A_1141 = arith.constant 0 : index
        %get3A_1142 = tpu.vector_load %arg11[%get3A_1140, %get3A_1141] {strides = array<i32>} : memref<256x128xf32, #tpu.memory_space<vmem>>, vector<1x16xf32>,
        %get3A_1143 = vector.shape_cast %get3A_1142 : vector<1x16xf32> to vector<16xf32>
        %add3A_1144 = arith.addf %add3A_1098, %get3A_1143 : vector<16xf32>
        %get3A_1145 = arith.index_cast %add3A_1139 : i32 to index
        %get3A_1146 = arith.constant 16 : index
        %get3A_1147 = tpu.vector_load %arg11[%get3A_1145, %get3A_1146] {strides = array<i32>} : memref<256x128xf32, #tpu.memory_space<vmem>>, vector<1x16xf32>,
        %get3A_1148 = vector.shape_cast %get3A_1147 : vector<1x16xf32> to vector<16xf32>
        %add3A_1149 = arith.addf %add3A_1103, %get3A_1148 : vector<16xf32>
        %get3A_1150 = arith.index_cast %add3A_1139 : i32 to index
        %get3A_1151 = arith.constant 32 : index
        %get3A_1152 = tpu.vector_load %arg11[%get3A_1150, %get3A_1151] {strides = array<i32>} : memref<256x128xf32, #tpu.memory_space<vmem>>, vector<1x16xf32>,
        %get3A_1153 = vector.shape_cast %get3A_1152 : vector<1x16xf32> to vector<16xf32>
        %add3A_1154 = arith.addf %add3A_1108, %get3A_1153 : vector<16xf32>
        %get3A_1155 = arith.index_cast %add3A_1139 : i32 to index
        %get3A_1156 = arith.constant 48 : index
        %get3A_1157 = tpu.vector_load %arg11[%get3A_1155, %get3A_1156] {strides = array<i32>} : memref<256x128xf32, #tpu.memory_space<vmem>>, vector<1x16xf32>,
        %get3A_1158 = vector.shape_cast %get3A_1157 : vector<1x16xf32> to vector<16xf32>
        %add3A_1159 = arith.addf %add3A_1113, %get3A_1158 : vector<16xf32>
        %get3A_1160 = arith.index_cast %add3A_1139 : i32 to index
        %get3A_1161 = arith.constant 64 : index
        %get3A_1162 = tpu.vector_load %arg11[%get3A_1160, %get3A_1161] {strides = array<i32>} : memref<256x128xf32, #tpu.memory_space<vmem>>, vector<1x16xf32>,
        %get3A_1163 = vector.shape_cast %get3A_1162 : vector<1x16xf32> to vector<16xf32>
        %add3A_1164 = arith.addf %add3A_1118, %get3A_1163 : vector<16xf32>
        %get3A_1165 = arith.index_cast %add3A_1139 : i32 to index
        %get3A_1166 = arith.constant 80 : index
        %get3A_1167 = tpu.vector_load %arg11[%get3A_1165, %get3A_1166] {strides = array<i32>} : memref<256x128xf32, #tpu.memory_space<vmem>>, vector<1x16xf32>,
        %get3A_1168 = vector.shape_cast %get3A_1167 : vector<1x16xf32> to vector<16xf32>
        %add3A_1169 = arith.addf %add3A_1123, %get3A_1168 : vector<16xf32>
        %get3A_1170 = arith.index_cast %add3A_1139 : i32 to index
        %get3A_1171 = arith.constant 96 : index
        %get3A_1172 = tpu.vector_load %arg11[%get3A_1170, %get3A_1171] {strides = array<i32>} : memref<256x128xf32, #tpu.memory_space<vmem>>, vector<1x16xf32>,
        %get3A_1173 = vector.shape_cast %get3A_1172 : vector<1x16xf32> to vector<16xf32>
        %add3A_1174 = arith.addf %add3A_1128, %get3A_1173 : vector<16xf32>
        %get3A_1175 = arith.index_cast %add3A_1139 : i32 to index
        %get3A_1176 = arith.constant 112 : index
        %get3A_1177 = tpu.vector_load %arg11[%get3A_1175, %get3A_1176] {strides = array<i32>} : memref<256x128xf32, #tpu.memory_space<vmem>>, vector<1x16xf32>,
        %get3A_1178 = vector.shape_cast %get3A_1177 : vector<1x16xf32> to vector<16xf32>
        %add3A_1179 = arith.addf %add3A_1133, %get3A_1178 : vector<16xf32>
        %mul3A_1180 = arith.constant 4 : i32
        %mul3A_1181 = arith.muli %scan3A_1034, %mul3A_1180 : i32
        %add3A_1182 = arith.constant 160 : i32
        %add3A_1183 = arith.addi %add3A_1182, %mul3A_1181 : i32
        %add3A_1184 = arith.constant 3 : i32
        %add3A_1185 = arith.addi %add3A_1183, %add3A_1184 : i32
        %get3A_1186 = arith.index_cast %add3A_1185 : i32 to index
        %get3A_1187 = arith.constant 0 : index
        %get3A_1188 = tpu.vector_load %arg11[%get3A_1186, %get3A_1187] {strides = array<i32>} : memref<256x128xf32, #tpu.memory_space<vmem>>, vector<1x16xf32>,
        %get3A_1189 = vector.shape_cast %get3A_1188 : vector<1x16xf32> to vector<16xf32>
        %add3A_1190 = arith.addf %add3A_1144, %get3A_1189 : vector<16xf32>
        %get3A_1191 = arith.index_cast %add3A_1185 : i32 to index
        %get3A_1192 = arith.constant 16 : index
        %get3A_1193 = tpu.vector_load %arg11[%get3A_1191, %get3A_1192] {strides = array<i32>} : memref<256x128xf32, #tpu.memory_space<vmem>>, vector<1x16xf32>,
        %get3A_1194 = vector.shape_cast %get3A_1193 : vector<1x16xf32> to vector<16xf32>
        %add3A_1195 = arith.addf %add3A_1149, %get3A_1194 : vector<16xf32>
        %get3A_1196 = arith.index_cast %add3A_1185 : i32 to index
        %get3A_1197 = arith.constant 32 : index
        %get3A_1198 = tpu.vector_load %arg11[%get3A_1196, %get3A_1197] {strides = array<i32>} : memref<256x128xf32, #tpu.memory_space<vmem>>, vector<1x16xf32>,
        %get3A_1199 = vector.shape_cast %get3A_1198 : vector<1x16xf32> to vector<16xf32>
        %add3A_1200 = arith.addf %add3A_1154, %get3A_1199 : vector<16xf32>
        %get3A_1201 = arith.index_cast %add3A_1185 : i32 to index
        %get3A_1202 = arith.constant 48 : index
        %get3A_1203 = tpu.vector_load %arg11[%get3A_1201, %get3A_1202] {strides = array<i32>} : memref<256x128xf32, #tpu.memory_space<vmem>>, vector<1x16xf32>,
        %get3A_1204 = vector.shape_cast %get3A_1203 : vector<1x16xf32> to vector<16xf32>
        %add3A_1205 = arith.addf %add3A_1159, %get3A_1204 : vector<16xf32>
        %get3A_1206 = arith.index_cast %add3A_1185 : i32 to index
        %get3A_1207 = arith.constant 64 : index
        %get3A_1208 = tpu.vector_load %arg11[%get3A_1206, %get3A_1207] {strides = array<i32>} : memref<256x128xf32, #tpu.memory_space<vmem>>, vector<1x16xf32>,
        %get3A_1209 = vector.shape_cast %get3A_1208 : vector<1x16xf32> to vector<16xf32>
        %add3A_1210 = arith.addf %add3A_1164, %get3A_1209 : vector<16xf32>
        %get3A_1211 = arith.index_cast %add3A_1185 : i32 to index
        %get3A_1212 = arith.constant 80 : index
        %get3A_1213 = tpu.vector_load %arg11[%get3A_1211, %get3A_1212] {strides = array<i32>} : memref<256x128xf32, #tpu.memory_space<vmem>>, vector<1x16xf32>,
        %get3A_1214 = vector.shape_cast %get3A_1213 : vector<1x16xf32> to vector<16xf32>
        %add3A_1215 = arith.addf %add3A_1169, %get3A_1214 : vector<16xf32>
        %get3A_1216 = arith.index_cast %add3A_1185 : i32 to index
        %get3A_1217 = arith.constant 96 : index
        %get3A_1218 = tpu.vector_load %arg11[%get3A_1216, %get3A_1217] {strides = array<i32>} : memref<256x128xf32, #tpu.memory_space<vmem>>, vector<1x16xf32>,
        %get3A_1219 = vector.shape_cast %get3A_1218 : vector<1x16xf32> to vector<16xf32>
        %add3A_1220 = arith.addf %add3A_1174, %get3A_1219 : vector<16xf32>
        %get3A_1221 = arith.index_cast %add3A_1185 : i32 to index
        %get3A_1222 = arith.constant 112 : index
        %get3A_1223 = tpu.vector_load %arg11[%get3A_1221, %get3A_1222] {strides = array<i32>} : memref<256x128xf32, #tpu.memory_space<vmem>>, vector<1x16xf32>,
        %get3A_1224 = vector.shape_cast %get3A_1223 : vector<1x16xf32> to vector<16xf32>
        %add3A_1225 = arith.addf %add3A_1179, %get3A_1224 : vector<16xf32>
        scf.yield %add3A_1190, %add3A_1195, %add3A_1200, %add3A_1205, %add3A_1210, %add3A_1215, %add3A_1220, %add3A_1225 : vector<16xf32>, vector<16xf32>, vector<16xf32>, vector<16xf32>, vector<16xf32>, vector<16xf32>, vector<16xf32>, vector<16xf32>
      }
      %scan3A_849 = arith.constant 8 : i32
      %swap3A_850 = arith.constant 5 : i32
      %swap3A_851 = arith.index_cast %swap3A_850 : i32 to index
      %swap3A_852 = arith.constant 0 : index
      %swap3A_853 = tpu.vector_load %arg13[%swap3A_851, %swap3A_852] {strides = array<i32>} : memref<8x128xf32, #tpu.memory_space<vmem>>, vector<1x16xf32>,
      %swap3A_854 = vector.shape_cast %swap3A_853 : vector<1x16xf32> to vector<16xf32>
      %swap3A_855 = vector.shape_cast %scan3A_848#0 : vector<16xf32> to vector<1x16xf32>
      tpu.vector_store %arg13[%swap3A_851, %swap3A_852], %swap3A_855 {strides = array<i32>} : memref<8x128xf32, #tpu.memory_space<vmem>>, vector<1x16xf32>,
      %swap3A_856 = arith.constant 5 : i32
      %swap3A_857 = arith.index_cast %swap3A_856 : i32 to index
      %swap3A_858 = arith.constant 16 : index
      %swap3A_859 = tpu.vector_load %arg13[%swap3A_857, %swap3A_858] {strides = array<i32>} : memref<8x128xf32, #tpu.memory_space<vmem>>, vector<1x16xf32>,
      %swap3A_860 = vector.shape_cast %swap3A_859 : vector<1x16xf32> to vector<16xf32>
      %swap3A_861 = vector.shape_cast %scan3A_848#1 : vector<16xf32> to vector<1x16xf32>
      tpu.vector_store %arg13[%swap3A_857, %swap3A_858], %swap3A_861 {strides = array<i32>} : memref<8x128xf32, #tpu.memory_space<vmem>>, vector<1x16xf32>,
      %swap3A_862 = arith.constant 5 : i32
      %swap3A_863 = arith.index_cast %swap3A_862 : i32 to index
      %swap3A_864 = arith.constant 32 : index
      %swap3A_865 = tpu.vector_load %arg13[%swap3A_863, %swap3A_864] {strides = array<i32>} : memref<8x128xf32, #tpu.memory_space<vmem>>, vector<1x16xf32>,
      %swap3A_866 = vector.shape_cast %swap3A_865 : vector<1x16xf32> to vector<16xf32>
      %swap3A_867 = vector.shape_cast %scan3A_848#2 : vector<16xf32> to vector<1x16xf32>
      tpu.vector_store %arg13[%swap3A_863, %swap3A_864], %swap3A_867 {strides = array<i32>} : memref<8x128xf32, #tpu.memory_space<vmem>>, vector<1x16xf32>,
      %swap3A_868 = arith.constant 5 : i32
      %swap3A_869 = arith.index_cast %swap3A_868 : i32 to index
      %swap3A_870 = arith.constant 48 : index
      %swap3A_871 = tpu.vector_load %arg13[%swap3A_869, %swap3A_870] {strides = array<i32>} : memref<8x128xf32, #tpu.memory_space<vmem>>, vector<1x16xf32>,
      %swap3A_872 = vector.shape_cast %swap3A_871 : vector<1x16xf32> to vector<16xf32>
      %swap3A_873 = vector.shape_cast %scan3A_848#3 : vector<16xf32> to vector<1x16xf32>
      tpu.vector_store %arg13[%swap3A_869, %swap3A_870], %swap3A_873 {strides = array<i32>} : memref<8x128xf32, #tpu.memory_space<vmem>>, vector<1x16xf32>,
      %swap3A_874 = arith.constant 5 : i32
      %swap3A_875 = arith.index_cast %swap3A_874 : i32 to index
      %swap3A_876 = arith.constant 64 : index
      %swap3A_877 = tpu.vector_load %arg13[%swap3A_875, %swap3A_876] {strides = array<i32>} : memref<8x128xf32, #tpu.memory_space<vmem>>, vector<1x16xf32>,
      %swap3A_878 = vector.shape_cast %swap3A_877 : vector<1x16xf32> to vector<16xf32>
      %swap3A_879 = vector.shape_cast %scan3A_848#4 : vector<16xf32> to vector<1x16xf32>
      tpu.vector_store %arg13[%swap3A_875, %swap3A_876], %swap3A_879 {strides = array<i32>} : memref<8x128xf32, #tpu.memory_space<vmem>>, vector<1x16xf32>,
      %swap3A_880 = arith.constant 5 : i32
      %swap3A_881 = arith.index_cast %swap3A_880 : i32 to index
      %swap3A_882 = arith.constant 80 : index
      %swap3A_883 = tpu.vector_load %arg13[%swap3A_881, %swap3A_882] {strides = array<i32>} : memref<8x128xf32, #tpu.memory_space<vmem>>, vector<1x16xf32>,
      %swap3A_884 = vector.shape_cast %swap3A_883 : vector<1x16xf32> to vector<16xf32>
      %swap3A_885 = vector.shape_cast %scan3A_848#5 : vector<16xf32> to vector<1x16xf32>
      tpu.vector_store %arg13[%swap3A_881, %swap3A_882], %swap3A_885 {strides = array<i32>} : memref<8x128xf32, #tpu.memory_space<vmem>>, vector<1x16xf32>,
      %swap3A_886 = arith.constant 5 : i32
      %swap3A_887 = arith.index_cast %swap3A_886 : i32 to index
      %swap3A_888 = arith.constant 96 : index
      %swap3A_889 = tpu.vector_load %arg13[%swap3A_887, %swap3A_888] {strides = array<i32>} : memref<8x128xf32, #tpu.memory_space<vmem>>, vector<1x16xf32>,
      %swap3A_890 = vector.shape_cast %swap3A_889 : vector<1x16xf32> to vector<16xf32>
      %swap3A_891 = vector.shape_cast %scan3A_848#6 : vector<16xf32> to vector<1x16xf32>
      tpu.vector_store %arg13[%swap3A_887, %swap3A_888], %swap3A_891 {strides = array<i32>} : memref<8x128xf32, #tpu.memory_space<vmem>>, vector<1x16xf32>,
      %swap3A_892 = arith.constant 5 : i32
      %swap3A_893 = arith.index_cast %swap3A_892 : i32 to index
      %swap3A_894 = arith.constant 112 : index
      %swap3A_895 = tpu.vector_load %arg13[%swap3A_893, %swap3A_894] {strides = array<i32>} : memref<8x128xf32, #tpu.memory_space<vmem>>, vector<1x16xf32>,
      %swap3A_896 = vector.shape_cast %swap3A_895 : vector<1x16xf32> to vector<16xf32>
      %swap3A_897 = vector.shape_cast %scan3A_848#7 : vector<16xf32> to vector<1x16xf32>
      tpu.vector_store %arg13[%swap3A_893, %swap3A_894], %swap3A_897 {strides = array<i32>} : memref<8x128xf32, #tpu.memory_space<vmem>>, vector<1x16xf32>,
      %broadcast_in_dim3A_898 = arith.constant 0.000000e+00 : f32
      %broadcast_in_dim3A_899 = vector.broadcast %broadcast_in_dim3A_898 : f32 to vector<16xf32>
      %scan3A_900 = arith.constant 0 : i32
      %scan3A_901 = arith.constant 8 : i32
      %scan3A_902 = arith.addi %scan3A_900, %scan3A_901 : i32
      %scan3A_903 = arith.constant 1 : i32
      %scan3A_904:8 = scf.for %scan3A_1034 = %scan3A_900 to %scan3A_902 step %scan3A_903 iter_args(%scan3A_1035 = %broadcast_in_dim3A_899, %scan3A_1036 = %broadcast_in_dim3A_899, %scan3A_1037 = %broadcast_in_dim3A_899, %scan3A_1038 = %broadcast_in_dim3A_899, %scan3A_1039 = %broadcast_in_dim3A_899, %scan3A_1040 = %broadcast_in_dim3A_899, %scan3A_1041 = %broadcast_in_dim3A_899, %scan3A_1042 = %broadcast_in_dim3A_899) -> (vector<16xf32>, vector<16xf32>, vector<16xf32>, vector<16xf32>, vector<16xf32>, vector<16xf32>, vector<16xf32>, vector<16xf32>)  : i32 {
        %mul3A_1043 = arith.constant 4 : i32
        %mul3A_1044 = arith.muli %scan3A_1034, %mul3A_1043 : i32
        %add3A_1045 = arith.constant 192 : i32
        %add3A_1046 = arith.addi %add3A_1045, %mul3A_1044 : i32
        %add3A_1047 = arith.constant 0 : i32
        %add3A_1048 = arith.addi %add3A_1046, %add3A_1047 : i32
        %get3A = arith.index_cast %add3A_1048 : i32 to index
        %get3A_1049 = arith.constant 0 : index
        %get3A_1050 = tpu.vector_load %arg11[%get3A, %get3A_1049] {strides = array<i32>} : memref<256x128xf32, #tpu.memory_space<vmem>>, vector<1x16xf32>,
        %get3A_1051 = vector.shape_cast %get3A_1050 : vector<1x16xf32> to vector<16xf32>
        %add3A_1052 = arith.addf %scan3A_1035, %get3A_1051 : vector<16xf32>
        %get3A_1053 = arith.index_cast %add3A_1048 : i32 to index
        %get3A_1054 = arith.constant 16 : index
        %get3A_1055 = tpu.vector_load %arg11[%get3A_1053, %get3A_1054] {strides = array<i32>} : memref<256x128xf32, #tpu.memory_space<vmem>>, vector<1x16xf32>,
        %get3A_1056 = vector.shape_cast %get3A_1055 : vector<1x16xf32> to vector<16xf32>
        %add3A_1057 = arith.addf %scan3A_1036, %get3A_1056 : vector<16xf32>
        %get3A_1058 = arith.index_cast %add3A_1048 : i32 to index
        %get3A_1059 = arith.constant 32 : index
        %get3A_1060 = tpu.vector_load %arg11[%get3A_1058, %get3A_1059] {strides = array<i32>} : memref<256x128xf32, #tpu.memory_space<vmem>>, vector<1x16xf32>,
        %get3A_1061 = vector.shape_cast %get3A_1060 : vector<1x16xf32> to vector<16xf32>
        %add3A_1062 = arith.addf %scan3A_1037, %get3A_1061 : vector<16xf32>
        %get3A_1063 = arith.index_cast %add3A_1048 : i32 to index
        %get3A_1064 = arith.constant 48 : index
        %get3A_1065 = tpu.vector_load %arg11[%get3A_1063, %get3A_1064] {strides = array<i32>} : memref<256x128xf32, #tpu.memory_space<vmem>>, vector<1x16xf32>,
        %get3A_1066 = vector.shape_cast %get3A_1065 : vector<1x16xf32> to vector<16xf32>
        %add3A_1067 = arith.addf %scan3A_1038, %get3A_1066 : vector<16xf32>
        %get3A_1068 = arith.index_cast %add3A_1048 : i32 to index
        %get3A_1069 = arith.constant 64 : index
        %get3A_1070 = tpu.vector_load %arg11[%get3A_1068, %get3A_1069] {strides = array<i32>} : memref<256x128xf32, #tpu.memory_space<vmem>>, vector<1x16xf32>,
        %get3A_1071 = vector.shape_cast %get3A_1070 : vector<1x16xf32> to vector<16xf32>
        %add3A_1072 = arith.addf %scan3A_1039, %get3A_1071 : vector<16xf32>
        %get3A_1073 = arith.index_cast %add3A_1048 : i32 to index
        %get3A_1074 = arith.constant 80 : index
        %get3A_1075 = tpu.vector_load %arg11[%get3A_1073, %get3A_1074] {strides = array<i32>} : memref<256x128xf32, #tpu.memory_space<vmem>>, vector<1x16xf32>,
        %get3A_1076 = vector.shape_cast %get3A_1075 : vector<1x16xf32> to vector<16xf32>
        %add3A_1077 = arith.addf %scan3A_1040, %get3A_1076 : vector<16xf32>
        %get3A_1078 = arith.index_cast %add3A_1048 : i32 to index
        %get3A_1079 = arith.constant 96 : index
        %get3A_1080 = tpu.vector_load %arg11[%get3A_1078, %get3A_1079] {strides = array<i32>} : memref<256x128xf32, #tpu.memory_space<vmem>>, vector<1x16xf32>,
        %get3A_1081 = vector.shape_cast %get3A_1080 : vector<1x16xf32> to vector<16xf32>
        %add3A_1082 = arith.addf %scan3A_1041, %get3A_1081 : vector<16xf32>
        %get3A_1083 = arith.index_cast %add3A_1048 : i32 to index
        %get3A_1084 = arith.constant 112 : index
        %get3A_1085 = tpu.vector_load %arg11[%get3A_1083, %get3A_1084] {strides = array<i32>} : memref<256x128xf32, #tpu.memory_space<vmem>>, vector<1x16xf32>,
        %get3A_1086 = vector.shape_cast %get3A_1085 : vector<1x16xf32> to vector<16xf32>
        %add3A_1087 = arith.addf %scan3A_1042, %get3A_1086 : vector<16xf32>
        %mul3A_1088 = arith.constant 4 : i32
        %mul3A_1089 = arith.muli %scan3A_1034, %mul3A_1088 : i32
        %add3A_1090 = arith.constant 192 : i32
        %add3A_1091 = arith.addi %add3A_1090, %mul3A_1089 : i32
        %add3A_1092 = arith.constant 1 : i32
        %add3A_1093 = arith.addi %add3A_1091, %add3A_1092 : i32
        %get3A_1094 = arith.index_cast %add3A_1093 : i32 to index
        %get3A_1095 = arith.constant 0 : index
        %get3A_1096 = tpu.vector_load %arg11[%get3A_1094, %get3A_1095] {strides = array<i32>} : memref<256x128xf32, #tpu.memory_space<vmem>>, vector<1x16xf32>,
        %get3A_1097 = vector.shape_cast %get3A_1096 : vector<1x16xf32> to vector<16xf32>
        %add3A_1098 = arith.addf %add3A_1052, %get3A_1097 : vector<16xf32>
        %get3A_1099 = arith.index_cast %add3A_1093 : i32 to index
        %get3A_1100 = arith.constant 16 : index
        %get3A_1101 = tpu.vector_load %arg11[%get3A_1099, %get3A_1100] {strides = array<i32>} : memref<256x128xf32, #tpu.memory_space<vmem>>, vector<1x16xf32>,
        %get3A_1102 = vector.shape_cast %get3A_1101 : vector<1x16xf32> to vector<16xf32>
        %add3A_1103 = arith.addf %add3A_1057, %get3A_1102 : vector<16xf32>
        %get3A_1104 = arith.index_cast %add3A_1093 : i32 to index
        %get3A_1105 = arith.constant 32 : index
        %get3A_1106 = tpu.vector_load %arg11[%get3A_1104, %get3A_1105] {strides = array<i32>} : memref<256x128xf32, #tpu.memory_space<vmem>>, vector<1x16xf32>,
        %get3A_1107 = vector.shape_cast %get3A_1106 : vector<1x16xf32> to vector<16xf32>
        %add3A_1108 = arith.addf %add3A_1062, %get3A_1107 : vector<16xf32>
        %get3A_1109 = arith.index_cast %add3A_1093 : i32 to index
        %get3A_1110 = arith.constant 48 : index
        %get3A_1111 = tpu.vector_load %arg11[%get3A_1109, %get3A_1110] {strides = array<i32>} : memref<256x128xf32, #tpu.memory_space<vmem>>, vector<1x16xf32>,
        %get3A_1112 = vector.shape_cast %get3A_1111 : vector<1x16xf32> to vector<16xf32>
        %add3A_1113 = arith.addf %add3A_1067, %get3A_1112 : vector<16xf32>
        %get3A_1114 = arith.index_cast %add3A_1093 : i32 to index
        %get3A_1115 = arith.constant 64 : index
        %get3A_1116 = tpu.vector_load %arg11[%get3A_1114, %get3A_1115] {strides = array<i32>} : memref<256x128xf32, #tpu.memory_space<vmem>>, vector<1x16xf32>,
        %get3A_1117 = vector.shape_cast %get3A_1116 : vector<1x16xf32> to vector<16xf32>
        %add3A_1118 = arith.addf %add3A_1072, %get3A_1117 : vector<16xf32>
        %get3A_1119 = arith.index_cast %add3A_1093 : i32 to index
        %get3A_1120 = arith.constant 80 : index
        %get3A_1121 = tpu.vector_load %arg11[%get3A_1119, %get3A_1120] {strides = array<i32>} : memref<256x128xf32, #tpu.memory_space<vmem>>, vector<1x16xf32>,
        %get3A_1122 = vector.shape_cast %get3A_1121 : vector<1x16xf32> to vector<16xf32>
        %add3A_1123 = arith.addf %add3A_1077, %get3A_1122 : vector<16xf32>
        %get3A_1124 = arith.index_cast %add3A_1093 : i32 to index
        %get3A_1125 = arith.constant 96 : index
        %get3A_1126 = tpu.vector_load %arg11[%get3A_1124, %get3A_1125] {strides = array<i32>} : memref<256x128xf32, #tpu.memory_space<vmem>>, vector<1x16xf32>,
        %get3A_1127 = vector.shape_cast %get3A_1126 : vector<1x16xf32> to vector<16xf32>
        %add3A_1128 = arith.addf %add3A_1082, %get3A_1127 : vector<16xf32>
        %get3A_1129 = arith.index_cast %add3A_1093 : i32 to index
        %get3A_1130 = arith.constant 112 : index
        %get3A_1131 = tpu.vector_load %arg11[%get3A_1129, %get3A_1130] {strides = array<i32>} : memref<256x128xf32, #tpu.memory_space<vmem>>, vector<1x16xf32>,
        %get3A_1132 = vector.shape_cast %get3A_1131 : vector<1x16xf32> to vector<16xf32>
        %add3A_1133 = arith.addf %add3A_1087, %get3A_1132 : vector<16xf32>
        %mul3A_1134 = arith.constant 4 : i32
        %mul3A_1135 = arith.muli %scan3A_1034, %mul3A_1134 : i32
        %add3A_1136 = arith.constant 192 : i32
        %add3A_1137 = arith.addi %add3A_1136, %mul3A_1135 : i32
        %add3A_1138 = arith.constant 2 : i32
        %add3A_1139 = arith.addi %add3A_1137, %add3A_1138 : i32
        %get3A_1140 = arith.index_cast %add3A_1139 : i32 to index
        %get3A_1141 = arith.constant 0 : index
        %get3A_1142 = tpu.vector_load %arg11[%get3A_1140, %get3A_1141] {strides = array<i32>} : memref<256x128xf32, #tpu.memory_space<vmem>>, vector<1x16xf32>,
        %get3A_1143 = vector.shape_cast %get3A_1142 : vector<1x16xf32> to vector<16xf32>
        %add3A_1144 = arith.addf %add3A_1098, %get3A_1143 : vector<16xf32>
        %get3A_1145 = arith.index_cast %add3A_1139 : i32 to index
        %get3A_1146 = arith.constant 16 : index
        %get3A_1147 = tpu.vector_load %arg11[%get3A_1145, %get3A_1146] {strides = array<i32>} : memref<256x128xf32, #tpu.memory_space<vmem>>, vector<1x16xf32>,
        %get3A_1148 = vector.shape_cast %get3A_1147 : vector<1x16xf32> to vector<16xf32>
        %add3A_1149 = arith.addf %add3A_1103, %get3A_1148 : vector<16xf32>
        %get3A_1150 = arith.index_cast %add3A_1139 : i32 to index
        %get3A_1151 = arith.constant 32 : index
        %get3A_1152 = tpu.vector_load %arg11[%get3A_1150, %get3A_1151] {strides = array<i32>} : memref<256x128xf32, #tpu.memory_space<vmem>>, vector<1x16xf32>,
        %get3A_1153 = vector.shape_cast %get3A_1152 : vector<1x16xf32> to vector<16xf32>
        %add3A_1154 = arith.addf %add3A_1108, %get3A_1153 : vector<16xf32>
        %get3A_1155 = arith.index_cast %add3A_1139 : i32 to index
        %get3A_1156 = arith.constant 48 : index
        %get3A_1157 = tpu.vector_load %arg11[%get3A_1155, %get3A_1156] {strides = array<i32>} : memref<256x128xf32, #tpu.memory_space<vmem>>, vector<1x16xf32>,
        %get3A_1158 = vector.shape_cast %get3A_1157 : vector<1x16xf32> to vector<16xf32>
        %add3A_1159 = arith.addf %add3A_1113, %get3A_1158 : vector<16xf32>
        %get3A_1160 = arith.index_cast %add3A_1139 : i32 to index
        %get3A_1161 = arith.constant 64 : index
        %get3A_1162 = tpu.vector_load %arg11[%get3A_1160, %get3A_1161] {strides = array<i32>} : memref<256x128xf32, #tpu.memory_space<vmem>>, vector<1x16xf32>,
        %get3A_1163 = vector.shape_cast %get3A_1162 : vector<1x16xf32> to vector<16xf32>
        %add3A_1164 = arith.addf %add3A_1118, %get3A_1163 : vector<16xf32>
        %get3A_1165 = arith.index_cast %add3A_1139 : i32 to index
        %get3A_1166 = arith.constant 80 : index
        %get3A_1167 = tpu.vector_load %arg11[%get3A_1165, %get3A_1166] {strides = array<i32>} : memref<256x128xf32, #tpu.memory_space<vmem>>, vector<1x16xf32>,
        %get3A_1168 = vector.shape_cast %get3A_1167 : vector<1x16xf32> to vector<16xf32>
        %add3A_1169 = arith.addf %add3A_1123, %get3A_1168 : vector<16xf32>
        %get3A_1170 = arith.index_cast %add3A_1139 : i32 to index
        %get3A_1171 = arith.constant 96 : index
        %get3A_1172 = tpu.vector_load %arg11[%get3A_1170, %get3A_1171] {strides = array<i32>} : memref<256x128xf32, #tpu.memory_space<vmem>>, vector<1x16xf32>,
        %get3A_1173 = vector.shape_cast %get3A_1172 : vector<1x16xf32> to vector<16xf32>
        %add3A_1174 = arith.addf %add3A_1128, %get3A_1173 : vector<16xf32>
        %get3A_1175 = arith.index_cast %add3A_1139 : i32 to index
        %get3A_1176 = arith.constant 112 : index
        %get3A_1177 = tpu.vector_load %arg11[%get3A_1175, %get3A_1176] {strides = array<i32>} : memref<256x128xf32, #tpu.memory_space<vmem>>, vector<1x16xf32>,
        %get3A_1178 = vector.shape_cast %get3A_1177 : vector<1x16xf32> to vector<16xf32>
        %add3A_1179 = arith.addf %add3A_1133, %get3A_1178 : vector<16xf32>
        %mul3A_1180 = arith.constant 4 : i32
        %mul3A_1181 = arith.muli %scan3A_1034, %mul3A_1180 : i32
        %add3A_1182 = arith.constant 192 : i32
        %add3A_1183 = arith.addi %add3A_1182, %mul3A_1181 : i32
        %add3A_1184 = arith.constant 3 : i32
        %add3A_1185 = arith.addi %add3A_1183, %add3A_1184 : i32
        %get3A_1186 = arith.index_cast %add3A_1185 : i32 to index
        %get3A_1187 = arith.constant 0 : index
        %get3A_1188 = tpu.vector_load %arg11[%get3A_1186, %get3A_1187] {strides = array<i32>} : memref<256x128xf32, #tpu.memory_space<vmem>>, vector<1x16xf32>,
        %get3A_1189 = vector.shape_cast %get3A_1188 : vector<1x16xf32> to vector<16xf32>
        %add3A_1190 = arith.addf %add3A_1144, %get3A_1189 : vector<16xf32>
        %get3A_1191 = arith.index_cast %add3A_1185 : i32 to index
        %get3A_1192 = arith.constant 16 : index
        %get3A_1193 = tpu.vector_load %arg11[%get3A_1191, %get3A_1192] {strides = array<i32>} : memref<256x128xf32, #tpu.memory_space<vmem>>, vector<1x16xf32>,
        %get3A_1194 = vector.shape_cast %get3A_1193 : vector<1x16xf32> to vector<16xf32>
        %add3A_1195 = arith.addf %add3A_1149, %get3A_1194 : vector<16xf32>
        %get3A_1196 = arith.index_cast %add3A_1185 : i32 to index
        %get3A_1197 = arith.constant 32 : index
        %get3A_1198 = tpu.vector_load %arg11[%get3A_1196, %get3A_1197] {strides = array<i32>} : memref<256x128xf32, #tpu.memory_space<vmem>>, vector<1x16xf32>,
        %get3A_1199 = vector.shape_cast %get3A_1198 : vector<1x16xf32> to vector<16xf32>
        %add3A_1200 = arith.addf %add3A_1154, %get3A_1199 : vector<16xf32>
        %get3A_1201 = arith.index_cast %add3A_1185 : i32 to index
        %get3A_1202 = arith.constant 48 : index
        %get3A_1203 = tpu.vector_load %arg11[%get3A_1201, %get3A_1202] {strides = array<i32>} : memref<256x128xf32, #tpu.memory_space<vmem>>, vector<1x16xf32>,
        %get3A_1204 = vector.shape_cast %get3A_1203 : vector<1x16xf32> to vector<16xf32>
        %add3A_1205 = arith.addf %add3A_1159, %get3A_1204 : vector<16xf32>
        %get3A_1206 = arith.index_cast %add3A_1185 : i32 to index
        %get3A_1207 = arith.constant 64 : index
        %get3A_1208 = tpu.vector_load %arg11[%get3A_1206, %get3A_1207] {strides = array<i32>} : memref<256x128xf32, #tpu.memory_space<vmem>>, vector<1x16xf32>,
        %get3A_1209 = vector.shape_cast %get3A_1208 : vector<1x16xf32> to vector<16xf32>
        %add3A_1210 = arith.addf %add3A_1164, %get3A_1209 : vector<16xf32>
        %get3A_1211 = arith.index_cast %add3A_1185 : i32 to index
        %get3A_1212 = arith.constant 80 : index
        %get3A_1213 = tpu.vector_load %arg11[%get3A_1211, %get3A_1212] {strides = array<i32>} : memref<256x128xf32, #tpu.memory_space<vmem>>, vector<1x16xf32>,
        %get3A_1214 = vector.shape_cast %get3A_1213 : vector<1x16xf32> to vector<16xf32>
        %add3A_1215 = arith.addf %add3A_1169, %get3A_1214 : vector<16xf32>
        %get3A_1216 = arith.index_cast %add3A_1185 : i32 to index
        %get3A_1217 = arith.constant 96 : index
        %get3A_1218 = tpu.vector_load %arg11[%get3A_1216, %get3A_1217] {strides = array<i32>} : memref<256x128xf32, #tpu.memory_space<vmem>>, vector<1x16xf32>,
        %get3A_1219 = vector.shape_cast %get3A_1218 : vector<1x16xf32> to vector<16xf32>
        %add3A_1220 = arith.addf %add3A_1174, %get3A_1219 : vector<16xf32>
        %get3A_1221 = arith.index_cast %add3A_1185 : i32 to index
        %get3A_1222 = arith.constant 112 : index
        %get3A_1223 = tpu.vector_load %arg11[%get3A_1221, %get3A_1222] {strides = array<i32>} : memref<256x128xf32, #tpu.memory_space<vmem>>, vector<1x16xf32>,
        %get3A_1224 = vector.shape_cast %get3A_1223 : vector<1x16xf32> to vector<16xf32>
        %add3A_1225 = arith.addf %add3A_1179, %get3A_1224 : vector<16xf32>
        scf.yield %add3A_1190, %add3A_1195, %add3A_1200, %add3A_1205, %add3A_1210, %add3A_1215, %add3A_1220, %add3A_1225 : vector<16xf32>, vector<16xf32>, vector<16xf32>, vector<16xf32>, vector<16xf32>, vector<16xf32>, vector<16xf32>, vector<16xf32>
      }
      %scan3A_905 = arith.constant 8 : i32
      %swap3A_906 = arith.constant 6 : i32
      %swap3A_907 = arith.index_cast %swap3A_906 : i32 to index
      %swap3A_908 = arith.constant 0 : index
      %swap3A_909 = tpu.vector_load %arg13[%swap3A_907, %swap3A_908] {strides = array<i32>} : memref<8x128xf32, #tpu.memory_space<vmem>>, vector<1x16xf32>,
      %swap3A_910 = vector.shape_cast %swap3A_909 : vector<1x16xf32> to vector<16xf32>
      %swap3A_911 = vector.shape_cast %scan3A_904#0 : vector<16xf32> to vector<1x16xf32>
      tpu.vector_store %arg13[%swap3A_907, %swap3A_908], %swap3A_911 {strides = array<i32>} : memref<8x128xf32, #tpu.memory_space<vmem>>, vector<1x16xf32>,
      %swap3A_912 = arith.constant 6 : i32
      %swap3A_913 = arith.index_cast %swap3A_912 : i32 to index
      %swap3A_914 = arith.constant 16 : index
      %swap3A_915 = tpu.vector_load %arg13[%swap3A_913, %swap3A_914] {strides = array<i32>} : memref<8x128xf32, #tpu.memory_space<vmem>>, vector<1x16xf32>,
      %swap3A_916 = vector.shape_cast %swap3A_915 : vector<1x16xf32> to vector<16xf32>
      %swap3A_917 = vector.shape_cast %scan3A_904#1 : vector<16xf32> to vector<1x16xf32>
      tpu.vector_store %arg13[%swap3A_913, %swap3A_914], %swap3A_917 {strides = array<i32>} : memref<8x128xf32, #tpu.memory_space<vmem>>, vector<1x16xf32>,
      %swap3A_918 = arith.constant 6 : i32
      %swap3A_919 = arith.index_cast %swap3A_918 : i32 to index
      %swap3A_920 = arith.constant 32 : index
      %swap3A_921 = tpu.vector_load %arg13[%swap3A_919, %swap3A_920] {strides = array<i32>} : memref<8x128xf32, #tpu.memory_space<vmem>>, vector<1x16xf32>,
      %swap3A_922 = vector.shape_cast %swap3A_921 : vector<1x16xf32> to vector<16xf32>
      %swap3A_923 = vector.shape_cast %scan3A_904#2 : vector<16xf32> to vector<1x16xf32>
      tpu.vector_store %arg13[%swap3A_919, %swap3A_920], %swap3A_923 {strides = array<i32>} : memref<8x128xf32, #tpu.memory_space<vmem>>, vector<1x16xf32>,
      %swap3A_924 = arith.constant 6 : i32
      %swap3A_925 = arith.index_cast %swap3A_924 : i32 to index
      %swap3A_926 = arith.constant 48 : index
      %swap3A_927 = tpu.vector_load %arg13[%swap3A_925, %swap3A_926] {strides = array<i32>} : memref<8x128xf32, #tpu.memory_space<vmem>>, vector<1x16xf32>,
      %swap3A_928 = vector.shape_cast %swap3A_927 : vector<1x16xf32> to vector<16xf32>
      %swap3A_929 = vector.shape_cast %scan3A_904#3 : vector<16xf32> to vector<1x16xf32>
      tpu.vector_store %arg13[%swap3A_925, %swap3A_926], %swap3A_929 {strides = array<i32>} : memref<8x128xf32, #tpu.memory_space<vmem>>, vector<1x16xf32>,
      %swap3A_930 = arith.constant 6 : i32
      %swap3A_931 = arith.index_cast %swap3A_930 : i32 to index
      %swap3A_932 = arith.constant 64 : index
      %swap3A_933 = tpu.vector_load %arg13[%swap3A_931, %swap3A_932] {strides = array<i32>} : memref<8x128xf32, #tpu.memory_space<vmem>>, vector<1x16xf32>,
      %swap3A_934 = vector.shape_cast %swap3A_933 : vector<1x16xf32> to vector<16xf32>
      %swap3A_935 = vector.shape_cast %scan3A_904#4 : vector<16xf32> to vector<1x16xf32>
      tpu.vector_store %arg13[%swap3A_931, %swap3A_932], %swap3A_935 {strides = array<i32>} : memref<8x128xf32, #tpu.memory_space<vmem>>, vector<1x16xf32>,
      %swap3A_936 = arith.constant 6 : i32
      %swap3A_937 = arith.index_cast %swap3A_936 : i32 to index
      %swap3A_938 = arith.constant 80 : index
      %swap3A_939 = tpu.vector_load %arg13[%swap3A_937, %swap3A_938] {strides = array<i32>} : memref<8x128xf32, #tpu.memory_space<vmem>>, vector<1x16xf32>,
      %swap3A_940 = vector.shape_cast %swap3A_939 : vector<1x16xf32> to vector<16xf32>
      %swap3A_941 = vector.shape_cast %scan3A_904#5 : vector<16xf32> to vector<1x16xf32>
      tpu.vector_store %arg13[%swap3A_937, %swap3A_938], %swap3A_941 {strides = array<i32>} : memref<8x128xf32, #tpu.memory_space<vmem>>, vector<1x16xf32>,
      %swap3A_942 = arith.constant 6 : i32
      %swap3A_943 = arith.index_cast %swap3A_942 : i32 to index
      %swap3A_944 = arith.constant 96 : index
      %swap3A_945 = tpu.vector_load %arg13[%swap3A_943, %swap3A_944] {strides = array<i32>} : memref<8x128xf32, #tpu.memory_space<vmem>>, vector<1x16xf32>,
      %swap3A_946 = vector.shape_cast %swap3A_945 : vector<1x16xf32> to vector<16xf32>
      %swap3A_947 = vector.shape_cast %scan3A_904#6 : vector<16xf32> to vector<1x16xf32>
      tpu.vector_store %arg13[%swap3A_943, %swap3A_944], %swap3A_947 {strides = array<i32>} : memref<8x128xf32, #tpu.memory_space<vmem>>, vector<1x16xf32>,
      %swap3A_948 = arith.constant 6 : i32
      %swap3A_949 = arith.index_cast %swap3A_948 : i32 to index
      %swap3A_950 = arith.constant 112 : index
      %swap3A_951 = tpu.vector_load %arg13[%swap3A_949, %swap3A_950] {strides = array<i32>} : memref<8x128xf32, #tpu.memory_space<vmem>>, vector<1x16xf32>,
      %swap3A_952 = vector.shape_cast %swap3A_951 : vector<1x16xf32> to vector<16xf32>
      %swap3A_953 = vector.shape_cast %scan3A_904#7 : vector<16xf32> to vector<1x16xf32>
      tpu.vector_store %arg13[%swap3A_949, %swap3A_950], %swap3A_953 {strides = array<i32>} : memref<8x128xf32, #tpu.memory_space<vmem>>, vector<1x16xf32>,
      %broadcast_in_dim3A_954 = arith.constant 0.000000e+00 : f32
      %broadcast_in_dim3A_955 = vector.broadcast %broadcast_in_dim3A_954 : f32 to vector<16xf32>
      %scan3A_956 = arith.constant 0 : i32
      %scan3A_957 = arith.constant 8 : i32
      %scan3A_958 = arith.addi %scan3A_956, %scan3A_957 : i32
      %scan3A_959 = arith.constant 1 : i32
      %scan3A_960:8 = scf.for %scan3A_1034 = %scan3A_956 to %scan3A_958 step %scan3A_959 iter_args(%scan3A_1035 = %broadcast_in_dim3A_955, %scan3A_1036 = %broadcast_in_dim3A_955, %scan3A_1037 = %broadcast_in_dim3A_955, %scan3A_1038 = %broadcast_in_dim3A_955, %scan3A_1039 = %broadcast_in_dim3A_955, %scan3A_1040 = %broadcast_in_dim3A_955, %scan3A_1041 = %broadcast_in_dim3A_955, %scan3A_1042 = %broadcast_in_dim3A_955) -> (vector<16xf32>, vector<16xf32>, vector<16xf32>, vector<16xf32>, vector<16xf32>, vector<16xf32>, vector<16xf32>, vector<16xf32>)  : i32 {
        %mul3A_1043 = arith.constant 4 : i32
        %mul3A_1044 = arith.muli %scan3A_1034, %mul3A_1043 : i32
        %add3A_1045 = arith.constant 224 : i32
        %add3A_1046 = arith.addi %add3A_1045, %mul3A_1044 : i32
        %add3A_1047 = arith.constant 0 : i32
        %add3A_1048 = arith.addi %add3A_1046, %add3A_1047 : i32
        %get3A = arith.index_cast %add3A_1048 : i32 to index
        %get3A_1049 = arith.constant 0 : index
        %get3A_1050 = tpu.vector_load %arg11[%get3A, %get3A_1049] {strides = array<i32>} : memref<256x128xf32, #tpu.memory_space<vmem>>, vector<1x16xf32>,
        %get3A_1051 = vector.shape_cast %get3A_1050 : vector<1x16xf32> to vector<16xf32>
        %add3A_1052 = arith.addf %scan3A_1035, %get3A_1051 : vector<16xf32>
        %get3A_1053 = arith.index_cast %add3A_1048 : i32 to index
        %get3A_1054 = arith.constant 16 : index
        %get3A_1055 = tpu.vector_load %arg11[%get3A_1053, %get3A_1054] {strides = array<i32>} : memref<256x128xf32, #tpu.memory_space<vmem>>, vector<1x16xf32>,
        %get3A_1056 = vector.shape_cast %get3A_1055 : vector<1x16xf32> to vector<16xf32>
        %add3A_1057 = arith.addf %scan3A_1036, %get3A_1056 : vector<16xf32>
        %get3A_1058 = arith.index_cast %add3A_1048 : i32 to index
        %get3A_1059 = arith.constant 32 : index
        %get3A_1060 = tpu.vector_load %arg11[%get3A_1058, %get3A_1059] {strides = array<i32>} : memref<256x128xf32, #tpu.memory_space<vmem>>, vector<1x16xf32>,
        %get3A_1061 = vector.shape_cast %get3A_1060 : vector<1x16xf32> to vector<16xf32>
        %add3A_1062 = arith.addf %scan3A_1037, %get3A_1061 : vector<16xf32>
        %get3A_1063 = arith.index_cast %add3A_1048 : i32 to index
        %get3A_1064 = arith.constant 48 : index
        %get3A_1065 = tpu.vector_load %arg11[%get3A_1063, %get3A_1064] {strides = array<i32>} : memref<256x128xf32, #tpu.memory_space<vmem>>, vector<1x16xf32>,
        %get3A_1066 = vector.shape_cast %get3A_1065 : vector<1x16xf32> to vector<16xf32>
        %add3A_1067 = arith.addf %scan3A_1038, %get3A_1066 : vector<16xf32>
        %get3A_1068 = arith.index_cast %add3A_1048 : i32 to index
        %get3A_1069 = arith.constant 64 : index
        %get3A_1070 = tpu.vector_load %arg11[%get3A_1068, %get3A_1069] {strides = array<i32>} : memref<256x128xf32, #tpu.memory_space<vmem>>, vector<1x16xf32>,
        %get3A_1071 = vector.shape_cast %get3A_1070 : vector<1x16xf32> to vector<16xf32>
        %add3A_1072 = arith.addf %scan3A_1039, %get3A_1071 : vector<16xf32>
        %get3A_1073 = arith.index_cast %add3A_1048 : i32 to index
        %get3A_1074 = arith.constant 80 : index
        %get3A_1075 = tpu.vector_load %arg11[%get3A_1073, %get3A_1074] {strides = array<i32>} : memref<256x128xf32, #tpu.memory_space<vmem>>, vector<1x16xf32>,
        %get3A_1076 = vector.shape_cast %get3A_1075 : vector<1x16xf32> to vector<16xf32>
        %add3A_1077 = arith.addf %scan3A_1040, %get3A_1076 : vector<16xf32>
        %get3A_1078 = arith.index_cast %add3A_1048 : i32 to index
        %get3A_1079 = arith.constant 96 : index
        %get3A_1080 = tpu.vector_load %arg11[%get3A_1078, %get3A_1079] {strides = array<i32>} : memref<256x128xf32, #tpu.memory_space<vmem>>, vector<1x16xf32>,
        %get3A_1081 = vector.shape_cast %get3A_1080 : vector<1x16xf32> to vector<16xf32>
        %add3A_1082 = arith.addf %scan3A_1041, %get3A_1081 : vector<16xf32>
        %get3A_1083 = arith.index_cast %add3A_1048 : i32 to index
        %get3A_1084 = arith.constant 112 : index
        %get3A_1085 = tpu.vector_load %arg11[%get3A_1083, %get3A_1084] {strides = array<i32>} : memref<256x128xf32, #tpu.memory_space<vmem>>, vector<1x16xf32>,
        %get3A_1086 = vector.shape_cast %get3A_1085 : vector<1x16xf32> to vector<16xf32>
        %add3A_1087 = arith.addf %scan3A_1042, %get3A_1086 : vector<16xf32>
        %mul3A_1088 = arith.constant 4 : i32
        %mul3A_1089 = arith.muli %scan3A_1034, %mul3A_1088 : i32
        %add3A_1090 = arith.constant 224 : i32
        %add3A_1091 = arith.addi %add3A_1090, %mul3A_1089 : i32
        %add3A_1092 = arith.constant 1 : i32
        %add3A_1093 = arith.addi %add3A_1091, %add3A_1092 : i32
        %get3A_1094 = arith.index_cast %add3A_1093 : i32 to index
        %get3A_1095 = arith.constant 0 : index
        %get3A_1096 = tpu.vector_load %arg11[%get3A_1094, %get3A_1095] {strides = array<i32>} : memref<256x128xf32, #tpu.memory_space<vmem>>, vector<1x16xf32>,
        %get3A_1097 = vector.shape_cast %get3A_1096 : vector<1x16xf32> to vector<16xf32>
        %add3A_1098 = arith.addf %add3A_1052, %get3A_1097 : vector<16xf32>
        %get3A_1099 = arith.index_cast %add3A_1093 : i32 to index
        %get3A_1100 = arith.constant 16 : index
        %get3A_1101 = tpu.vector_load %arg11[%get3A_1099, %get3A_1100] {strides = array<i32>} : memref<256x128xf32, #tpu.memory_space<vmem>>, vector<1x16xf32>,
        %get3A_1102 = vector.shape_cast %get3A_1101 : vector<1x16xf32> to vector<16xf32>
        %add3A_1103 = arith.addf %add3A_1057, %get3A_1102 : vector<16xf32>
        %get3A_1104 = arith.index_cast %add3A_1093 : i32 to index
        %get3A_1105 = arith.constant 32 : index
        %get3A_1106 = tpu.vector_load %arg11[%get3A_1104, %get3A_1105] {strides = array<i32>} : memref<256x128xf32, #tpu.memory_space<vmem>>, vector<1x16xf32>,
        %get3A_1107 = vector.shape_cast %get3A_1106 : vector<1x16xf32> to vector<16xf32>
        %add3A_1108 = arith.addf %add3A_1062, %get3A_1107 : vector<16xf32>
        %get3A_1109 = arith.index_cast %add3A_1093 : i32 to index
        %get3A_1110 = arith.constant 48 : index
        %get3A_1111 = tpu.vector_load %arg11[%get3A_1109, %get3A_1110] {strides = array<i32>} : memref<256x128xf32, #tpu.memory_space<vmem>>, vector<1x16xf32>,
        %get3A_1112 = vector.shape_cast %get3A_1111 : vector<1x16xf32> to vector<16xf32>
        %add3A_1113 = arith.addf %add3A_1067, %get3A_1112 : vector<16xf32>
        %get3A_1114 = arith.index_cast %add3A_1093 : i32 to index
        %get3A_1115 = arith.constant 64 : index
        %get3A_1116 = tpu.vector_load %arg11[%get3A_1114, %get3A_1115] {strides = array<i32>} : memref<256x128xf32, #tpu.memory_space<vmem>>, vector<1x16xf32>,
        %get3A_1117 = vector.shape_cast %get3A_1116 : vector<1x16xf32> to vector<16xf32>
        %add3A_1118 = arith.addf %add3A_1072, %get3A_1117 : vector<16xf32>
        %get3A_1119 = arith.index_cast %add3A_1093 : i32 to index
        %get3A_1120 = arith.constant 80 : index
        %get3A_1121 = tpu.vector_load %arg11[%get3A_1119, %get3A_1120] {strides = array<i32>} : memref<256x128xf32, #tpu.memory_space<vmem>>, vector<1x16xf32>,
        %get3A_1122 = vector.shape_cast %get3A_1121 : vector<1x16xf32> to vector<16xf32>
        %add3A_1123 = arith.addf %add3A_1077, %get3A_1122 : vector<16xf32>
        %get3A_1124 = arith.index_cast %add3A_1093 : i32 to index
        %get3A_1125 = arith.constant 96 : index
        %get3A_1126 = tpu.vector_load %arg11[%get3A_1124, %get3A_1125] {strides = array<i32>} : memref<256x128xf32, #tpu.memory_space<vmem>>, vector<1x16xf32>,
        %get3A_1127 = vector.shape_cast %get3A_1126 : vector<1x16xf32> to vector<16xf32>
        %add3A_1128 = arith.addf %add3A_1082, %get3A_1127 : vector<16xf32>
        %get3A_1129 = arith.index_cast %add3A_1093 : i32 to index
        %get3A_1130 = arith.constant 112 : index
        %get3A_1131 = tpu.vector_load %arg11[%get3A_1129, %get3A_1130] {strides = array<i32>} : memref<256x128xf32, #tpu.memory_space<vmem>>, vector<1x16xf32>,
        %get3A_1132 = vector.shape_cast %get3A_1131 : vector<1x16xf32> to vector<16xf32>
        %add3A_1133 = arith.addf %add3A_1087, %get3A_1132 : vector<16xf32>
        %mul3A_1134 = arith.constant 4 : i32
        %mul3A_1135 = arith.muli %scan3A_1034, %mul3A_1134 : i32
        %add3A_1136 = arith.constant 224 : i32
        %add3A_1137 = arith.addi %add3A_1136, %mul3A_1135 : i32
        %add3A_1138 = arith.constant 2 : i32
        %add3A_1139 = arith.addi %add3A_1137, %add3A_1138 : i32
        %get3A_1140 = arith.index_cast %add3A_1139 : i32 to index
        %get3A_1141 = arith.constant 0 : index
        %get3A_1142 = tpu.vector_load %arg11[%get3A_1140, %get3A_1141] {strides = array<i32>} : memref<256x128xf32, #tpu.memory_space<vmem>>, vector<1x16xf32>,
        %get3A_1143 = vector.shape_cast %get3A_1142 : vector<1x16xf32> to vector<16xf32>
        %add3A_1144 = arith.addf %add3A_1098, %get3A_1143 : vector<16xf32>
        %get3A_1145 = arith.index_cast %add3A_1139 : i32 to index
        %get3A_1146 = arith.constant 16 : index
        %get3A_1147 = tpu.vector_load %arg11[%get3A_1145, %get3A_1146] {strides = array<i32>} : memref<256x128xf32, #tpu.memory_space<vmem>>, vector<1x16xf32>,
        %get3A_1148 = vector.shape_cast %get3A_1147 : vector<1x16xf32> to vector<16xf32>
        %add3A_1149 = arith.addf %add3A_1103, %get3A_1148 : vector<16xf32>
        %get3A_1150 = arith.index_cast %add3A_1139 : i32 to index
        %get3A_1151 = arith.constant 32 : index
        %get3A_1152 = tpu.vector_load %arg11[%get3A_1150, %get3A_1151] {strides = array<i32>} : memref<256x128xf32, #tpu.memory_space<vmem>>, vector<1x16xf32>,
        %get3A_1153 = vector.shape_cast %get3A_1152 : vector<1x16xf32> to vector<16xf32>
        %add3A_1154 = arith.addf %add3A_1108, %get3A_1153 : vector<16xf32>
        %get3A_1155 = arith.index_cast %add3A_1139 : i32 to index
        %get3A_1156 = arith.constant 48 : index
        %get3A_1157 = tpu.vector_load %arg11[%get3A_1155, %get3A_1156] {strides = array<i32>} : memref<256x128xf32, #tpu.memory_space<vmem>>, vector<1x16xf32>,
        %get3A_1158 = vector.shape_cast %get3A_1157 : vector<1x16xf32> to vector<16xf32>
        %add3A_1159 = arith.addf %add3A_1113, %get3A_1158 : vector<16xf32>
        %get3A_1160 = arith.index_cast %add3A_1139 : i32 to index
        %get3A_1161 = arith.constant 64 : index
        %get3A_1162 = tpu.vector_load %arg11[%get3A_1160, %get3A_1161] {strides = array<i32>} : memref<256x128xf32, #tpu.memory_space<vmem>>, vector<1x16xf32>,
        %get3A_1163 = vector.shape_cast %get3A_1162 : vector<1x16xf32> to vector<16xf32>
        %add3A_1164 = arith.addf %add3A_1118, %get3A_1163 : vector<16xf32>
        %get3A_1165 = arith.index_cast %add3A_1139 : i32 to index
        %get3A_1166 = arith.constant 80 : index
        %get3A_1167 = tpu.vector_load %arg11[%get3A_1165, %get3A_1166] {strides = array<i32>} : memref<256x128xf32, #tpu.memory_space<vmem>>, vector<1x16xf32>,
        %get3A_1168 = vector.shape_cast %get3A_1167 : vector<1x16xf32> to vector<16xf32>
        %add3A_1169 = arith.addf %add3A_1123, %get3A_1168 : vector<16xf32>
        %get3A_1170 = arith.index_cast %add3A_1139 : i32 to index
        %get3A_1171 = arith.constant 96 : index
        %get3A_1172 = tpu.vector_load %arg11[%get3A_1170, %get3A_1171] {strides = array<i32>} : memref<256x128xf32, #tpu.memory_space<vmem>>, vector<1x16xf32>,
        %get3A_1173 = vector.shape_cast %get3A_1172 : vector<1x16xf32> to vector<16xf32>
        %add3A_1174 = arith.addf %add3A_1128, %get3A_1173 : vector<16xf32>
        %get3A_1175 = arith.index_cast %add3A_1139 : i32 to index
        %get3A_1176 = arith.constant 112 : index
        %get3A_1177 = tpu.vector_load %arg11[%get3A_1175, %get3A_1176] {strides = array<i32>} : memref<256x128xf32, #tpu.memory_space<vmem>>, vector<1x16xf32>,
        %get3A_1178 = vector.shape_cast %get3A_1177 : vector<1x16xf32> to vector<16xf32>
        %add3A_1179 = arith.addf %add3A_1133, %get3A_1178 : vector<16xf32>
        %mul3A_1180 = arith.constant 4 : i32
        %mul3A_1181 = arith.muli %scan3A_1034, %mul3A_1180 : i32
        %add3A_1182 = arith.constant 224 : i32
        %add3A_1183 = arith.addi %add3A_1182, %mul3A_1181 : i32
        %add3A_1184 = arith.constant 3 : i32
        %add3A_1185 = arith.addi %add3A_1183, %add3A_1184 : i32
        %get3A_1186 = arith.index_cast %add3A_1185 : i32 to index
        %get3A_1187 = arith.constant 0 : index
        %get3A_1188 = tpu.vector_load %arg11[%get3A_1186, %get3A_1187] {strides = array<i32>} : memref<256x128xf32, #tpu.memory_space<vmem>>, vector<1x16xf32>,
        %get3A_1189 = vector.shape_cast %get3A_1188 : vector<1x16xf32> to vector<16xf32>
        %add3A_1190 = arith.addf %add3A_1144, %get3A_1189 : vector<16xf32>
        %get3A_1191 = arith.index_cast %add3A_1185 : i32 to index
        %get3A_1192 = arith.constant 16 : index
        %get3A_1193 = tpu.vector_load %arg11[%get3A_1191, %get3A_1192] {strides = array<i32>} : memref<256x128xf32, #tpu.memory_space<vmem>>, vector<1x16xf32>,
        %get3A_1194 = vector.shape_cast %get3A_1193 : vector<1x16xf32> to vector<16xf32>
        %add3A_1195 = arith.addf %add3A_1149, %get3A_1194 : vector<16xf32>
        %get3A_1196 = arith.index_cast %add3A_1185 : i32 to index
        %get3A_1197 = arith.constant 32 : index
        %get3A_1198 = tpu.vector_load %arg11[%get3A_1196, %get3A_1197] {strides = array<i32>} : memref<256x128xf32, #tpu.memory_space<vmem>>, vector<1x16xf32>,
        %get3A_1199 = vector.shape_cast %get3A_1198 : vector<1x16xf32> to vector<16xf32>
        %add3A_1200 = arith.addf %add3A_1154, %get3A_1199 : vector<16xf32>
        %get3A_1201 = arith.index_cast %add3A_1185 : i32 to index
        %get3A_1202 = arith.constant 48 : index
        %get3A_1203 = tpu.vector_load %arg11[%get3A_1201, %get3A_1202] {strides = array<i32>} : memref<256x128xf32, #tpu.memory_space<vmem>>, vector<1x16xf32>,
        %get3A_1204 = vector.shape_cast %get3A_1203 : vector<1x16xf32> to vector<16xf32>
        %add3A_1205 = arith.addf %add3A_1159, %get3A_1204 : vector<16xf32>
        %get3A_1206 = arith.index_cast %add3A_1185 : i32 to index
        %get3A_1207 = arith.constant 64 : index
        %get3A_1208 = tpu.vector_load %arg11[%get3A_1206, %get3A_1207] {strides = array<i32>} : memref<256x128xf32, #tpu.memory_space<vmem>>, vector<1x16xf32>,
        %get3A_1209 = vector.shape_cast %get3A_1208 : vector<1x16xf32> to vector<16xf32>
        %add3A_1210 = arith.addf %add3A_1164, %get3A_1209 : vector<16xf32>
        %get3A_1211 = arith.index_cast %add3A_1185 : i32 to index
        %get3A_1212 = arith.constant 80 : index
        %get3A_1213 = tpu.vector_load %arg11[%get3A_1211, %get3A_1212] {strides = array<i32>} : memref<256x128xf32, #tpu.memory_space<vmem>>, vector<1x16xf32>,
        %get3A_1214 = vector.shape_cast %get3A_1213 : vector<1x16xf32> to vector<16xf32>
        %add3A_1215 = arith.addf %add3A_1169, %get3A_1214 : vector<16xf32>
        %get3A_1216 = arith.index_cast %add3A_1185 : i32 to index
        %get3A_1217 = arith.constant 96 : index
        %get3A_1218 = tpu.vector_load %arg11[%get3A_1216, %get3A_1217] {strides = array<i32>} : memref<256x128xf32, #tpu.memory_space<vmem>>, vector<1x16xf32>,
        %get3A_1219 = vector.shape_cast %get3A_1218 : vector<1x16xf32> to vector<16xf32>
        %add3A_1220 = arith.addf %add3A_1174, %get3A_1219 : vector<16xf32>
        %get3A_1221 = arith.index_cast %add3A_1185 : i32 to index
        %get3A_1222 = arith.constant 112 : index
        %get3A_1223 = tpu.vector_load %arg11[%get3A_1221, %get3A_1222] {strides = array<i32>} : memref<256x128xf32, #tpu.memory_space<vmem>>, vector<1x16xf32>,
        %get3A_1224 = vector.shape_cast %get3A_1223 : vector<1x16xf32> to vector<16xf32>
        %add3A_1225 = arith.addf %add3A_1179, %get3A_1224 : vector<16xf32>
        scf.yield %add3A_1190, %add3A_1195, %add3A_1200, %add3A_1205, %add3A_1210, %add3A_1215, %add3A_1220, %add3A_1225 : vector<16xf32>, vector<16xf32>, vector<16xf32>, vector<16xf32>, vector<16xf32>, vector<16xf32>, vector<16xf32>, vector<16xf32>
      }
      %scan3A_961 = arith.constant 8 : i32
      %swap3A_962 = arith.constant 7 : i32
      %swap3A_963 = arith.index_cast %swap3A_962 : i32 to index
      %swap3A_964 = arith.constant 0 : index
      %swap3A_965 = tpu.vector_load %arg13[%swap3A_963, %swap3A_964] {strides = array<i32>} : memref<8x128xf32, #tpu.memory_space<vmem>>, vector<1x16xf32>,
      %swap3A_966 = vector.shape_cast %swap3A_965 : vector<1x16xf32> to vector<16xf32>
      %swap3A_967 = vector.shape_cast %scan3A_960#0 : vector<16xf32> to vector<1x16xf32>
      tpu.vector_store %arg13[%swap3A_963, %swap3A_964], %swap3A_967 {strides = array<i32>} : memref<8x128xf32, #tpu.memory_space<vmem>>, vector<1x16xf32>,
      %swap3A_968 = arith.constant 7 : i32
      %swap3A_969 = arith.index_cast %swap3A_968 : i32 to index
      %swap3A_970 = arith.constant 16 : index
      %swap3A_971 = tpu.vector_load %arg13[%swap3A_969, %swap3A_970] {strides = array<i32>} : memref<8x128xf32, #tpu.memory_space<vmem>>, vector<1x16xf32>,
      %swap3A_972 = vector.shape_cast %swap3A_971 : vector<1x16xf32> to vector<16xf32>
      %swap3A_973 = vector.shape_cast %scan3A_960#1 : vector<16xf32> to vector<1x16xf32>
      tpu.vector_store %arg13[%swap3A_969, %swap3A_970], %swap3A_973 {strides = array<i32>} : memref<8x128xf32, #tpu.memory_space<vmem>>, vector<1x16xf32>,
      %swap3A_974 = arith.constant 7 : i32
      %swap3A_975 = arith.index_cast %swap3A_974 : i32 to index
      %swap3A_976 = arith.constant 32 : index
      %swap3A_977 = tpu.vector_load %arg13[%swap3A_975, %swap3A_976] {strides = array<i32>} : memref<8x128xf32, #tpu.memory_space<vmem>>, vector<1x16xf32>,
      %swap3A_978 = vector.shape_cast %swap3A_977 : vector<1x16xf32> to vector<16xf32>
      %swap3A_979 = vector.shape_cast %scan3A_960#2 : vector<16xf32> to vector<1x16xf32>
      tpu.vector_store %arg13[%swap3A_975, %swap3A_976], %swap3A_979 {strides = array<i32>} : memref<8x128xf32, #tpu.memory_space<vmem>>, vector<1x16xf32>,
      %swap3A_980 = arith.constant 7 : i32
      %swap3A_981 = arith.index_cast %swap3A_980 : i32 to index
      %swap3A_982 = arith.constant 48 : index
      %swap3A_983 = tpu.vector_load %arg13[%swap3A_981, %swap3A_982] {strides = array<i32>} : memref<8x128xf32, #tpu.memory_space<vmem>>, vector<1x16xf32>,
      %swap3A_984 = vector.shape_cast %swap3A_983 : vector<1x16xf32> to vector<16xf32>
      %swap3A_985 = vector.shape_cast %scan3A_960#3 : vector<16xf32> to vector<1x16xf32>
      tpu.vector_store %arg13[%swap3A_981, %swap3A_982], %swap3A_985 {strides = array<i32>} : memref<8x128xf32, #tpu.memory_space<vmem>>, vector<1x16xf32>,
      %swap3A_986 = arith.constant 7 : i32
      %swap3A_987 = arith.index_cast %swap3A_986 : i32 to index
      %swap3A_988 = arith.constant 64 : index
      %swap3A_989 = tpu.vector_load %arg13[%swap3A_987, %swap3A_988] {strides = array<i32>} : memref<8x128xf32, #tpu.memory_space<vmem>>, vector<1x16xf32>,
      %swap3A_990 = vector.shape_cast %swap3A_989 : vector<1x16xf32> to vector<16xf32>
      %swap3A_991 = vector.shape_cast %scan3A_960#4 : vector<16xf32> to vector<1x16xf32>
      tpu.vector_store %arg13[%swap3A_987, %swap3A_988], %swap3A_991 {strides = array<i32>} : memref<8x128xf32, #tpu.memory_space<vmem>>, vector<1x16xf32>,
      %swap3A_992 = arith.constant 7 : i32
      %swap3A_993 = arith.index_cast %swap3A_992 : i32 to index
      %swap3A_994 = arith.constant 80 : index
      %swap3A_995 = tpu.vector_load %arg13[%swap3A_993, %swap3A_994] {strides = array<i32>} : memref<8x128xf32, #tpu.memory_space<vmem>>, vector<1x16xf32>,
      %swap3A_996 = vector.shape_cast %swap3A_995 : vector<1x16xf32> to vector<16xf32>
      %swap3A_997 = vector.shape_cast %scan3A_960#5 : vector<16xf32> to vector<1x16xf32>
      tpu.vector_store %arg13[%swap3A_993, %swap3A_994], %swap3A_997 {strides = array<i32>} : memref<8x128xf32, #tpu.memory_space<vmem>>, vector<1x16xf32>,
      %swap3A_998 = arith.constant 7 : i32
      %swap3A_999 = arith.index_cast %swap3A_998 : i32 to index
      %swap3A_1000 = arith.constant 96 : index
      %swap3A_1001 = tpu.vector_load %arg13[%swap3A_999, %swap3A_1000] {strides = array<i32>} : memref<8x128xf32, #tpu.memory_space<vmem>>, vector<1x16xf32>,
      %swap3A_1002 = vector.shape_cast %swap3A_1001 : vector<1x16xf32> to vector<16xf32>
      %swap3A_1003 = vector.shape_cast %scan3A_960#6 : vector<16xf32> to vector<1x16xf32>
      tpu.vector_store %arg13[%swap3A_999, %swap3A_1000], %swap3A_1003 {strides = array<i32>} : memref<8x128xf32, #tpu.memory_space<vmem>>, vector<1x16xf32>,
      %swap3A_1004 = arith.constant 7 : i32
      %swap3A_1005 = arith.index_cast %swap3A_1004 : i32 to index
      %swap3A_1006 = arith.constant 112 : index
      %swap3A_1007 = tpu.vector_load %arg13[%swap3A_1005, %swap3A_1006] {strides = array<i32>} : memref<8x128xf32, #tpu.memory_space<vmem>>, vector<1x16xf32>,
      %swap3A_1008 = vector.shape_cast %swap3A_1007 : vector<1x16xf32> to vector<16xf32>
      %swap3A_1009 = vector.shape_cast %scan3A_960#7 : vector<16xf32> to vector<1x16xf32>
      tpu.vector_store %arg13[%swap3A_1005, %swap3A_1006], %swap3A_1009 {strides = array<i32>} : memref<8x128xf32, #tpu.memory_space<vmem>>, vector<1x16xf32>,
      %mul3A_1010 = arith.constant 8 : i32
      %mul3A_1011 = arith.muli %add3A_549, %mul3A_1010 : i32
      %add3A_1012 = arith.addi %mul3A_2, %mul3A_1011 : i32
      %dma_start3A_1013 = arith.constant 0 : i32
      %dma_start3A_1014 = tpu.memref_slice %arg6[%add3A_1012, %dma_start3A_1013] : memref<10240x128xf32, #tpu.memory_space<hbm>> -> memref<8x128xf32, #tpu.memory_space<hbm>>
      %dma_start3A_1015 = arith.constant 0 : i32
      %dma_start3A_1016 = tpu.memref_slice %arg6[%add3A_1012, %dma_start3A_1015] : memref<10240x128xf32, #tpu.memory_space<hbm>> -> memref<8x128xf32, #tpu.memory_space<hbm>>
      tpu.enqueue_dma source(%arg13 : memref<8x128xf32, #tpu.memory_space<vmem>>) target(%dma_start3A_1016 : memref<8x128xf32, #tpu.memory_space<hbm>>) target_semaphore(%arg19 : memref<!tpu.dma_semaphore, #tpu.memory_space<semaphore_mem>>)
      %dma_wait3A_1017 = arith.constant 0 : i32
      %dma_wait3A_1018 = tpu.memref_slice %arg7[%dma_wait3A_1017] : memref<320xi32, #tpu.memory_space<vmem>> -> memref<8xi32, #tpu.memory_space<vmem>>
      %dma_wait3A_1019 = arith.constant 0 : i32
      %dma_wait3A_1020 = arith.constant 0 : i32
      %dma_wait3A_1021 = tpu.memref_slice %arg2[%dma_wait3A_1019, %dma_wait3A_1020] : memref<50000x128xf32, #tpu.memory_space<hbm>> -> memref<50000x128xf32, #tpu.memory_space<hbm>>
      tpu.wait_indirect_dma semaphore(%arg21 : memref<!tpu.dma_semaphore, #tpu.memory_space<semaphore_mem>>) src(%dma_wait3A_1021 : memref<50000x128xf32, #tpu.memory_space<hbm>>) dst(%arg15 : memref<8x128xf32, #tpu.memory_space<vmem>>)
      %not3A_1022 = arith.constant true
      %not3A_1023 = arith.xori %eq3A_551, %not3A_1022 : i1
      %convert_element_type3A_1024 = arith.extui %not3A_1023 : i1 to i32
      %cond3A_1025 = arith.constant 0 : i32
      %cond3A_1026 = arith.cmpi ne, %convert_element_type3A_1024, %cond3A_1025 : i32
      scf.if %cond3A_1026 {
        %dma_wait3A_1034 = arith.constant 0 : i32
        %dma_wait3A_1035 = tpu.memref_slice %arg5[%mul3A_2, %dma_wait3A_1034] : memref<10240x128xf32, #tpu.memory_space<hbm>> -> memref<8x128xf32, #tpu.memory_space<hbm>>
        %dma_wait3A_1036 = arith.constant 0 : i32
        %dma_wait3A_1037 = tpu.memref_slice %arg5[%mul3A_2, %dma_wait3A_1036] : memref<10240x128xf32, #tpu.memory_space<hbm>> -> memref<8x128xf32, #tpu.memory_space<hbm>>
        tpu.wait_dma2 semaphore(%arg23 : memref<!tpu.dma_semaphore, #tpu.memory_space<semaphore_mem>>) src(%arg15 : memref<8x128xf32, #tpu.memory_space<vmem>>) dst(%dma_wait3A_1037 : memref<8x128xf32, #tpu.memory_space<hbm>>)
      } else {
      }
      %mul3A_1027 = arith.constant 8 : i32
      %mul3A_1028 = arith.muli %add3A_549, %mul3A_1027 : i32
      %add3A_1029 = arith.addi %mul3A_2, %mul3A_1028 : i32
      %dma_start3A_1030 = arith.constant 0 : i32
      %dma_start3A_1031 = tpu.memref_slice %arg5[%add3A_1029, %dma_start3A_1030] : memref<10240x128xf32, #tpu.memory_space<hbm>> -> memref<8x128xf32, #tpu.memory_space<hbm>>
      %dma_start3A_1032 = arith.constant 0 : i32
      %dma_start3A_1033 = tpu.memref_slice %arg5[%add3A_1029, %dma_start3A_1032] : memref<10240x128xf32, #tpu.memory_space<hbm>> -> memref<8x128xf32, #tpu.memory_space<hbm>>
      tpu.enqueue_dma source(%arg15 : memref<8x128xf32, #tpu.memory_space<vmem>>) target(%dma_start3A_1033 : memref<8x128xf32, #tpu.memory_space<hbm>>) target_semaphore(%arg23 : memref<!tpu.dma_semaphore, #tpu.memory_space<semaphore_mem>>)
    }
    %scan3A_34 = arith.constant 20 : i32
    %dma_wait3A = arith.constant 0 : i32
    %dma_wait3A_35 = tpu.memref_slice %arg6[%mul3A_2, %dma_wait3A] : memref<10240x128xf32, #tpu.memory_space<hbm>> -> memref<8x128xf32, #tpu.memory_space<hbm>>
    %dma_wait3A_36 = arith.constant 0 : i32
    %dma_wait3A_37 = tpu.memref_slice %arg6[%mul3A_2, %dma_wait3A_36] : memref<10240x128xf32, #tpu.memory_space<hbm>> -> memref<8x128xf32, #tpu.memory_space<hbm>>
    tpu.wait_dma2 semaphore(%arg18 : memref<!tpu.dma_semaphore, #tpu.memory_space<semaphore_mem>>) src(%arg12 : memref<8x128xf32, #tpu.memory_space<vmem>>) dst(%dma_wait3A_37 : memref<8x128xf32, #tpu.memory_space<hbm>>)
    %dma_wait3A_38 = arith.constant 0 : i32
    %dma_wait3A_39 = tpu.memref_slice %arg5[%mul3A_2, %dma_wait3A_38] : memref<10240x128xf32, #tpu.memory_space<hbm>> -> memref<8x128xf32, #tpu.memory_space<hbm>>
    %dma_wait3A_40 = arith.constant 0 : i32
    %dma_wait3A_41 = tpu.memref_slice %arg5[%mul3A_2, %dma_wait3A_40] : memref<10240x128xf32, #tpu.memory_space<hbm>> -> memref<8x128xf32, #tpu.memory_space<hbm>>
    tpu.wait_dma2 semaphore(%arg22 : memref<!tpu.dma_semaphore, #tpu.memory_space<semaphore_mem>>) src(%arg14 : memref<8x128xf32, #tpu.memory_space<vmem>>) dst(%dma_wait3A_41 : memref<8x128xf32, #tpu.memory_space<hbm>>)
    %dma_wait3A_42 = arith.constant 0 : i32
    %dma_wait3A_43 = tpu.memref_slice %arg6[%mul3A_2, %dma_wait3A_42] : memref<10240x128xf32, #tpu.memory_space<hbm>> -> memref<8x128xf32, #tpu.memory_space<hbm>>
    %dma_wait3A_44 = arith.constant 0 : i32
    %dma_wait3A_45 = tpu.memref_slice %arg6[%mul3A_2, %dma_wait3A_44] : memref<10240x128xf32, #tpu.memory_space<hbm>> -> memref<8x128xf32, #tpu.memory_space<hbm>>
    tpu.wait_dma2 semaphore(%arg19 : memref<!tpu.dma_semaphore, #tpu.memory_space<semaphore_mem>>) src(%arg13 : memref<8x128xf32, #tpu.memory_space<vmem>>) dst(%dma_wait3A_45 : memref<8x128xf32, #tpu.memory_space<hbm>>)
    %dma_wait3A_46 = arith.constant 0 : i32
    %dma_wait3A_47 = tpu.memref_slice %arg5[%mul3A_2, %dma_wait3A_46] : memref<10240x128xf32, #tpu.memory_space<hbm>> -> memref<8x128xf32, #tpu.memory_space<hbm>>
    %dma_wait3A_48 = arith.constant 0 : i32
    %dma_wait3A_49 = tpu.memref_slice %arg5[%mul3A_2, %dma_wait3A_48] : memref<10240x128xf32, #tpu.memory_space<hbm>> -> memref<8x128xf32, #tpu.memory_space<hbm>>
    tpu.wait_dma2 semaphore(%arg23 : memref<!tpu.dma_semaphore, #tpu.memory_space<semaphore_mem>>) src(%arg15 : memref<8x128xf32, #tpu.memory_space<vmem>>) dst(%dma_wait3A_49 : memref<8x128xf32, #tpu.memory_space<hbm>>)
    return
  }
}

module attributes {stable_mosaic.version = 14 : i64} {
  func.func @_tc_combine_body(%arg0: i32, %arg1: memref<2000x128xf32, #tpu.memory_space<vmem>>, %arg2: memref<2000x128xf32, #tpu.memory_space<vmem>>, %arg3: memref<128x128xf32, #tpu.memory_space<vmem>>, %arg4: memref<128x128xf32, #tpu.memory_space<vmem>>, %arg5: memref<1x128xf32, #tpu.memory_space<vmem>>, %arg6: memref<2000x128xf32, #tpu.memory_space<vmem>>) attributes {dimension_semantics = [#tpu.dimension_semantics<arbitrary>], iteration_bounds = array<i64: 5>, scalar_prefetch = 0 : i64, scratch_operands = 0 : i64, tpu.core_type = #tpu.core_type<tc>, window_params = [{transform_indices = @transform_0, window_bounds = array<i64: 2000, 128>}, {transform_indices = @transform_1, window_bounds = array<i64: 2000, 128>}, {pipeline_mode = #tpu.pipeline_mode<synchronous>, transform_indices = @transform_2, window_bounds = array<i64: 128, 128>}, {pipeline_mode = #tpu.pipeline_mode<synchronous>, transform_indices = @transform_3, window_bounds = array<i64: 128, 128>}, {pipeline_mode = #tpu.pipeline_mode<synchronous>, transform_indices = @transform_4, window_bounds = array<i64: 1, 128>}, {transform_indices = @transform_5, window_bounds = array<i64: 2000, 128>}]} {
    %get3A = arith.constant 0 : index
    %get3A_0 = arith.constant 0 : index
    %get3A_1 = vector.load %arg1[%get3A, %get3A_0] : memref<2000x128xf32, #tpu.memory_space<vmem>>, vector<2000x128xf32>
    %get3A_2 = arith.constant 0 : index
    %get3A_3 = arith.constant 0 : index
    %get3A_4 = vector.load %arg3[%get3A_2, %get3A_3] : memref<128x128xf32, #tpu.memory_space<vmem>>, vector<128x128xf32>
    %dot_general3A = arith.constant dense<0.000000e+00> : vector<2000x128xf32>
    %dot_general3A_5 = tpu.matmul %get3A_1, %get3A_4, %dot_general3A {dimension_numbers = #tpu.dot_dimension_numbers<[1], [0], [0], [1], [0, 0, 1, 1], [], []>, transpose_lhs_hint = false} : vector<2000x128xf32>, vector<128x128xf32>, vector<2000x128xf32> -> vector<2000x128xf32>
    %get3A_6 = arith.constant 0 : index
    %get3A_7 = arith.constant 0 : index
    %get3A_8 = vector.load %arg2[%get3A_6, %get3A_7] : memref<2000x128xf32, #tpu.memory_space<vmem>>, vector<2000x128xf32>
    %get3A_9 = arith.constant 0 : index
    %get3A_10 = arith.constant 0 : index
    %get3A_11 = vector.load %arg4[%get3A_9, %get3A_10] : memref<128x128xf32, #tpu.memory_space<vmem>>, vector<128x128xf32>
    %dot_general3A_12 = arith.constant dense<0.000000e+00> : vector<2000x128xf32>
    %dot_general3A_13 = tpu.matmul %get3A_8, %get3A_11, %dot_general3A_12 {dimension_numbers = #tpu.dot_dimension_numbers<[1], [0], [0], [1], [0, 0, 1, 1], [], []>, transpose_lhs_hint = false} : vector<2000x128xf32>, vector<128x128xf32>, vector<2000x128xf32> -> vector<2000x128xf32>
    %add3A = arith.addf %dot_general3A_5, %dot_general3A_13 : vector<2000x128xf32>
    %get3A_14 = arith.constant 0 : index
    %get3A_15 = arith.constant 0 : index
    %get3A_16 = vector.load %arg5[%get3A_14, %get3A_15] : memref<1x128xf32, #tpu.memory_space<vmem>>, vector<1x128xf32>
    %add3A_17 = vector.broadcast %get3A_16 : vector<1x128xf32> to vector<2000x128xf32>
    %add3A_18 = arith.addf %add3A, %add3A_17 : vector<2000x128xf32>
    %max3A = arith.constant 0.000000e+00 : f32
    %max3A_19 = vector.broadcast %max3A : f32 to vector<2000x128xf32>
    %max3A_20 = arith.maximumf %add3A_18, %max3A_19 : vector<2000x128xf32>
    %swap3A = arith.constant 0 : index
    %swap3A_21 = arith.constant 0 : index
    %swap3A_22 = vector.load %arg6[%swap3A, %swap3A_21] : memref<2000x128xf32, #tpu.memory_space<vmem>>, vector<2000x128xf32>
    tpu.vector_store %arg6[%swap3A, %swap3A_21], %max3A_20 {strides = array<i32>} : memref<2000x128xf32, #tpu.memory_space<vmem>>, vector<2000x128xf32>,
    return
  }
  func.func @transform_0(%arg0: i32) -> (i32, i32) {
    %c0_i32 = arith.constant 0 : i32
    %c0_i32_0 = arith.constant 0 : i32
    return %arg0, %c0_i32 : i32, i32
  }
  func.func @transform_1(%arg0: i32) -> (i32, i32) {
    %c0_i32 = arith.constant 0 : i32
    %c0_i32_0 = arith.constant 0 : i32
    return %arg0, %c0_i32 : i32, i32
  }
  func.func @transform_2(%arg0: i32) -> (i32, i32) {
    %c0_i32 = arith.constant 0 : i32
    %c0_i32_0 = arith.constant 0 : i32
    %c0_i32_1 = arith.constant 0 : i32
    return %c0_i32, %c0_i32_0 : i32, i32
  }
  func.func @transform_3(%arg0: i32) -> (i32, i32) {
    %c0_i32 = arith.constant 0 : i32
    %c0_i32_0 = arith.constant 0 : i32
    %c0_i32_1 = arith.constant 0 : i32
    return %c0_i32, %c0_i32_0 : i32, i32
  }
  func.func @transform_4(%arg0: i32) -> (i32, i32) {
    %c0_i32 = arith.constant 0 : i32
    %c0_i32_0 = arith.constant 0 : i32
    %c0_i32_1 = arith.constant 0 : i32
    return %c0_i32, %c0_i32_0 : i32, i32
  }
  func.func @transform_5(%arg0: i32) -> (i32, i32) {
    %c0_i32 = arith.constant 0 : i32
    %c0_i32_0 = arith.constant 0 : i32
    return %arg0, %c0_i32 : i32, i32
  }
}

</mosaic_0001>

<sc_bundles>
// kernel: kernel.4.cloned.1.call-start
scs
__scs_entry_jumppad:
0x0: {  	(pc) =	sbr.rel $0x88, $3  }
0x1: {  	(tag) =	ssettag $0x0;
	lr =	simm.s32 $0x1  }
0x2: {  	[smem:$0x3F9B] =	sst lr;
	_ =	strace $0xD0000000  }
0x3: {  	_ = 	snop  }
0x4: {  	_ = 	snop  }
0x5: {  	_ = 	snop  }
0x6: {  	_ = 	snop  }
0x7: {  	_ = 	snop  }
__scs_overlays_trampoline_lowered:
0x8: {  	[smem:$0x3FAA] =	sst s0  }
0x9: {  	[smem:$0x3FAB] =	sst s1  }
0xa: {  	[smem:$0x3FAC] =	sst s2  }
0xb: {  	[smem:$0x3FAD] =	sst s3  }
0xc: {  	[smem:$0x3FAE] =	sst s4  }
0xd: {  	[smem:$0x3FAF] =	sst s5  }
0xe: {  	[smem:$0x3FB0] =	sst s6  }
0xf: {  	[smem:$0x3FB1] =	sst s7  }
0x10: {  	[smem:$0x3FB2] =	sst s8  }
0x11: {  	[smem:$0x3FB3] =	sst s9;
	s0 =	simm.s32 @!p0 $0x0  }
0x12: {  	s1 =	sld [smem:$0x3F99];
	s0 =	simm.s32 @p0 $0x1  }
0x13: {  	[smem:$0x3FB4] =	sst s0;
	s0 =	simm.s32 @!p1 $0x0  }
0x14: {  	s2 =	sld [smem:$0x3F98];
	s0 =	simm.s32 @p1 $0x1  }
0x15: {  	[smem:$0x3FB5] =	sst s0;
	s0 =	simm.s32 @!p2 $0x0  }
0x16: {  	s3 =	sld [smem:$0x3FDB];
	s0 =	simm.s32 @p2 $0x1  }
0x17: {  	s4 =	simm.s32 $0x1BF5;
	[smem:$0x3FB7] =	sst s0  }
0x18: {  	s0 =	sld [smem:$0x3F9A];
	_ =	swait.ge [sflag:s4], $0x0  }
0x19: {  	s7 =	sld [smem:$0x3F9B]  }
0x1a: {  	s8 =	sadd.s32 $0xFFFFE003, lr  }
0x1b: {  	s9 =	sadd.s32 $0xFFFFFEF7, lr;
	s5 =	simm.s32 $0xFFFFFFFF;
	p2 =	slt.u32 s8, $0xFFFFF086  }
0x1c: {  	p1 =	slt.u32 s9, $0xF7A;
	s5 =	simm.s32 @!p2 $0x0  }
0x1d: {  	s5 =	simm.s32 @p1 $0x1;
	p0 =	seq.s32 s7, s2  }
0x1e: {  	s7 =	smul.u32 @!p0 $0xF7A, s2;
	p2 =	seq.s32 @!p0 s5, $0x0  }
0x1f: {  	s9 =	smul.u32 $0xF7A, s1;
	s8 =	simm.s32 @!p0 $0x1BF5;
	p2 =	por !p2, p0  }
0x20: {  	[sflag:s8] =	ssyncset.s32 @!p0 $0xFFFFF086;
	s6 =	sadd.s32 @!p0 s3, s7;
	s7 =	simm.s32 @!p0 $0x108  }
0x21: {  	s3 =	sadd.s32 s3, s9;
	s6 =	sadd.s32 @!p0 $0x88, s6;
	s7 =	simm.s32 @p2 $0x1082  }
0x22: {  	[simem:s7], [sflag:s8] =	dma.local @!p0 [hbm:s6], $0xF7A  }
0x23: {  	s9 =	sor.u32 $0xD0000000, s2;
	s6 =	simm.s32 $0x108;
	_ =	swait.ge @!p0 [sflag:s8], $0x0  }
0x24: {  	s3 =	sadd.s32 $0x88, s3;
	s6 =	simm.s32 @!p1 $0x1082;
	[sflag:s4] =	ssyncset.s32 $0xFFFFF086  }
0x25: {  	[simem:s6], [sflag:s4] =	dma.local [hbm:s3], $0xF7A  }
0x26: {  	[smem:$0x3F9B] =	sst s1;
	(tag) =	ssettag s2;
	_ =	strace s9  }
0x27: {  	s1 =	sld [smem:$0x3FAB]  }
0x28: {  	s2 =	sld [smem:$0x3FAC]  }
0x29: {  	s4 =	sld [smem:$0x3FAE]  }
0x2a: {  	p0 =	seq.s32 s5, $0x0;
	s5 =	sld [smem:$0x3FAF]  }
0x2b: {  	s6 =	sld [smem:$0x3FB0]  }
0x2c: {  	s7 =	sld [smem:$0x3FB1]  }
0x2d: {  	s3 =	simm.s32 $0x108;
	s8 =	sld [smem:$0x3FB2]  }
0x2e: {  	s3 =	simm.s32 @!p0 $0x1082;
	s9 =	sld [smem:$0x3FB3]  }
0x2f: {  	lr =	sadd.s32 s0, s3;
	s0 =	sld [smem:$0x3FAA]  }
0x30: {  	s3 =	sld [smem:$0x3FAD]  }
0x31: {  	[smem:$0x3FB6] =	sst s10  }
0x32: {  	s10 =	sld [smem:$0x3FB4];
	_ =	sdelay $0x3  }
0x33: {  	p0 =	seq.s32 s10, $0x1;
	s10 =	sld [smem:$0x3FB6];
	_ =	sdelay $0x3  }
0x34: {  	[smem:$0x3FB6] =	sst s10  }
0x35: {  	s10 =	sld [smem:$0x3FB5];
	_ =	sdelay $0x3  }
0x36: {  	p1 =	seq.s32 s10, $0x1;
	s10 =	sld [smem:$0x3FB6];
	_ =	sdelay $0x3  }
0x37: {  	[smem:$0x3FB6] =	sst s10  }
0x38: {  	s10 =	sld [smem:$0x3FB7]  }
0x39: {  	_ = 	snop;
	(pc) =	sbr.ind lr, $3  }
0x3a: {  	_ = 	snop  }
0x3b: {  	_ = 	snop  }
0x3c: {  	p2 =	seq.s32 s10, $0x1;
	s10 =	sld [smem:$0x3FB6]  }
0x3d: {  	_ =	shalt  }
0x3e: {  	_ =	shalt  }
0x3f: {  	_ =	shalt  }
0x40: {  	_ =	shalt  }
0x41: {  	_ =	shalt  }
0x42: {  	_ =	shalt  }
0x43: {  	_ =	shalt  }
0x44: {  	_ =	shalt  }
0x45: {  	_ =	shalt  }
0x46: {  	_ =	shalt  }
0x47: {  	_ =	shalt  }
0x48: {  	_ =	shalt  }
0x49: {  	_ =	shalt  }
0x4a: {  	_ =	shalt  }
0x4b: {  	_ =	shalt  }
0x4c: {  	_ =	shalt  }
0x4d: {  	_ =	shalt  }
0x4e: {  	_ =	shalt  }
0x4f: {  	_ =	shalt  }
0x50: {  	_ =	shalt  }
0x51: {  	_ =	shalt  }
0x52: {  	_ =	shalt  }
0x53: {  	_ =	shalt  }
0x54: {  	_ =	shalt  }
0x55: {  	_ =	shalt  }
0x56: {  	_ =	shalt  }
0x57: {  	_ =	shalt  }
0x58: {  	_ =	shalt  }
0x59: {  	_ =	shalt  }
0x5a: {  	_ =	shalt  }
0x5b: {  	_ =	shalt  }
0x5c: {  	_ =	shalt  }
0x5d: {  	_ =	shalt  }
0x5e: {  	_ =	shalt  }
0x5f: {  	_ =	shalt  }
0x60: {  	_ =	shalt  }
0x61: {  	_ =	shalt  }
0x62: {  	_ =	shalt  }
0x63: {  	_ =	shalt  }
0x64: {  	_ =	shalt  }
0x65: {  	_ =	shalt  }
0x66: {  	_ =	shalt  }
0x67: {  	_ =	shalt  }
0x68: {  	_ =	shalt  }
0x69: {  	_ =	shalt  }
0x6a: {  	_ =	shalt  }
0x6b: {  	_ =	shalt  }
0x6c: {  	_ =	shalt  }
0x6d: {  	_ =	shalt  }
0x6e: {  	_ =	shalt  }
0x6f: {  	_ =	shalt  }
0x70: {  	_ =	shalt  }
0x71: {  	_ =	shalt  }
0x72: {  	_ =	shalt  }
0x73: {  	_ =	shalt  }
0x74: {  	_ =	shalt  }
0x75: {  	_ =	shalt  }
0x76: {  	_ =	shalt  }
0x77: {  	_ =	shalt  }
0x78: {  	_ =	shalt  }
0x79: {  	_ =	shalt  }
0x7a: {  	_ =	shalt  }
0x7b: {  	_ =	shalt  }
0x7c: {  	_ =	shalt  }
0x7d: {  	_ =	shalt  }
0x7e: {  	_ =	shalt  }
0x7f: {  	_ =	shalt  }
0x80: {  	_ =	shalt  }
0x81: {  	_ =	shalt  }
0x82: {  	_ =	shalt  }
0x83: {  	_ =	shalt  }
0x84: {  	_ =	shalt  }
0x85: {  	_ =	shalt  }
0x86: {  	_ =	shalt  }
0x87: {  	_ =	shalt  }
.Lfunc_end0:
.L_simem_size_0:
called_computation_lowered:
.L_overlay_start_0:
0x88: {  	s2 =	sld [smem:$0x3FD9]  }
0x89: {  	s3 =	sld [smem:$0x3FFE];
	_ =	sdelay $0x1  }
0x8a: {  	s1 =	srdreg.scid  }
0x8b: {  	s0 =	sand.u32 $0x1, s1  }
0x8c: {  	s17 =	sshll.u32 s0, $0xA;
	s2 =	sadd.s32 s3, s2  }
0x8d: {  	s2 =	sadd.s32 s2, s17  }
0x8e: {  	[smem:$0x3FC2] =	sst s2  }
0x8f: {  	_ = 	snop  }
0x90: {  	s2 =	sld [smem:$0x3FC9]  }
0x91: {  	s18 =	sld [smem:$0x3FC8]  }
0x92: {  	s4 =	sld [smem:$0x3FD0];
	(tm) =	ssettm $0x1  }
0x93: {  	s5 =	sld [smem:$0x3FFB];
	_ =	sdelay $0x3  }
0x94: {  	_ =	strace s5  }
0x95: {  	s5 =	sld [smem:$0x3FFC];
	_ =	sdelay $0x3  }
0x96: {  	_ =	strace s5  }
0x97: {  	s5 =	sld [smem:$0x3FFD];
	_ =	sdelay $0x3  }
0x98: {  	_ =	strace s5  }
0x99: {  	_ =	strace $0x8FFFFFFF  }
0x9a: {  	s19 =	sld [smem:$0x3FDB];
	_ =	sdelay $0x1  }
0x9b: {  	s6 =	simm.s32 $_scs_section_size  }
0x9c: {  	s7 =	simm.s32 $_size__tile_overlayer_lowered;
	s8 =	simm.s32 $_tile_overlayer_lowered  }
0x9d: {  	s22 =	simm.s32 $0x1BFF;
	s21 =	sshll.u32 s8, $0x1;
	s5 =	sadd.s32 s6, s19  }
0x9e: {  	s9 =	simm.s32 $0x0;
	s20 =	sshll.u32 s7, $0x1;
	s7 =	sadd.s32 s21, s5  }
0x9f: {  	[timem:s9], [sflag:s22] =	dma.local [hbm:s7], s20  }
0xa0: {  	_ =	swait.ge [sflag:s22], s20  }
0xa1: {  	s6 =	ssub.s32 $0x0, s20;
	[sflag:s22] =	ssyncset.done $0x0  }
0xa2: {  	[sflag:s22] =	ssyncadd.s32 s6;
	_ =	sdelay $0x1  }
0xa3: {  	s23 =	simm.s32 $0x1B8B  }
0xa4: {  	_ =	swait.ge [sflag:s23], $0x1  }
0xa5: {  	[sflag:s23] =	ssyncset.done $0x0  }
0xa6: {  	s25 =	simm.s32 $0x1B8E;
	s24 =	sld [smem:$0x3FFE];
	[sflag:s23] =	ssyncadd.s32 $0xFFFFFFFF  }
0xa7: {  	s26 =	simm.s32 $execute0_lowered;
	[smem:$0x3FD2] =	sst s25  }
0xa8: {  	s7 =	sshll.u32 s26, $0x1;
	_ =	strace $0x80000046;
	[dreg:$0x1] =	wrdreg $0xFFFFFFFF  }
0xa9: {  	s28 =	simm.s32 $_size_execute0_lowered;
	s5 =	sadd.s32 s5, s7;
	[dreg:$0x0] =	wrdreg $0x0  }
0xaa: {  	s7 =	sshll.u32 s28, $0x1;
	[dreg:$0x2] =	wrdreg s5  }
0xab: {  	[dreg:$0x3] =	wrdreg s7  }
0xac: {  	[dreg:$0x4] =	wrdreg $0xC0  }
0xad: {  	_ =	task [dreg:s9], $0x5FFFF  }
0xae: {  	[dreg:$0x1] =	wrdreg $0xFFFFFFFF  }
0xaf: {  	[dreg:$0x0] =	wrdreg $0x60  }
0xb0: {  	[dreg:$0x2] =	wrdreg s2  }
0xb1: {  	[dreg:$0x3] =	wrdreg s18  }
0xb2: {  	[dreg:$0x4] =	wrdreg s4  }
0xb3: {  	[dreg:$0x5] =	wrdreg s24  }
0xb4: {  	[dreg:$0x6] =	wrdreg $0x9  }
0xb5: {  	_ =	task.clear_ibuf [dreg:s9], $0x7FFFF;
	_ =	strace $0x90000046  }
0xb6: {  	s29 =	simm.s32 $0x9;
	_ =	strace $0x80000048  }
0xb7: {  	_ =	swait.ge [sflag:s29], $0x1  }
0xb8: {  	[sflag:s29] =	ssyncadd.s32 $0xFFFFFFFF  }
0xb9: {  	_ =	strace $0x90000048  }
0xba: {  	_ =	sfence  }
0xbb: {  	s30 =	sld [smem:$0x0];
	_ =	sdelay $0x2  }
0xbc: {  	s31 =	sshll.u32 s1, $0xD;
	s1 =	sshrl.u32 s1, $0x2  }
0xbd: {  	s3 =	sand.u32 $0x4000, s31;
	s1 =	sadd.s32 s1, s30  }
0xbe: {  	s0 =	sor.u32 s3, s0;
	s1 =	sshll.u32 s1, $0x11  }
0xbf: {  	s0 =	sor.u32 s1, s0  }
0xc0: {  	s0 =	sadd.s32 $0x8F2B, s0  }
0xc1: {  	[sflag:s0] =	ssyncadd.remote.s32 $0x1  }
0xc2: {  	_ =	sfence.sel $0xFFFF  }
0xc3: {  	[dreg:$0x0] =	wrdreg $0xFFFFFFFF;
	(pc) =	sbr.abs _section_cstart, $3  }
0xc4: {  	[dreg:$0x1] =	wrdreg $0xFFFFFFFF  }
0xc5: {  	_ =	task.clear_ibuf [dreg:s9], $0x2FFFF;
	_ =	strace $0x9FFFFFFF  }
0xc6: {  	(tm) =	ssettm $0x7FFFFFFF  }
0xc7: {  	_ =	shalt  }
tec
execute0_lowered:
.L_overlay_start_1:
0x0: {  	(tag) =	ssettag $0x1  }
0x1: {  	s1 =	rddreg [dreg:$0x0]  }
0x2: {  	s0 =	rddreg [dreg:$0x1]  }
0x3: {  	s2 =	rddreg [dreg:$0x2];
	s3 =	srdreg.scid  }
0x4: {  	s4 =	stileid.u32;
	s6 =	rddreg [dreg:$0x3]  }
0x5: {  	s13 =	simm.s32 $0x9;
	s15 =	simm.s32 $0x100;
	s17 =	simm.s32 $0xC980  }
0x6: {  	s18 =	simm.s32 $0x8;
	s19 =	simm.s32 $0x1D180;
	s20 =	simm.s32 $0x14980  }
0x7: {  	s21 =	simm.s32 $0x1D580;
	s22 =	simm.s32 $0x1;
	s23 =	simm.s32 $0x1C980  }
0x8: {  	s24 =	simm.s32 $0x5;
	s25 =	simm.s32 $0x2;
	s28 =	simm.s32 $0x1CD80  }
0x9: {  	s29 =	simm.s32 $0x6;
	s30 =	simm.s32 $0x3;
	s31 =	simm.s32 $0x7  }
0xa: {  	s5 =	sand.u32 $0x1, s3;
	s4 =	sshll.u32 s4, $0x1;
	s3 =	simm.s32 $0x0  }
0xb: {  	s7 =	sor.u32 s5, s4;
	[smem:$0x7FF] =	sst s3;
	s8 =	ssub.s32 $0x2, s5  }
0xc: {  	s5 =	sadd.s32 $0x1200, s6;
	s6 =	sadd.s32 $0x29200, s6;
	s4 =	smul.u32 $0x28, s7  }
0xd: {  	_ =	strace $0x80000047;
	s9 =	smul.u32 $0x1400, s7;
	s10 =	sshrl.u32 s8, $0x1  }
0xe: {  	s11 =	smul.u32 $0xA000, s7;
	p0 =	seq.s32 s7, $0x1F;
	s8 =	ssub.s32 s8, s10  }
0xf: {  	s10 =	sadd.s32 $0x26C00, s2;
	s26 =	sadd.s32 s0, s4;
	s9 =	sadd.s32 s2, s9  }
0x10: {  	s12 =	smax.u32 s8, $0x1;
	s2 =	simm.s32 $0x0;
	[dreg:$0x5] =	wrdreg s26  }
0x11: {  	v0 =	vlaneseq.u32;
	[dreg:$0x6] =	wrdreg s9;
	s9 =	sadd.s32 $0x4D8, s0;
	s26 =	simm.s32 $0x4  }
.LBB2_1:
.Ltmp0:
0x12: {  	(pc) =	sbr.rel @!p0 .LBB2_2-.Ltmp0, $1  }
0x13: {  	_ =	sdelay $0x3  }
0x14: {  	s0 =	simm.s32 $0x0  }
0x15: {  	[tilespmem:s0], [sflag:$0x9] =	stream.linear.gather [hbm4b:s9+s0], $0x50, $0x38;
	[tilespmem:$0x1D980] =	vst v63  }
0x16: {  	_ =	swait.ge [sflag:s13], $0x50  }
0x17: {  	[sflag:s13] =	ssyncset.done $0x0  }
0x18: {  	s7 =	simm.s32 $0x180;
	[sflag:s13] =	ssyncadd.s32 $0xFFFFFFB0  }
0x19: {  	[tilespmem:s7], [sflag:$0x9] =	stream.linear.gather [hbm4b:s10+s0], $0x2800, $0x38;
	[tilespmem:$0x1D980] =	vst v63  }
0x1a: {  	_ =	swait.ge [sflag:s13], $0x2800  }
0x1b: {  	[sflag:s13] =	ssyncset.done $0x0  }
0x1c: {  	s7 =	simm.s32 $0x50;
	[sflag:s13] =	ssyncadd.s32 $0xFFFFD800  }
.LBB2_4:
0x1d: {  	p1 =	sne.s32 s0, $0xE0  }
.Ltmp1:
0x1e: {  	_ = 	snop;
	(pc) =	sbr.rel @p1 .LBB2_4-.Ltmp1, $3  }
0x1f: {  	_ =	sdelay $0x1  }
0x20: {  	v1 =	vor.u32 s0, v0  }
0x21: {  	s0 =	sadd.s32 $0x10, s0;
	[tilespmem:s7+$0x0] =	vst v1;
	s7 =	sadd.s32 $0x10, s7  }
0x22: {  	s7 =	simm.s32 $0x0  }
0x23: {  	s8 =	simm.s32 $0x10;
	s0 =	simm.s32 $0x2990;
	v1 =	vor.u32 s7, v0  }
0x24: {  	[tilespmem:s0+$0xFFFFFFF0] =	vst v1;
	v1 =	vor.u32 s8, v0  }
0x25: {  	s7 =	simm.s32 $0x30;
	[tilespmem:s0+$0x0] =	vst v1  }
.LBB2_6:
0x26: {  	p1 =	sne.s32 s7, $0x1DF0  }
.Ltmp2:
0x27: {  	_ = 	snop;
	(pc) =	sbr.rel @p1 .LBB2_6-.Ltmp2, $4  }
0x28: {  	s8 =	sadd.s32 $0xFFFFFFF0, s7  }
0x29: {  	s14 =	smov.u32 s7;
	s0 =	sadd.s32 $0x80, s0;
	v1 =	vor.u32 s8, v0  }
0x2a: {  	[tilespmem:s0+$0xFFFFFFF0] =	vst v1;
	v1 =	vor.u32 s14, v0  }
0x2b: {  	s7 =	sadd.s32 $0x20, s7;
	[tilespmem:s0+$0x0] =	vst v1  }
.Ltmp3:
0x2c: {  	_ = 	snop;
	(pc) =	sbr.rel .LBB2_7-.Ltmp3, $1  }
0x2d: {  	_ =	sdelay $0x3  }
.LBB2_2:
0x2e: {  	s0 =	rddreg [dreg:$0x5]  }
0x2f: {  	[tilespmem:s3], [sflag:$0x9] =	stream.linear.gather [hbm4b:s0+s3], $0x140, $0x38;
	[tilespmem:$0x1D980] =	vst v63  }
0x30: {  	_ =	swait.ge [sflag:s13], $0x140  }
0x31: {  	[sflag:s13] =	ssyncset.done $0x0  }
0x32: {  	s7 =	simm.s32 $0x180;
	s16 =	rddreg [dreg:$0x6];
	[sflag:s13] =	ssyncadd.s32 $0xFFFFFEC0  }
0x33: {  	[tilespmem:s7], [sflag:$0x9] =	stream.linear.gather [hbm4b:s16+s3], $0xA000, $0x38;
	[tilespmem:$0x1D980] =	vst v63  }
0x34: {  	_ =	swait.ge [sflag:s13], $0xA000  }
0x35: {  	[sflag:s13] =	ssyncset.done $0x0  }
0x36: {  	[sflag:s13] =	ssyncadd.s32 $0xFFFF6000  }
.LBB2_7:
0x37: {  	v1 =	vld [tilespmem:$0x180]  }
0x38: {  	v2 =	vld [tilespmem:$0x190]  }
0x39: {  	v3 =	vld [tilespmem:$0x200]  }
0x3a: {  	v4 =	vld [tilespmem:$0x210]  }
0x3b: {  	v5 =	vld [tilespmem:$0x280]  }
0x3c: {  	[tilespmem:$0xA180] =	vst v1;
	v1 =	vld [tilespmem:$0x290]  }
0x3d: {  	v60 =	vld [tilespmem:$0x380];
	[tilespmem:$0xA190] =	vst v2  }
0x3e: {  	v61 =	vld [tilespmem:$0x390];
	[tilespmem:$0xA1A0] =	vst v3  }
0x3f: {  	v2 =	vld [tilespmem:$0x300];
	[tilespmem:$0xA1B0] =	vst v4  }
0x40: {  	v3 =	vld [tilespmem:$0x310];
	[tilespmem:$0xA1C0] =	vst v5  }
0x41: {  	[tilespmem:$0xA1D0] =	vst v1;
	v1 =	vld [tilespmem:$0x400]  }
0x42: {  	v62 =	vld [tilespmem:$0x490];
	[tilespmem:$0xA200] =	vst v60  }
0x43: {  	v63 =	vld [tilespmem:$0x500];
	[tilespmem:$0xA210] =	vst v61  }
0x44: {  	[tilespmem:$0xA1E0] =	vst v2;
	v2 =	vld [tilespmem:$0x410]  }
0x45: {  	[tilespmem:$0xA1F0] =	vst v3;
	v3 =	vld [tilespmem:$0x480]  }
0x46: {  	[tilespmem:$0xA220] =	vst v1;
	v1 =	vld [tilespmem:$0x510]  }
0x47: {  	[tilespmem:$0xA250] =	vst v62  }
0x48: {  	[tilespmem:$0xA260] =	vst v63  }
0x49: {  	[tilespmem:$0xA230] =	vst v2  }
0x4a: {  	[tilespmem:$0xA240] =	vst v3  }
0x4b: {  	s0 =	simm.s32 $0xA180;
	[tilespmem:$0xA270] =	vst v1  }
0x4c: {  	[tilespmem:s17], [sflag:$0x1] =	stream.indirect.gather [hbm4b:s1+s15], $0x80, s0, s15, $0xb8;
	[tilespmem:$0x1D980] =	vst v63  }
0x4d: {  	s7 =	simm.s32 $0xFFFF6400  }
0x4e: {  	[tilespmem:s19], [sflag:$0x5] =	stream.indirect.gather [hbm4b:s1+s18], $0x80, s3, s18, $0xb8;
	[tilespmem:$0x1D980] =	vst v63  }
0x4f: {  	v1 =	vld [tilespmem:s7+$0xA180];
	_ =	sdelay $0x3  }
0x50: {  	s0 =	simm.s32 $0xA290  }
0x51: {  	[tilespmem:s0+$0xFFFFFFF0] =	vst v1  }
0x52: {  	v1 =	vld [tilespmem:s7+$0xA190];
	_ =	sdelay $0x4  }
0x53: {  	s8 =	simm.s32 $0xFFFF6480;
	s7 =	simm.s32 $0xFFFD9400;
	[tilespmem:s0+$0x0] =	vst v1  }
.LBB2_8:
0x54: {  	p1 =	sne.s32 s7, $0xFFFFFE00;
	v1 =	vld [tilespmem:s8+$0xA180];
	_ =	sdelay $0x3  }
0x55: {  	s0 =	sadd.s32 $0x20, s0  }
0x56: {  	[tilespmem:s0+$0xFFFFFFF0] =	vst v1  }
0x57: {  	v1 =	vld [tilespmem:s8+$0xA190]  }
.Ltmp4:
0x58: {  	(pc) =	sbr.rel @p1 .LBB2_8-.Ltmp4, $2  }
0x59: {  	_ =	sdelay $0x2  }
0x5a: {  	s8 =	sshra.s32 s7, $0x2;
	s7 =	sadd.s32 $0x200, s7;
	[tilespmem:s0+$0x0] =	vst v1  }
0x5b: {  	v1 =	vld [tilespmem:s8+$0xA180];
	_ =	sdelay $0x3  }
0x5c: {  	s0 =	sadd.s32 $0x20, s0  }
0x5d: {  	[tilespmem:s0+$0xFFFFFFF0] =	vst v1  }
0x5e: {  	v1 =	vld [tilespmem:s8+$0xA190];
	_ =	sdelay $0x4  }
0x5f: {  	[tilespmem:s0+$0x0] =	vst v1;
	s0 =	simm.s32 $0x0  }
.LBB2_10:
0x60: {  	s14 =	sshllo.u32 s0, $0x1  }
0x61: {  	s7 =	sshll.u32 s14, $0x8  }
0x62: {  	s7 =	sand.u32 $0x3FFFFF00, s7  }
0x63: {  	s16 =	sshll.u32 s14, $0x3;
	s7 =	sadd.s32 $0xA180, s7  }
0x64: {  	[tilespmem:s20], [sflag:$0x2] =	stream.indirect.gather [hbm4b:s1+s15], $0x80, s7, s15, $0xb8;
	[tilespmem:$0x1D980] =	vst v63  }
0x65: {  	s7 =	sand.u32 $0x3FFFFFF8, s16  }
0x66: {  	[tilespmem:s21], [sflag:$0x6] =	stream.indirect.gather [hbm4b:s1+s18], $0x80, s7, s18, $0xb8;
	[tilespmem:$0x1D980] =	vst v63  }
0x67: {  	_ =	swait.ge [sflag:s22], $0x8000  }
0x68: {  	p1 =	seq.s32 s0, $0x0;
	[sflag:s22] =	ssyncset.done $0x0  }
0x69: {  	s7 =	simm.s32 @!p1 $0x3;
	[sflag:s22] =	ssyncadd.s32 $0xFFFF8000  }
0x6a: {  	_ =	swait.ge @!p1 [sflag:s7], $0x400  }
0x6b: {  	[sflag:s7] =	ssyncset.done @!p1 $0x0  }
0x6c: {  	[sflag:s7] =	ssyncadd.s32 @!p1 $0xFFFFFC00;
	s7 =	simm.s32 $0x0  }
0x6d: {  	v4 =	vld [tilespmem:s7+$0xCB00]  }
0x6e: {  	v6 =	vld [tilespmem:s7+$0xCB10]  }
0x6f: {  	v7 =	vld [tilespmem:s7+$0xCB20]  }
0x70: {  	v8 =	vld [tilespmem:s7+$0xCB30]  }
0x71: {  	v2 =	vld [tilespmem:s7+$0xCB40]  }
0x72: {  	v3 =	vld [tilespmem:s7+$0xCB50]  }
0x73: {  	v15 =	vld [tilespmem:s7+$0xCA80]  }
0x74: {  	v17 =	vld [tilespmem:s7+$0xCA90]  }
0x75: {  	v14 =	vld [tilespmem:s7+$0xCAA0]  }
0x76: {  	v16 =	vld [tilespmem:s7+$0xCAB0]  }
0x77: {  	v5 =	vld [tilespmem:s7+$0xCAC0]  }
0x78: {  	v10 =	vld [tilespmem:s7+$0xCA00]  }
0x79: {  	v11 =	vld [tilespmem:s7+$0xCA10]  }
0x7a: {  	v12 =	vld [tilespmem:s7+$0xC980]  }
0x7b: {  	v13 =	vld [tilespmem:s7+$0xC990]  }
0x7c: {  	v20 =	vld [tilespmem:s7+$0xC9A0]  }
0x7d: {  	v21 =	vld [tilespmem:s7+$0xC9B0]  }
0x7e: {  	v22 =	vld [tilespmem:s7+$0xCA20]  }
0x7f: {  	v26 =	vld [tilespmem:s7+$0xCA30]  }
0x80: {  	v1 =	vimm.f32 $0.0e+00;
	p2 =	por $0x1, $0x1;
	v9 =	vld [tilespmem:s7+$0xCAD0]  }
.Ltmp5:
0x81: {  	v18 =	vld [tilespmem:s7+$0xCA40];
	v12 =	vadd.f32 v12, v1;
	v13 =	vadd.f32 v13, v1;
	(pc) =	sbr.rel @!p2 .LBB2_12-.Ltmp5, $4  }
0x82: {  	v19 =	vld [tilespmem:s7+$0xCA50];
	v25 =	vadd.f32 v20, v1;
	v27 =	vadd.f32 v21, v1  }
0x83: {  	v20 =	vld [tilespmem:s7+$0xC9C0];
	v23 =	vadd.f32 v10, v12;
	v24 =	vadd.f32 v11, v13  }
0x84: {  	v21 =	vld [tilespmem:s7+$0xC9D0];
	v25 =	vadd.f32 v22, v25;
	v26 =	vadd.f32 v26, v27;
	v11 =	vimm.f32 $0.0e+00  }
0x85: {  	s8 =	simm.s32 $0x800;
	s16 =	sshll.u32 s0, $0x1;
	v22 =	vld [tilespmem:s7+$0xC9E0];
	v13 =	vimm.f32 $0.0e+00;
	v12 =	vimm.f32 $0.0e+00;
	v10 =	vimm.f32 $0.0e+00  }
.LBB2_11:
0x86: {  	p2 =	sne.s32 s8, $0x3800;
	v27 =	vld [tilespmem:s7+$0xC9F0];
	v15 =	vadd.f32 v15, v23;
	v17 =	vadd.f32 v17, v24  }
0x87: {  	v23 =	vld [tilespmem:s7+$0xCA60];
	v14 =	vadd.f32 v14, v25;
	v16 =	vadd.f32 v16, v26  }
0x88: {  	v24 =	vld [tilespmem:s7+$0xCA70];
	v25 =	vadd.f32 v4, v15;
	v26 =	vadd.f32 v6, v17  }
0x89: {  	v15 =	vld [tilespmem:s7+$0xCAE0];
	v28 =	vadd.f32 v7, v14;
	v29 =	vadd.f32 v8, v16  }
0x8a: {  	v4 =	vadd.f32 v20, v11;
	v6 =	vadd.f32 v21, v13;
	v8 =	vld [tilespmem:s7+$0xCAF0]  }
0x8b: {  	v7 =	vadd.f32 v22, v12;
	v10 =	vadd.f32 v27, v10;
	v12 =	vld [tilespmem:s7+$0xCB60]  }
0x8c: {  	v11 =	vadd.f32 v18, v4;
	v13 =	vadd.f32 v19, v6;
	v14 =	vld [tilespmem:s7+$0xCB70];
	s7 =	sshra.s32 s8, $0x2  }
0x8d: {  	v16 =	vadd.f32 v23, v7;
	v4 =	vld [tilespmem:s7+$0xCB00];
	v10 =	vadd.f32 v24, v10  }
0x8e: {  	v5 =	vadd.f32 v5, v11;
	v9 =	vadd.f32 v9, v13;
	v6 =	vld [tilespmem:s7+$0xCB10]  }
0x8f: {  	v15 =	vadd.f32 v15, v16;
	v7 =	vld [tilespmem:s7+$0xCB20];
	v10 =	vadd.f32 v8, v10  }
0x90: {  	v11 =	vadd.f32 v2, v5;
	v13 =	vadd.f32 v3, v9;
	v8 =	vld [tilespmem:s7+$0xCB30]  }
0x91: {  	v12 =	vadd.f32 v12, v15;
	v2 =	vld [tilespmem:s7+$0xCB40];
	v10 =	vadd.f32 v14, v10  }
0x92: {  	v3 =	vld [tilespmem:s7+$0xCB50]  }
0x93: {  	v15 =	vld [tilespmem:s7+$0xCA80]  }
0x94: {  	v17 =	vld [tilespmem:s7+$0xCA90]  }
0x95: {  	v14 =	vld [tilespmem:s7+$0xCAA0]  }
0x96: {  	v16 =	vld [tilespmem:s7+$0xCAB0]  }
0x97: {  	v5 =	vld [tilespmem:s7+$0xCAC0]  }
0x98: {  	v9 =	vld [tilespmem:s7+$0xCAD0]  }
0x99: {  	v22 =	vld [tilespmem:s7+$0xCA00]  }
0x9a: {  	v24 =	vld [tilespmem:s7+$0xCA10]  }
0x9b: {  	v19 =	vld [tilespmem:s7+$0xC980]  }
0x9c: {  	v20 =	vld [tilespmem:s7+$0xC990]  }
0x9d: {  	v21 =	vld [tilespmem:s7+$0xC9A0]  }
0x9e: {  	v23 =	vld [tilespmem:s7+$0xC9B0]  }
0x9f: {  	v27 =	vld [tilespmem:s7+$0xCA20]  }
0xa0: {  	v30 =	vld [tilespmem:s7+$0xCA30]  }
.Ltmp6:
0xa1: {  	v18 =	vld [tilespmem:s7+$0xCA40];
	(pc) =	sbr.rel @p2 .LBB2_11-.Ltmp6, $4  }
0xa2: {  	v25 =	vadd.f32 v19, v25;
	v26 =	vadd.f32 v20, v26;
	v19 =	vld [tilespmem:s7+$0xCA50]  }
0xa3: {  	v28 =	vadd.f32 v21, v28;
	v29 =	vadd.f32 v23, v29;
	v20 =	vld [tilespmem:s7+$0xC9C0]  }
0xa4: {  	v23 =	vadd.f32 v22, v25;
	v24 =	vadd.f32 v24, v26;
	v21 =	vld [tilespmem:s7+$0xC9D0]  }
0xa5: {  	s8 =	sadd.s32 $0x800, s8;
	v25 =	vadd.f32 v27, v28;
	v22 =	vld [tilespmem:s7+$0xC9E0];
	v26 =	vadd.f32 v30, v29  }
.LBB2_12:
0xa6: {  	v15 =	vadd.f32 v15, v23;
	v17 =	vadd.f32 v17, v24  }
0xa7: {  	v27 =	vld [tilespmem:s7+$0xC9F0];
	v14 =	vadd.f32 v14, v25;
	v16 =	vadd.f32 v16, v26  }
0xa8: {  	v23 =	vld [tilespmem:s7+$0xCA60];
	v4 =	vadd.f32 v4, v15;
	v6 =	vadd.f32 v6, v17  }
0xa9: {  	v24 =	vld [tilespmem:s7+$0xCA70];
	v11 =	vadd.f32 v20, v11;
	v7 =	vadd.f32 v7, v14  }
0xaa: {  	v15 =	vld [tilespmem:s7+$0xCAE0];
	v8 =	vadd.f32 v8, v16;
	v13 =	vadd.f32 v21, v13  }
0xab: {  	v14 =	vld [tilespmem:s7+$0xCAF0];
	v12 =	vadd.f32 v22, v12;
	v11 =	vadd.f32 v18, v11  }
0xac: {  	v16 =	vld [tilespmem:s7+$0xCB60];
	v10 =	vadd.f32 v27, v10;
	v13 =	vadd.f32 v19, v13  }
0xad: {  	v17 =	vld [tilespmem:s7+$0xCB70];
	[tilespmem:$0x1C980] =	vst v4;
	v12 =	vadd.f32 v23, v12;
	v5 =	vadd.f32 v5, v11  }
0xae: {  	[tilespmem:$0x1C990] =	vst v6;
	v4 =	vadd.f32 v24, v10;
	v9 =	vadd.f32 v9, v13  }
0xaf: {  	[tilespmem:$0x1C9A0] =	vst v7;
	v6 =	vadd.f32 v15, v12;
	v2 =	vadd.f32 v2, v5  }
0xb0: {  	[tilespmem:$0x1C9B0] =	vst v8;
	v4 =	vadd.f32 v14, v4;
	v3 =	vadd.f32 v3, v9  }
0xb1: {  	v5 =	vadd.f32 v16, v6;
	[tilespmem:$0x1C9C0] =	vst v2  }
0xb2: {  	v2 =	vadd.f32 v17, v4;
	[tilespmem:$0x1C9D0] =	vst v3  }
0xb3: {  	[tilespmem:$0x1C9E0] =	vst v5  }
0xb4: {  	s7 =	simm.s32 $0x0;
	[tilespmem:$0x1C9F0] =	vst v2  }
0xb5: {  	v4 =	vld [tilespmem:s7+$0xDB00]  }
0xb6: {  	v6 =	vld [tilespmem:s7+$0xDB10]  }
0xb7: {  	v7 =	vld [tilespmem:s7+$0xDB20]  }
0xb8: {  	v8 =	vld [tilespmem:s7+$0xDB30]  }
0xb9: {  	v2 =	vld [tilespmem:s7+$0xDB40]  }
0xba: {  	v3 =	vld [tilespmem:s7+$0xDB50]  }
0xbb: {  	v14 =	vld [tilespmem:s7+$0xDA80]  }
0xbc: {  	v16 =	vld [tilespmem:s7+$0xDA90]  }
0xbd: {  	v13 =	vld [tilespmem:s7+$0xDAA0]  }
0xbe: {  	v15 =	vld [tilespmem:s7+$0xDAB0]  }
0xbf: {  	v5 =	vld [tilespmem:s7+$0xDAC0]  }
0xc0: {  	v10 =	vld [tilespmem:s7+$0xDA00]  }
0xc1: {  	v11 =	vld [tilespmem:s7+$0xDA10]  }
0xc2: {  	v12 =	vld [tilespmem:s7+$0xD980]  }
0xc3: {  	v18 =	vld [tilespmem:s7+$0xD990]  }
0xc4: {  	v19 =	vld [tilespmem:s7+$0xD9A0]  }
0xc5: {  	v20 =	vld [tilespmem:s7+$0xD9B0]  }
0xc6: {  	v21 =	vld [tilespmem:s7+$0xDA20]  }
0xc7: {  	v25 =	vld [tilespmem:s7+$0xDA30]  }
0xc8: {  	v9 =	vld [tilespmem:s7+$0xDAD0]  }
0xc9: {  	v17 =	vld [tilespmem:s7+$0xDA40];
	v12 =	vadd.f32 v12, v1;
	v23 =	vadd.f32 v18, v1  }
0xca: {  	v18 =	vld [tilespmem:s7+$0xDA50];
	v24 =	vadd.f32 v19, v1;
	v26 =	vadd.f32 v20, v1  }
0xcb: {  	v19 =	vld [tilespmem:s7+$0xD9C0];
	v22 =	vadd.f32 v10, v12;
	v23 =	vadd.f32 v11, v23  }
0xcc: {  	v20 =	vld [tilespmem:s7+$0xD9D0];
	v24 =	vadd.f32 v21, v24;
	v25 =	vadd.f32 v25, v26  }
0xcd: {  	s8 =	simm.s32 $0x800;
	v21 =	vld [tilespmem:s7+$0xD9E0];
	v12 =	vimm.f32 $0.0e+00;
	v11 =	vimm.f32 $0.0e+00;
	v10 =	vimm.f32 $0.0e+00  }
.LBB2_13:
0xce: {  	p2 =	sne.s32 s8, $0x3800;
	v26 =	vld [tilespmem:s7+$0xD9F0];
	v14 =	vadd.f32 v14, v22;
	v16 =	vadd.f32 v16, v23  }
0xcf: {  	v22 =	vld [tilespmem:s7+$0xDA60];
	v13 =	vadd.f32 v13, v24;
	v15 =	vadd.f32 v15, v25  }
0xd0: {  	v23 =	vld [tilespmem:s7+$0xDA70];
	v24 =	vadd.f32 v4, v14;
	v25 =	vadd.f32 v6, v16  }
0xd1: {  	v14 =	vld [tilespmem:s7+$0xDAE0];
	v27 =	vadd.f32 v7, v13;
	v28 =	vadd.f32 v8, v15  }
0xd2: {  	v1 =	vadd.f32 v19, v1;
	v4 =	vadd.f32 v20, v12;
	v8 =	vld [tilespmem:s7+$0xDAF0]  }
0xd3: {  	v6 =	vadd.f32 v21, v11;
	v7 =	vadd.f32 v26, v10;
	v10 =	vld [tilespmem:s7+$0xDB60]  }
0xd4: {  	v1 =	vadd.f32 v17, v1;
	v11 =	vadd.f32 v18, v4;
	v13 =	vld [tilespmem:s7+$0xDB70];
	s7 =	sshra.s32 s8, $0x2  }
0xd5: {  	v12 =	vadd.f32 v22, v6;
	v4 =	vld [tilespmem:s7+$0xDB00];
	v15 =	vadd.f32 v23, v7  }
0xd6: {  	v1 =	vadd.f32 v5, v1;
	v5 =	vadd.f32 v9, v11;
	v6 =	vld [tilespmem:s7+$0xDB10]  }
0xd7: {  	v9 =	vadd.f32 v14, v12;
	v7 =	vld [tilespmem:s7+$0xDB20];
	v14 =	vadd.f32 v8, v15  }
0xd8: {  	v1 =	vadd.f32 v2, v1;
	v12 =	vadd.f32 v3, v5;
	v8 =	vld [tilespmem:s7+$0xDB30]  }
0xd9: {  	v11 =	vadd.f32 v10, v9;
	v2 =	vld [tilespmem:s7+$0xDB40];
	v10 =	vadd.f32 v13, v14  }
0xda: {  	v3 =	vld [tilespmem:s7+$0xDB50]  }
0xdb: {  	v14 =	vld [tilespmem:s7+$0xDA80]  }
0xdc: {  	v16 =	vld [tilespmem:s7+$0xDA90]  }
0xdd: {  	v13 =	vld [tilespmem:s7+$0xDAA0]  }
0xde: {  	v15 =	vld [tilespmem:s7+$0xDAB0]  }
0xdf: {  	v5 =	vld [tilespmem:s7+$0xDAC0]  }
0xe0: {  	v9 =	vld [tilespmem:s7+$0xDAD0]  }
0xe1: {  	v21 =	vld [tilespmem:s7+$0xDA00]  }
0xe2: {  	v23 =	vld [tilespmem:s7+$0xDA10]  }
0xe3: {  	v18 =	vld [tilespmem:s7+$0xD980]  }
0xe4: {  	v19 =	vld [tilespmem:s7+$0xD990]  }
0xe5: {  	v20 =	vld [tilespmem:s7+$0xD9A0]  }
0xe6: {  	v22 =	vld [tilespmem:s7+$0xD9B0]  }
0xe7: {  	v26 =	vld [tilespmem:s7+$0xDA20]  }
0xe8: {  	v29 =	vld [tilespmem:s7+$0xDA30]  }
.Ltmp7:
0xe9: {  	v17 =	vld [tilespmem:s7+$0xDA40];
	(pc) =	sbr.rel @p2 .LBB2_13-.Ltmp7, $4  }
0xea: {  	v24 =	vadd.f32 v18, v24;
	v25 =	vadd.f32 v19, v25;
	v18 =	vld [tilespmem:s7+$0xDA50]  }
0xeb: {  	v27 =	vadd.f32 v20, v27;
	v28 =	vadd.f32 v22, v28;
	v19 =	vld [tilespmem:s7+$0xD9C0]  }
0xec: {  	v22 =	vadd.f32 v21, v24;
	v23 =	vadd.f32 v23, v25;
	v20 =	vld [tilespmem:s7+$0xD9D0]  }
0xed: {  	s8 =	sadd.s32 $0x800, s8;
	v24 =	vadd.f32 v26, v27;
	v21 =	vld [tilespmem:s7+$0xD9E0];
	v25 =	vadd.f32 v29, v28  }
0xee: {  	v14 =	vadd.f32 v14, v22;
	v16 =	vadd.f32 v16, v23  }
0xef: {  	v26 =	vld [tilespmem:s7+$0xD9F0];
	v13 =	vadd.f32 v13, v24;
	v15 =	vadd.f32 v15, v25  }
0xf0: {  	v22 =	vld [tilespmem:s7+$0xDA60];
	v4 =	vadd.f32 v4, v14;
	v6 =	vadd.f32 v6, v16  }
0xf1: {  	v23 =	vld [tilespmem:s7+$0xDA70];
	v1 =	vadd.f32 v19, v1;
	v7 =	vadd.f32 v7, v13  }
0xf2: {  	v14 =	vld [tilespmem:s7+$0xDAE0];
	v8 =	vadd.f32 v8, v15;
	v12 =	vadd.f32 v20, v12  }
0xf3: {  	v13 =	vld [tilespmem:s7+$0xDAF0];
	v11 =	vadd.f32 v21, v11;
	v1 =	vadd.f32 v17, v1  }
0xf4: {  	v15 =	vld [tilespmem:s7+$0xDB60];
	v10 =	vadd.f32 v26, v10;
	v12 =	vadd.f32 v18, v12  }
0xf5: {  	v16 =	vld [tilespmem:s7+$0xDB70];
	[tilespmem:$0x1CA00] =	vst v4;
	v11 =	vadd.f32 v22, v11;
	v1 =	vadd.f32 v5, v1  }
0xf6: {  	[tilespmem:$0x1CA10] =	vst v6;
	v4 =	vadd.f32 v23, v10;
	v5 =	vadd.f32 v9, v12  }
0xf7: {  	[tilespmem:$0x1CA20] =	vst v7;
	v6 =	vadd.f32 v14, v11;
	v1 =	vadd.f32 v2, v1  }
0xf8: {  	[tilespmem:$0x1CA30] =	vst v8;
	v2 =	vadd.f32 v13, v4;
	v3 =	vadd.f32 v3, v5  }
0xf9: {  	v4 =	vadd.f32 v15, v6;
	[tilespmem:$0x1CA40] =	vst v1  }
0xfa: {  	v1 =	vadd.f32 v16, v2;
	[tilespmem:$0x1CA50] =	vst v3  }
0xfb: {  	[tilespmem:$0x1CA60] =	vst v4  }
0xfc: {  	s7 =	simm.s32 $0x0;
	[tilespmem:$0x1CA70] =	vst v1  }
0xfd: {  	v3 =	vld [tilespmem:s7+$0xEB00]  }
0xfe: {  	v5 =	vld [tilespmem:s7+$0xEB10]  }
0xff: {  	v6 =	vld [tilespmem:s7+$0xEB20]  }
0x100: {  	v7 =	vld [tilespmem:s7+$0xEB30]  }
0x101: {  	v1 =	vld [tilespmem:s7+$0xEB40]  }
0x102: {  	v2 =	vld [tilespmem:s7+$0xEB50]  }
0x103: {  	v14 =	vld [tilespmem:s7+$0xEA80]  }
0x104: {  	v16 =	vld [tilespmem:s7+$0xEA90]  }
0x105: {  	v13 =	vld [tilespmem:s7+$0xEAA0]  }
0x106: {  	v15 =	vld [tilespmem:s7+$0xEAB0]  }
0x107: {  	v4 =	vld [tilespmem:s7+$0xEAC0]  }
0x108: {  	v10 =	vld [tilespmem:s7+$0xEA00]  }
0x109: {  	v11 =	vld [tilespmem:s7+$0xEA10]  }
0x10a: {  	v12 =	vld [tilespmem:s7+$0xE980]  }
0x10b: {  	v18 =	vld [tilespmem:s7+$0xE990]  }
0x10c: {  	v19 =	vld [tilespmem:s7+$0xE9A0]  }
0x10d: {  	v20 =	vld [tilespmem:s7+$0xE9B0]  }
0x10e: {  	v21 =	vld [tilespmem:s7+$0xEA20]  }
0x10f: {  	v25 =	vld [tilespmem:s7+$0xEA30]  }
0x110: {  	v9 =	vimm.f32 $0.0e+00;
	v8 =	vld [tilespmem:s7+$0xEAD0]  }
0x111: {  	v17 =	vld [tilespmem:s7+$0xEA40];
	v12 =	vadd.f32 v12, v9;
	v23 =	vadd.f32 v18, v9  }
0x112: {  	v18 =	vld [tilespmem:s7+$0xEA50];
	v24 =	vadd.f32 v19, v9;
	v26 =	vadd.f32 v20, v9  }
0x113: {  	v19 =	vld [tilespmem:s7+$0xE9C0];
	v22 =	vadd.f32 v10, v12;
	v23 =	vadd.f32 v11, v23  }
0x114: {  	v20 =	vld [tilespmem:s7+$0xE9D0];
	v24 =	vadd.f32 v21, v24;
	v25 =	vadd.f32 v25, v26  }
0x115: {  	s8 =	simm.s32 $0x800;
	v21 =	vld [tilespmem:s7+$0xE9E0];
	v12 =	vimm.f32 $0.0e+00;
	v11 =	vimm.f32 $0.0e+00;
	v10 =	vimm.f32 $0.0e+00  }
.LBB2_15:
0x116: {  	p2 =	sne.s32 s8, $0x3800;
	v26 =	vld [tilespmem:s7+$0xE9F0];
	v14 =	vadd.f32 v14, v22;
	v16 =	vadd.f32 v16, v23  }
0x117: {  	v22 =	vld [tilespmem:s7+$0xEA60];
	v13 =	vadd.f32 v13, v24;
	v15 =	vadd.f32 v15, v25  }
0x118: {  	v23 =	vld [tilespmem:s7+$0xEA70];
	v24 =	vadd.f32 v3, v14;
	v25 =	vadd.f32 v5, v16  }
0x119: {  	v14 =	vld [tilespmem:s7+$0xEAE0];
	v27 =	vadd.f32 v6, v13;
	v28 =	vadd.f32 v7, v15  }
0x11a: {  	v3 =	vadd.f32 v19, v9;
	v5 =	vadd.f32 v20, v12;
	v7 =	vld [tilespmem:s7+$0xEAF0]  }
0x11b: {  	v6 =	vadd.f32 v21, v11;
	v9 =	vadd.f32 v26, v10;
	v10 =	vld [tilespmem:s7+$0xEB60]  }
0x11c: {  	v11 =	vadd.f32 v17, v3;
	v12 =	vadd.f32 v18, v5;
	v13 =	vld [tilespmem:s7+$0xEB70];
	s7 =	sshra.s32 s8, $0x2  }
0x11d: {  	v15 =	vadd.f32 v22, v6;
	v3 =	vld [tilespmem:s7+$0xEB00];
	v9 =	vadd.f32 v23, v9  }
0x11e: {  	v4 =	vadd.f32 v4, v11;
	v8 =	vadd.f32 v8, v12;
	v5 =	vld [tilespmem:s7+$0xEB10]  }
0x11f: {  	v11 =	vadd.f32 v14, v15;
	v6 =	vld [tilespmem:s7+$0xEB20];
	v14 =	vadd.f32 v7, v9  }
0x120: {  	v9 =	vadd.f32 v1, v4;
	v12 =	vadd.f32 v2, v8;
	v7 =	vld [tilespmem:s7+$0xEB30]  }
0x121: {  	v11 =	vadd.f32 v10, v11;
	v1 =	vld [tilespmem:s7+$0xEB40];
	v10 =	vadd.f32 v13, v14  }
0x122: {  	v2 =	vld [tilespmem:s7+$0xEB50]  }
0x123: {  	v14 =	vld [tilespmem:s7+$0xEA80]  }
0x124: {  	v16 =	vld [tilespmem:s7+$0xEA90]  }
0x125: {  	v13 =	vld [tilespmem:s7+$0xEAA0]  }
0x126: {  	v15 =	vld [tilespmem:s7+$0xEAB0]  }
0x127: {  	v4 =	vld [tilespmem:s7+$0xEAC0]  }
0x128: {  	v8 =	vld [tilespmem:s7+$0xEAD0]  }
0x129: {  	v21 =	vld [tilespmem:s7+$0xEA00]  }
0x12a: {  	v23 =	vld [tilespmem:s7+$0xEA10]  }
0x12b: {  	v18 =	vld [tilespmem:s7+$0xE980]  }
0x12c: {  	v19 =	vld [tilespmem:s7+$0xE990]  }
0x12d: {  	v20 =	vld [tilespmem:s7+$0xE9A0]  }
0x12e: {  	v22 =	vld [tilespmem:s7+$0xE9B0]  }
0x12f: {  	v26 =	vld [tilespmem:s7+$0xEA20]  }
0x130: {  	v29 =	vld [tilespmem:s7+$0xEA30]  }
.Ltmp8:
0x131: {  	v17 =	vld [tilespmem:s7+$0xEA40];
	(pc) =	sbr.rel @p2 .LBB2_15-.Ltmp8, $4  }
0x132: {  	v24 =	vadd.f32 v18, v24;
	v25 =	vadd.f32 v19, v25;
	v18 =	vld [tilespmem:s7+$0xEA50]  }
0x133: {  	v27 =	vadd.f32 v20, v27;
	v28 =	vadd.f32 v22, v28;
	v19 =	vld [tilespmem:s7+$0xE9C0]  }
0x134: {  	v22 =	vadd.f32 v21, v24;
	v23 =	vadd.f32 v23, v25;
	v20 =	vld [tilespmem:s7+$0xE9D0]  }
0x135: {  	s8 =	sadd.s32 $0x800, s8;
	v24 =	vadd.f32 v26, v27;
	v21 =	vld [tilespmem:s7+$0xE9E0];
	v25 =	vadd.f32 v29, v28  }
0x136: {  	v14 =	vadd.f32 v14, v22;
	v16 =	vadd.f32 v16, v23  }
0x137: {  	v26 =	vld [tilespmem:s7+$0xE9F0];
	v13 =	vadd.f32 v13, v24;
	v15 =	vadd.f32 v15, v25  }
0x138: {  	v22 =	vld [tilespmem:s7+$0xEA60];
	v3 =	vadd.f32 v3, v14;
	v5 =	vadd.f32 v5, v16  }
0x139: {  	v23 =	vld [tilespmem:s7+$0xEA70];
	v9 =	vadd.f32 v19, v9;
	v6 =	vadd.f32 v6, v13  }
0x13a: {  	v14 =	vld [tilespmem:s7+$0xEAE0];
	v7 =	vadd.f32 v7, v15;
	v12 =	vadd.f32 v20, v12  }
0x13b: {  	v13 =	vld [tilespmem:s7+$0xEAF0];
	v11 =	vadd.f32 v21, v11;
	v9 =	vadd.f32 v17, v9  }
0x13c: {  	v15 =	vld [tilespmem:s7+$0xEB60];
	v10 =	vadd.f32 v26, v10;
	v12 =	vadd.f32 v18, v12  }
0x13d: {  	v16 =	vld [tilespmem:s7+$0xEB70];
	[tilespmem:$0x1CA80] =	vst v3;
	v11 =	vadd.f32 v22, v11;
	v4 =	vadd.f32 v4, v9  }
0x13e: {  	[tilespmem:$0x1CA90] =	vst v5;
	v3 =	vadd.f32 v23, v10;
	v8 =	vadd.f32 v8, v12  }
0x13f: {  	[tilespmem:$0x1CAA0] =	vst v6;
	v5 =	vadd.f32 v14, v11;
	v1 =	vadd.f32 v1, v4  }
0x140: {  	[tilespmem:$0x1CAB0] =	vst v7;
	v3 =	vadd.f32 v13, v3;
	v2 =	vadd.f32 v2, v8  }
0x141: {  	v4 =	vadd.f32 v15, v5;
	[tilespmem:$0x1CAC0] =	vst v1  }
0x142: {  	v1 =	vadd.f32 v16, v3;
	[tilespmem:$0x1CAD0] =	vst v2  }
0x143: {  	[tilespmem:$0x1CAE0] =	vst v4  }
0x144: {  	s7 =	simm.s32 $0x0;
	[tilespmem:$0x1CAF0] =	vst v1  }
0x145: {  	v3 =	vld [tilespmem:s7+$0xFB00]  }
0x146: {  	v5 =	vld [tilespmem:s7+$0xFB10]  }
0x147: {  	v6 =	vld [tilespmem:s7+$0xFB20]  }
0x148: {  	v7 =	vld [tilespmem:s7+$0xFB30]  }
0x149: {  	v1 =	vld [tilespmem:s7+$0xFB40]  }
0x14a: {  	v2 =	vld [tilespmem:s7+$0xFB50]  }
0x14b: {  	v14 =	vld [tilespmem:s7+$0xFA80]  }
0x14c: {  	v16 =	vld [tilespmem:s7+$0xFA90]  }
0x14d: {  	v13 =	vld [tilespmem:s7+$0xFAA0]  }
0x14e: {  	v15 =	vld [tilespmem:s7+$0xFAB0]  }
0x14f: {  	v4 =	vld [tilespmem:s7+$0xFAC0]  }
0x150: {  	v10 =	vld [tilespmem:s7+$0xFA00]  }
0x151: {  	v11 =	vld [tilespmem:s7+$0xFA10]  }
0x152: {  	v12 =	vld [tilespmem:s7+$0xF980]  }
0x153: {  	v18 =	vld [tilespmem:s7+$0xF990]  }
0x154: {  	v19 =	vld [tilespmem:s7+$0xF9A0]  }
0x155: {  	v20 =	vld [tilespmem:s7+$0xF9B0]  }
0x156: {  	v21 =	vld [tilespmem:s7+$0xFA20]  }
0x157: {  	v25 =	vld [tilespmem:s7+$0xFA30]  }
0x158: {  	v9 =	vimm.f32 $0.0e+00;
	v8 =	vld [tilespmem:s7+$0xFAD0]  }
0x159: {  	v17 =	vld [tilespmem:s7+$0xFA40];
	v12 =	vadd.f32 v12, v9;
	v23 =	vadd.f32 v18, v9  }
0x15a: {  	v18 =	vld [tilespmem:s7+$0xFA50];
	v24 =	vadd.f32 v19, v9;
	v26 =	vadd.f32 v20, v9  }
0x15b: {  	v19 =	vld [tilespmem:s7+$0xF9C0];
	v22 =	vadd.f32 v10, v12;
	v23 =	vadd.f32 v11, v23  }
0x15c: {  	v20 =	vld [tilespmem:s7+$0xF9D0];
	v24 =	vadd.f32 v21, v24;
	v25 =	vadd.f32 v25, v26  }
0x15d: {  	s8 =	simm.s32 $0x800;
	v21 =	vld [tilespmem:s7+$0xF9E0];
	v12 =	vimm.f32 $0.0e+00;
	v11 =	vimm.f32 $0.0e+00;
	v10 =	vimm.f32 $0.0e+00  }
.LBB2_17:
0x15e: {  	p2 =	sne.s32 s8, $0x3800;
	v26 =	vld [tilespmem:s7+$0xF9F0];
	v14 =	vadd.f32 v14, v22;
	v16 =	vadd.f32 v16, v23  }
0x15f: {  	v22 =	vld [tilespmem:s7+$0xFA60];
	v13 =	vadd.f32 v13, v24;
	v15 =	vadd.f32 v15, v25  }
0x160: {  	v23 =	vld [tilespmem:s7+$0xFA70];
	v24 =	vadd.f32 v3, v14;
	v25 =	vadd.f32 v5, v16  }
0x161: {  	v14 =	vld [tilespmem:s7+$0xFAE0];
	v27 =	vadd.f32 v6, v13;
	v28 =	vadd.f32 v7, v15  }
0x162: {  	v3 =	vadd.f32 v19, v9;
	v5 =	vadd.f32 v20, v12;
	v7 =	vld [tilespmem:s7+$0xFAF0]  }
0x163: {  	v6 =	vadd.f32 v21, v11;
	v9 =	vadd.f32 v26, v10;
	v10 =	vld [tilespmem:s7+$0xFB60]  }
0x164: {  	v11 =	vadd.f32 v17, v3;
	v12 =	vadd.f32 v18, v5;
	v13 =	vld [tilespmem:s7+$0xFB70];
	s7 =	sshra.s32 s8, $0x2  }
0x165: {  	v15 =	vadd.f32 v22, v6;
	v3 =	vld [tilespmem:s7+$0xFB00];
	v9 =	vadd.f32 v23, v9  }
0x166: {  	v4 =	vadd.f32 v4, v11;
	v8 =	vadd.f32 v8, v12;
	v5 =	vld [tilespmem:s7+$0xFB10]  }
0x167: {  	v11 =	vadd.f32 v14, v15;
	v6 =	vld [tilespmem:s7+$0xFB20];
	v14 =	vadd.f32 v7, v9  }
0x168: {  	v9 =	vadd.f32 v1, v4;
	v12 =	vadd.f32 v2, v8;
	v7 =	vld [tilespmem:s7+$0xFB30]  }
0x169: {  	v11 =	vadd.f32 v10, v11;
	v1 =	vld [tilespmem:s7+$0xFB40];
	v10 =	vadd.f32 v13, v14  }
0x16a: {  	v2 =	vld [tilespmem:s7+$0xFB50]  }
0x16b: {  	v14 =	vld [tilespmem:s7+$0xFA80]  }
0x16c: {  	v16 =	vld [tilespmem:s7+$0xFA90]  }
0x16d: {  	v13 =	vld [tilespmem:s7+$0xFAA0]  }
0x16e: {  	v15 =	vld [tilespmem:s7+$0xFAB0]  }
0x16f: {  	v4 =	vld [tilespmem:s7+$0xFAC0]  }
0x170: {  	v8 =	vld [tilespmem:s7+$0xFAD0]  }
0x171: {  	v21 =	vld [tilespmem:s7+$0xFA00]  }
0x172: {  	v23 =	vld [tilespmem:s7+$0xFA10]  }
0x173: {  	v18 =	vld [tilespmem:s7+$0xF980]  }
0x174: {  	v19 =	vld [tilespmem:s7+$0xF990]  }
0x175: {  	v20 =	vld [tilespmem:s7+$0xF9A0]  }
0x176: {  	v22 =	vld [tilespmem:s7+$0xF9B0]  }
0x177: {  	v26 =	vld [tilespmem:s7+$0xFA20]  }
0x178: {  	v29 =	vld [tilespmem:s7+$0xFA30]  }
.Ltmp9:
0x179: {  	v17 =	vld [tilespmem:s7+$0xFA40];
	(pc) =	sbr.rel @p2 .LBB2_17-.Ltmp9, $4  }
0x17a: {  	v24 =	vadd.f32 v18, v24;
	v25 =	vadd.f32 v19, v25;
	v18 =	vld [tilespmem:s7+$0xFA50]  }
0x17b: {  	v27 =	vadd.f32 v20, v27;
	v28 =	vadd.f32 v22, v28;
	v19 =	vld [tilespmem:s7+$0xF9C0]  }
0x17c: {  	v22 =	vadd.f32 v21, v24;
	v23 =	vadd.f32 v23, v25;
	v20 =	vld [tilespmem:s7+$0xF9D0]  }
0x17d: {  	s8 =	sadd.s32 $0x800, s8;
	v24 =	vadd.f32 v26, v27;
	v21 =	vld [tilespmem:s7+$0xF9E0];
	v25 =	vadd.f32 v29, v28  }
0x17e: {  	v14 =	vadd.f32 v14, v22;
	v16 =	vadd.f32 v16, v23  }
0x17f: {  	v26 =	vld [tilespmem:s7+$0xF9F0];
	v13 =	vadd.f32 v13, v24;
	v15 =	vadd.f32 v15, v25  }
0x180: {  	v22 =	vld [tilespmem:s7+$0xFA60];
	v3 =	vadd.f32 v3, v14;
	v5 =	vadd.f32 v5, v16  }
0x181: {  	v23 =	vld [tilespmem:s7+$0xFA70];
	v9 =	vadd.f32 v19, v9;
	v6 =	vadd.f32 v6, v13  }
0x182: {  	v14 =	vld [tilespmem:s7+$0xFAE0];
	v7 =	vadd.f32 v7, v15;
	v12 =	vadd.f32 v20, v12  }
0x183: {  	v13 =	vld [tilespmem:s7+$0xFAF0];
	v11 =	vadd.f32 v21, v11;
	v9 =	vadd.f32 v17, v9  }
0x184: {  	v15 =	vld [tilespmem:s7+$0xFB60];
	v10 =	vadd.f32 v26, v10;
	v12 =	vadd.f32 v18, v12  }
0x185: {  	v16 =	vld [tilespmem:s7+$0xFB70];
	[tilespmem:$0x1CB00] =	vst v3;
	v11 =	vadd.f32 v22, v11;
	v4 =	vadd.f32 v4, v9  }
0x186: {  	[tilespmem:$0x1CB10] =	vst v5;
	v3 =	vadd.f32 v23, v10;
	v8 =	vadd.f32 v8, v12  }
0x187: {  	[tilespmem:$0x1CB20] =	vst v6;
	v5 =	vadd.f32 v14, v11;
	v1 =	vadd.f32 v1, v4  }
0x188: {  	[tilespmem:$0x1CB30] =	vst v7;
	v3 =	vadd.f32 v13, v3;
	v2 =	vadd.f32 v2, v8  }
0x189: {  	v4 =	vadd.f32 v15, v5;
	[tilespmem:$0x1CB40] =	vst v1  }
0x18a: {  	v1 =	vadd.f32 v16, v3;
	[tilespmem:$0x1CB50] =	vst v2  }
0x18b: {  	[tilespmem:$0x1CB60] =	vst v4  }
0x18c: {  	s7 =	simm.s32 $0x0;
	[tilespmem:$0x1CB70] =	vst v1  }
0x18d: {  	v3 =	vld [tilespmem:s7+$0x10B00]  }
0x18e: {  	v5 =	vld [tilespmem:s7+$0x10B10]  }
0x18f: {  	v6 =	vld [tilespmem:s7+$0x10B20]  }
0x190: {  	v7 =	vld [tilespmem:s7+$0x10B30]  }
0x191: {  	v1 =	vld [tilespmem:s7+$0x10B40]  }
0x192: {  	v2 =	vld [tilespmem:s7+$0x10B50]  }
0x193: {  	v14 =	vld [tilespmem:s7+$0x10A80]  }
0x194: {  	v16 =	vld [tilespmem:s7+$0x10A90]  }
0x195: {  	v13 =	vld [tilespmem:s7+$0x10AA0]  }
0x196: {  	v15 =	vld [tilespmem:s7+$0x10AB0]  }
0x197: {  	v4 =	vld [tilespmem:s7+$0x10AC0]  }
0x198: {  	v10 =	vld [tilespmem:s7+$0x10A00]  }
0x199: {  	v11 =	vld [tilespmem:s7+$0x10A10]  }
0x19a: {  	v12 =	vld [tilespmem:s7+$0x10980]  }
0x19b: {  	v18 =	vld [tilespmem:s7+$0x10990]  }
0x19c: {  	v19 =	vld [tilespmem:s7+$0x109A0]  }
0x19d: {  	v20 =	vld [tilespmem:s7+$0x109B0]  }
0x19e: {  	v21 =	vld [tilespmem:s7+$0x10A20]  }
0x19f: {  	v25 =	vld [tilespmem:s7+$0x10A30]  }
0x1a0: {  	v9 =	vimm.f32 $0.0e+00;
	v8 =	vld [tilespmem:s7+$0x10AD0]  }
0x1a1: {  	v17 =	vld [tilespmem:s7+$0x10A40];
	v12 =	vadd.f32 v12, v9;
	v23 =	vadd.f32 v18, v9  }
0x1a2: {  	v18 =	vld [tilespmem:s7+$0x10A50];
	v24 =	vadd.f32 v19, v9;
	v26 =	vadd.f32 v20, v9  }
0x1a3: {  	v19 =	vld [tilespmem:s7+$0x109C0];
	v22 =	vadd.f32 v10, v12;
	v23 =	vadd.f32 v11, v23  }
0x1a4: {  	v20 =	vld [tilespmem:s7+$0x109D0];
	v24 =	vadd.f32 v21, v24;
	v25 =	vadd.f32 v25, v26  }
0x1a5: {  	s8 =	simm.s32 $0x800;
	v21 =	vld [tilespmem:s7+$0x109E0];
	v12 =	vimm.f32 $0.0e+00;
	v11 =	vimm.f32 $0.0e+00;
	v10 =	vimm.f32 $0.0e+00  }
.LBB2_19:
0x1a6: {  	p2 =	sne.s32 s8, $0x3800;
	v26 =	vld [tilespmem:s7+$0x109F0];
	v14 =	vadd.f32 v14, v22;
	v16 =	vadd.f32 v16, v23  }
0x1a7: {  	v22 =	vld [tilespmem:s7+$0x10A60];
	v13 =	vadd.f32 v13, v24;
	v15 =	vadd.f32 v15, v25  }
0x1a8: {  	v23 =	vld [tilespmem:s7+$0x10A70];
	v24 =	vadd.f32 v3, v14;
	v25 =	vadd.f32 v5, v16  }
0x1a9: {  	v14 =	vld [tilespmem:s7+$0x10AE0];
	v27 =	vadd.f32 v6, v13;
	v28 =	vadd.f32 v7, v15  }
0x1aa: {  	v3 =	vadd.f32 v19, v9;
	v5 =	vadd.f32 v20, v12;
	v7 =	vld [tilespmem:s7+$0x10AF0]  }
0x1ab: {  	v6 =	vadd.f32 v21, v11;
	v9 =	vadd.f32 v26, v10;
	v10 =	vld [tilespmem:s7+$0x10B60]  }
0x1ac: {  	v11 =	vadd.f32 v17, v3;
	v12 =	vadd.f32 v18, v5;
	v13 =	vld [tilespmem:s7+$0x10B70];
	s7 =	sshra.s32 s8, $0x2  }
0x1ad: {  	v15 =	vadd.f32 v22, v6;
	v3 =	vld [tilespmem:s7+$0x10B00];
	v9 =	vadd.f32 v23, v9  }
0x1ae: {  	v4 =	vadd.f32 v4, v11;
	v8 =	vadd.f32 v8, v12;
	v5 =	vld [tilespmem:s7+$0x10B10]  }
0x1af: {  	v11 =	vadd.f32 v14, v15;
	v6 =	vld [tilespmem:s7+$0x10B20];
	v14 =	vadd.f32 v7, v9  }
0x1b0: {  	v9 =	vadd.f32 v1, v4;
	v12 =	vadd.f32 v2, v8;
	v7 =	vld [tilespmem:s7+$0x10B30]  }
0x1b1: {  	v11 =	vadd.f32 v10, v11;
	v1 =	vld [tilespmem:s7+$0x10B40];
	v10 =	vadd.f32 v13, v14  }
0x1b2: {  	v2 =	vld [tilespmem:s7+$0x10B50]  }
0x1b3: {  	v14 =	vld [tilespmem:s7+$0x10A80]  }
0x1b4: {  	v16 =	vld [tilespmem:s7+$0x10A90]  }
0x1b5: {  	v13 =	vld [tilespmem:s7+$0x10AA0]  }
0x1b6: {  	v15 =	vld [tilespmem:s7+$0x10AB0]  }
0x1b7: {  	v4 =	vld [tilespmem:s7+$0x10AC0]  }
0x1b8: {  	v8 =	vld [tilespmem:s7+$0x10AD0]  }
0x1b9: {  	v21 =	vld [tilespmem:s7+$0x10A00]  }
0x1ba: {  	v23 =	vld [tilespmem:s7+$0x10A10]  }
0x1bb: {  	v18 =	vld [tilespmem:s7+$0x10980]  }
0x1bc: {  	v19 =	vld [tilespmem:s7+$0x10990]  }
0x1bd: {  	v20 =	vld [tilespmem:s7+$0x109A0]  }
0x1be: {  	v22 =	vld [tilespmem:s7+$0x109B0]  }
0x1bf: {  	v26 =	vld [tilespmem:s7+$0x10A20]  }
0x1c0: {  	v29 =	vld [tilespmem:s7+$0x10A30]  }
.Ltmp10:
0x1c1: {  	v17 =	vld [tilespmem:s7+$0x10A40];
	(pc) =	sbr.rel @p2 .LBB2_19-.Ltmp10, $4  }
0x1c2: {  	v24 =	vadd.f32 v18, v24;
	v25 =	vadd.f32 v19, v25;
	v18 =	vld [tilespmem:s7+$0x10A50]  }
0x1c3: {  	v27 =	vadd.f32 v20, v27;
	v28 =	vadd.f32 v22, v28;
	v19 =	vld [tilespmem:s7+$0x109C0]  }
0x1c4: {  	v22 =	vadd.f32 v21, v24;
	v23 =	vadd.f32 v23, v25;
	v20 =	vld [tilespmem:s7+$0x109D0]  }
0x1c5: {  	s8 =	sadd.s32 $0x800, s8;
	v24 =	vadd.f32 v26, v27;
	v21 =	vld [tilespmem:s7+$0x109E0];
	v25 =	vadd.f32 v29, v28  }
0x1c6: {  	v14 =	vadd.f32 v14, v22;
	v16 =	vadd.f32 v16, v23  }
0x1c7: {  	v26 =	vld [tilespmem:s7+$0x109F0];
	v13 =	vadd.f32 v13, v24;
	v15 =	vadd.f32 v15, v25  }
0x1c8: {  	v22 =	vld [tilespmem:s7+$0x10A60];
	v3 =	vadd.f32 v3, v14;
	v5 =	vadd.f32 v5, v16  }
0x1c9: {  	v23 =	vld [tilespmem:s7+$0x10A70];
	v9 =	vadd.f32 v19, v9;
	v6 =	vadd.f32 v6, v13  }
0x1ca: {  	v14 =	vld [tilespmem:s7+$0x10AE0];
	v7 =	vadd.f32 v7, v15;
	v12 =	vadd.f32 v20, v12  }
0x1cb: {  	v13 =	vld [tilespmem:s7+$0x10AF0];
	v11 =	vadd.f32 v21, v11;
	v9 =	vadd.f32 v17, v9  }
0x1cc: {  	v15 =	vld [tilespmem:s7+$0x10B60];
	v10 =	vadd.f32 v26, v10;
	v12 =	vadd.f32 v18, v12  }
0x1cd: {  	v16 =	vld [tilespmem:s7+$0x10B70];
	[tilespmem:$0x1CB80] =	vst v3;
	v11 =	vadd.f32 v22, v11;
	v4 =	vadd.f32 v4, v9  }
0x1ce: {  	[tilespmem:$0x1CB90] =	vst v5;
	v3 =	vadd.f32 v23, v10;
	v8 =	vadd.f32 v8, v12  }
0x1cf: {  	[tilespmem:$0x1CBA0] =	vst v6;
	v5 =	vadd.f32 v14, v11;
	v1 =	vadd.f32 v1, v4  }
0x1d0: {  	[tilespmem:$0x1CBB0] =	vst v7;
	v3 =	vadd.f32 v13, v3;
	v2 =	vadd.f32 v2, v8  }
0x1d1: {  	v4 =	vadd.f32 v15, v5;
	[tilespmem:$0x1CBC0] =	vst v1  }
0x1d2: {  	v1 =	vadd.f32 v16, v3;
	[tilespmem:$0x1CBD0] =	vst v2  }
0x1d3: {  	[tilespmem:$0x1CBE0] =	vst v4  }
0x1d4: {  	s7 =	simm.s32 $0x0;
	[tilespmem:$0x1CBF0] =	vst v1  }
0x1d5: {  	v3 =	vld [tilespmem:s7+$0x11B00]  }
0x1d6: {  	v5 =	vld [tilespmem:s7+$0x11B10]  }
0x1d7: {  	v6 =	vld [tilespmem:s7+$0x11B20]  }
0x1d8: {  	v7 =	vld [tilespmem:s7+$0x11B30]  }
0x1d9: {  	v1 =	vld [tilespmem:s7+$0x11B40]  }
0x1da: {  	v2 =	vld [tilespmem:s7+$0x11B50]  }
0x1db: {  	v14 =	vld [tilespmem:s7+$0x11A80]  }
0x1dc: {  	v16 =	vld [tilespmem:s7+$0x11A90]  }
0x1dd: {  	v13 =	vld [tilespmem:s7+$0x11AA0]  }
0x1de: {  	v15 =	vld [tilespmem:s7+$0x11AB0]  }
0x1df: {  	v4 =	vld [tilespmem:s7+$0x11AC0]  }
0x1e0: {  	v10 =	vld [tilespmem:s7+$0x11A00]  }
0x1e1: {  	v11 =	vld [tilespmem:s7+$0x11A10]  }
0x1e2: {  	v12 =	vld [tilespmem:s7+$0x11980]  }
0x1e3: {  	v18 =	vld [tilespmem:s7+$0x11990]  }
0x1e4: {  	v19 =	vld [tilespmem:s7+$0x119A0]  }
0x1e5: {  	v20 =	vld [tilespmem:s7+$0x119B0]  }
0x1e6: {  	v21 =	vld [tilespmem:s7+$0x11A20]  }
0x1e7: {  	v25 =	vld [tilespmem:s7+$0x11A30]  }
0x1e8: {  	v9 =	vimm.f32 $0.0e+00;
	v8 =	vld [tilespmem:s7+$0x11AD0]  }
0x1e9: {  	v17 =	vld [tilespmem:s7+$0x11A40];
	v12 =	vadd.f32 v12, v9;
	v23 =	vadd.f32 v18, v9  }
0x1ea: {  	v18 =	vld [tilespmem:s7+$0x11A50];
	v24 =	vadd.f32 v19, v9;
	v26 =	vadd.f32 v20, v9  }
0x1eb: {  	v19 =	vld [tilespmem:s7+$0x119C0];
	v22 =	vadd.f32 v10, v12;
	v23 =	vadd.f32 v11, v23  }
0x1ec: {  	v20 =	vld [tilespmem:s7+$0x119D0];
	v24 =	vadd.f32 v21, v24;
	v25 =	vadd.f32 v25, v26  }
0x1ed: {  	s8 =	simm.s32 $0x800;
	v21 =	vld [tilespmem:s7+$0x119E0];
	v12 =	vimm.f32 $0.0e+00;
	v11 =	vimm.f32 $0.0e+00;
	v10 =	vimm.f32 $0.0e+00  }
.LBB2_21:
0x1ee: {  	p2 =	sne.s32 s8, $0x3800;
	v26 =	vld [tilespmem:s7+$0x119F0];
	v14 =	vadd.f32 v14, v22;
	v16 =	vadd.f32 v16, v23  }
0x1ef: {  	v22 =	vld [tilespmem:s7+$0x11A60];
	v13 =	vadd.f32 v13, v24;
	v15 =	vadd.f32 v15, v25  }
0x1f0: {  	v23 =	vld [tilespmem:s7+$0x11A70];
	v24 =	vadd.f32 v3, v14;
	v25 =	vadd.f32 v5, v16  }
0x1f1: {  	v14 =	vld [tilespmem:s7+$0x11AE0];
	v27 =	vadd.f32 v6, v13;
	v28 =	vadd.f32 v7, v15  }
0x1f2: {  	v3 =	vadd.f32 v19, v9;
	v5 =	vadd.f32 v20, v12;
	v7 =	vld [tilespmem:s7+$0x11AF0]  }
0x1f3: {  	v6 =	vadd.f32 v21, v11;
	v9 =	vadd.f32 v26, v10;
	v10 =	vld [tilespmem:s7+$0x11B60]  }
0x1f4: {  	v11 =	vadd.f32 v17, v3;
	v12 =	vadd.f32 v18, v5;
	v13 =	vld [tilespmem:s7+$0x11B70];
	s7 =	sshra.s32 s8, $0x2  }
0x1f5: {  	v15 =	vadd.f32 v22, v6;
	v3 =	vld [tilespmem:s7+$0x11B00];
	v9 =	vadd.f32 v23, v9  }
0x1f6: {  	v4 =	vadd.f32 v4, v11;
	v8 =	vadd.f32 v8, v12;
	v5 =	vld [tilespmem:s7+$0x11B10]  }
0x1f7: {  	v11 =	vadd.f32 v14, v15;
	v6 =	vld [tilespmem:s7+$0x11B20];
	v14 =	vadd.f32 v7, v9  }
0x1f8: {  	v9 =	vadd.f32 v1, v4;
	v12 =	vadd.f32 v2, v8;
	v7 =	vld [tilespmem:s7+$0x11B30]  }
0x1f9: {  	v11 =	vadd.f32 v10, v11;
	v1 =	vld [tilespmem:s7+$0x11B40];
	v10 =	vadd.f32 v13, v14  }
0x1fa: {  	v2 =	vld [tilespmem:s7+$0x11B50]  }
0x1fb: {  	v14 =	vld [tilespmem:s7+$0x11A80]  }
0x1fc: {  	v16 =	vld [tilespmem:s7+$0x11A90]  }
0x1fd: {  	v13 =	vld [tilespmem:s7+$0x11AA0]  }
0x1fe: {  	v15 =	vld [tilespmem:s7+$0x11AB0]  }
0x1ff: {  	v4 =	vld [tilespmem:s7+$0x11AC0]  }
0x200: {  	v8 =	vld [tilespmem:s7+$0x11AD0]  }
0x201: {  	v21 =	vld [tilespmem:s7+$0x11A00]  }
0x202: {  	v23 =	vld [tilespmem:s7+$0x11A10]  }
0x203: {  	v18 =	vld [tilespmem:s7+$0x11980]  }
0x204: {  	v19 =	vld [tilespmem:s7+$0x11990]  }
0x205: {  	v20 =	vld [tilespmem:s7+$0x119A0]  }
0x206: {  	v22 =	vld [tilespmem:s7+$0x119B0]  }
0x207: {  	v26 =	vld [tilespmem:s7+$0x11A20]  }
0x208: {  	v29 =	vld [tilespmem:s7+$0x11A30]  }
.Ltmp11:
0x209: {  	v17 =	vld [tilespmem:s7+$0x11A40];
	(pc) =	sbr.rel @p2 .LBB2_21-.Ltmp11, $4  }
0x20a: {  	v24 =	vadd.f32 v18, v24;
	v25 =	vadd.f32 v19, v25;
	v18 =	vld [tilespmem:s7+$0x11A50]  }
0x20b: {  	v27 =	vadd.f32 v20, v27;
	v28 =	vadd.f32 v22, v28;
	v19 =	vld [tilespmem:s7+$0x119C0]  }
0x20c: {  	v22 =	vadd.f32 v21, v24;
	v23 =	vadd.f32 v23, v25;
	v20 =	vld [tilespmem:s7+$0x119D0]  }
0x20d: {  	s8 =	sadd.s32 $0x800, s8;
	v24 =	vadd.f32 v26, v27;
	v21 =	vld [tilespmem:s7+$0x119E0];
	v25 =	vadd.f32 v29, v28  }
0x20e: {  	v14 =	vadd.f32 v14, v22;
	v16 =	vadd.f32 v16, v23  }
0x20f: {  	v26 =	vld [tilespmem:s7+$0x119F0];
	v13 =	vadd.f32 v13, v24;
	v15 =	vadd.f32 v15, v25  }
0x210: {  	v22 =	vld [tilespmem:s7+$0x11A60];
	v3 =	vadd.f32 v3, v14;
	v5 =	vadd.f32 v5, v16  }
0x211: {  	v23 =	vld [tilespmem:s7+$0x11A70];
	v9 =	vadd.f32 v19, v9;
	v6 =	vadd.f32 v6, v13  }
0x212: {  	v14 =	vld [tilespmem:s7+$0x11AE0];
	v7 =	vadd.f32 v7, v15;
	v12 =	vadd.f32 v20, v12  }
0x213: {  	v13 =	vld [tilespmem:s7+$0x11AF0];
	v11 =	vadd.f32 v21, v11;
	v9 =	vadd.f32 v17, v9  }
0x214: {  	v15 =	vld [tilespmem:s7+$0x11B60];
	v10 =	vadd.f32 v26, v10;
	v12 =	vadd.f32 v18, v12  }
0x215: {  	v16 =	vld [tilespmem:s7+$0x11B70];
	[tilespmem:$0x1CC00] =	vst v3;
	v11 =	vadd.f32 v22, v11;
	v4 =	vadd.f32 v4, v9  }
0x216: {  	[tilespmem:$0x1CC10] =	vst v5;
	v3 =	vadd.f32 v23, v10;
	v8 =	vadd.f32 v8, v12  }
0x217: {  	[tilespmem:$0x1CC20] =	vst v6;
	v5 =	vadd.f32 v14, v11;
	v1 =	vadd.f32 v1, v4  }
0x218: {  	[tilespmem:$0x1CC30] =	vst v7;
	v3 =	vadd.f32 v13, v3;
	v2 =	vadd.f32 v2, v8  }
0x219: {  	v4 =	vadd.f32 v15, v5;
	[tilespmem:$0x1CC40] =	vst v1  }
0x21a: {  	v1 =	vadd.f32 v16, v3;
	[tilespmem:$0x1CC50] =	vst v2  }
0x21b: {  	[tilespmem:$0x1CC60] =	vst v4  }
0x21c: {  	s7 =	simm.s32 $0x0;
	[tilespmem:$0x1CC70] =	vst v1  }
0x21d: {  	v3 =	vld [tilespmem:s7+$0x12B00]  }
0x21e: {  	v5 =	vld [tilespmem:s7+$0x12B10]  }
0x21f: {  	v6 =	vld [tilespmem:s7+$0x12B20]  }
0x220: {  	v7 =	vld [tilespmem:s7+$0x12B30]  }
0x221: {  	v1 =	vld [tilespmem:s7+$0x12B40]  }
0x222: {  	v2 =	vld [tilespmem:s7+$0x12B50]  }
0x223: {  	v14 =	vld [tilespmem:s7+$0x12A80]  }
0x224: {  	v16 =	vld [tilespmem:s7+$0x12A90]  }
0x225: {  	v13 =	vld [tilespmem:s7+$0x12AA0]  }
0x226: {  	v15 =	vld [tilespmem:s7+$0x12AB0]  }
0x227: {  	v4 =	vld [tilespmem:s7+$0x12AC0]  }
0x228: {  	v10 =	vld [tilespmem:s7+$0x12A00]  }
0x229: {  	v11 =	vld [tilespmem:s7+$0x12A10]  }
0x22a: {  	v12 =	vld [tilespmem:s7+$0x12980]  }
0x22b: {  	v18 =	vld [tilespmem:s7+$0x12990]  }
0x22c: {  	v19 =	vld [tilespmem:s7+$0x129A0]  }
0x22d: {  	v20 =	vld [tilespmem:s7+$0x129B0]  }
0x22e: {  	v21 =	vld [tilespmem:s7+$0x12A20]  }
0x22f: {  	v25 =	vld [tilespmem:s7+$0x12A30]  }
0x230: {  	v9 =	vimm.f32 $0.0e+00;
	v8 =	vld [tilespmem:s7+$0x12AD0]  }
0x231: {  	v17 =	vld [tilespmem:s7+$0x12A40];
	v12 =	vadd.f32 v12, v9;
	v23 =	vadd.f32 v18, v9  }
0x232: {  	v18 =	vld [tilespmem:s7+$0x12A50];
	v24 =	vadd.f32 v19, v9;
	v26 =	vadd.f32 v20, v9  }
0x233: {  	v19 =	vld [tilespmem:s7+$0x129C0];
	v22 =	vadd.f32 v10, v12;
	v23 =	vadd.f32 v11, v23  }
0x234: {  	v20 =	vld [tilespmem:s7+$0x129D0];
	v24 =	vadd.f32 v21, v24;
	v25 =	vadd.f32 v25, v26  }
0x235: {  	s8 =	simm.s32 $0x800;
	v21 =	vld [tilespmem:s7+$0x129E0];
	v12 =	vimm.f32 $0.0e+00;
	v11 =	vimm.f32 $0.0e+00;
	v10 =	vimm.f32 $0.0e+00  }
.LBB2_23:
0x236: {  	p2 =	sne.s32 s8, $0x3800;
	v26 =	vld [tilespmem:s7+$0x129F0];
	v14 =	vadd.f32 v14, v22;
	v16 =	vadd.f32 v16, v23  }
0x237: {  	v22 =	vld [tilespmem:s7+$0x12A60];
	v13 =	vadd.f32 v13, v24;
	v15 =	vadd.f32 v15, v25  }
0x238: {  	v23 =	vld [tilespmem:s7+$0x12A70];
	v24 =	vadd.f32 v3, v14;
	v25 =	vadd.f32 v5, v16  }
0x239: {  	v14 =	vld [tilespmem:s7+$0x12AE0];
	v27 =	vadd.f32 v6, v13;
	v28 =	vadd.f32 v7, v15  }
0x23a: {  	v3 =	vadd.f32 v19, v9;
	v5 =	vadd.f32 v20, v12;
	v7 =	vld [tilespmem:s7+$0x12AF0]  }
0x23b: {  	v6 =	vadd.f32 v21, v11;
	v9 =	vadd.f32 v26, v10;
	v10 =	vld [tilespmem:s7+$0x12B60]  }
0x23c: {  	v11 =	vadd.f32 v17, v3;
	v12 =	vadd.f32 v18, v5;
	v13 =	vld [tilespmem:s7+$0x12B70];
	s7 =	sshra.s32 s8, $0x2  }
0x23d: {  	v15 =	vadd.f32 v22, v6;
	v3 =	vld [tilespmem:s7+$0x12B00];
	v9 =	vadd.f32 v23, v9  }
0x23e: {  	v4 =	vadd.f32 v4, v11;
	v8 =	vadd.f32 v8, v12;
	v5 =	vld [tilespmem:s7+$0x12B10]  }
0x23f: {  	v11 =	vadd.f32 v14, v15;
	v6 =	vld [tilespmem:s7+$0x12B20];
	v14 =	vadd.f32 v7, v9  }
0x240: {  	v9 =	vadd.f32 v1, v4;
	v12 =	vadd.f32 v2, v8;
	v7 =	vld [tilespmem:s7+$0x12B30]  }
0x241: {  	v11 =	vadd.f32 v10, v11;
	v1 =	vld [tilespmem:s7+$0x12B40];
	v10 =	vadd.f32 v13, v14  }
0x242: {  	v2 =	vld [tilespmem:s7+$0x12B50]  }
0x243: {  	v14 =	vld [tilespmem:s7+$0x12A80]  }
0x244: {  	v16 =	vld [tilespmem:s7+$0x12A90]  }
0x245: {  	v13 =	vld [tilespmem:s7+$0x12AA0]  }
0x246: {  	v15 =	vld [tilespmem:s7+$0x12AB0]  }
0x247: {  	v4 =	vld [tilespmem:s7+$0x12AC0]  }
0x248: {  	v8 =	vld [tilespmem:s7+$0x12AD0]  }
0x249: {  	v21 =	vld [tilespmem:s7+$0x12A00]  }
0x24a: {  	v23 =	vld [tilespmem:s7+$0x12A10]  }
0x24b: {  	v18 =	vld [tilespmem:s7+$0x12980]  }
0x24c: {  	v19 =	vld [tilespmem:s7+$0x12990]  }
0x24d: {  	v20 =	vld [tilespmem:s7+$0x129A0]  }
0x24e: {  	v22 =	vld [tilespmem:s7+$0x129B0]  }
0x24f: {  	v26 =	vld [tilespmem:s7+$0x12A20]  }
0x250: {  	v29 =	vld [tilespmem:s7+$0x12A30]  }
.Ltmp12:
0x251: {  	v17 =	vld [tilespmem:s7+$0x12A40];
	(pc) =	sbr.rel @p2 .LBB2_23-.Ltmp12, $4  }
0x252: {  	v24 =	vadd.f32 v18, v24;
	v25 =	vadd.f32 v19, v25;
	v18 =	vld [tilespmem:s7+$0x12A50]  }
0x253: {  	v27 =	vadd.f32 v20, v27;
	v28 =	vadd.f32 v22, v28;
	v19 =	vld [tilespmem:s7+$0x129C0]  }
0x254: {  	v22 =	vadd.f32 v21, v24;
	v23 =	vadd.f32 v23, v25;
	v20 =	vld [tilespmem:s7+$0x129D0]  }
0x255: {  	s8 =	sadd.s32 $0x800, s8;
	v24 =	vadd.f32 v26, v27;
	v21 =	vld [tilespmem:s7+$0x129E0];
	v25 =	vadd.f32 v29, v28  }
0x256: {  	v14 =	vadd.f32 v14, v22;
	v16 =	vadd.f32 v16, v23  }
0x257: {  	v26 =	vld [tilespmem:s7+$0x129F0];
	v13 =	vadd.f32 v13, v24;
	v15 =	vadd.f32 v15, v25  }
0x258: {  	v22 =	vld [tilespmem:s7+$0x12A60];
	v3 =	vadd.f32 v3, v14;
	v5 =	vadd.f32 v5, v16  }
0x259: {  	v23 =	vld [tilespmem:s7+$0x12A70];
	v9 =	vadd.f32 v19, v9;
	v6 =	vadd.f32 v6, v13  }
0x25a: {  	v14 =	vld [tilespmem:s7+$0x12AE0];
	v7 =	vadd.f32 v7, v15;
	v12 =	vadd.f32 v20, v12  }
0x25b: {  	v13 =	vld [tilespmem:s7+$0x12AF0];
	v11 =	vadd.f32 v21, v11;
	v9 =	vadd.f32 v17, v9  }
0x25c: {  	v15 =	vld [tilespmem:s7+$0x12B60];
	v10 =	vadd.f32 v26, v10;
	v12 =	vadd.f32 v18, v12  }
0x25d: {  	v16 =	vld [tilespmem:s7+$0x12B70];
	[tilespmem:$0x1CC80] =	vst v3;
	v11 =	vadd.f32 v22, v11;
	v4 =	vadd.f32 v4, v9  }
0x25e: {  	[tilespmem:$0x1CC90] =	vst v5;
	v3 =	vadd.f32 v23, v10;
	v8 =	vadd.f32 v8, v12  }
0x25f: {  	[tilespmem:$0x1CCA0] =	vst v6;
	v5 =	vadd.f32 v14, v11;
	v1 =	vadd.f32 v1, v4  }
0x260: {  	[tilespmem:$0x1CCB0] =	vst v7;
	v3 =	vadd.f32 v13, v3;
	v2 =	vadd.f32 v2, v8  }
0x261: {  	v4 =	vadd.f32 v15, v5;
	[tilespmem:$0x1CCC0] =	vst v1  }
0x262: {  	v1 =	vadd.f32 v16, v3;
	[tilespmem:$0x1CCD0] =	vst v2  }
0x263: {  	[tilespmem:$0x1CCE0] =	vst v4  }
0x264: {  	s7 =	simm.s32 $0x0;
	[tilespmem:$0x1CCF0] =	vst v1  }
0x265: {  	v3 =	vld [tilespmem:s7+$0x13B00]  }
0x266: {  	v5 =	vld [tilespmem:s7+$0x13B10]  }
0x267: {  	v6 =	vld [tilespmem:s7+$0x13B20]  }
0x268: {  	v7 =	vld [tilespmem:s7+$0x13B30]  }
0x269: {  	v1 =	vld [tilespmem:s7+$0x13B40]  }
0x26a: {  	v2 =	vld [tilespmem:s7+$0x13B50]  }
0x26b: {  	v14 =	vld [tilespmem:s7+$0x13A80]  }
0x26c: {  	v16 =	vld [tilespmem:s7+$0x13A90]  }
0x26d: {  	v13 =	vld [tilespmem:s7+$0x13AA0]  }
0x26e: {  	v15 =	vld [tilespmem:s7+$0x13AB0]  }
0x26f: {  	v4 =	vld [tilespmem:s7+$0x13AC0]  }
0x270: {  	v10 =	vld [tilespmem:s7+$0x13A00]  }
0x271: {  	v11 =	vld [tilespmem:s7+$0x13A10]  }
0x272: {  	v12 =	vld [tilespmem:s7+$0x13980]  }
0x273: {  	v18 =	vld [tilespmem:s7+$0x13990]  }
0x274: {  	v19 =	vld [tilespmem:s7+$0x139A0]  }
0x275: {  	v20 =	vld [tilespmem:s7+$0x139B0]  }
0x276: {  	v21 =	vld [tilespmem:s7+$0x13A20]  }
0x277: {  	v25 =	vld [tilespmem:s7+$0x13A30]  }
0x278: {  	v9 =	vimm.f32 $0.0e+00;
	v8 =	vld [tilespmem:s7+$0x13AD0]  }
0x279: {  	v17 =	vld [tilespmem:s7+$0x13A40];
	v12 =	vadd.f32 v12, v9;
	v23 =	vadd.f32 v18, v9  }
0x27a: {  	v18 =	vld [tilespmem:s7+$0x13A50];
	v24 =	vadd.f32 v19, v9;
	v26 =	vadd.f32 v20, v9  }
0x27b: {  	v19 =	vld [tilespmem:s7+$0x139C0];
	v22 =	vadd.f32 v10, v12;
	v23 =	vadd.f32 v11, v23  }
0x27c: {  	v20 =	vld [tilespmem:s7+$0x139D0];
	v24 =	vadd.f32 v21, v24;
	v25 =	vadd.f32 v25, v26  }
0x27d: {  	s8 =	simm.s32 $0x800;
	v21 =	vld [tilespmem:s7+$0x139E0];
	v12 =	vimm.f32 $0.0e+00;
	v11 =	vimm.f32 $0.0e+00;
	v10 =	vimm.f32 $0.0e+00  }
.LBB2_25:
0x27e: {  	p2 =	sne.s32 s8, $0x3800;
	v26 =	vld [tilespmem:s7+$0x139F0];
	v14 =	vadd.f32 v14, v22;
	v16 =	vadd.f32 v16, v23  }
0x27f: {  	v22 =	vld [tilespmem:s7+$0x13A60];
	v13 =	vadd.f32 v13, v24;
	v15 =	vadd.f32 v15, v25  }
0x280: {  	v23 =	vld [tilespmem:s7+$0x13A70];
	v24 =	vadd.f32 v3, v14;
	v25 =	vadd.f32 v5, v16  }
0x281: {  	v14 =	vld [tilespmem:s7+$0x13AE0];
	v27 =	vadd.f32 v6, v13;
	v28 =	vadd.f32 v7, v15  }
0x282: {  	v3 =	vadd.f32 v19, v9;
	v5 =	vadd.f32 v20, v12;
	v7 =	vld [tilespmem:s7+$0x13AF0]  }
0x283: {  	v6 =	vadd.f32 v21, v11;
	v9 =	vadd.f32 v26, v10;
	v10 =	vld [tilespmem:s7+$0x13B60]  }
0x284: {  	v11 =	vadd.f32 v17, v3;
	v12 =	vadd.f32 v18, v5;
	v13 =	vld [tilespmem:s7+$0x13B70];
	s7 =	sshra.s32 s8, $0x2  }
0x285: {  	v15 =	vadd.f32 v22, v6;
	v3 =	vld [tilespmem:s7+$0x13B00];
	v9 =	vadd.f32 v23, v9  }
0x286: {  	v4 =	vadd.f32 v4, v11;
	v8 =	vadd.f32 v8, v12;
	v5 =	vld [tilespmem:s7+$0x13B10]  }
0x287: {  	v11 =	vadd.f32 v14, v15;
	v6 =	vld [tilespmem:s7+$0x13B20];
	v14 =	vadd.f32 v7, v9  }
0x288: {  	v9 =	vadd.f32 v1, v4;
	v12 =	vadd.f32 v2, v8;
	v7 =	vld [tilespmem:s7+$0x13B30]  }
0x289: {  	v11 =	vadd.f32 v10, v11;
	v1 =	vld [tilespmem:s7+$0x13B40];
	v10 =	vadd.f32 v13, v14  }
0x28a: {  	v2 =	vld [tilespmem:s7+$0x13B50]  }
0x28b: {  	v14 =	vld [tilespmem:s7+$0x13A80]  }
0x28c: {  	v16 =	vld [tilespmem:s7+$0x13A90]  }
0x28d: {  	v13 =	vld [tilespmem:s7+$0x13AA0]  }
0x28e: {  	v15 =	vld [tilespmem:s7+$0x13AB0]  }
0x28f: {  	v4 =	vld [tilespmem:s7+$0x13AC0]  }
0x290: {  	v8 =	vld [tilespmem:s7+$0x13AD0]  }
0x291: {  	v21 =	vld [tilespmem:s7+$0x13A00]  }
0x292: {  	v23 =	vld [tilespmem:s7+$0x13A10]  }
0x293: {  	v18 =	vld [tilespmem:s7+$0x13980]  }
0x294: {  	v19 =	vld [tilespmem:s7+$0x13990]  }
0x295: {  	v20 =	vld [tilespmem:s7+$0x139A0]  }
0x296: {  	v22 =	vld [tilespmem:s7+$0x139B0]  }
0x297: {  	v26 =	vld [tilespmem:s7+$0x13A20]  }
0x298: {  	v29 =	vld [tilespmem:s7+$0x13A30]  }
.Ltmp13:
0x299: {  	v17 =	vld [tilespmem:s7+$0x13A40];
	(pc) =	sbr.rel @p2 .LBB2_25-.Ltmp13, $4  }
0x29a: {  	v24 =	vadd.f32 v18, v24;
	v25 =	vadd.f32 v19, v25;
	v18 =	vld [tilespmem:s7+$0x13A50]  }
0x29b: {  	v27 =	vadd.f32 v20, v27;
	v28 =	vadd.f32 v22, v28;
	v19 =	vld [tilespmem:s7+$0x139C0]  }
0x29c: {  	v22 =	vadd.f32 v21, v24;
	v23 =	vadd.f32 v23, v25;
	v20 =	vld [tilespmem:s7+$0x139D0]  }
0x29d: {  	s8 =	sadd.s32 $0x800, s8;
	v24 =	vadd.f32 v26, v27;
	v21 =	vld [tilespmem:s7+$0x139E0];
	v25 =	vadd.f32 v29, v28  }
0x29e: {  	v14 =	vadd.f32 v14, v22;
	v16 =	vadd.f32 v16, v23  }
0x29f: {  	v26 =	vld [tilespmem:s7+$0x139F0];
	v13 =	vadd.f32 v13, v24;
	v15 =	vadd.f32 v15, v25  }
0x2a0: {  	v56 =	vld [tilespmem:s7+$0x13A60];
	v3 =	vadd.f32 v3, v14;
	v5 =	vadd.f32 v5, v16  }
0x2a1: {  	v57 =	vld [tilespmem:s7+$0x13A70];
	v9 =	vadd.f32 v19, v9;
	v6 =	vadd.f32 v6, v13  }
0x2a2: {  	v58 =	vld [tilespmem:s7+$0x13AE0];
	v7 =	vadd.f32 v7, v15;
	v12 =	vadd.f32 v20, v12  }
0x2a3: {  	v59 =	vld [tilespmem:s7+$0x13AF0];
	v11 =	vadd.f32 v21, v11;
	v9 =	vadd.f32 v17, v9  }
0x2a4: {  	v60 =	vld [tilespmem:s7+$0x13B60];
	v10 =	vadd.f32 v26, v10;
	v12 =	vadd.f32 v18, v12  }
0x2a5: {  	v61 =	vld [tilespmem:s7+$0x13B70];
	[tilespmem:$0x1CD00] =	vst v3;
	v11 =	vadd.f32 v56, v11;
	v4 =	vadd.f32 v4, v9  }
0x2a6: {  	[tilespmem:$0x1CD10] =	vst v5;
	v3 =	vadd.f32 v57, v10;
	v8 =	vadd.f32 v8, v12  }
0x2a7: {  	[tilespmem:$0x1CD20] =	vst v6;
	v62 =	vadd.f32 v58, v11;
	v1 =	vadd.f32 v1, v4  }
0x2a8: {  	[tilespmem:$0x1CD30] =	vst v7;
	v3 =	vadd.f32 v59, v3;
	v2 =	vadd.f32 v2, v8  }
0x2a9: {  	s8 =	sshll.u32 s0, $0xB;
	v63 =	vadd.f32 v60, v62;
	[tilespmem:$0x1CD40] =	vst v1  }
0x2aa: {  	s7 =	sadd.s32 s11, s8;
	v1 =	vadd.f32 v61, v3;
	[tilespmem:$0x1CD50] =	vst v2  }
0x2ab: {  	s7 =	sshrl.u32 s7, $0x3;
	[tilespmem:$0x1CD60] =	vst v63  }
0x2ac: {  	s8 =	sadd.s32 s6, s7;
	[tilespmem:$0x1CD70] =	vst v1  }
0x2ad: {  	[hbm4b:s8+s3] =	stream.linear.scatter [tilespmem:s23], [sflag:$0x3], $0x400, $0x38;
	[tilespmem:$0x1D980] =	vst v63  }
0x2ae: {  	_ =	swait.ge [sflag:s24], $0x400  }
0x2af: {  	p2 =	sne.s32 s0, $0x13;
	[sflag:s24] =	ssyncset.done $0x0  }
.Ltmp14:
0x2b0: {  	s8 =	simm.s32 @!p1 $0x7;
	[sflag:s24] =	ssyncadd.s32 $0xFFFFFC00;
	(pc) =	sbr.rel @p2 .LBB2_28-.Ltmp14, $4  }
0x2b1: {  	_ =	swait.ge @!p1 [sflag:s8], $0x400  }
0x2b2: {  	[sflag:s8] =	ssyncset.done @!p1 $0x0  }
0x2b3: {  	s7 =	sadd.s32 s5, s7;
	[sflag:s8] =	ssyncadd.s32 @!p1 $0xFFFFFC00  }
0x2b4: {  	[hbm4b:s7+s3] =	stream.linear.scatter [tilespmem:s19], [sflag:$0x7], $0x400, $0x38;
	[tilespmem:$0x1D980] =	vst v63  }
.Ltmp15:
0x2b5: {  	(pc) =	sbr.rel .LBB2_29-.Ltmp15, $4  }
0x2b6: {  	_ = 	snop  }
0x2b7: {  	_ =	swait.ge [sflag:s25], $0x8000  }
0x2b8: {  	[sflag:s25] =	ssyncset.done $0x0  }
0x2b9: {  	[sflag:s25] =	ssyncadd.s32 $0xFFFF8000  }
.LBB2_28:
0x2ba: {  	s7 =	sadd.s32 $0x2, s16  }
0x2bb: {  	s8 =	sshll.u32 s7, $0x8  }
0x2bc: {  	s8 =	sand.u32 $0x3FFFFF00, s8  }
0x2bd: {  	s7 =	sshll.u32 s7, $0x3;
	s8 =	sadd.s32 $0xA180, s8  }
0x2be: {  	[tilespmem:s17], [sflag:$0x1] =	stream.indirect.gather [hbm4b:s1+s15], $0x80, s8, s15, $0xb8;
	[tilespmem:$0x1D980] =	vst v63  }
.Ltmp16:
0x2bf: {  	s7 =	sand.u32 $0x3FFFFFF8, s7;
	(pc) =	sbr.rel @p1 .LBB2_30-.Ltmp16, $4  }
0x2c0: {  	[tilespmem:s19], [sflag:$0x5] =	stream.indirect.gather [hbm4b:s1+s18], $0x80, s7, s18, $0xb8;
	[tilespmem:$0x1D980] =	vst v63  }
0x2c1: {  	_ =	swait.ge [sflag:s25], $0x8000  }
0x2c2: {  	[sflag:s25] =	ssyncset.done $0x0  }
0x2c3: {  	[sflag:s25] =	ssyncadd.s32 $0xFFFF8000  }
.LBB2_29:
0x2c4: {  	_ =	swait.ge [sflag:s26], $0x400  }
0x2c5: {  	[sflag:s26] =	ssyncset.done $0x0  }
0x2c6: {  	[sflag:s26] =	ssyncadd.s32 $0xFFFFFC00  }
.LBB2_30:
0x2c7: {  	s7 =	simm.s32 $0x0  }
0x2c8: {  	v3 =	vld [tilespmem:s7+$0x14B00]  }
0x2c9: {  	v5 =	vld [tilespmem:s7+$0x14B10]  }
0x2ca: {  	v6 =	vld [tilespmem:s7+$0x14B20]  }
0x2cb: {  	v7 =	vld [tilespmem:s7+$0x14B30]  }
0x2cc: {  	v1 =	vld [tilespmem:s7+$0x14B40]  }
0x2cd: {  	v2 =	vld [tilespmem:s7+$0x14B50]  }
0x2ce: {  	v14 =	vld [tilespmem:s7+$0x14A80]  }
0x2cf: {  	v16 =	vld [tilespmem:s7+$0x14A90]  }
0x2d0: {  	v13 =	vld [tilespmem:s7+$0x14AA0]  }
0x2d1: {  	v15 =	vld [tilespmem:s7+$0x14AB0]  }
0x2d2: {  	v4 =	vld [tilespmem:s7+$0x14AC0]  }
0x2d3: {  	v10 =	vld [tilespmem:s7+$0x14A00]  }
0x2d4: {  	v11 =	vld [tilespmem:s7+$0x14A10]  }
0x2d5: {  	v12 =	vld [tilespmem:s7+$0x14980]  }
0x2d6: {  	v18 =	vld [tilespmem:s7+$0x14990]  }
0x2d7: {  	v19 =	vld [tilespmem:s7+$0x149A0]  }
0x2d8: {  	v20 =	vld [tilespmem:s7+$0x149B0]  }
0x2d9: {  	v21 =	vld [tilespmem:s7+$0x14A20]  }
0x2da: {  	v25 =	vld [tilespmem:s7+$0x14A30]  }
0x2db: {  	v9 =	vimm.f32 $0.0e+00;
	v8 =	vld [tilespmem:s7+$0x14AD0]  }
0x2dc: {  	v17 =	vld [tilespmem:s7+$0x14A40];
	v12 =	vadd.f32 v12, v9;
	v23 =	vadd.f32 v18, v9  }
0x2dd: {  	v18 =	vld [tilespmem:s7+$0x14A50];
	v24 =	vadd.f32 v19, v9;
	v26 =	vadd.f32 v20, v9  }
0x2de: {  	v19 =	vld [tilespmem:s7+$0x149C0];
	v22 =	vadd.f32 v10, v12;
	v23 =	vadd.f32 v11, v23  }
0x2df: {  	v20 =	vld [tilespmem:s7+$0x149D0];
	v24 =	vadd.f32 v21, v24;
	v25 =	vadd.f32 v25, v26  }
0x2e0: {  	s8 =	simm.s32 $0x800;
	v21 =	vld [tilespmem:s7+$0x149E0];
	v12 =	vimm.f32 $0.0e+00;
	v11 =	vimm.f32 $0.0e+00;
	v10 =	vimm.f32 $0.0e+00  }
.LBB2_31:
0x2e1: {  	p2 =	sne.s32 s8, $0x3800;
	v26 =	vld [tilespmem:s7+$0x149F0];
	v14 =	vadd.f32 v14, v22;
	v16 =	vadd.f32 v16, v23  }
0x2e2: {  	v22 =	vld [tilespmem:s7+$0x14A60];
	v13 =	vadd.f32 v13, v24;
	v15 =	vadd.f32 v15, v25  }
0x2e3: {  	v23 =	vld [tilespmem:s7+$0x14A70];
	v24 =	vadd.f32 v3, v14;
	v25 =	vadd.f32 v5, v16  }
0x2e4: {  	v14 =	vld [tilespmem:s7+$0x14AE0];
	v27 =	vadd.f32 v6, v13;
	v28 =	vadd.f32 v7, v15  }
0x2e5: {  	v3 =	vadd.f32 v19, v9;
	v5 =	vadd.f32 v20, v12;
	v7 =	vld [tilespmem:s7+$0x14AF0]  }
0x2e6: {  	v6 =	vadd.f32 v21, v11;
	v9 =	vadd.f32 v26, v10;
	v10 =	vld [tilespmem:s7+$0x14B60]  }
0x2e7: {  	v11 =	vadd.f32 v17, v3;
	v12 =	vadd.f32 v18, v5;
	v13 =	vld [tilespmem:s7+$0x14B70];
	s7 =	sshra.s32 s8, $0x2  }
0x2e8: {  	v15 =	vadd.f32 v22, v6;
	v3 =	vld [tilespmem:s7+$0x14B00];
	v9 =	vadd.f32 v23, v9  }
0x2e9: {  	v4 =	vadd.f32 v4, v11;
	v8 =	vadd.f32 v8, v12;
	v5 =	vld [tilespmem:s7+$0x14B10]  }
0x2ea: {  	v11 =	vadd.f32 v14, v15;
	v6 =	vld [tilespmem:s7+$0x14B20];
	v14 =	vadd.f32 v7, v9  }
0x2eb: {  	v9 =	vadd.f32 v1, v4;
	v12 =	vadd.f32 v2, v8;
	v7 =	vld [tilespmem:s7+$0x14B30]  }
0x2ec: {  	v11 =	vadd.f32 v10, v11;
	v1 =	vld [tilespmem:s7+$0x14B40];
	v10 =	vadd.f32 v13, v14  }
0x2ed: {  	v2 =	vld [tilespmem:s7+$0x14B50]  }
0x2ee: {  	v14 =	vld [tilespmem:s7+$0x14A80]  }
0x2ef: {  	v16 =	vld [tilespmem:s7+$0x14A90]  }
0x2f0: {  	v13 =	vld [tilespmem:s7+$0x14AA0]  }
0x2f1: {  	v15 =	vld [tilespmem:s7+$0x14AB0]  }
0x2f2: {  	v4 =	vld [tilespmem:s7+$0x14AC0]  }
0x2f3: {  	v8 =	vld [tilespmem:s7+$0x14AD0]  }
0x2f4: {  	v21 =	vld [tilespmem:s7+$0x14A00]  }
0x2f5: {  	v23 =	vld [tilespmem:s7+$0x14A10]  }
0x2f6: {  	v18 =	vld [tilespmem:s7+$0x14980]  }
0x2f7: {  	v19 =	vld [tilespmem:s7+$0x14990]  }
0x2f8: {  	v20 =	vld [tilespmem:s7+$0x149A0]  }
0x2f9: {  	v22 =	vld [tilespmem:s7+$0x149B0]  }
0x2fa: {  	v26 =	vld [tilespmem:s7+$0x14A20]  }
0x2fb: {  	v29 =	vld [tilespmem:s7+$0x14A30]  }
.Ltmp17:
0x2fc: {  	v17 =	vld [tilespmem:s7+$0x14A40];
	(pc) =	sbr.rel @p2 .LBB2_31-.Ltmp17, $4  }
0x2fd: {  	v24 =	vadd.f32 v18, v24;
	v25 =	vadd.f32 v19, v25;
	v18 =	vld [tilespmem:s7+$0x14A50]  }
0x2fe: {  	v27 =	vadd.f32 v20, v27;
	v28 =	vadd.f32 v22, v28;
	v19 =	vld [tilespmem:s7+$0x149C0]  }
0x2ff: {  	v22 =	vadd.f32 v21, v24;
	v23 =	vadd.f32 v23, v25;
	v20 =	vld [tilespmem:s7+$0x149D0]  }
0x300: {  	s8 =	sadd.s32 $0x800, s8;
	v24 =	vadd.f32 v26, v27;
	v21 =	vld [tilespmem:s7+$0x149E0];
	v25 =	vadd.f32 v29, v28  }
0x301: {  	v14 =	vadd.f32 v14, v22;
	v16 =	vadd.f32 v16, v23  }
0x302: {  	v26 =	vld [tilespmem:s7+$0x149F0];
	v13 =	vadd.f32 v13, v24;
	v15 =	vadd.f32 v15, v25  }
0x303: {  	v22 =	vld [tilespmem:s7+$0x14A60];
	v3 =	vadd.f32 v3, v14;
	v5 =	vadd.f32 v5, v16  }
0x304: {  	v23 =	vld [tilespmem:s7+$0x14A70];
	v9 =	vadd.f32 v19, v9;
	v6 =	vadd.f32 v6, v13  }
0x305: {  	v14 =	vld [tilespmem:s7+$0x14AE0];
	v7 =	vadd.f32 v7, v15;
	v12 =	vadd.f32 v20, v12  }
0x306: {  	v13 =	vld [tilespmem:s7+$0x14AF0];
	v11 =	vadd.f32 v21, v11;
	v9 =	vadd.f32 v17, v9  }
0x307: {  	v15 =	vld [tilespmem:s7+$0x14B60];
	v10 =	vadd.f32 v26, v10;
	v12 =	vadd.f32 v18, v12  }
0x308: {  	v16 =	vld [tilespmem:s7+$0x14B70];
	[tilespmem:$0x1CD80] =	vst v3;
	v11 =	vadd.f32 v22, v11;
	v4 =	vadd.f32 v4, v9  }
0x309: {  	[tilespmem:$0x1CD90] =	vst v5;
	v3 =	vadd.f32 v23, v10;
	v8 =	vadd.f32 v8, v12  }
0x30a: {  	[tilespmem:$0x1CDA0] =	vst v6;
	v5 =	vadd.f32 v14, v11;
	v1 =	vadd.f32 v1, v4  }
0x30b: {  	[tilespmem:$0x1CDB0] =	vst v7;
	v3 =	vadd.f32 v13, v3;
	v2 =	vadd.f32 v2, v8  }
0x30c: {  	v4 =	vadd.f32 v15, v5;
	[tilespmem:$0x1CDC0] =	vst v1  }
0x30d: {  	v1 =	vadd.f32 v16, v3;
	[tilespmem:$0x1CDD0] =	vst v2  }
0x30e: {  	[tilespmem:$0x1CDE0] =	vst v4  }
0x30f: {  	s7 =	simm.s32 $0x0;
	[tilespmem:$0x1CDF0] =	vst v1  }
0x310: {  	v3 =	vld [tilespmem:s7+$0x15B00]  }
0x311: {  	v5 =	vld [tilespmem:s7+$0x15B10]  }
0x312: {  	v6 =	vld [tilespmem:s7+$0x15B20]  }
0x313: {  	v7 =	vld [tilespmem:s7+$0x15B30]  }
0x314: {  	v1 =	vld [tilespmem:s7+$0x15B40]  }
0x315: {  	v2 =	vld [tilespmem:s7+$0x15B50]  }
0x316: {  	v14 =	vld [tilespmem:s7+$0x15A80]  }
0x317: {  	v16 =	vld [tilespmem:s7+$0x15A90]  }
0x318: {  	v13 =	vld [tilespmem:s7+$0x15AA0]  }
0x319: {  	v15 =	vld [tilespmem:s7+$0x15AB0]  }
0x31a: {  	v4 =	vld [tilespmem:s7+$0x15AC0]  }
0x31b: {  	v10 =	vld [tilespmem:s7+$0x15A00]  }
0x31c: {  	v11 =	vld [tilespmem:s7+$0x15A10]  }
0x31d: {  	v12 =	vld [tilespmem:s7+$0x15980]  }
0x31e: {  	v18 =	vld [tilespmem:s7+$0x15990]  }
0x31f: {  	v19 =	vld [tilespmem:s7+$0x159A0]  }
0x320: {  	v20 =	vld [tilespmem:s7+$0x159B0]  }
0x321: {  	v21 =	vld [tilespmem:s7+$0x15A20]  }
0x322: {  	v25 =	vld [tilespmem:s7+$0x15A30]  }
0x323: {  	v9 =	vimm.f32 $0.0e+00;
	v8 =	vld [tilespmem:s7+$0x15AD0]  }
0x324: {  	v17 =	vld [tilespmem:s7+$0x15A40];
	v12 =	vadd.f32 v12, v9;
	v23 =	vadd.f32 v18, v9  }
0x325: {  	v18 =	vld [tilespmem:s7+$0x15A50];
	v24 =	vadd.f32 v19, v9;
	v26 =	vadd.f32 v20, v9  }
0x326: {  	v19 =	vld [tilespmem:s7+$0x159C0];
	v22 =	vadd.f32 v10, v12;
	v23 =	vadd.f32 v11, v23  }
0x327: {  	v20 =	vld [tilespmem:s7+$0x159D0];
	v24 =	vadd.f32 v21, v24;
	v25 =	vadd.f32 v25, v26  }
0x328: {  	s8 =	simm.s32 $0x800;
	v21 =	vld [tilespmem:s7+$0x159E0];
	v12 =	vimm.f32 $0.0e+00;
	v11 =	vimm.f32 $0.0e+00;
	v10 =	vimm.f32 $0.0e+00  }
.LBB2_33:
0x329: {  	p2 =	sne.s32 s8, $0x3800;
	v26 =	vld [tilespmem:s7+$0x159F0];
	v14 =	vadd.f32 v14, v22;
	v16 =	vadd.f32 v16, v23  }
0x32a: {  	v22 =	vld [tilespmem:s7+$0x15A60];
	v13 =	vadd.f32 v13, v24;
	v15 =	vadd.f32 v15, v25  }
0x32b: {  	v23 =	vld [tilespmem:s7+$0x15A70];
	v24 =	vadd.f32 v3, v14;
	v25 =	vadd.f32 v5, v16  }
0x32c: {  	v14 =	vld [tilespmem:s7+$0x15AE0];
	v27 =	vadd.f32 v6, v13;
	v28 =	vadd.f32 v7, v15  }
0x32d: {  	v3 =	vadd.f32 v19, v9;
	v5 =	vadd.f32 v20, v12;
	v7 =	vld [tilespmem:s7+$0x15AF0]  }
0x32e: {  	v6 =	vadd.f32 v21, v11;
	v9 =	vadd.f32 v26, v10;
	v10 =	vld [tilespmem:s7+$0x15B60]  }
0x32f: {  	v11 =	vadd.f32 v17, v3;
	v12 =	vadd.f32 v18, v5;
	v13 =	vld [tilespmem:s7+$0x15B70];
	s7 =	sshra.s32 s8, $0x2  }
0x330: {  	v15 =	vadd.f32 v22, v6;
	v3 =	vld [tilespmem:s7+$0x15B00];
	v9 =	vadd.f32 v23, v9  }
0x331: {  	v4 =	vadd.f32 v4, v11;
	v8 =	vadd.f32 v8, v12;
	v5 =	vld [tilespmem:s7+$0x15B10]  }
0x332: {  	v11 =	vadd.f32 v14, v15;
	v6 =	vld [tilespmem:s7+$0x15B20];
	v14 =	vadd.f32 v7, v9  }
0x333: {  	v9 =	vadd.f32 v1, v4;
	v12 =	vadd.f32 v2, v8;
	v7 =	vld [tilespmem:s7+$0x15B30]  }
0x334: {  	v11 =	vadd.f32 v10, v11;
	v1 =	vld [tilespmem:s7+$0x15B40];
	v10 =	vadd.f32 v13, v14  }
0x335: {  	v2 =	vld [tilespmem:s7+$0x15B50]  }
0x336: {  	v14 =	vld [tilespmem:s7+$0x15A80]  }
0x337: {  	v16 =	vld [tilespmem:s7+$0x15A90]  }
0x338: {  	v13 =	vld [tilespmem:s7+$0x15AA0]  }
0x339: {  	v15 =	vld [tilespmem:s7+$0x15AB0]  }
0x33a: {  	v4 =	vld [tilespmem:s7+$0x15AC0]  }
0x33b: {  	v8 =	vld [tilespmem:s7+$0x15AD0]  }
0x33c: {  	v21 =	vld [tilespmem:s7+$0x15A00]  }
0x33d: {  	v23 =	vld [tilespmem:s7+$0x15A10]  }
0x33e: {  	v18 =	vld [tilespmem:s7+$0x15980]  }
0x33f: {  	v19 =	vld [tilespmem:s7+$0x15990]  }
0x340: {  	v20 =	vld [tilespmem:s7+$0x159A0]  }
0x341: {  	v22 =	vld [tilespmem:s7+$0x159B0]  }
0x342: {  	v26 =	vld [tilespmem:s7+$0x15A20]  }
0x343: {  	v29 =	vld [tilespmem:s7+$0x15A30]  }
.Ltmp18:
0x344: {  	v17 =	vld [tilespmem:s7+$0x15A40];
	(pc) =	sbr.rel @p2 .LBB2_33-.Ltmp18, $4  }
0x345: {  	v24 =	vadd.f32 v18, v24;
	v25 =	vadd.f32 v19, v25;
	v18 =	vld [tilespmem:s7+$0x15A50]  }
0x346: {  	v27 =	vadd.f32 v20, v27;
	v28 =	vadd.f32 v22, v28;
	v19 =	vld [tilespmem:s7+$0x159C0]  }
0x347: {  	v22 =	vadd.f32 v21, v24;
	v23 =	vadd.f32 v23, v25;
	v20 =	vld [tilespmem:s7+$0x159D0]  }
0x348: {  	s8 =	sadd.s32 $0x800, s8;
	v24 =	vadd.f32 v26, v27;
	v21 =	vld [tilespmem:s7+$0x159E0];
	v25 =	vadd.f32 v29, v28  }
0x349: {  	v14 =	vadd.f32 v14, v22;
	v16 =	vadd.f32 v16, v23  }
0x34a: {  	v26 =	vld [tilespmem:s7+$0x159F0];
	v13 =	vadd.f32 v13, v24;
	v15 =	vadd.f32 v15, v25  }
0x34b: {  	v22 =	vld [tilespmem:s7+$0x15A60];
	v3 =	vadd.f32 v3, v14;
	v5 =	vadd.f32 v5, v16  }
0x34c: {  	v23 =	vld [tilespmem:s7+$0x15A70];
	v9 =	vadd.f32 v19, v9;
	v6 =	vadd.f32 v6, v13  }
0x34d: {  	v14 =	vld [tilespmem:s7+$0x15AE0];
	v7 =	vadd.f32 v7, v15;
	v12 =	vadd.f32 v20, v12  }
0x34e: {  	v13 =	vld [tilespmem:s7+$0x15AF0];
	v11 =	vadd.f32 v21, v11;
	v9 =	vadd.f32 v17, v9  }
0x34f: {  	v15 =	vld [tilespmem:s7+$0x15B60];
	v10 =	vadd.f32 v26, v10;
	v12 =	vadd.f32 v18, v12  }
0x350: {  	v16 =	vld [tilespmem:s7+$0x15B70];
	[tilespmem:$0x1CE00] =	vst v3;
	v11 =	vadd.f32 v22, v11;
	v4 =	vadd.f32 v4, v9  }
0x351: {  	[tilespmem:$0x1CE10] =	vst v5;
	v3 =	vadd.f32 v23, v10;
	v8 =	vadd.f32 v8, v12  }
0x352: {  	[tilespmem:$0x1CE20] =	vst v6;
	v5 =	vadd.f32 v14, v11;
	v1 =	vadd.f32 v1, v4  }
0x353: {  	[tilespmem:$0x1CE30] =	vst v7;
	v3 =	vadd.f32 v13, v3;
	v2 =	vadd.f32 v2, v8  }
0x354: {  	v4 =	vadd.f32 v15, v5;
	[tilespmem:$0x1CE40] =	vst v1  }
0x355: {  	v1 =	vadd.f32 v16, v3;
	[tilespmem:$0x1CE50] =	vst v2  }
0x356: {  	[tilespmem:$0x1CE60] =	vst v4  }
0x357: {  	s7 =	simm.s32 $0x0;
	[tilespmem:$0x1CE70] =	vst v1  }
0x358: {  	v3 =	vld [tilespmem:s7+$0x16B00]  }
0x359: {  	v5 =	vld [tilespmem:s7+$0x16B10]  }
0x35a: {  	v6 =	vld [tilespmem:s7+$0x16B20]  }
0x35b: {  	v7 =	vld [tilespmem:s7+$0x16B30]  }
0x35c: {  	v1 =	vld [tilespmem:s7+$0x16B40]  }
0x35d: {  	v2 =	vld [tilespmem:s7+$0x16B50]  }
0x35e: {  	v14 =	vld [tilespmem:s7+$0x16A80]  }
0x35f: {  	v16 =	vld [tilespmem:s7+$0x16A90]  }
0x360: {  	v13 =	vld [tilespmem:s7+$0x16AA0]  }
0x361: {  	v15 =	vld [tilespmem:s7+$0x16AB0]  }
0x362: {  	v4 =	vld [tilespmem:s7+$0x16AC0]  }
0x363: {  	v10 =	vld [tilespmem:s7+$0x16A00]  }
0x364: {  	v11 =	vld [tilespmem:s7+$0x16A10]  }
0x365: {  	v12 =	vld [tilespmem:s7+$0x16980]  }
0x366: {  	v18 =	vld [tilespmem:s7+$0x16990]  }
0x367: {  	v19 =	vld [tilespmem:s7+$0x169A0]  }
0x368: {  	v20 =	vld [tilespmem:s7+$0x169B0]  }
0x369: {  	v21 =	vld [tilespmem:s7+$0x16A20]  }
0x36a: {  	v25 =	vld [tilespmem:s7+$0x16A30]  }
0x36b: {  	v9 =	vimm.f32 $0.0e+00;
	v8 =	vld [tilespmem:s7+$0x16AD0]  }
0x36c: {  	v17 =	vld [tilespmem:s7+$0x16A40];
	v12 =	vadd.f32 v12, v9;
	v23 =	vadd.f32 v18, v9  }
0x36d: {  	v18 =	vld [tilespmem:s7+$0x16A50];
	v24 =	vadd.f32 v19, v9;
	v26 =	vadd.f32 v20, v9  }
0x36e: {  	v19 =	vld [tilespmem:s7+$0x169C0];
	v22 =	vadd.f32 v10, v12;
	v23 =	vadd.f32 v11, v23  }
0x36f: {  	v20 =	vld [tilespmem:s7+$0x169D0];
	v24 =	vadd.f32 v21, v24;
	v25 =	vadd.f32 v25, v26  }
0x370: {  	s8 =	simm.s32 $0x800;
	v21 =	vld [tilespmem:s7+$0x169E0];
	v12 =	vimm.f32 $0.0e+00;
	v11 =	vimm.f32 $0.0e+00;
	v10 =	vimm.f32 $0.0e+00  }
.LBB2_35:
0x371: {  	p2 =	sne.s32 s8, $0x3800;
	v26 =	vld [tilespmem:s7+$0x169F0];
	v14 =	vadd.f32 v14, v22;
	v16 =	vadd.f32 v16, v23  }
0x372: {  	v22 =	vld [tilespmem:s7+$0x16A60];
	v13 =	vadd.f32 v13, v24;
	v15 =	vadd.f32 v15, v25  }
0x373: {  	v23 =	vld [tilespmem:s7+$0x16A70];
	v24 =	vadd.f32 v3, v14;
	v25 =	vadd.f32 v5, v16  }
0x374: {  	v14 =	vld [tilespmem:s7+$0x16AE0];
	v27 =	vadd.f32 v6, v13;
	v28 =	vadd.f32 v7, v15  }
0x375: {  	v3 =	vadd.f32 v19, v9;
	v5 =	vadd.f32 v20, v12;
	v7 =	vld [tilespmem:s7+$0x16AF0]  }
0x376: {  	v6 =	vadd.f32 v21, v11;
	v9 =	vadd.f32 v26, v10;
	v10 =	vld [tilespmem:s7+$0x16B60]  }
0x377: {  	v11 =	vadd.f32 v17, v3;
	v12 =	vadd.f32 v18, v5;
	v13 =	vld [tilespmem:s7+$0x16B70];
	s7 =	sshra.s32 s8, $0x2  }
0x378: {  	v15 =	vadd.f32 v22, v6;
	v3 =	vld [tilespmem:s7+$0x16B00];
	v9 =	vadd.f32 v23, v9  }
0x379: {  	v4 =	vadd.f32 v4, v11;
	v8 =	vadd.f32 v8, v12;
	v5 =	vld [tilespmem:s7+$0x16B10]  }
0x37a: {  	v11 =	vadd.f32 v14, v15;
	v6 =	vld [tilespmem:s7+$0x16B20];
	v14 =	vadd.f32 v7, v9  }
0x37b: {  	v9 =	vadd.f32 v1, v4;
	v12 =	vadd.f32 v2, v8;
	v7 =	vld [tilespmem:s7+$0x16B30]  }
0x37c: {  	v11 =	vadd.f32 v10, v11;
	v1 =	vld [tilespmem:s7+$0x16B40];
	v10 =	vadd.f32 v13, v14  }
0x37d: {  	v2 =	vld [tilespmem:s7+$0x16B50]  }
0x37e: {  	v14 =	vld [tilespmem:s7+$0x16A80]  }
0x37f: {  	v16 =	vld [tilespmem:s7+$0x16A90]  }
0x380: {  	v13 =	vld [tilespmem:s7+$0x16AA0]  }
0x381: {  	v15 =	vld [tilespmem:s7+$0x16AB0]  }
0x382: {  	v4 =	vld [tilespmem:s7+$0x16AC0]  }
0x383: {  	v8 =	vld [tilespmem:s7+$0x16AD0]  }
0x384: {  	v21 =	vld [tilespmem:s7+$0x16A00]  }
0x385: {  	v23 =	vld [tilespmem:s7+$0x16A10]  }
0x386: {  	v18 =	vld [tilespmem:s7+$0x16980]  }
0x387: {  	v19 =	vld [tilespmem:s7+$0x16990]  }
0x388: {  	v20 =	vld [tilespmem:s7+$0x169A0]  }
0x389: {  	v22 =	vld [tilespmem:s7+$0x169B0]  }
0x38a: {  	v26 =	vld [tilespmem:s7+$0x16A20]  }
0x38b: {  	v29 =	vld [tilespmem:s7+$0x16A30]  }
.Ltmp19:
0x38c: {  	v17 =	vld [tilespmem:s7+$0x16A40];
	(pc) =	sbr.rel @p2 .LBB2_35-.Ltmp19, $4  }
0x38d: {  	v24 =	vadd.f32 v18, v24;
	v25 =	vadd.f32 v19, v25;
	v18 =	vld [tilespmem:s7+$0x16A50]  }
0x38e: {  	v27 =	vadd.f32 v20, v27;
	v28 =	vadd.f32 v22, v28;
	v19 =	vld [tilespmem:s7+$0x169C0]  }
0x38f: {  	v22 =	vadd.f32 v21, v24;
	v23 =	vadd.f32 v23, v25;
	v20 =	vld [tilespmem:s7+$0x169D0]  }
0x390: {  	s8 =	sadd.s32 $0x800, s8;
	v24 =	vadd.f32 v26, v27;
	v21 =	vld [tilespmem:s7+$0x169E0];
	v25 =	vadd.f32 v29, v28  }
0x391: {  	v14 =	vadd.f32 v14, v22;
	v16 =	vadd.f32 v16, v23  }
0x392: {  	v26 =	vld [tilespmem:s7+$0x169F0];
	v13 =	vadd.f32 v13, v24;
	v15 =	vadd.f32 v15, v25  }
0x393: {  	v22 =	vld [tilespmem:s7+$0x16A60];
	v3 =	vadd.f32 v3, v14;
	v5 =	vadd.f32 v5, v16  }
0x394: {  	v23 =	vld [tilespmem:s7+$0x16A70];
	v9 =	vadd.f32 v19, v9;
	v6 =	vadd.f32 v6, v13  }
0x395: {  	v14 =	vld [tilespmem:s7+$0x16AE0];
	v7 =	vadd.f32 v7, v15;
	v12 =	vadd.f32 v20, v12  }
0x396: {  	v13 =	vld [tilespmem:s7+$0x16AF0];
	v11 =	vadd.f32 v21, v11;
	v9 =	vadd.f32 v17, v9  }
0x397: {  	v15 =	vld [tilespmem:s7+$0x16B60];
	v10 =	vadd.f32 v26, v10;
	v12 =	vadd.f32 v18, v12  }
0x398: {  	v16 =	vld [tilespmem:s7+$0x16B70];
	[tilespmem:$0x1CE80] =	vst v3;
	v11 =	vadd.f32 v22, v11;
	v4 =	vadd.f32 v4, v9  }
0x399: {  	[tilespmem:$0x1CE90] =	vst v5;
	v3 =	vadd.f32 v23, v10;
	v8 =	vadd.f32 v8, v12  }
0x39a: {  	[tilespmem:$0x1CEA0] =	vst v6;
	v5 =	vadd.f32 v14, v11;
	v1 =	vadd.f32 v1, v4  }
0x39b: {  	[tilespmem:$0x1CEB0] =	vst v7;
	v3 =	vadd.f32 v13, v3;
	v2 =	vadd.f32 v2, v8  }
0x39c: {  	v4 =	vadd.f32 v15, v5;
	[tilespmem:$0x1CEC0] =	vst v1  }
0x39d: {  	v1 =	vadd.f32 v16, v3;
	[tilespmem:$0x1CED0] =	vst v2  }
0x39e: {  	[tilespmem:$0x1CEE0] =	vst v4  }
0x39f: {  	s7 =	simm.s32 $0x0;
	[tilespmem:$0x1CEF0] =	vst v1  }
0x3a0: {  	v3 =	vld [tilespmem:s7+$0x17B00]  }
0x3a1: {  	v5 =	vld [tilespmem:s7+$0x17B10]  }
0x3a2: {  	v6 =	vld [tilespmem:s7+$0x17B20]  }
0x3a3: {  	v7 =	vld [tilespmem:s7+$0x17B30]  }
0x3a4: {  	v1 =	vld [tilespmem:s7+$0x17B40]  }
0x3a5: {  	v2 =	vld [tilespmem:s7+$0x17B50]  }
0x3a6: {  	v14 =	vld [tilespmem:s7+$0x17A80]  }
0x3a7: {  	v16 =	vld [tilespmem:s7+$0x17A90]  }
0x3a8: {  	v13 =	vld [tilespmem:s7+$0x17AA0]  }
0x3a9: {  	v15 =	vld [tilespmem:s7+$0x17AB0]  }
0x3aa: {  	v4 =	vld [tilespmem:s7+$0x17AC0]  }
0x3ab: {  	v10 =	vld [tilespmem:s7+$0x17A00]  }
0x3ac: {  	v11 =	vld [tilespmem:s7+$0x17A10]  }
0x3ad: {  	v12 =	vld [tilespmem:s7+$0x17980]  }
0x3ae: {  	v18 =	vld [tilespmem:s7+$0x17990]  }
0x3af: {  	v19 =	vld [tilespmem:s7+$0x179A0]  }
0x3b0: {  	v20 =	vld [tilespmem:s7+$0x179B0]  }
0x3b1: {  	v21 =	vld [tilespmem:s7+$0x17A20]  }
0x3b2: {  	v25 =	vld [tilespmem:s7+$0x17A30]  }
0x3b3: {  	v9 =	vimm.f32 $0.0e+00;
	v8 =	vld [tilespmem:s7+$0x17AD0]  }
0x3b4: {  	v17 =	vld [tilespmem:s7+$0x17A40];
	v12 =	vadd.f32 v12, v9;
	v23 =	vadd.f32 v18, v9  }
0x3b5: {  	v18 =	vld [tilespmem:s7+$0x17A50];
	v24 =	vadd.f32 v19, v9;
	v26 =	vadd.f32 v20, v9  }
0x3b6: {  	v19 =	vld [tilespmem:s7+$0x179C0];
	v22 =	vadd.f32 v10, v12;
	v23 =	vadd.f32 v11, v23  }
0x3b7: {  	v20 =	vld [tilespmem:s7+$0x179D0];
	v24 =	vadd.f32 v21, v24;
	v25 =	vadd.f32 v25, v26  }
0x3b8: {  	s8 =	simm.s32 $0x800;
	v21 =	vld [tilespmem:s7+$0x179E0];
	v12 =	vimm.f32 $0.0e+00;
	v11 =	vimm.f32 $0.0e+00;
	v10 =	vimm.f32 $0.0e+00  }
.LBB2_37:
0x3b9: {  	p2 =	sne.s32 s8, $0x3800;
	v26 =	vld [tilespmem:s7+$0x179F0];
	v14 =	vadd.f32 v14, v22;
	v16 =	vadd.f32 v16, v23  }
0x3ba: {  	v22 =	vld [tilespmem:s7+$0x17A60];
	v13 =	vadd.f32 v13, v24;
	v15 =	vadd.f32 v15, v25  }
0x3bb: {  	v23 =	vld [tilespmem:s7+$0x17A70];
	v24 =	vadd.f32 v3, v14;
	v25 =	vadd.f32 v5, v16  }
0x3bc: {  	v14 =	vld [tilespmem:s7+$0x17AE0];
	v27 =	vadd.f32 v6, v13;
	v28 =	vadd.f32 v7, v15  }
0x3bd: {  	v3 =	vadd.f32 v19, v9;
	v5 =	vadd.f32 v20, v12;
	v7 =	vld [tilespmem:s7+$0x17AF0]  }
0x3be: {  	v6 =	vadd.f32 v21, v11;
	v9 =	vadd.f32 v26, v10;
	v10 =	vld [tilespmem:s7+$0x17B60]  }
0x3bf: {  	v11 =	vadd.f32 v17, v3;
	v12 =	vadd.f32 v18, v5;
	v13 =	vld [tilespmem:s7+$0x17B70];
	s7 =	sshra.s32 s8, $0x2  }
0x3c0: {  	v15 =	vadd.f32 v22, v6;
	v3 =	vld [tilespmem:s7+$0x17B00];
	v9 =	vadd.f32 v23, v9  }
0x3c1: {  	v4 =	vadd.f32 v4, v11;
	v8 =	vadd.f32 v8, v12;
	v5 =	vld [tilespmem:s7+$0x17B10]  }
0x3c2: {  	v11 =	vadd.f32 v14, v15;
	v6 =	vld [tilespmem:s7+$0x17B20];
	v14 =	vadd.f32 v7, v9  }
0x3c3: {  	v9 =	vadd.f32 v1, v4;
	v12 =	vadd.f32 v2, v8;
	v7 =	vld [tilespmem:s7+$0x17B30]  }
0x3c4: {  	v11 =	vadd.f32 v10, v11;
	v1 =	vld [tilespmem:s7+$0x17B40];
	v10 =	vadd.f32 v13, v14  }
0x3c5: {  	v2 =	vld [tilespmem:s7+$0x17B50]  }
0x3c6: {  	v14 =	vld [tilespmem:s7+$0x17A80]  }
0x3c7: {  	v16 =	vld [tilespmem:s7+$0x17A90]  }
0x3c8: {  	v13 =	vld [tilespmem:s7+$0x17AA0]  }
0x3c9: {  	v15 =	vld [tilespmem:s7+$0x17AB0]  }
0x3ca: {  	v4 =	vld [tilespmem:s7+$0x17AC0]  }
0x3cb: {  	v8 =	vld [tilespmem:s7+$0x17AD0]  }
0x3cc: {  	v21 =	vld [tilespmem:s7+$0x17A00]  }
0x3cd: {  	v23 =	vld [tilespmem:s7+$0x17A10]  }
0x3ce: {  	v18 =	vld [tilespmem:s7+$0x17980]  }
0x3cf: {  	v19 =	vld [tilespmem:s7+$0x17990]  }
0x3d0: {  	v20 =	vld [tilespmem:s7+$0x179A0]  }
0x3d1: {  	v22 =	vld [tilespmem:s7+$0x179B0]  }
0x3d2: {  	v26 =	vld [tilespmem:s7+$0x17A20]  }
0x3d3: {  	v29 =	vld [tilespmem:s7+$0x17A30]  }
.Ltmp20:
0x3d4: {  	v17 =	vld [tilespmem:s7+$0x17A40];
	(pc) =	sbr.rel @p2 .LBB2_37-.Ltmp20, $4  }
0x3d5: {  	v24 =	vadd.f32 v18, v24;
	v25 =	vadd.f32 v19, v25;
	v18 =	vld [tilespmem:s7+$0x17A50]  }
0x3d6: {  	v27 =	vadd.f32 v20, v27;
	v28 =	vadd.f32 v22, v28;
	v19 =	vld [tilespmem:s7+$0x179C0]  }
0x3d7: {  	v22 =	vadd.f32 v21, v24;
	v23 =	vadd.f32 v23, v25;
	v20 =	vld [tilespmem:s7+$0x179D0]  }
0x3d8: {  	s8 =	sadd.s32 $0x800, s8;
	v24 =	vadd.f32 v26, v27;
	v21 =	vld [tilespmem:s7+$0x179E0];
	v25 =	vadd.f32 v29, v28  }
0x3d9: {  	v14 =	vadd.f32 v14, v22;
	v16 =	vadd.f32 v16, v23  }
0x3da: {  	v26 =	vld [tilespmem:s7+$0x179F0];
	v13 =	vadd.f32 v13, v24;
	v15 =	vadd.f32 v15, v25  }
0x3db: {  	v22 =	vld [tilespmem:s7+$0x17A60];
	v3 =	vadd.f32 v3, v14;
	v5 =	vadd.f32 v5, v16  }
0x3dc: {  	v23 =	vld [tilespmem:s7+$0x17A70];
	v9 =	vadd.f32 v19, v9;
	v6 =	vadd.f32 v6, v13  }
0x3dd: {  	v14 =	vld [tilespmem:s7+$0x17AE0];
	v7 =	vadd.f32 v7, v15;
	v12 =	vadd.f32 v20, v12  }
0x3de: {  	v13 =	vld [tilespmem:s7+$0x17AF0];
	v11 =	vadd.f32 v21, v11;
	v9 =	vadd.f32 v17, v9  }
0x3df: {  	v15 =	vld [tilespmem:s7+$0x17B60];
	v10 =	vadd.f32 v26, v10;
	v12 =	vadd.f32 v18, v12  }
0x3e0: {  	v16 =	vld [tilespmem:s7+$0x17B70];
	[tilespmem:$0x1CF00] =	vst v3;
	v11 =	vadd.f32 v22, v11;
	v4 =	vadd.f32 v4, v9  }
0x3e1: {  	[tilespmem:$0x1CF10] =	vst v5;
	v3 =	vadd.f32 v23, v10;
	v8 =	vadd.f32 v8, v12  }
0x3e2: {  	[tilespmem:$0x1CF20] =	vst v6;
	v5 =	vadd.f32 v14, v11;
	v1 =	vadd.f32 v1, v4  }
0x3e3: {  	[tilespmem:$0x1CF30] =	vst v7;
	v3 =	vadd.f32 v13, v3;
	v2 =	vadd.f32 v2, v8  }
0x3e4: {  	v4 =	vadd.f32 v15, v5;
	[tilespmem:$0x1CF40] =	vst v1  }
0x3e5: {  	v1 =	vadd.f32 v16, v3;
	[tilespmem:$0x1CF50] =	vst v2  }
0x3e6: {  	[tilespmem:$0x1CF60] =	vst v4  }
0x3e7: {  	s7 =	simm.s32 $0x0;
	[tilespmem:$0x1CF70] =	vst v1  }
0x3e8: {  	v3 =	vld [tilespmem:s7+$0x18B00]  }
0x3e9: {  	v5 =	vld [tilespmem:s7+$0x18B10]  }
0x3ea: {  	v6 =	vld [tilespmem:s7+$0x18B20]  }
0x3eb: {  	v7 =	vld [tilespmem:s7+$0x18B30]  }
0x3ec: {  	v1 =	vld [tilespmem:s7+$0x18B40]  }
0x3ed: {  	v2 =	vld [tilespmem:s7+$0x18B50]  }
0x3ee: {  	v14 =	vld [tilespmem:s7+$0x18A80]  }
0x3ef: {  	v16 =	vld [tilespmem:s7+$0x18A90]  }
0x3f0: {  	v13 =	vld [tilespmem:s7+$0x18AA0]  }
0x3f1: {  	v15 =	vld [tilespmem:s7+$0x18AB0]  }
0x3f2: {  	v4 =	vld [tilespmem:s7+$0x18AC0]  }
0x3f3: {  	v10 =	vld [tilespmem:s7+$0x18A00]  }
0x3f4: {  	v11 =	vld [tilespmem:s7+$0x18A10]  }
0x3f5: {  	v12 =	vld [tilespmem:s7+$0x18980]  }
0x3f6: {  	v18 =	vld [tilespmem:s7+$0x18990]  }
0x3f7: {  	v19 =	vld [tilespmem:s7+$0x189A0]  }
0x3f8: {  	v20 =	vld [tilespmem:s7+$0x189B0]  }
0x3f9: {  	v21 =	vld [tilespmem:s7+$0x18A20]  }
0x3fa: {  	v25 =	vld [tilespmem:s7+$0x18A30]  }
0x3fb: {  	v9 =	vimm.f32 $0.0e+00;
	v8 =	vld [tilespmem:s7+$0x18AD0]  }
0x3fc: {  	v17 =	vld [tilespmem:s7+$0x18A40];
	v12 =	vadd.f32 v12, v9;
	v23 =	vadd.f32 v18, v9  }
0x3fd: {  	v18 =	vld [tilespmem:s7+$0x18A50];
	v24 =	vadd.f32 v19, v9;
	v26 =	vadd.f32 v20, v9  }
0x3fe: {  	v19 =	vld [tilespmem:s7+$0x189C0];
	v22 =	vadd.f32 v10, v12;
	v23 =	vadd.f32 v11, v23  }
0x3ff: {  	v20 =	vld [tilespmem:s7+$0x189D0];
	v24 =	vadd.f32 v21, v24;
	v25 =	vadd.f32 v25, v26  }
0x400: {  	s8 =	simm.s32 $0x800;
	v21 =	vld [tilespmem:s7+$0x189E0];
	v12 =	vimm.f32 $0.0e+00;
	v11 =	vimm.f32 $0.0e+00;
	v10 =	vimm.f32 $0.0e+00  }
.LBB2_39:
0x401: {  	p2 =	sne.s32 s8, $0x3800;
	v26 =	vld [tilespmem:s7+$0x189F0];
	v14 =	vadd.f32 v14, v22;
	v16 =	vadd.f32 v16, v23  }
0x402: {  	v22 =	vld [tilespmem:s7+$0x18A60];
	v13 =	vadd.f32 v13, v24;
	v15 =	vadd.f32 v15, v25  }
0x403: {  	v23 =	vld [tilespmem:s7+$0x18A70];
	v24 =	vadd.f32 v3, v14;
	v25 =	vadd.f32 v5, v16  }
0x404: {  	v14 =	vld [tilespmem:s7+$0x18AE0];
	v27 =	vadd.f32 v6, v13;
	v28 =	vadd.f32 v7, v15  }
0x405: {  	v3 =	vadd.f32 v19, v9;
	v5 =	vadd.f32 v20, v12;
	v7 =	vld [tilespmem:s7+$0x18AF0]  }
0x406: {  	v6 =	vadd.f32 v21, v11;
	v9 =	vadd.f32 v26, v10;
	v10 =	vld [tilespmem:s7+$0x18B60]  }
0x407: {  	v11 =	vadd.f32 v17, v3;
	v12 =	vadd.f32 v18, v5;
	v13 =	vld [tilespmem:s7+$0x18B70];
	s7 =	sshra.s32 s8, $0x2  }
0x408: {  	v15 =	vadd.f32 v22, v6;
	v3 =	vld [tilespmem:s7+$0x18B00];
	v9 =	vadd.f32 v23, v9  }
0x409: {  	v4 =	vadd.f32 v4, v11;
	v8 =	vadd.f32 v8, v12;
	v5 =	vld [tilespmem:s7+$0x18B10]  }
0x40a: {  	v11 =	vadd.f32 v14, v15;
	v6 =	vld [tilespmem:s7+$0x18B20];
	v14 =	vadd.f32 v7, v9  }
0x40b: {  	v9 =	vadd.f32 v1, v4;
	v12 =	vadd.f32 v2, v8;
	v7 =	vld [tilespmem:s7+$0x18B30]  }
0x40c: {  	v11 =	vadd.f32 v10, v11;
	v1 =	vld [tilespmem:s7+$0x18B40];
	v10 =	vadd.f32 v13, v14  }
0x40d: {  	v2 =	vld [tilespmem:s7+$0x18B50]  }
0x40e: {  	v14 =	vld [tilespmem:s7+$0x18A80]  }
0x40f: {  	v16 =	vld [tilespmem:s7+$0x18A90]  }
0x410: {  	v13 =	vld [tilespmem:s7+$0x18AA0]  }
0x411: {  	v15 =	vld [tilespmem:s7+$0x18AB0]  }
0x412: {  	v4 =	vld [tilespmem:s7+$0x18AC0]  }
0x413: {  	v8 =	vld [tilespmem:s7+$0x18AD0]  }
0x414: {  	v21 =	vld [tilespmem:s7+$0x18A00]  }
0x415: {  	v23 =	vld [tilespmem:s7+$0x18A10]  }
0x416: {  	v18 =	vld [tilespmem:s7+$0x18980]  }
0x417: {  	v19 =	vld [tilespmem:s7+$0x18990]  }
0x418: {  	v20 =	vld [tilespmem:s7+$0x189A0]  }
0x419: {  	v22 =	vld [tilespmem:s7+$0x189B0]  }
0x41a: {  	v26 =	vld [tilespmem:s7+$0x18A20]  }
0x41b: {  	v29 =	vld [tilespmem:s7+$0x18A30]  }
.Ltmp21:
0x41c: {  	v17 =	vld [tilespmem:s7+$0x18A40];
	(pc) =	sbr.rel @p2 .LBB2_39-.Ltmp21, $4  }
0x41d: {  	v24 =	vadd.f32 v18, v24;
	v25 =	vadd.f32 v19, v25;
	v18 =	vld [tilespmem:s7+$0x18A50]  }
0x41e: {  	v27 =	vadd.f32 v20, v27;
	v28 =	vadd.f32 v22, v28;
	v19 =	vld [tilespmem:s7+$0x189C0]  }
0x41f: {  	v22 =	vadd.f32 v21, v24;
	v23 =	vadd.f32 v23, v25;
	v20 =	vld [tilespmem:s7+$0x189D0]  }
0x420: {  	s8 =	sadd.s32 $0x800, s8;
	v24 =	vadd.f32 v26, v27;
	v21 =	vld [tilespmem:s7+$0x189E0];
	v25 =	vadd.f32 v29, v28  }
0x421: {  	v14 =	vadd.f32 v14, v22;
	v16 =	vadd.f32 v16, v23  }
0x422: {  	v26 =	vld [tilespmem:s7+$0x189F0];
	v13 =	vadd.f32 v13, v24;
	v15 =	vadd.f32 v15, v25  }
0x423: {  	v22 =	vld [tilespmem:s7+$0x18A60];
	v3 =	vadd.f32 v3, v14;
	v5 =	vadd.f32 v5, v16  }
0x424: {  	v23 =	vld [tilespmem:s7+$0x18A70];
	v9 =	vadd.f32 v19, v9;
	v6 =	vadd.f32 v6, v13  }
0x425: {  	v14 =	vld [tilespmem:s7+$0x18AE0];
	v7 =	vadd.f32 v7, v15;
	v12 =	vadd.f32 v20, v12  }
0x426: {  	v13 =	vld [tilespmem:s7+$0x18AF0];
	v11 =	vadd.f32 v21, v11;
	v9 =	vadd.f32 v17, v9  }
0x427: {  	v15 =	vld [tilespmem:s7+$0x18B60];
	v10 =	vadd.f32 v26, v10;
	v12 =	vadd.f32 v18, v12  }
0x428: {  	v16 =	vld [tilespmem:s7+$0x18B70];
	[tilespmem:$0x1CF80] =	vst v3;
	v11 =	vadd.f32 v22, v11;
	v4 =	vadd.f32 v4, v9  }
0x429: {  	[tilespmem:$0x1CF90] =	vst v5;
	v3 =	vadd.f32 v23, v10;
	v8 =	vadd.f32 v8, v12  }
0x42a: {  	[tilespmem:$0x1CFA0] =	vst v6;
	v5 =	vadd.f32 v14, v11;
	v1 =	vadd.f32 v1, v4  }
0x42b: {  	[tilespmem:$0x1CFB0] =	vst v7;
	v3 =	vadd.f32 v13, v3;
	v2 =	vadd.f32 v2, v8  }
0x42c: {  	v4 =	vadd.f32 v15, v5;
	[tilespmem:$0x1CFC0] =	vst v1  }
0x42d: {  	v1 =	vadd.f32 v16, v3;
	[tilespmem:$0x1CFD0] =	vst v2  }
0x42e: {  	[tilespmem:$0x1CFE0] =	vst v4  }
0x42f: {  	s7 =	simm.s32 $0x0;
	[tilespmem:$0x1CFF0] =	vst v1  }
0x430: {  	v3 =	vld [tilespmem:s7+$0x19B00]  }
0x431: {  	v5 =	vld [tilespmem:s7+$0x19B10]  }
0x432: {  	v6 =	vld [tilespmem:s7+$0x19B20]  }
0x433: {  	v7 =	vld [tilespmem:s7+$0x19B30]  }
0x434: {  	v1 =	vld [tilespmem:s7+$0x19B40]  }
0x435: {  	v2 =	vld [tilespmem:s7+$0x19B50]  }
0x436: {  	v14 =	vld [tilespmem:s7+$0x19A80]  }
0x437: {  	v16 =	vld [tilespmem:s7+$0x19A90]  }
0x438: {  	v13 =	vld [tilespmem:s7+$0x19AA0]  }
0x439: {  	v15 =	vld [tilespmem:s7+$0x19AB0]  }
0x43a: {  	v4 =	vld [tilespmem:s7+$0x19AC0]  }
0x43b: {  	v10 =	vld [tilespmem:s7+$0x19A00]  }
0x43c: {  	v11 =	vld [tilespmem:s7+$0x19A10]  }
0x43d: {  	v12 =	vld [tilespmem:s7+$0x19980]  }
0x43e: {  	v18 =	vld [tilespmem:s7+$0x19990]  }
0x43f: {  	v19 =	vld [tilespmem:s7+$0x199A0]  }
0x440: {  	v20 =	vld [tilespmem:s7+$0x199B0]  }
0x441: {  	v21 =	vld [tilespmem:s7+$0x19A20]  }
0x442: {  	v25 =	vld [tilespmem:s7+$0x19A30]  }
0x443: {  	v9 =	vimm.f32 $0.0e+00;
	v8 =	vld [tilespmem:s7+$0x19AD0]  }
0x444: {  	v17 =	vld [tilespmem:s7+$0x19A40];
	v12 =	vadd.f32 v12, v9;
	v23 =	vadd.f32 v18, v9  }
0x445: {  	v18 =	vld [tilespmem:s7+$0x19A50];
	v24 =	vadd.f32 v19, v9;
	v26 =	vadd.f32 v20, v9  }
0x446: {  	v19 =	vld [tilespmem:s7+$0x199C0];
	v22 =	vadd.f32 v10, v12;
	v23 =	vadd.f32 v11, v23  }
0x447: {  	v20 =	vld [tilespmem:s7+$0x199D0];
	v24 =	vadd.f32 v21, v24;
	v25 =	vadd.f32 v25, v26  }
0x448: {  	s8 =	simm.s32 $0x800;
	v21 =	vld [tilespmem:s7+$0x199E0];
	v12 =	vimm.f32 $0.0e+00;
	v11 =	vimm.f32 $0.0e+00;
	v10 =	vimm.f32 $0.0e+00  }
.LBB2_41:
0x449: {  	p2 =	sne.s32 s8, $0x3800;
	v26 =	vld [tilespmem:s7+$0x199F0];
	v14 =	vadd.f32 v14, v22;
	v16 =	vadd.f32 v16, v23  }
0x44a: {  	v22 =	vld [tilespmem:s7+$0x19A60];
	v13 =	vadd.f32 v13, v24;
	v15 =	vadd.f32 v15, v25  }
0x44b: {  	v23 =	vld [tilespmem:s7+$0x19A70];
	v24 =	vadd.f32 v3, v14;
	v25 =	vadd.f32 v5, v16  }
0x44c: {  	v14 =	vld [tilespmem:s7+$0x19AE0];
	v27 =	vadd.f32 v6, v13;
	v28 =	vadd.f32 v7, v15  }
0x44d: {  	v3 =	vadd.f32 v19, v9;
	v5 =	vadd.f32 v20, v12;
	v7 =	vld [tilespmem:s7+$0x19AF0]  }
0x44e: {  	v6 =	vadd.f32 v21, v11;
	v9 =	vadd.f32 v26, v10;
	v10 =	vld [tilespmem:s7+$0x19B60]  }
0x44f: {  	v11 =	vadd.f32 v17, v3;
	v12 =	vadd.f32 v18, v5;
	v13 =	vld [tilespmem:s7+$0x19B70];
	s7 =	sshra.s32 s8, $0x2  }
0x450: {  	v15 =	vadd.f32 v22, v6;
	v3 =	vld [tilespmem:s7+$0x19B00];
	v9 =	vadd.f32 v23, v9  }
0x451: {  	v4 =	vadd.f32 v4, v11;
	v8 =	vadd.f32 v8, v12;
	v5 =	vld [tilespmem:s7+$0x19B10]  }
0x452: {  	v11 =	vadd.f32 v14, v15;
	v6 =	vld [tilespmem:s7+$0x19B20];
	v14 =	vadd.f32 v7, v9  }
0x453: {  	v9 =	vadd.f32 v1, v4;
	v12 =	vadd.f32 v2, v8;
	v7 =	vld [tilespmem:s7+$0x19B30]  }
0x454: {  	v11 =	vadd.f32 v10, v11;
	v1 =	vld [tilespmem:s7+$0x19B40];
	v10 =	vadd.f32 v13, v14  }
0x455: {  	v2 =	vld [tilespmem:s7+$0x19B50]  }
0x456: {  	v14 =	vld [tilespmem:s7+$0x19A80]  }
0x457: {  	v16 =	vld [tilespmem:s7+$0x19A90]  }
0x458: {  	v13 =	vld [tilespmem:s7+$0x19AA0]  }
0x459: {  	v15 =	vld [tilespmem:s7+$0x19AB0]  }
0x45a: {  	v4 =	vld [tilespmem:s7+$0x19AC0]  }
0x45b: {  	v8 =	vld [tilespmem:s7+$0x19AD0]  }
0x45c: {  	v21 =	vld [tilespmem:s7+$0x19A00]  }
0x45d: {  	v23 =	vld [tilespmem:s7+$0x19A10]  }
0x45e: {  	v18 =	vld [tilespmem:s7+$0x19980]  }
0x45f: {  	v19 =	vld [tilespmem:s7+$0x19990]  }
0x460: {  	v20 =	vld [tilespmem:s7+$0x199A0]  }
0x461: {  	v22 =	vld [tilespmem:s7+$0x199B0]  }
0x462: {  	v26 =	vld [tilespmem:s7+$0x19A20]  }
0x463: {  	v29 =	vld [tilespmem:s7+$0x19A30]  }
.Ltmp22:
0x464: {  	v17 =	vld [tilespmem:s7+$0x19A40];
	(pc) =	sbr.rel @p2 .LBB2_41-.Ltmp22, $4  }
0x465: {  	v24 =	vadd.f32 v18, v24;
	v25 =	vadd.f32 v19, v25;
	v18 =	vld [tilespmem:s7+$0x19A50]  }
0x466: {  	v27 =	vadd.f32 v20, v27;
	v28 =	vadd.f32 v22, v28;
	v19 =	vld [tilespmem:s7+$0x199C0]  }
0x467: {  	v22 =	vadd.f32 v21, v24;
	v23 =	vadd.f32 v23, v25;
	v20 =	vld [tilespmem:s7+$0x199D0]  }
0x468: {  	s8 =	sadd.s32 $0x800, s8;
	v24 =	vadd.f32 v26, v27;
	v21 =	vld [tilespmem:s7+$0x199E0];
	v25 =	vadd.f32 v29, v28  }
0x469: {  	v14 =	vadd.f32 v14, v22;
	v16 =	vadd.f32 v16, v23  }
0x46a: {  	v26 =	vld [tilespmem:s7+$0x199F0];
	v13 =	vadd.f32 v13, v24;
	v15 =	vadd.f32 v15, v25  }
0x46b: {  	v22 =	vld [tilespmem:s7+$0x19A60];
	v3 =	vadd.f32 v3, v14;
	v5 =	vadd.f32 v5, v16  }
0x46c: {  	v23 =	vld [tilespmem:s7+$0x19A70];
	v9 =	vadd.f32 v19, v9;
	v6 =	vadd.f32 v6, v13  }
0x46d: {  	v14 =	vld [tilespmem:s7+$0x19AE0];
	v7 =	vadd.f32 v7, v15;
	v12 =	vadd.f32 v20, v12  }
0x46e: {  	v13 =	vld [tilespmem:s7+$0x19AF0];
	v11 =	vadd.f32 v21, v11;
	v9 =	vadd.f32 v17, v9  }
0x46f: {  	v15 =	vld [tilespmem:s7+$0x19B60];
	v10 =	vadd.f32 v26, v10;
	v12 =	vadd.f32 v18, v12  }
0x470: {  	v16 =	vld [tilespmem:s7+$0x19B70];
	[tilespmem:$0x1D000] =	vst v3;
	v11 =	vadd.f32 v22, v11;
	v4 =	vadd.f32 v4, v9  }
0x471: {  	[tilespmem:$0x1D010] =	vst v5;
	v3 =	vadd.f32 v23, v10;
	v8 =	vadd.f32 v8, v12  }
0x472: {  	[tilespmem:$0x1D020] =	vst v6;
	v5 =	vadd.f32 v14, v11;
	v1 =	vadd.f32 v1, v4  }
0x473: {  	[tilespmem:$0x1D030] =	vst v7;
	v3 =	vadd.f32 v13, v3;
	v2 =	vadd.f32 v2, v8  }
0x474: {  	v4 =	vadd.f32 v15, v5;
	[tilespmem:$0x1D040] =	vst v1  }
0x475: {  	v1 =	vadd.f32 v16, v3;
	[tilespmem:$0x1D050] =	vst v2  }
0x476: {  	[tilespmem:$0x1D060] =	vst v4  }
0x477: {  	s7 =	simm.s32 $0x0;
	[tilespmem:$0x1D070] =	vst v1  }
0x478: {  	v3 =	vld [tilespmem:s7+$0x1AB00]  }
0x479: {  	v5 =	vld [tilespmem:s7+$0x1AB10]  }
0x47a: {  	v6 =	vld [tilespmem:s7+$0x1AB20]  }
0x47b: {  	v7 =	vld [tilespmem:s7+$0x1AB30]  }
0x47c: {  	v1 =	vld [tilespmem:s7+$0x1AB40]  }
0x47d: {  	v2 =	vld [tilespmem:s7+$0x1AB50]  }
0x47e: {  	v14 =	vld [tilespmem:s7+$0x1AA80]  }
0x47f: {  	v16 =	vld [tilespmem:s7+$0x1AA90]  }
0x480: {  	v13 =	vld [tilespmem:s7+$0x1AAA0]  }
0x481: {  	v15 =	vld [tilespmem:s7+$0x1AAB0]  }
0x482: {  	v4 =	vld [tilespmem:s7+$0x1AAC0]  }
0x483: {  	v10 =	vld [tilespmem:s7+$0x1AA00]  }
0x484: {  	v11 =	vld [tilespmem:s7+$0x1AA10]  }
0x485: {  	v12 =	vld [tilespmem:s7+$0x1A980]  }
0x486: {  	v18 =	vld [tilespmem:s7+$0x1A990]  }
0x487: {  	v19 =	vld [tilespmem:s7+$0x1A9A0]  }
0x488: {  	v20 =	vld [tilespmem:s7+$0x1A9B0]  }
0x489: {  	v21 =	vld [tilespmem:s7+$0x1AA20]  }
0x48a: {  	v25 =	vld [tilespmem:s7+$0x1AA30]  }
0x48b: {  	v9 =	vimm.f32 $0.0e+00;
	v8 =	vld [tilespmem:s7+$0x1AAD0]  }
0x48c: {  	v17 =	vld [tilespmem:s7+$0x1AA40];
	v12 =	vadd.f32 v12, v9;
	v23 =	vadd.f32 v18, v9  }
0x48d: {  	v18 =	vld [tilespmem:s7+$0x1AA50];
	v24 =	vadd.f32 v19, v9;
	v26 =	vadd.f32 v20, v9  }
0x48e: {  	v19 =	vld [tilespmem:s7+$0x1A9C0];
	v22 =	vadd.f32 v10, v12;
	v23 =	vadd.f32 v11, v23  }
0x48f: {  	v20 =	vld [tilespmem:s7+$0x1A9D0];
	v24 =	vadd.f32 v21, v24;
	v25 =	vadd.f32 v25, v26  }
0x490: {  	s8 =	simm.s32 $0x800;
	v21 =	vld [tilespmem:s7+$0x1A9E0];
	v12 =	vimm.f32 $0.0e+00;
	v11 =	vimm.f32 $0.0e+00;
	v10 =	vimm.f32 $0.0e+00  }
.LBB2_43:
0x491: {  	p2 =	sne.s32 s8, $0x3800;
	v26 =	vld [tilespmem:s7+$0x1A9F0];
	v14 =	vadd.f32 v14, v22;
	v16 =	vadd.f32 v16, v23  }
0x492: {  	v22 =	vld [tilespmem:s7+$0x1AA60];
	v13 =	vadd.f32 v13, v24;
	v15 =	vadd.f32 v15, v25  }
0x493: {  	v23 =	vld [tilespmem:s7+$0x1AA70];
	v24 =	vadd.f32 v3, v14;
	v25 =	vadd.f32 v5, v16  }
0x494: {  	v14 =	vld [tilespmem:s7+$0x1AAE0];
	v27 =	vadd.f32 v6, v13;
	v28 =	vadd.f32 v7, v15  }
0x495: {  	v3 =	vadd.f32 v19, v9;
	v5 =	vadd.f32 v20, v12;
	v7 =	vld [tilespmem:s7+$0x1AAF0]  }
0x496: {  	v6 =	vadd.f32 v21, v11;
	v9 =	vadd.f32 v26, v10;
	v10 =	vld [tilespmem:s7+$0x1AB60]  }
0x497: {  	v11 =	vadd.f32 v17, v3;
	v12 =	vadd.f32 v18, v5;
	v13 =	vld [tilespmem:s7+$0x1AB70];
	s7 =	sshra.s32 s8, $0x2  }
0x498: {  	v15 =	vadd.f32 v22, v6;
	v3 =	vld [tilespmem:s7+$0x1AB00];
	v9 =	vadd.f32 v23, v9  }
0x499: {  	v4 =	vadd.f32 v4, v11;
	v8 =	vadd.f32 v8, v12;
	v5 =	vld [tilespmem:s7+$0x1AB10]  }
0x49a: {  	v11 =	vadd.f32 v14, v15;
	v6 =	vld [tilespmem:s7+$0x1AB20];
	v14 =	vadd.f32 v7, v9  }
0x49b: {  	v9 =	vadd.f32 v1, v4;
	v12 =	vadd.f32 v2, v8;
	v7 =	vld [tilespmem:s7+$0x1AB30]  }
0x49c: {  	v11 =	vadd.f32 v10, v11;
	v1 =	vld [tilespmem:s7+$0x1AB40];
	v10 =	vadd.f32 v13, v14  }
0x49d: {  	v2 =	vld [tilespmem:s7+$0x1AB50]  }
0x49e: {  	v14 =	vld [tilespmem:s7+$0x1AA80]  }
0x49f: {  	v16 =	vld [tilespmem:s7+$0x1AA90]  }
0x4a0: {  	v13 =	vld [tilespmem:s7+$0x1AAA0]  }
0x4a1: {  	v15 =	vld [tilespmem:s7+$0x1AAB0]  }
0x4a2: {  	v4 =	vld [tilespmem:s7+$0x1AAC0]  }
0x4a3: {  	v8 =	vld [tilespmem:s7+$0x1AAD0]  }
0x4a4: {  	v21 =	vld [tilespmem:s7+$0x1AA00]  }
0x4a5: {  	v23 =	vld [tilespmem:s7+$0x1AA10]  }
0x4a6: {  	v18 =	vld [tilespmem:s7+$0x1A980]  }
0x4a7: {  	v19 =	vld [tilespmem:s7+$0x1A990]  }
0x4a8: {  	v20 =	vld [tilespmem:s7+$0x1A9A0]  }
0x4a9: {  	v22 =	vld [tilespmem:s7+$0x1A9B0]  }
0x4aa: {  	v26 =	vld [tilespmem:s7+$0x1AA20]  }
0x4ab: {  	v29 =	vld [tilespmem:s7+$0x1AA30]  }
.Ltmp23:
0x4ac: {  	v17 =	vld [tilespmem:s7+$0x1AA40];
	(pc) =	sbr.rel @p2 .LBB2_43-.Ltmp23, $4  }
0x4ad: {  	v24 =	vadd.f32 v18, v24;
	v25 =	vadd.f32 v19, v25;
	v18 =	vld [tilespmem:s7+$0x1AA50]  }
0x4ae: {  	v27 =	vadd.f32 v20, v27;
	v28 =	vadd.f32 v22, v28;
	v19 =	vld [tilespmem:s7+$0x1A9C0]  }
0x4af: {  	v22 =	vadd.f32 v21, v24;
	v23 =	vadd.f32 v23, v25;
	v20 =	vld [tilespmem:s7+$0x1A9D0]  }
0x4b0: {  	s8 =	sadd.s32 $0x800, s8;
	v24 =	vadd.f32 v26, v27;
	v21 =	vld [tilespmem:s7+$0x1A9E0];
	v25 =	vadd.f32 v29, v28  }
0x4b1: {  	v14 =	vadd.f32 v14, v22;
	v16 =	vadd.f32 v16, v23  }
0x4b2: {  	v26 =	vld [tilespmem:s7+$0x1A9F0];
	v13 =	vadd.f32 v13, v24;
	v15 =	vadd.f32 v15, v25  }
0x4b3: {  	v22 =	vld [tilespmem:s7+$0x1AA60];
	v3 =	vadd.f32 v3, v14;
	v5 =	vadd.f32 v5, v16  }
0x4b4: {  	v23 =	vld [tilespmem:s7+$0x1AA70];
	v9 =	vadd.f32 v19, v9;
	v6 =	vadd.f32 v6, v13  }
0x4b5: {  	v14 =	vld [tilespmem:s7+$0x1AAE0];
	v7 =	vadd.f32 v7, v15;
	v12 =	vadd.f32 v20, v12  }
0x4b6: {  	v13 =	vld [tilespmem:s7+$0x1AAF0];
	v11 =	vadd.f32 v21, v11;
	v9 =	vadd.f32 v17, v9  }
0x4b7: {  	v15 =	vld [tilespmem:s7+$0x1AB60];
	v10 =	vadd.f32 v26, v10;
	v12 =	vadd.f32 v18, v12  }
0x4b8: {  	v16 =	vld [tilespmem:s7+$0x1AB70];
	[tilespmem:$0x1D080] =	vst v3;
	v11 =	vadd.f32 v22, v11;
	v4 =	vadd.f32 v4, v9  }
0x4b9: {  	[tilespmem:$0x1D090] =	vst v5;
	v3 =	vadd.f32 v23, v10;
	v8 =	vadd.f32 v8, v12  }
0x4ba: {  	[tilespmem:$0x1D0A0] =	vst v6;
	v5 =	vadd.f32 v14, v11;
	v1 =	vadd.f32 v1, v4  }
0x4bb: {  	[tilespmem:$0x1D0B0] =	vst v7;
	v3 =	vadd.f32 v13, v3;
	v2 =	vadd.f32 v2, v8  }
0x4bc: {  	v4 =	vadd.f32 v15, v5;
	[tilespmem:$0x1D0C0] =	vst v1  }
0x4bd: {  	v1 =	vadd.f32 v16, v3;
	[tilespmem:$0x1D0D0] =	vst v2  }
0x4be: {  	[tilespmem:$0x1D0E0] =	vst v4  }
0x4bf: {  	s7 =	simm.s32 $0x0;
	[tilespmem:$0x1D0F0] =	vst v1  }
0x4c0: {  	v3 =	vld [tilespmem:s7+$0x1BB00]  }
0x4c1: {  	v5 =	vld [tilespmem:s7+$0x1BB10]  }
0x4c2: {  	v6 =	vld [tilespmem:s7+$0x1BB20]  }
0x4c3: {  	v7 =	vld [tilespmem:s7+$0x1BB30]  }
0x4c4: {  	v1 =	vld [tilespmem:s7+$0x1BB40]  }
0x4c5: {  	v2 =	vld [tilespmem:s7+$0x1BB50]  }
0x4c6: {  	v14 =	vld [tilespmem:s7+$0x1BA80]  }
0x4c7: {  	v16 =	vld [tilespmem:s7+$0x1BA90]  }
0x4c8: {  	v13 =	vld [tilespmem:s7+$0x1BAA0]  }
0x4c9: {  	v15 =	vld [tilespmem:s7+$0x1BAB0]  }
0x4ca: {  	v4 =	vld [tilespmem:s7+$0x1BAC0]  }
0x4cb: {  	v10 =	vld [tilespmem:s7+$0x1BA00]  }
0x4cc: {  	v11 =	vld [tilespmem:s7+$0x1BA10]  }
0x4cd: {  	v12 =	vld [tilespmem:s7+$0x1B980]  }
0x4ce: {  	v18 =	vld [tilespmem:s7+$0x1B990]  }
0x4cf: {  	v19 =	vld [tilespmem:s7+$0x1B9A0]  }
0x4d0: {  	v20 =	vld [tilespmem:s7+$0x1B9B0]  }
0x4d1: {  	v21 =	vld [tilespmem:s7+$0x1BA20]  }
0x4d2: {  	v25 =	vld [tilespmem:s7+$0x1BA30]  }
0x4d3: {  	v9 =	vimm.f32 $0.0e+00;
	v8 =	vld [tilespmem:s7+$0x1BAD0]  }
0x4d4: {  	v17 =	vld [tilespmem:s7+$0x1BA40];
	v12 =	vadd.f32 v12, v9;
	v23 =	vadd.f32 v18, v9  }
0x4d5: {  	v18 =	vld [tilespmem:s7+$0x1BA50];
	v24 =	vadd.f32 v19, v9;
	v26 =	vadd.f32 v20, v9  }
0x4d6: {  	v19 =	vld [tilespmem:s7+$0x1B9C0];
	v22 =	vadd.f32 v10, v12;
	v23 =	vadd.f32 v11, v23  }
0x4d7: {  	v20 =	vld [tilespmem:s7+$0x1B9D0];
	v24 =	vadd.f32 v21, v24;
	v25 =	vadd.f32 v25, v26  }
0x4d8: {  	s8 =	simm.s32 $0x800;
	v21 =	vld [tilespmem:s7+$0x1B9E0];
	v12 =	vimm.f32 $0.0e+00;
	v11 =	vimm.f32 $0.0e+00;
	v10 =	vimm.f32 $0.0e+00  }
.LBB2_45:
0x4d9: {  	p2 =	sne.s32 s8, $0x3800;
	v26 =	vld [tilespmem:s7+$0x1B9F0];
	v14 =	vadd.f32 v14, v22;
	v16 =	vadd.f32 v16, v23  }
0x4da: {  	v22 =	vld [tilespmem:s7+$0x1BA60];
	v13 =	vadd.f32 v13, v24;
	v15 =	vadd.f32 v15, v25  }
0x4db: {  	v23 =	vld [tilespmem:s7+$0x1BA70];
	v24 =	vadd.f32 v3, v14;
	v25 =	vadd.f32 v5, v16  }
0x4dc: {  	v14 =	vld [tilespmem:s7+$0x1BAE0];
	v27 =	vadd.f32 v6, v13;
	v28 =	vadd.f32 v7, v15  }
0x4dd: {  	v3 =	vadd.f32 v19, v9;
	v5 =	vadd.f32 v20, v12;
	v7 =	vld [tilespmem:s7+$0x1BAF0]  }
0x4de: {  	v6 =	vadd.f32 v21, v11;
	v9 =	vadd.f32 v26, v10;
	v10 =	vld [tilespmem:s7+$0x1BB60]  }
0x4df: {  	v11 =	vadd.f32 v17, v3;
	v12 =	vadd.f32 v18, v5;
	v13 =	vld [tilespmem:s7+$0x1BB70];
	s7 =	sshra.s32 s8, $0x2  }
0x4e0: {  	v15 =	vadd.f32 v22, v6;
	v3 =	vld [tilespmem:s7+$0x1BB00];
	v9 =	vadd.f32 v23, v9  }
0x4e1: {  	v4 =	vadd.f32 v4, v11;
	v8 =	vadd.f32 v8, v12;
	v5 =	vld [tilespmem:s7+$0x1BB10]  }
0x4e2: {  	v11 =	vadd.f32 v14, v15;
	v6 =	vld [tilespmem:s7+$0x1BB20];
	v14 =	vadd.f32 v7, v9  }
0x4e3: {  	v9 =	vadd.f32 v1, v4;
	v12 =	vadd.f32 v2, v8;
	v7 =	vld [tilespmem:s7+$0x1BB30]  }
0x4e4: {  	v11 =	vadd.f32 v10, v11;
	v1 =	vld [tilespmem:s7+$0x1BB40];
	v10 =	vadd.f32 v13, v14  }
0x4e5: {  	v2 =	vld [tilespmem:s7+$0x1BB50]  }
0x4e6: {  	v14 =	vld [tilespmem:s7+$0x1BA80]  }
0x4e7: {  	v16 =	vld [tilespmem:s7+$0x1BA90]  }
0x4e8: {  	v13 =	vld [tilespmem:s7+$0x1BAA0]  }
0x4e9: {  	v15 =	vld [tilespmem:s7+$0x1BAB0]  }
0x4ea: {  	v4 =	vld [tilespmem:s7+$0x1BAC0]  }
0x4eb: {  	v8 =	vld [tilespmem:s7+$0x1BAD0]  }
0x4ec: {  	v21 =	vld [tilespmem:s7+$0x1BA00]  }
0x4ed: {  	v23 =	vld [tilespmem:s7+$0x1BA10]  }
0x4ee: {  	v18 =	vld [tilespmem:s7+$0x1B980]  }
0x4ef: {  	v19 =	vld [tilespmem:s7+$0x1B990]  }
0x4f0: {  	v20 =	vld [tilespmem:s7+$0x1B9A0]  }
0x4f1: {  	v22 =	vld [tilespmem:s7+$0x1B9B0]  }
0x4f2: {  	v26 =	vld [tilespmem:s7+$0x1BA20]  }
0x4f3: {  	v29 =	vld [tilespmem:s7+$0x1BA30]  }
.Ltmp24:
0x4f4: {  	v17 =	vld [tilespmem:s7+$0x1BA40];
	(pc) =	sbr.rel @p2 .LBB2_45-.Ltmp24, $4  }
0x4f5: {  	v24 =	vadd.f32 v18, v24;
	v25 =	vadd.f32 v19, v25;
	v18 =	vld [tilespmem:s7+$0x1BA50]  }
0x4f6: {  	v27 =	vadd.f32 v20, v27;
	v28 =	vadd.f32 v22, v28;
	v19 =	vld [tilespmem:s7+$0x1B9C0]  }
0x4f7: {  	v22 =	vadd.f32 v21, v24;
	v23 =	vadd.f32 v23, v25;
	v20 =	vld [tilespmem:s7+$0x1B9D0]  }
0x4f8: {  	s8 =	sadd.s32 $0x800, s8;
	v24 =	vadd.f32 v26, v27;
	v21 =	vld [tilespmem:s7+$0x1B9E0];
	v25 =	vadd.f32 v29, v28  }
0x4f9: {  	v14 =	vadd.f32 v14, v22;
	v16 =	vadd.f32 v16, v23  }
0x4fa: {  	v26 =	vld [tilespmem:s7+$0x1B9F0];
	v13 =	vadd.f32 v13, v24;
	v15 =	vadd.f32 v15, v25  }
0x4fb: {  	v56 =	vld [tilespmem:s7+$0x1BA60];
	v3 =	vadd.f32 v3, v14;
	v5 =	vadd.f32 v5, v16  }
0x4fc: {  	v57 =	vld [tilespmem:s7+$0x1BA70];
	v9 =	vadd.f32 v19, v9;
	v6 =	vadd.f32 v6, v13  }
0x4fd: {  	v58 =	vld [tilespmem:s7+$0x1BAE0];
	v7 =	vadd.f32 v7, v15;
	v12 =	vadd.f32 v20, v12  }
0x4fe: {  	v59 =	vld [tilespmem:s7+$0x1BAF0];
	v11 =	vadd.f32 v21, v11;
	v9 =	vadd.f32 v17, v9  }
0x4ff: {  	v60 =	vld [tilespmem:s7+$0x1BB60];
	v10 =	vadd.f32 v26, v10;
	v12 =	vadd.f32 v18, v12  }
0x500: {  	v61 =	vld [tilespmem:s7+$0x1BB70];
	[tilespmem:$0x1D100] =	vst v3;
	v11 =	vadd.f32 v56, v11;
	v4 =	vadd.f32 v4, v9  }
0x501: {  	[tilespmem:$0x1D110] =	vst v5;
	v3 =	vadd.f32 v57, v10;
	v8 =	vadd.f32 v8, v12  }
0x502: {  	[tilespmem:$0x1D120] =	vst v6;
	v62 =	vadd.f32 v58, v11;
	v1 =	vadd.f32 v1, v4  }
0x503: {  	[tilespmem:$0x1D130] =	vst v7;
	v3 =	vadd.f32 v59, v3;
	v2 =	vadd.f32 v2, v8  }
0x504: {  	v63 =	vadd.f32 v60, v62;
	[tilespmem:$0x1D140] =	vst v1  }
0x505: {  	s16 =	sadd.s32 s4, s14;
	v1 =	vadd.f32 v61, v3;
	[tilespmem:$0x1D150] =	vst v2  }
0x506: {  	s7 =	sshll.u32 s16, $0x7;
	[tilespmem:$0x1D160] =	vst v63  }
0x507: {  	s8 =	sadd.s32 s6, s7;
	[tilespmem:$0x1D170] =	vst v1  }
0x508: {  	[hbm4b:s8+s3] =	stream.linear.scatter [tilespmem:s28], [sflag:$0x4], $0x400, $0x38;
	[tilespmem:$0x1D980] =	vst v63  }
0x509: {  	_ =	swait.ge [sflag:s29], $0x400  }
0x50a: {  	[sflag:s29] =	ssyncset.done $0x0  }
0x50b: {  	s8 =	simm.s32 @!p1 $0x8;
	[sflag:s29] =	ssyncadd.s32 $0xFFFFFC00  }
0x50c: {  	_ =	swait.ge @!p1 [sflag:s8], $0x400  }
0x50d: {  	s0 =	sadd.s32 $0x1, s0;
	[sflag:s8] =	ssyncset.done @!p1 $0x0  }
0x50e: {  	[sflag:s8] =	ssyncadd.s32 @!p1 $0xFFFFFC00;
	p1 =	sne.s32 s0, $0x14  }
.Ltmp25:
0x50f: {  	_ = 	snop;
	(pc) =	sbr.rel @p1 .LBB2_10-.Ltmp25, $3  }
0x510: {  	_ =	sdelay $0x1  }
0x511: {  	s7 =	sadd.s32 s5, s7  }
0x512: {  	[hbm4b:s7+s3] =	stream.linear.scatter [tilespmem:s21], [sflag:$0x8], $0x400, $0x38;
	[tilespmem:$0x1D980] =	vst v63  }
0x513: {  	_ =	swait.ge [sflag:s30], $0x400  }
0x514: {  	[sflag:s30] =	ssyncset.done $0x0  }
0x515: {  	[sflag:s30] =	ssyncadd.s32 $0xFFFFFC00  }
0x516: {  	_ =	swait.ge [sflag:s31], $0x400  }
0x517: {  	[sflag:s31] =	ssyncset.done $0x0  }
0x518: {  	s2 =	sadd.s32 $0x1, s2;
	[sflag:s31] =	ssyncadd.s32 $0xFFFFFC00  }
0x519: {  	p1 =	sne.s32 s2, s12;
	_ =	swait.ge [sflag:s26], $0x400  }
.Ltmp26:
0x51a: {  	[sflag:s26] =	ssyncset.done $0x0;
	(pc) =	sbr.rel @p1 .LBB2_1-.Ltmp26, $4  }
0x51b: {  	[sflag:s26] =	ssyncadd.s32 $0xFFFFFC00  }
0x51c: {  	_ =	swait.ge [sflag:s18], $0x400  }
0x51d: {  	[sflag:s18] =	ssyncset.done $0x0  }
0x51e: {  	[sflag:s18] =	ssyncadd.s32 $0xFFFFFC00  }
0x51f: {  	_ =	sfence.sel $0x180000  }
0x520: {  	[bflag:$0x0] =	sbarrier.arrive $0xFFFF  }
0x521: {  	_ =	strace $0x90000047  }
0x522: {  	s0 =	stileid.u32;
	[bflag:$0x2] =	sbarrier.arrive $0xFFFF  }
0x523: {  	p0 =	sne.s32 s0, $0x0;
	s0 =	rddreg [dreg:$0x4]  }
0x524: {  	s0 =	sadd.s32 @!p0 $0x100000, s0  }
0x525: {  	[sflag:s0] =	ssyncadd.tile.s32 @!p0 $0x1;
	_ =	shalt  }
.Lfunc_end2:
_tile_overlayer_lowered:
.L_overlay_start_2:
0x526: {  	(tag) =	ssettag $0x2  }
0x527: {  	s0 =	rddreg [dreg:$0x0];
	s2 =	stileid.u32  }
0x528: {  	s1 =	rddreg [dreg:$0x1];
	p0 =	sne.s32 s2, $0x0  }
0x529: {  	s3 =	rddreg [dreg:$0x2];
	[bflag:$0x3] =	sbarrier.arrive $0xFFFF;
	s2 =	simm.s32 @!p0 $0x1C09  }
0x52a: {  	[timem:s3], [sflag:s2] =	dma.local @!p0 [hbm:s0], s1  }
0x52b: {  	s0 =	simm.s32 @!p0 $0x9  }
0x52c: {  	_ =	swait.ge @!p0 [sflag:s0], s1  }
0x52d: {  	s1 =	ssub.s32 @!p0 $0x0, s1;
	[sflag:s0] =	ssyncset.done @!p0 $0x0  }
0x52e: {  	[sflag:s0] =	ssyncadd.s32 @!p0 s1  }
0x52f: {  	[bflag:$0x3] =	sbarrier.arrive $0xFFFF  }
0x530: {  	_ =	shalt  }

</sc_bundles>
